<compile_context>
chip_gen: v7x
topology: tpu7x:2x2x1
jax: 0.10.2.dev20260603
libtpu: 0.0.44.dev20260713+nightly
codegen_flags: <defaults>
</compile_context>

<pallas_src>
import functools

import jax
import jax.numpy as jnp
from jax import lax
from jax.experimental import pallas as pl
from jax.experimental.pallas import tpu as pltpu
from jax.experimental.pallas import tpu_sc as plsc

B, N, D, K = 4, 4096, 64, 16
R = 256
NW = 32
QW = (B * N) // NW
CQ = 8
NCH = QW // CQ

_HIGH = jax.lax.Precision.HIGHEST


def _knn_kernel(xyz_r, xyzT, x_r, Wqkv, bqkv, idx_out, qsum_out, ksum_out, v_out):
    b = pl.program_id(0)
    XR = xyz_r[0]
    XC = xyzT[0]
    sqr = jnp.sum(XR * XR, axis=1, keepdims=True)
    sqc = jnp.sum(XC * XC, axis=0, keepdims=True)
    dot = lax.dot_general(XR.astype(jnp.bfloat16), XC.astype(jnp.bfloat16),
                          (((1,), (0,)), ((), ())),
                          preferred_element_type=jnp.float32)
    d2 = jnp.maximum(sqr + sqc - 2.0 * dot, 0.0)

    colidx = lax.broadcasted_iota(jnp.int32, (R, N), 1)
    lanek = lax.broadcasted_iota(jnp.int32, (R, K), 1)
    inf = jnp.float32(jnp.inf)

    h = N // 2
    a, bv_ = d2[:, :h], d2[:, h:]
    ia_, ib_ = colidx[:, :h], colidx[:, h:]
    c = a <= bv_
    m1 = jnp.where(c, a, bv_)
    i1 = jnp.where(c, ia_, ib_)
    m2 = jnp.where(c, bv_, a)
    i2 = jnp.where(c, ib_, ia_)
    for w in (N // 4, N // 8):
        m1a, m1b = m1[:, :w], m1[:, w:]
        i1a, i1b = i1[:, :w], i1[:, w:]
        m2a, m2b = m2[:, :w], m2[:, w:]
        i2a, i2b = i2[:, :w], i2[:, w:]
        c1 = m1a <= m1b
        n1 = jnp.where(c1, m1a, m1b)
        n1i = jnp.where(c1, i1a, i1b)
        lo = jnp.where(c1, m1b, m1a)
        loi = jnp.where(c1, i1b, i1a)
        c2 = m2a <= m2b
        s2 = jnp.where(c2, m2a, m2b)
        s2i = jnp.where(c2, i2a, i2b)
        c3 = lo <= s2
        m1, i1 = n1, n1i
        m2 = jnp.where(c3, lo, s2)
        i2 = jnp.where(c3, loi, s2i)
    cv = jnp.concatenate([m1, m2], axis=1)
    ci = jnp.concatenate([i1, i2], axis=1)

    def body(i, carry):
        cvc, idxs = carry
        m = jnp.min(cvc, axis=1, keepdims=True)
        am = jnp.min(jnp.where(cvc == m, ci, N), axis=1,
                     keepdims=True)
        cvc = jnp.where(ci == am, inf, cvc)
        idxs = jnp.where(lanek == i, am, idxs)
        return cvc, idxs

    _, idxs = lax.fori_loop(0, K, body, (cv, jnp.zeros((R, K), jnp.int32)))
    idx_out[0] = idxs + b * N

    x = x_r[0]
    W = Wqkv[...]
    bq = bqkv[...]
    xb = x.astype(jnp.bfloat16).astype(jnp.float32)
    Wb = W.astype(jnp.bfloat16).astype(jnp.float32)
    wqs = jnp.sum(Wb[:, 0:D], axis=1)
    wks = jnp.sum(Wb[:, D:2 * D], axis=1)
    qs = jnp.sum(xb * wqs[None, :], axis=1, keepdims=True)
    ks = jnp.sum(xb * wks[None, :], axis=1, keepdims=True)
    v = lax.dot_general(x.astype(jnp.bfloat16),
                        W[:, 2 * D:].astype(jnp.bfloat16),
                        (((1,), (0,)), ((), ())),
                        preferred_element_type=jnp.float32)
    qsum_out[0] = (qs + jnp.sum(bq[0:D])) * 0.125
    ksum_out[0] = ks + jnp.sum(bq[D:2 * D])
    v_out[0, :, 0:D] = v + bq[2 * D:][None, :]
    v_out[0, :, D:2 * D] = jnp.zeros((R, D), jnp.float32)


def _knn_call():
    grid = (B, N // R)
    return pl.pallas_call(
        _knn_kernel,
        grid=grid,
        in_specs=[
            pl.BlockSpec((1, R, 3), lambda b, r: (b, r, 0)),
            pl.BlockSpec((1, 3, N), lambda b, r: (b, 0, 0)),
            pl.BlockSpec((1, R, D), lambda b, r: (b, r, 0)),
            pl.BlockSpec((D, 3 * D), lambda b, r: (0, 0)),
            pl.BlockSpec((3 * D,), lambda b, r: (0,)),
        ],
        out_specs=[
            pl.BlockSpec((1, R, K), lambda b, r: (b, r, 0)),
            pl.BlockSpec((1, R, 1), lambda b, r: (b, r, 0)),
            pl.BlockSpec((1, R, 1), lambda b, r: (b, r, 0)),
            pl.BlockSpec((1, R, 2 * D), lambda b, r: (b, r, 0)),
        ],
        out_shape=[
            jax.ShapeDtypeStruct((B, N, K), jnp.int32),
            jax.ShapeDtypeStruct((B, N, 1), jnp.float32),
            jax.ShapeDtypeStruct((B, N, 1), jnp.float32),
            jax.ShapeDtypeStruct((B, N, 2 * D), jnp.float32),
        ],
    )


def _sc_body(idx_hbm, qs_hbm, ksum_hbm, v_hbm, out_hbm,
             idx_c, qs_v, ksum_v, rows, out_v, sem):
    c = lax.axis_index("c")
    s = lax.axis_index("s")
    wid = s * 2 + c
    qbase = wid * QW

    pltpu.sync_copy(qs_hbm.at[pl.ds(qbase, QW)], qs_v.at[pl.ds(0, QW)])
    pltpu.sync_copy(ksum_hbm, ksum_v)

    def chunk(ci, carry):
        pltpu.sync_copy(idx_hbm.at[pl.ds(qbase * K + ci * (CQ * K), CQ * K)],
                        idx_c)
        pltpu.async_copy(v_hbm.at[idx_c], rows, sem).wait()
        qs_vec = qs_v[pl.ds(ci * CQ, 16)]
        for qo in range(CQ):
            q = ci * CQ + qo
            irow = idx_c[pl.ds(qo * K, K)]
            kg = plsc.load_gather(ksum_v, [irow])
            logit = kg * qs_vec[qo]
            e = jnp.exp(logit - jnp.max(logit))
            w = e / jnp.broadcast_to(jnp.sum(e), (16,))
            for cg in range(D // 16):
                acc = w[0] * rows[qo * K + 0, pl.ds(cg * 16, 16)]
                for sn in range(1, K):
                    acc = acc + w[sn] * rows[qo * K + sn, pl.ds(cg * 16, 16)]
                out_v[q, pl.ds(cg * 16, 16)] = acc
        return carry

    lax.fori_loop(0, NCH, chunk, 0)
    pltpu.sync_copy(out_v, out_hbm.at[pl.ds(qbase, QW)])


def _sc_call(idx_flat, qs_flat, ksum_flat, v_flat):
    mesh = plsc.VectorSubcoreMesh(core_axis_name="c", subcore_axis_name="s")
    f = functools.partial(
        pl.kernel,
        mesh=mesh,
        out_type=jax.ShapeDtypeStruct((B * N, D), jnp.float32),
        name="sc_gather_attend",
        scratch_types=[
            pltpu.VMEM((CQ * K,), jnp.int32),
            pltpu.VMEM((QW + 16,), jnp.float32),
            pltpu.VMEM((B * N,), jnp.float32),
            pltpu.VMEM((CQ * K, 2 * D), jnp.float32),
            pltpu.VMEM((QW, D), jnp.float32),
            pltpu.SemaphoreType.DMA,
        ],
        compiler_params=pltpu.CompilerParams(needs_layout_passes=False),
    )(_sc_body)
    return f(idx_flat, qs_flat, ksum_flat, v_flat)


def _fc_kernel(xo_r, x_r, Wfc, bfc, o_r):
    o_r[...] = (lax.dot_general(xo_r[...].astype(jnp.bfloat16),
                                Wfc[...].astype(jnp.bfloat16),
                                (((1,), (0,)), ((), ())),
                                preferred_element_type=jnp.float32)
                + bfc[...][None, :] + x_r[...])


def _fc_call(xo_flat, x_flat, W_fc, b_fc):
    T = 512
    return pl.pallas_call(
        _fc_kernel,
        grid=((B * N) // T,),
        in_specs=[
            pl.BlockSpec((T, D), lambda i: (i, 0)),
            pl.BlockSpec((T, D), lambda i: (i, 0)),
            pl.BlockSpec((D, D), lambda i: (0, 0)),
            pl.BlockSpec((D,), lambda i: (0,)),
        ],
        out_specs=pl.BlockSpec((T, D), lambda i: (i, 0)),
        out_shape=jax.ShapeDtypeStruct((B * N, D), jnp.float32),
    )(xo_flat, x_flat, W_fc, b_fc)


def kernel(x, xyz, W_qkv, b_qkv, W_fc, b_fc):
    xyzT = jnp.swapaxes(xyz, 1, 2)
    idx, qsum, ksum, v = _knn_call()(xyz, xyzT, x, W_qkv, b_qkv)
    idx_flat = idx.reshape(B * N * K)
    qs_flat = qsum.reshape(B * N)
    ksum_flat = ksum.reshape(B * N)
    v_flat = v.reshape(B * N, 2 * D)
    xo_flat = _sc_call(idx_flat, qs_flat, ksum_flat, v_flat)
    out = _fc_call(xo_flat, x.reshape(B * N, D), W_fc, b_fc)
    return out.reshape(B, N, D)

# --- scband reference (transcript-rebuilt; emitter-appended) ---
"""Pipeline reference for scband-point-transformer-layer-87187836109558 (READ-ONLY COPY).

The authoritative reference and input builder live on the scoring server;
editing this copy changes nothing except your own understanding.
"""

import jax, jax.numpy as jnp
import numpy as np

B, N, D_MODEL, K = 4, 4096, 64, 16


def _knn_idx(xyz, k):
    # torch.cdist(xyz, xyz).topk(k, largest=False).indices (squared dist is order-equivalent)
    sq = jnp.sum(xyz * xyz, axis=-1)
    d2 = sq[:, :, None] + sq[:, None, :] - 2.0 * jnp.einsum('bnd,bmd->bnm', xyz, xyz)
    d2 = jnp.maximum(d2, 0.0)
    _, idx = jax.lax.top_k(-d2, k)
    return idx


def setup_inputs(seed: int = 0) -> dict:
    key = jax.random.key(seed)
    k1, k2, k3, k4 = jax.random.split(key, 4)
    x = jax.random.normal(k1, (B, N, D_MODEL), dtype=jnp.float32)
    xyz = jax.random.normal(k2, (B, N, 3), dtype=jnp.float32)
    s_qkv = 1.0 / np.sqrt(D_MODEL)
    W_qkv = jax.random.uniform(k3, (D_MODEL, 3 * D_MODEL), dtype=jnp.float32, minval=-s_qkv, maxval=s_qkv)
    b_qkv = jnp.zeros((3 * D_MODEL,), dtype=jnp.float32)
    s_fc = 1.0 / np.sqrt(D_MODEL)
    W_fc = jax.random.uniform(k4, (D_MODEL, D_MODEL), dtype=jnp.float32, minval=-s_fc, maxval=s_fc)
    b_fc = jnp.zeros((D_MODEL,), dtype=jnp.float32)
    return {"x": x, "xyz": xyz, "W_qkv": W_qkv, "b_qkv": b_qkv, "W_fc": W_fc, "b_fc": b_fc}


def reference(x, xyz, W_qkv, b_qkv, W_fc, b_fc):
    b, n, d = x.shape
    knn_idx = _knn_idx(xyz, K)  # [B, N, K] int32, computed under no_grad in torch
    qkv = (x @ W_qkv + b_qkv).reshape(b, n, 3, d)
    q = qkv[:, :, 0]
    k = qkv[:, :, 1]
    v = qkv[:, :, 2]
    gather = jax.vmap(lambda arr, idx: arr[idx])  # [N,d],[N,K] -> [N,K,d]
    k_neigh = gather(k, knn_idx)  # [B, N, K, d]
    v_neigh = gather(v, knn_idx)  # [B, N, K, d]
    # faithful to torch einsum 'bnd,bnsk->bns' (d and k summed independently)
    attn = jnp.einsum('bnd,bnsk->bns', q, k_neigh) / (k.shape[-1] ** 0.5)
    attn = jax.nn.softmax(attn, axis=2)[..., None]
    x_out = jnp.sum(attn * v_neigh, axis=2)
    return x_out @ W_fc + b_fc + x

if __name__ == "__main__":
    import jax
    _d = setup_inputs()
    print(jax.jit(kernel)(*tuple(_d.values())))

</pallas_src>

<mosaic_0001>
#map = affine_map<(d0, d1) -> (0)>
#map1 = affine_map<(d0, d1) -> (0, 0)>
module attributes {stable_mosaic.version = 14 : i64} {
  func.func @sc_gather_attend(%arg0: i32, %arg1: i32, %arg2: memref<262144xi32, #tpu.memory_space<hbm>>, %arg3: memref<16384xf32, #tpu.memory_space<hbm>>, %arg4: memref<16384xf32, #tpu.memory_space<hbm>>, %arg5: memref<16384x128xf32, #tpu.memory_space<hbm>>, %arg6: memref<16384x64xf32, #tpu.memory_space<hbm>>, %arg7: memref<128xi32, #tpu.memory_space<vmem>>, %arg8: memref<528xf32, #tpu.memory_space<vmem>>, %arg9: memref<16384xf32, #tpu.memory_space<vmem>>, %arg10: memref<128x128xf32, #tpu.memory_space<vmem>>, %arg11: memref<512x64xf32, #tpu.memory_space<vmem>>, %arg12: memref<!tpu.dma_semaphore, #tpu.memory_space<semaphore_mem>>) attributes {dimension_semantics = [#tpu.dimension_semantics<core_parallel>, #tpu.dimension_semantics<subcore_parallel>], iteration_bounds = array<i64: 2, 16>, scalar_prefetch = 0 : i64, scratch_operands = 6 : i64, tpu.core_type = #tpu.core_type<sc_vector_subcore>, window_params = [{transform_indices = #map}, {transform_indices = #map}, {transform_indices = #map}, {transform_indices = #map1}, {transform_indices = #map1}]} {
    %mul3A = arith.constant 2 : i32
    %mul3A_0 = arith.muli %arg1, %mul3A : i32
    %add3A = arith.addi %mul3A_0, %arg0 : i32
    %mul3A_1 = arith.constant 512 : i32
    %mul3A_2 = arith.muli %add3A, %mul3A_1 : i32
    "tpu.region"() ({
      %run_scoped3A = tpu.sem_alloc : memref<!tpu.dma_semaphore, #tpu.memory_space<semaphore_mem>>
      %dma_start3A = arith.constant 0 : i32
      %dma_start3A_8 = tpu.memref_slice %arg8[%dma_start3A] : memref<528xf32, #tpu.memory_space<vmem>> -> memref<512xf32, #tpu.memory_space<vmem>>
      %dma_start3A_9 = tpu.memref_slice %arg3[%mul3A_2] : memref<16384xf32, #tpu.memory_space<hbm>> -> memref<512xf32, #tpu.memory_space<hbm>>
      %dma_start3A_10 = arith.constant 0 : i32
      %dma_start3A_11 = tpu.memref_slice %arg8[%dma_start3A_10] : memref<528xf32, #tpu.memory_space<vmem>> -> memref<512xf32, #tpu.memory_space<vmem>>
      %dma_start3A_12 = tpu.memref_slice %arg3[%mul3A_2] : memref<16384xf32, #tpu.memory_space<hbm>> -> memref<512xf32, #tpu.memory_space<hbm>>
      tpu.enqueue_dma source(%dma_start3A_12 : memref<512xf32, #tpu.memory_space<hbm>>) target(%dma_start3A_11 : memref<512xf32, #tpu.memory_space<vmem>>) target_semaphore(%run_scoped3A : memref<!tpu.dma_semaphore, #tpu.memory_space<semaphore_mem>>)
      %dma_wait3A = arith.constant 0 : i32
      %dma_wait3A_13 = tpu.memref_slice %arg8[%dma_wait3A] : memref<528xf32, #tpu.memory_space<vmem>> -> memref<512xf32, #tpu.memory_space<vmem>>
      %dma_wait3A_14 = tpu.memref_slice %arg3[%mul3A_2] : memref<16384xf32, #tpu.memory_space<hbm>> -> memref<512xf32, #tpu.memory_space<hbm>>
      %dma_wait3A_15 = arith.constant 0 : i32
      %dma_wait3A_16 = tpu.memref_slice %arg8[%dma_wait3A_15] : memref<528xf32, #tpu.memory_space<vmem>> -> memref<512xf32, #tpu.memory_space<vmem>>
      %dma_wait3A_17 = tpu.memref_slice %arg3[%mul3A_2] : memref<16384xf32, #tpu.memory_space<hbm>> -> memref<512xf32, #tpu.memory_space<hbm>>
      tpu.wait_dma2 semaphore(%run_scoped3A : memref<!tpu.dma_semaphore, #tpu.memory_space<semaphore_mem>>) src(%dma_wait3A_17 : memref<512xf32, #tpu.memory_space<hbm>>) dst(%dma_wait3A_16 : memref<512xf32, #tpu.memory_space<vmem>>)
      tpu.yield
    }) : () -> ()
    "tpu.region"() ({
      %run_scoped3A = tpu.sem_alloc : memref<!tpu.dma_semaphore, #tpu.memory_space<semaphore_mem>>
      tpu.enqueue_dma source(%arg4 : memref<16384xf32, #tpu.memory_space<hbm>>) target(%arg9 : memref<16384xf32, #tpu.memory_space<vmem>>) target_semaphore(%run_scoped3A : memref<!tpu.dma_semaphore, #tpu.memory_space<semaphore_mem>>)
      tpu.wait_dma2 semaphore(%run_scoped3A : memref<!tpu.dma_semaphore, #tpu.memory_space<semaphore_mem>>) src(%arg4 : memref<16384xf32, #tpu.memory_space<hbm>>) dst(%arg9 : memref<16384xf32, #tpu.memory_space<vmem>>)
      tpu.yield
    }) : () -> ()
    %scan3A = arith.constant 0 : i32
    %scan3A_3 = arith.constant 0 : i32
    %scan3A_4 = arith.constant 64 : i32
    %scan3A_5 = arith.addi %scan3A_3, %scan3A_4 : i32
    %scan3A_6 = arith.constant 1 : i32
    scf.for %scan3A_8 = %scan3A_3 to %scan3A_5 step %scan3A_6  : i32 {
      %mul3A_9 = arith.constant 16 : i32
      %mul3A_10 = arith.muli %mul3A_2, %mul3A_9 : i32
      %mul3A_11 = arith.constant 128 : i32
      %mul3A_12 = arith.muli %scan3A_8, %mul3A_11 : i32
      %add3A_13 = arith.addi %mul3A_10, %mul3A_12 : i32
      "tpu.region"() ({
        %run_scoped3A = tpu.sem_alloc : memref<!tpu.dma_semaphore, #tpu.memory_space<semaphore_mem>>
        %dma_start3A_4875 = tpu.memref_slice %arg2[%add3A_13] : memref<262144xi32, #tpu.memory_space<hbm>> -> memref<128xi32, #tpu.memory_space<hbm>>
        %dma_start3A_4876 = tpu.memref_slice %arg2[%add3A_13] : memref<262144xi32, #tpu.memory_space<hbm>> -> memref<128xi32, #tpu.memory_space<hbm>>
        tpu.enqueue_dma source(%dma_start3A_4876 : memref<128xi32, #tpu.memory_space<hbm>>) target(%arg7 : memref<128xi32, #tpu.memory_space<vmem>>) target_semaphore(%run_scoped3A : memref<!tpu.dma_semaphore, #tpu.memory_space<semaphore_mem>>)
        %dma_wait3A_4877 = tpu.memref_slice %arg2[%add3A_13] : memref<262144xi32, #tpu.memory_space<hbm>> -> memref<128xi32, #tpu.memory_space<hbm>>
        %dma_wait3A_4878 = tpu.memref_slice %arg2[%add3A_13] : memref<262144xi32, #tpu.memory_space<hbm>> -> memref<128xi32, #tpu.memory_space<hbm>>
        tpu.wait_dma2 semaphore(%run_scoped3A : memref<!tpu.dma_semaphore, #tpu.memory_space<semaphore_mem>>) src(%dma_wait3A_4878 : memref<128xi32, #tpu.memory_space<hbm>>) dst(%arg7 : memref<128xi32, #tpu.memory_space<vmem>>)
        tpu.yield
      }) : () -> ()
      %dma_start3A = arith.constant 0 : i32
      %dma_start3A_14 = arith.constant 0 : i32
      %dma_start3A_15 = tpu.memref_slice %arg5[%dma_start3A, %dma_start3A_14] : memref<16384x128xf32, #tpu.memory_space<hbm>> -> memref<16384x128xf32, #tpu.memory_space<hbm>>
      tpu.enqueue_indirect_dma source(%dma_start3A_15 : memref<16384x128xf32, #tpu.memory_space<hbm>>) target(%arg10 : memref<128x128xf32, #tpu.memory_space<vmem>>) offsets(%arg7 : memref<128xi32, #tpu.memory_space<vmem>>) semaphore(%arg12 : memref<!tpu.dma_semaphore, #tpu.memory_space<semaphore_mem>>)
      %dma_wait3A = arith.constant 0 : i32
      %dma_wait3A_16 = arith.constant 0 : i32
      %dma_wait3A_17 = tpu.memref_slice %arg5[%dma_wait3A, %dma_wait3A_16] : memref<16384x128xf32, #tpu.memory_space<hbm>> -> memref<16384x128xf32, #tpu.memory_space<hbm>>
      tpu.wait_indirect_dma semaphore(%arg12 : memref<!tpu.dma_semaphore, #tpu.memory_space<semaphore_mem>>) src(%dma_wait3A_17 : memref<16384x128xf32, #tpu.memory_space<hbm>>) dst(%arg10 : memref<128x128xf32, #tpu.memory_space<vmem>>)
      %mul3A_18 = arith.constant 8 : i32
      %mul3A_19 = arith.muli %scan3A_8, %mul3A_18 : i32
      %get3A = arith.index_cast %mul3A_19 : i32 to index
      %get3A_20 = tpu.vector_load %arg8[%get3A] {strides = array<i32>} : memref<528xf32, #tpu.memory_space<vmem>>, vector<16xf32>,
      %mul3A_21 = arith.constant 8 : i32
      %mul3A_22 = arith.muli %scan3A_8, %mul3A_21 : i32
      %add3A_23 = arith.constant 0 : i32
      %add3A_24 = arith.addi %mul3A_22, %add3A_23 : i32
      %get3A_25 = arith.constant 0 : index
      %get3A_26 = tpu.vector_load %arg7[%get3A_25] {strides = array<i32>} : memref<128xi32, #tpu.memory_space<vmem>>, vector<16xi32>,
      %gather3A = tpu.vector_load_idx %arg9[%get3A_26] : memref<16384xf32, #tpu.memory_space<vmem>>[vector<16xi32>], vector<16xf32>,
      %slice3A = vector.extract_strided_slice %get3A_20 {offsets = [0], sizes = [1], strides = [1]} : vector<16xf32> to vector<1xf32>
      %squeeze3A = vector.extract %slice3A[0] : f32 from vector<1xf32>
      %mul3A_27 = vector.broadcast %squeeze3A : f32 to vector<16xf32>
      %mul3A_28 = arith.mulf %gather3A, %mul3A_27 : vector<16xf32>
      %reduce_max3A = arith.constant true
      %reduce_max3A_29 = vector.broadcast %reduce_max3A : i1 to vector<16xi1>
      %reduce_max3A_30 = tpu.scan <max>, %mul3A_28 masked %reduce_max3A_29 : vector<16xf32>, vector<16xi1> -> vector<16xf32>
      %reduce_max3A_31 = vector.extract %reduce_max3A_30[15] : f32 from vector<16xf32>
      %sub3A = vector.broadcast %reduce_max3A_31 : f32 to vector<16xf32>
      %sub3A_32 = arith.subf %mul3A_28, %sub3A : vector<16xf32>
      %exp3A = math.exp %sub3A_32 : vector<16xf32>
      %reduce_sum3A = arith.constant true
      %reduce_sum3A_33 = vector.broadcast %reduce_sum3A : i1 to vector<16xi1>
      %reduce_sum3A_34 = tpu.scan <sum>, %exp3A masked %reduce_sum3A_33 : vector<16xf32>, vector<16xi1> -> vector<16xf32>
      %reduce_sum3A_35 = vector.extract %reduce_sum3A_34[15] : f32 from vector<16xf32>
      %broadcast_in_dim3A = vector.broadcast %reduce_sum3A_35 : f32 to vector<16xf32>
      %div3A = arith.divf %exp3A, %broadcast_in_dim3A : vector<16xf32>
      %slice3A_36 = vector.extract_strided_slice %div3A {offsets = [0], sizes = [1], strides = [1]} : vector<16xf32> to vector<1xf32>
      %squeeze3A_37 = vector.extract %slice3A_36[0] : f32 from vector<1xf32>
      %get3A_38 = arith.constant 0 : i32
      %get3A_39 = arith.index_cast %get3A_38 : i32 to index
      %get3A_40 = arith.constant 0 : index
      %get3A_41 = tpu.vector_load %arg10[%get3A_39, %get3A_40] {strides = array<i32>} : memref<128x128xf32, #tpu.memory_space<vmem>>, vector<16xf32>,
      %mul3A_42 = vector.broadcast %squeeze3A_37 : f32 to vector<16xf32>
      %mul3A_43 = arith.mulf %mul3A_42, %get3A_41 : vector<16xf32>
      %slice3A_44 = vector.extract_strided_slice %div3A {offsets = [1], sizes = [1], strides = [1]} : vector<16xf32> to vector<1xf32>
      %squeeze3A_45 = vector.extract %slice3A_44[0] : f32 from vector<1xf32>
      %get3A_46 = arith.constant 1 : i32
      %get3A_47 = arith.index_cast %get3A_46 : i32 to index
      %get3A_48 = arith.constant 0 : index
      %get3A_49 = tpu.vector_load %arg10[%get3A_47, %get3A_48] {strides = array<i32>} : memref<128x128xf32, #tpu.memory_space<vmem>>, vector<16xf32>,
      %mul3A_50 = vector.broadcast %squeeze3A_45 : f32 to vector<16xf32>
      %mul3A_51 = arith.mulf %mul3A_50, %get3A_49 : vector<16xf32>
      %add3A_52 = arith.addf %mul3A_43, %mul3A_51 : vector<16xf32>
      %slice3A_53 = vector.extract_strided_slice %div3A {offsets = [2], sizes = [1], strides = [1]} : vector<16xf32> to vector<1xf32>
      %squeeze3A_54 = vector.extract %slice3A_53[0] : f32 from vector<1xf32>
      %get3A_55 = arith.constant 2 : i32
      %get3A_56 = arith.index_cast %get3A_55 : i32 to index
      %get3A_57 = arith.constant 0 : index
      %get3A_58 = tpu.vector_load %arg10[%get3A_56, %get3A_57] {strides = array<i32>} : memref<128x128xf32, #tpu.memory_space<vmem>>, vector<16xf32>,
      %mul3A_59 = vector.broadcast %squeeze3A_54 : f32 to vector<16xf32>
      %mul3A_60 = arith.mulf %mul3A_59, %get3A_58 : vector<16xf32>
      %add3A_61 = arith.addf %add3A_52, %mul3A_60 : vector<16xf32>
      %slice3A_62 = vector.extract_strided_slice %div3A {offsets = [3], sizes = [1], strides = [1]} : vector<16xf32> to vector<1xf32>
      %squeeze3A_63 = vector.extract %slice3A_62[0] : f32 from vector<1xf32>
      %get3A_64 = arith.constant 3 : i32
      %get3A_65 = arith.index_cast %get3A_64 : i32 to index
      %get3A_66 = arith.constant 0 : index
      %get3A_67 = tpu.vector_load %arg10[%get3A_65, %get3A_66] {strides = array<i32>} : memref<128x128xf32, #tpu.memory_space<vmem>>, vector<16xf32>,
      %mul3A_68 = vector.broadcast %squeeze3A_63 : f32 to vector<16xf32>
      %mul3A_69 = arith.mulf %mul3A_68, %get3A_67 : vector<16xf32>
      %add3A_70 = arith.addf %add3A_61, %mul3A_69 : vector<16xf32>
      %slice3A_71 = vector.extract_strided_slice %div3A {offsets = [4], sizes = [1], strides = [1]} : vector<16xf32> to vector<1xf32>
      %squeeze3A_72 = vector.extract %slice3A_71[0] : f32 from vector<1xf32>
      %get3A_73 = arith.constant 4 : i32
      %get3A_74 = arith.index_cast %get3A_73 : i32 to index
      %get3A_75 = arith.constant 0 : index
      %get3A_76 = tpu.vector_load %arg10[%get3A_74, %get3A_75] {strides = array<i32>} : memref<128x128xf32, #tpu.memory_space<vmem>>, vector<16xf32>,
      %mul3A_77 = vector.broadcast %squeeze3A_72 : f32 to vector<16xf32>
      %mul3A_78 = arith.mulf %mul3A_77, %get3A_76 : vector<16xf32>
      %add3A_79 = arith.addf %add3A_70, %mul3A_78 : vector<16xf32>
      %slice3A_80 = vector.extract_strided_slice %div3A {offsets = [5], sizes = [1], strides = [1]} : vector<16xf32> to vector<1xf32>
      %squeeze3A_81 = vector.extract %slice3A_80[0] : f32 from vector<1xf32>
      %get3A_82 = arith.constant 5 : i32
      %get3A_83 = arith.index_cast %get3A_82 : i32 to index
      %get3A_84 = arith.constant 0 : index
      %get3A_85 = tpu.vector_load %arg10[%get3A_83, %get3A_84] {strides = array<i32>} : memref<128x128xf32, #tpu.memory_space<vmem>>, vector<16xf32>,
      %mul3A_86 = vector.broadcast %squeeze3A_81 : f32 to vector<16xf32>
      %mul3A_87 = arith.mulf %mul3A_86, %get3A_85 : vector<16xf32>
      %add3A_88 = arith.addf %add3A_79, %mul3A_87 : vector<16xf32>
      %slice3A_89 = vector.extract_strided_slice %div3A {offsets = [6], sizes = [1], strides = [1]} : vector<16xf32> to vector<1xf32>
      %squeeze3A_90 = vector.extract %slice3A_89[0] : f32 from vector<1xf32>
      %get3A_91 = arith.constant 6 : i32
      %get3A_92 = arith.index_cast %get3A_91 : i32 to index
      %get3A_93 = arith.constant 0 : index
      %get3A_94 = tpu.vector_load %arg10[%get3A_92, %get3A_93] {strides = array<i32>} : memref<128x128xf32, #tpu.memory_space<vmem>>, vector<16xf32>,
      %mul3A_95 = vector.broadcast %squeeze3A_90 : f32 to vector<16xf32>
      %mul3A_96 = arith.mulf %mul3A_95, %get3A_94 : vector<16xf32>
      %add3A_97 = arith.addf %add3A_88, %mul3A_96 : vector<16xf32>
      %slice3A_98 = vector.extract_strided_slice %div3A {offsets = [7], sizes = [1], strides = [1]} : vector<16xf32> to vector<1xf32>
      %squeeze3A_99 = vector.extract %slice3A_98[0] : f32 from vector<1xf32>
      %get3A_100 = arith.constant 7 : i32
      %get3A_101 = arith.index_cast %get3A_100 : i32 to index
      %get3A_102 = arith.constant 0 : index
      %get3A_103 = tpu.vector_load %arg10[%get3A_101, %get3A_102] {strides = array<i32>} : memref<128x128xf32, #tpu.memory_space<vmem>>, vector<16xf32>,
      %mul3A_104 = vector.broadcast %squeeze3A_99 : f32 to vector<16xf32>
      %mul3A_105 = arith.mulf %mul3A_104, %get3A_103 : vector<16xf32>
      %add3A_106 = arith.addf %add3A_97, %mul3A_105 : vector<16xf32>
      %slice3A_107 = vector.extract_strided_slice %div3A {offsets = [8], sizes = [1], strides = [1]} : vector<16xf32> to vector<1xf32>
      %squeeze3A_108 = vector.extract %slice3A_107[0] : f32 from vector<1xf32>
      %get3A_109 = arith.constant 8 : i32
      %get3A_110 = arith.index_cast %get3A_109 : i32 to index
      %get3A_111 = arith.constant 0 : index
      %get3A_112 = tpu.vector_load %arg10[%get3A_110, %get3A_111] {strides = array<i32>} : memref<128x128xf32, #tpu.memory_space<vmem>>, vector<16xf32>,
      %mul3A_113 = vector.broadcast %squeeze3A_108 : f32 to vector<16xf32>
      %mul3A_114 = arith.mulf %mul3A_113, %get3A_112 : vector<16xf32>
      %add3A_115 = arith.addf %add3A_106, %mul3A_114 : vector<16xf32>
      %slice3A_116 = vector.extract_strided_slice %div3A {offsets = [9], sizes = [1], strides = [1]} : vector<16xf32> to vector<1xf32>
      %squeeze3A_117 = vector.extract %slice3A_116[0] : f32 from vector<1xf32>
      %get3A_118 = arith.constant 9 : i32
      %get3A_119 = arith.index_cast %get3A_118 : i32 to index
      %get3A_120 = arith.constant 0 : index
      %get3A_121 = tpu.vector_load %arg10[%get3A_119, %get3A_120] {strides = array<i32>} : memref<128x128xf32, #tpu.memory_space<vmem>>, vector<16xf32>,
      %mul3A_122 = vector.broadcast %squeeze3A_117 : f32 to vector<16xf32>
      %mul3A_123 = arith.mulf %mul3A_122, %get3A_121 : vector<16xf32>
      %add3A_124 = arith.addf %add3A_115, %mul3A_123 : vector<16xf32>
      %slice3A_125 = vector.extract_strided_slice %div3A {offsets = [10], sizes = [1], strides = [1]} : vector<16xf32> to vector<1xf32>
      %squeeze3A_126 = vector.extract %slice3A_125[0] : f32 from vector<1xf32>
      %get3A_127 = arith.constant 10 : i32
      %get3A_128 = arith.index_cast %get3A_127 : i32 to index
      %get3A_129 = arith.constant 0 : index
      %get3A_130 = tpu.vector_load %arg10[%get3A_128, %get3A_129] {strides = array<i32>} : memref<128x128xf32, #tpu.memory_space<vmem>>, vector<16xf32>,
      %mul3A_131 = vector.broadcast %squeeze3A_126 : f32 to vector<16xf32>
      %mul3A_132 = arith.mulf %mul3A_131, %get3A_130 : vector<16xf32>
      %add3A_133 = arith.addf %add3A_124, %mul3A_132 : vector<16xf32>
      %slice3A_134 = vector.extract_strided_slice %div3A {offsets = [11], sizes = [1], strides = [1]} : vector<16xf32> to vector<1xf32>
      %squeeze3A_135 = vector.extract %slice3A_134[0] : f32 from vector<1xf32>
      %get3A_136 = arith.constant 11 : i32
      %get3A_137 = arith.index_cast %get3A_136 : i32 to index
      %get3A_138 = arith.constant 0 : index
      %get3A_139 = tpu.vector_load %arg10[%get3A_137, %get3A_138] {strides = array<i32>} : memref<128x128xf32, #tpu.memory_space<vmem>>, vector<16xf32>,
      %mul3A_140 = vector.broadcast %squeeze3A_135 : f32 to vector<16xf32>
      %mul3A_141 = arith.mulf %mul3A_140, %get3A_139 : vector<16xf32>
      %add3A_142 = arith.addf %add3A_133, %mul3A_141 : vector<16xf32>
      %slice3A_143 = vector.extract_strided_slice %div3A {offsets = [12], sizes = [1], strides = [1]} : vector<16xf32> to vector<1xf32>
      %squeeze3A_144 = vector.extract %slice3A_143[0] : f32 from vector<1xf32>
      %get3A_145 = arith.constant 12 : i32
      %get3A_146 = arith.index_cast %get3A_145 : i32 to index
      %get3A_147 = arith.constant 0 : index
      %get3A_148 = tpu.vector_load %arg10[%get3A_146, %get3A_147] {strides = array<i32>} : memref<128x128xf32, #tpu.memory_space<vmem>>, vector<16xf32>,
      %mul3A_149 = vector.broadcast %squeeze3A_144 : f32 to vector<16xf32>
      %mul3A_150 = arith.mulf %mul3A_149, %get3A_148 : vector<16xf32>
      %add3A_151 = arith.addf %add3A_142, %mul3A_150 : vector<16xf32>
      %slice3A_152 = vector.extract_strided_slice %div3A {offsets = [13], sizes = [1], strides = [1]} : vector<16xf32> to vector<1xf32>
      %squeeze3A_153 = vector.extract %slice3A_152[0] : f32 from vector<1xf32>
      %get3A_154 = arith.constant 13 : i32
      %get3A_155 = arith.index_cast %get3A_154 : i32 to index
      %get3A_156 = arith.constant 0 : index
      %get3A_157 = tpu.vector_load %arg10[%get3A_155, %get3A_156] {strides = array<i32>} : memref<128x128xf32, #tpu.memory_space<vmem>>, vector<16xf32>,
      %mul3A_158 = vector.broadcast %squeeze3A_153 : f32 to vector<16xf32>
      %mul3A_159 = arith.mulf %mul3A_158, %get3A_157 : vector<16xf32>
      %add3A_160 = arith.addf %add3A_151, %mul3A_159 : vector<16xf32>
      %slice3A_161 = vector.extract_strided_slice %div3A {offsets = [14], sizes = [1], strides = [1]} : vector<16xf32> to vector<1xf32>
      %squeeze3A_162 = vector.extract %slice3A_161[0] : f32 from vector<1xf32>
      %get3A_163 = arith.constant 14 : i32
      %get3A_164 = arith.index_cast %get3A_163 : i32 to index
      %get3A_165 = arith.constant 0 : index
      %get3A_166 = tpu.vector_load %arg10[%get3A_164, %get3A_165] {strides = array<i32>} : memref<128x128xf32, #tpu.memory_space<vmem>>, vector<16xf32>,
      %mul3A_167 = vector.broadcast %squeeze3A_162 : f32 to vector<16xf32>
      %mul3A_168 = arith.mulf %mul3A_167, %get3A_166 : vector<16xf32>
      %add3A_169 = arith.addf %add3A_160, %mul3A_168 : vector<16xf32>
      %slice3A_170 = vector.extract_strided_slice %div3A {offsets = [15], sizes = [1], strides = [1]} : vector<16xf32> to vector<1xf32>
      %squeeze3A_171 = vector.extract %slice3A_170[0] : f32 from vector<1xf32>
      %get3A_172 = arith.constant 15 : i32
      %get3A_173 = arith.index_cast %get3A_172 : i32 to index
      %get3A_174 = arith.constant 0 : index
      %get3A_175 = tpu.vector_load %arg10[%get3A_173, %get3A_174] {strides = array<i32>} : memref<128x128xf32, #tpu.memory_space<vmem>>, vector<16xf32>,
      %mul3A_176 = vector.broadcast %squeeze3A_171 : f32 to vector<16xf32>
      %mul3A_177 = arith.mulf %mul3A_176, %get3A_175 : vector<16xf32>
      %add3A_178 = arith.addf %add3A_169, %mul3A_177 : vector<16xf32>
      %swap3A = arith.index_cast %add3A_24 : i32 to index
      %swap3A_179 = arith.constant 0 : index
      %swap3A_180 = tpu.vector_load %arg11[%swap3A, %swap3A_179] {strides = array<i32>} : memref<512x64xf32, #tpu.memory_space<vmem>>, vector<16xf32>,
      tpu.vector_store %arg11[%swap3A, %swap3A_179], %add3A_178 {strides = array<i32>} : memref<512x64xf32, #tpu.memory_space<vmem>>, vector<16xf32>,
      %slice3A_181 = vector.extract_strided_slice %div3A {offsets = [0], sizes = [1], strides = [1]} : vector<16xf32> to vector<1xf32>
      %squeeze3A_182 = vector.extract %slice3A_181[0] : f32 from vector<1xf32>
      %get3A_183 = arith.constant 0 : i32
      %get3A_184 = arith.index_cast %get3A_183 : i32 to index
      %get3A_185 = arith.constant 16 : index
      %get3A_186 = tpu.vector_load %arg10[%get3A_184, %get3A_185] {strides = array<i32>} : memref<128x128xf32, #tpu.memory_space<vmem>>, vector<16xf32>,
      %mul3A_187 = vector.broadcast %squeeze3A_182 : f32 to vector<16xf32>
      %mul3A_188 = arith.mulf %mul3A_187, %get3A_186 : vector<16xf32>
      %slice3A_189 = vector.extract_strided_slice %div3A {offsets = [1], sizes = [1], strides = [1]} : vector<16xf32> to vector<1xf32>
      %squeeze3A_190 = vector.extract %slice3A_189[0] : f32 from vector<1xf32>
      %get3A_191 = arith.constant 1 : i32
      %get3A_192 = arith.index_cast %get3A_191 : i32 to index
      %get3A_193 = arith.constant 16 : index
      %get3A_194 = tpu.vector_load %arg10[%get3A_192, %get3A_193] {strides = array<i32>} : memref<128x128xf32, #tpu.memory_space<vmem>>, vector<16xf32>,
      %mul3A_195 = vector.broadcast %squeeze3A_190 : f32 to vector<16xf32>
      %mul3A_196 = arith.mulf %mul3A_195, %get3A_194 : vector<16xf32>
      %add3A_197 = arith.addf %mul3A_188, %mul3A_196 : vector<16xf32>
      %slice3A_198 = vector.extract_strided_slice %div3A {offsets = [2], sizes = [1], strides = [1]} : vector<16xf32> to vector<1xf32>
      %squeeze3A_199 = vector.extract %slice3A_198[0] : f32 from vector<1xf32>
      %get3A_200 = arith.constant 2 : i32
      %get3A_201 = arith.index_cast %get3A_200 : i32 to index
      %get3A_202 = arith.constant 16 : index
      %get3A_203 = tpu.vector_load %arg10[%get3A_201, %get3A_202] {strides = array<i32>} : memref<128x128xf32, #tpu.memory_space<vmem>>, vector<16xf32>,
      %mul3A_204 = vector.broadcast %squeeze3A_199 : f32 to vector<16xf32>
      %mul3A_205 = arith.mulf %mul3A_204, %get3A_203 : vector<16xf32>
      %add3A_206 = arith.addf %add3A_197, %mul3A_205 : vector<16xf32>
      %slice3A_207 = vector.extract_strided_slice %div3A {offsets = [3], sizes = [1], strides = [1]} : vector<16xf32> to vector<1xf32>
      %squeeze3A_208 = vector.extract %slice3A_207[0] : f32 from vector<1xf32>
      %get3A_209 = arith.constant 3 : i32
      %get3A_210 = arith.index_cast %get3A_209 : i32 to index
      %get3A_211 = arith.constant 16 : index
      %get3A_212 = tpu.vector_load %arg10[%get3A_210, %get3A_211] {strides = array<i32>} : memref<128x128xf32, #tpu.memory_space<vmem>>, vector<16xf32>,
      %mul3A_213 = vector.broadcast %squeeze3A_208 : f32 to vector<16xf32>
      %mul3A_214 = arith.mulf %mul3A_213, %get3A_212 : vector<16xf32>
      %add3A_215 = arith.addf %add3A_206, %mul3A_214 : vector<16xf32>
      %slice3A_216 = vector.extract_strided_slice %div3A {offsets = [4], sizes = [1], strides = [1]} : vector<16xf32> to vector<1xf32>
      %squeeze3A_217 = vector.extract %slice3A_216[0] : f32 from vector<1xf32>
      %get3A_218 = arith.constant 4 : i32
      %get3A_219 = arith.index_cast %get3A_218 : i32 to index
      %get3A_220 = arith.constant 16 : index
      %get3A_221 = tpu.vector_load %arg10[%get3A_219, %get3A_220] {strides = array<i32>} : memref<128x128xf32, #tpu.memory_space<vmem>>, vector<16xf32>,
      %mul3A_222 = vector.broadcast %squeeze3A_217 : f32 to vector<16xf32>
      %mul3A_223 = arith.mulf %mul3A_222, %get3A_221 : vector<16xf32>
      %add3A_224 = arith.addf %add3A_215, %mul3A_223 : vector<16xf32>
      %slice3A_225 = vector.extract_strided_slice %div3A {offsets = [5], sizes = [1], strides = [1]} : vector<16xf32> to vector<1xf32>
      %squeeze3A_226 = vector.extract %slice3A_225[0] : f32 from vector<1xf32>
      %get3A_227 = arith.constant 5 : i32
      %get3A_228 = arith.index_cast %get3A_227 : i32 to index
      %get3A_229 = arith.constant 16 : index
      %get3A_230 = tpu.vector_load %arg10[%get3A_228, %get3A_229] {strides = array<i32>} : memref<128x128xf32, #tpu.memory_space<vmem>>, vector<16xf32>,
      %mul3A_231 = vector.broadcast %squeeze3A_226 : f32 to vector<16xf32>
      %mul3A_232 = arith.mulf %mul3A_231, %get3A_230 : vector<16xf32>
      %add3A_233 = arith.addf %add3A_224, %mul3A_232 : vector<16xf32>
      %slice3A_234 = vector.extract_strided_slice %div3A {offsets = [6], sizes = [1], strides = [1]} : vector<16xf32> to vector<1xf32>
      %squeeze3A_235 = vector.extract %slice3A_234[0] : f32 from vector<1xf32>
      %get3A_236 = arith.constant 6 : i32
      %get3A_237 = arith.index_cast %get3A_236 : i32 to index
      %get3A_238 = arith.constant 16 : index
      %get3A_239 = tpu.vector_load %arg10[%get3A_237, %get3A_238] {strides = array<i32>} : memref<128x128xf32, #tpu.memory_space<vmem>>, vector<16xf32>,
      %mul3A_240 = vector.broadcast %squeeze3A_235 : f32 to vector<16xf32>
      %mul3A_241 = arith.mulf %mul3A_240, %get3A_239 : vector<16xf32>
      %add3A_242 = arith.addf %add3A_233, %mul3A_241 : vector<16xf32>
      %slice3A_243 = vector.extract_strided_slice %div3A {offsets = [7], sizes = [1], strides = [1]} : vector<16xf32> to vector<1xf32>
      %squeeze3A_244 = vector.extract %slice3A_243[0] : f32 from vector<1xf32>
      %get3A_245 = arith.constant 7 : i32
      %get3A_246 = arith.index_cast %get3A_245 : i32 to index
      %get3A_247 = arith.constant 16 : index
      %get3A_248 = tpu.vector_load %arg10[%get3A_246, %get3A_247] {strides = array<i32>} : memref<128x128xf32, #tpu.memory_space<vmem>>, vector<16xf32>,
      %mul3A_249 = vector.broadcast %squeeze3A_244 : f32 to vector<16xf32>
      %mul3A_250 = arith.mulf %mul3A_249, %get3A_248 : vector<16xf32>
      %add3A_251 = arith.addf %add3A_242, %mul3A_250 : vector<16xf32>
      %slice3A_252 = vector.extract_strided_slice %div3A {offsets = [8], sizes = [1], strides = [1]} : vector<16xf32> to vector<1xf32>
      %squeeze3A_253 = vector.extract %slice3A_252[0] : f32 from vector<1xf32>
      %get3A_254 = arith.constant 8 : i32
      %get3A_255 = arith.index_cast %get3A_254 : i32 to index
      %get3A_256 = arith.constant 16 : index
      %get3A_257 = tpu.vector_load %arg10[%get3A_255, %get3A_256] {strides = array<i32>} : memref<128x128xf32, #tpu.memory_space<vmem>>, vector<16xf32>,
      %mul3A_258 = vector.broadcast %squeeze3A_253 : f32 to vector<16xf32>
      %mul3A_259 = arith.mulf %mul3A_258, %get3A_257 : vector<16xf32>
      %add3A_260 = arith.addf %add3A_251, %mul3A_259 : vector<16xf32>
      %slice3A_261 = vector.extract_strided_slice %div3A {offsets = [9], sizes = [1], strides = [1]} : vector<16xf32> to vector<1xf32>
      %squeeze3A_262 = vector.extract %slice3A_261[0] : f32 from vector<1xf32>
      %get3A_263 = arith.constant 9 : i32
      %get3A_264 = arith.index_cast %get3A_263 : i32 to index
      %get3A_265 = arith.constant 16 : index
      %get3A_266 = tpu.vector_load %arg10[%get3A_264, %get3A_265] {strides = array<i32>} : memref<128x128xf32, #tpu.memory_space<vmem>>, vector<16xf32>,
      %mul3A_267 = vector.broadcast %squeeze3A_262 : f32 to vector<16xf32>
      %mul3A_268 = arith.mulf %mul3A_267, %get3A_266 : vector<16xf32>
      %add3A_269 = arith.addf %add3A_260, %mul3A_268 : vector<16xf32>
      %slice3A_270 = vector.extract_strided_slice %div3A {offsets = [10], sizes = [1], strides = [1]} : vector<16xf32> to vector<1xf32>
      %squeeze3A_271 = vector.extract %slice3A_270[0] : f32 from vector<1xf32>
      %get3A_272 = arith.constant 10 : i32
      %get3A_273 = arith.index_cast %get3A_272 : i32 to index
      %get3A_274 = arith.constant 16 : index
      %get3A_275 = tpu.vector_load %arg10[%get3A_273, %get3A_274] {strides = array<i32>} : memref<128x128xf32, #tpu.memory_space<vmem>>, vector<16xf32>,
      %mul3A_276 = vector.broadcast %squeeze3A_271 : f32 to vector<16xf32>
      %mul3A_277 = arith.mulf %mul3A_276, %get3A_275 : vector<16xf32>
      %add3A_278 = arith.addf %add3A_269, %mul3A_277 : vector<16xf32>
      %slice3A_279 = vector.extract_strided_slice %div3A {offsets = [11], sizes = [1], strides = [1]} : vector<16xf32> to vector<1xf32>
      %squeeze3A_280 = vector.extract %slice3A_279[0] : f32 from vector<1xf32>
      %get3A_281 = arith.constant 11 : i32
      %get3A_282 = arith.index_cast %get3A_281 : i32 to index
      %get3A_283 = arith.constant 16 : index
      %get3A_284 = tpu.vector_load %arg10[%get3A_282, %get3A_283] {strides = array<i32>} : memref<128x128xf32, #tpu.memory_space<vmem>>, vector<16xf32>,
      %mul3A_285 = vector.broadcast %squeeze3A_280 : f32 to vector<16xf32>
      %mul3A_286 = arith.mulf %mul3A_285, %get3A_284 : vector<16xf32>
      %add3A_287 = arith.addf %add3A_278, %mul3A_286 : vector<16xf32>
      %slice3A_288 = vector.extract_strided_slice %div3A {offsets = [12], sizes = [1], strides = [1]} : vector<16xf32> to vector<1xf32>
      %squeeze3A_289 = vector.extract %slice3A_288[0] : f32 from vector<1xf32>
      %get3A_290 = arith.constant 12 : i32
      %get3A_291 = arith.index_cast %get3A_290 : i32 to index
      %get3A_292 = arith.constant 16 : index
      %get3A_293 = tpu.vector_load %arg10[%get3A_291, %get3A_292] {strides = array<i32>} : memref<128x128xf32, #tpu.memory_space<vmem>>, vector<16xf32>,
      %mul3A_294 = vector.broadcast %squeeze3A_289 : f32 to vector<16xf32>
      %mul3A_295 = arith.mulf %mul3A_294, %get3A_293 : vector<16xf32>
      %add3A_296 = arith.addf %add3A_287, %mul3A_295 : vector<16xf32>
      %slice3A_297 = vector.extract_strided_slice %div3A {offsets = [13], sizes = [1], strides = [1]} : vector<16xf32> to vector<1xf32>
      %squeeze3A_298 = vector.extract %slice3A_297[0] : f32 from vector<1xf32>
      %get3A_299 = arith.constant 13 : i32
      %get3A_300 = arith.index_cast %get3A_299 : i32 to index
      %get3A_301 = arith.constant 16 : index
      %get3A_302 = tpu.vector_load %arg10[%get3A_300, %get3A_301] {strides = array<i32>} : memref<128x128xf32, #tpu.memory_space<vmem>>, vector<16xf32>,
      %mul3A_303 = vector.broadcast %squeeze3A_298 : f32 to vector<16xf32>
      %mul3A_304 = arith.mulf %mul3A_303, %get3A_302 : vector<16xf32>
      %add3A_305 = arith.addf %add3A_296, %mul3A_304 : vector<16xf32>
      %slice3A_306 = vector.extract_strided_slice %div3A {offsets = [14], sizes = [1], strides = [1]} : vector<16xf32> to vector<1xf32>
      %squeeze3A_307 = vector.extract %slice3A_306[0] : f32 from vector<1xf32>
      %get3A_308 = arith.constant 14 : i32
      %get3A_309 = arith.index_cast %get3A_308 : i32 to index
      %get3A_310 = arith.constant 16 : index
      %get3A_311 = tpu.vector_load %arg10[%get3A_309, %get3A_310] {strides = array<i32>} : memref<128x128xf32, #tpu.memory_space<vmem>>, vector<16xf32>,
      %mul3A_312 = vector.broadcast %squeeze3A_307 : f32 to vector<16xf32>
      %mul3A_313 = arith.mulf %mul3A_312, %get3A_311 : vector<16xf32>
      %add3A_314 = arith.addf %add3A_305, %mul3A_313 : vector<16xf32>
      %slice3A_315 = vector.extract_strided_slice %div3A {offsets = [15], sizes = [1], strides = [1]} : vector<16xf32> to vector<1xf32>
      %squeeze3A_316 = vector.extract %slice3A_315[0] : f32 from vector<1xf32>
      %get3A_317 = arith.constant 15 : i32
      %get3A_318 = arith.index_cast %get3A_317 : i32 to index
      %get3A_319 = arith.constant 16 : index
      %get3A_320 = tpu.vector_load %arg10[%get3A_318, %get3A_319] {strides = array<i32>} : memref<128x128xf32, #tpu.memory_space<vmem>>, vector<16xf32>,
      %mul3A_321 = vector.broadcast %squeeze3A_316 : f32 to vector<16xf32>
      %mul3A_322 = arith.mulf %mul3A_321, %get3A_320 : vector<16xf32>
      %add3A_323 = arith.addf %add3A_314, %mul3A_322 : vector<16xf32>
      %swap3A_324 = arith.index_cast %add3A_24 : i32 to index
      %swap3A_325 = arith.constant 16 : index
      %swap3A_326 = tpu.vector_load %arg11[%swap3A_324, %swap3A_325] {strides = array<i32>} : memref<512x64xf32, #tpu.memory_space<vmem>>, vector<16xf32>,
      tpu.vector_store %arg11[%swap3A_324, %swap3A_325], %add3A_323 {strides = array<i32>} : memref<512x64xf32, #tpu.memory_space<vmem>>, vector<16xf32>,
      %slice3A_327 = vector.extract_strided_slice %div3A {offsets = [0], sizes = [1], strides = [1]} : vector<16xf32> to vector<1xf32>
      %squeeze3A_328 = vector.extract %slice3A_327[0] : f32 from vector<1xf32>
      %get3A_329 = arith.constant 0 : i32
      %get3A_330 = arith.index_cast %get3A_329 : i32 to index
      %get3A_331 = arith.constant 32 : index
      %get3A_332 = tpu.vector_load %arg10[%get3A_330, %get3A_331] {strides = array<i32>} : memref<128x128xf32, #tpu.memory_space<vmem>>, vector<16xf32>,
      %mul3A_333 = vector.broadcast %squeeze3A_328 : f32 to vector<16xf32>
      %mul3A_334 = arith.mulf %mul3A_333, %get3A_332 : vector<16xf32>
      %slice3A_335 = vector.extract_strided_slice %div3A {offsets = [1], sizes = [1], strides = [1]} : vector<16xf32> to vector<1xf32>
      %squeeze3A_336 = vector.extract %slice3A_335[0] : f32 from vector<1xf32>
      %get3A_337 = arith.constant 1 : i32
      %get3A_338 = arith.index_cast %get3A_337 : i32 to index
      %get3A_339 = arith.constant 32 : index
      %get3A_340 = tpu.vector_load %arg10[%get3A_338, %get3A_339] {strides = array<i32>} : memref<128x128xf32, #tpu.memory_space<vmem>>, vector<16xf32>,
      %mul3A_341 = vector.broadcast %squeeze3A_336 : f32 to vector<16xf32>
      %mul3A_342 = arith.mulf %mul3A_341, %get3A_340 : vector<16xf32>
      %add3A_343 = arith.addf %mul3A_334, %mul3A_342 : vector<16xf32>
      %slice3A_344 = vector.extract_strided_slice %div3A {offsets = [2], sizes = [1], strides = [1]} : vector<16xf32> to vector<1xf32>
      %squeeze3A_345 = vector.extract %slice3A_344[0] : f32 from vector<1xf32>
      %get3A_346 = arith.constant 2 : i32
      %get3A_347 = arith.index_cast %get3A_346 : i32 to index
      %get3A_348 = arith.constant 32 : index
      %get3A_349 = tpu.vector_load %arg10[%get3A_347, %get3A_348] {strides = array<i32>} : memref<128x128xf32, #tpu.memory_space<vmem>>, vector<16xf32>,
      %mul3A_350 = vector.broadcast %squeeze3A_345 : f32 to vector<16xf32>
      %mul3A_351 = arith.mulf %mul3A_350, %get3A_349 : vector<16xf32>
      %add3A_352 = arith.addf %add3A_343, %mul3A_351 : vector<16xf32>
      %slice3A_353 = vector.extract_strided_slice %div3A {offsets = [3], sizes = [1], strides = [1]} : vector<16xf32> to vector<1xf32>
      %squeeze3A_354 = vector.extract %slice3A_353[0] : f32 from vector<1xf32>
      %get3A_355 = arith.constant 3 : i32
      %get3A_356 = arith.index_cast %get3A_355 : i32 to index
      %get3A_357 = arith.constant 32 : index
      %get3A_358 = tpu.vector_load %arg10[%get3A_356, %get3A_357] {strides = array<i32>} : memref<128x128xf32, #tpu.memory_space<vmem>>, vector<16xf32>,
      %mul3A_359 = vector.broadcast %squeeze3A_354 : f32 to vector<16xf32>
      %mul3A_360 = arith.mulf %mul3A_359, %get3A_358 : vector<16xf32>
      %add3A_361 = arith.addf %add3A_352, %mul3A_360 : vector<16xf32>
      %slice3A_362 = vector.extract_strided_slice %div3A {offsets = [4], sizes = [1], strides = [1]} : vector<16xf32> to vector<1xf32>
      %squeeze3A_363 = vector.extract %slice3A_362[0] : f32 from vector<1xf32>
      %get3A_364 = arith.constant 4 : i32
      %get3A_365 = arith.index_cast %get3A_364 : i32 to index
      %get3A_366 = arith.constant 32 : index
      %get3A_367 = tpu.vector_load %arg10[%get3A_365, %get3A_366] {strides = array<i32>} : memref<128x128xf32, #tpu.memory_space<vmem>>, vector<16xf32>,
      %mul3A_368 = vector.broadcast %squeeze3A_363 : f32 to vector<16xf32>
      %mul3A_369 = arith.mulf %mul3A_368, %get3A_367 : vector<16xf32>
      %add3A_370 = arith.addf %add3A_361, %mul3A_369 : vector<16xf32>
      %slice3A_371 = vector.extract_strided_slice %div3A {offsets = [5], sizes = [1], strides = [1]} : vector<16xf32> to vector<1xf32>
      %squeeze3A_372 = vector.extract %slice3A_371[0] : f32 from vector<1xf32>
      %get3A_373 = arith.constant 5 : i32
      %get3A_374 = arith.index_cast %get3A_373 : i32 to index
      %get3A_375 = arith.constant 32 : index
      %get3A_376 = tpu.vector_load %arg10[%get3A_374, %get3A_375] {strides = array<i32>} : memref<128x128xf32, #tpu.memory_space<vmem>>, vector<16xf32>,
      %mul3A_377 = vector.broadcast %squeeze3A_372 : f32 to vector<16xf32>
      %mul3A_378 = arith.mulf %mul3A_377, %get3A_376 : vector<16xf32>
      %add3A_379 = arith.addf %add3A_370, %mul3A_378 : vector<16xf32>
      %slice3A_380 = vector.extract_strided_slice %div3A {offsets = [6], sizes = [1], strides = [1]} : vector<16xf32> to vector<1xf32>
      %squeeze3A_381 = vector.extract %slice3A_380[0] : f32 from vector<1xf32>
      %get3A_382 = arith.constant 6 : i32
      %get3A_383 = arith.index_cast %get3A_382 : i32 to index
      %get3A_384 = arith.constant 32 : index
      %get3A_385 = tpu.vector_load %arg10[%get3A_383, %get3A_384] {strides = array<i32>} : memref<128x128xf32, #tpu.memory_space<vmem>>, vector<16xf32>,
      %mul3A_386 = vector.broadcast %squeeze3A_381 : f32 to vector<16xf32>
      %mul3A_387 = arith.mulf %mul3A_386, %get3A_385 : vector<16xf32>
      %add3A_388 = arith.addf %add3A_379, %mul3A_387 : vector<16xf32>
      %slice3A_389 = vector.extract_strided_slice %div3A {offsets = [7], sizes = [1], strides = [1]} : vector<16xf32> to vector<1xf32>
      %squeeze3A_390 = vector.extract %slice3A_389[0] : f32 from vector<1xf32>
      %get3A_391 = arith.constant 7 : i32
      %get3A_392 = arith.index_cast %get3A_391 : i32 to index
      %get3A_393 = arith.constant 32 : index
      %get3A_394 = tpu.vector_load %arg10[%get3A_392, %get3A_393] {strides = array<i32>} : memref<128x128xf32, #tpu.memory_space<vmem>>, vector<16xf32>,
      %mul3A_395 = vector.broadcast %squeeze3A_390 : f32 to vector<16xf32>
      %mul3A_396 = arith.mulf %mul3A_395, %get3A_394 : vector<16xf32>
      %add3A_397 = arith.addf %add3A_388, %mul3A_396 : vector<16xf32>
      %slice3A_398 = vector.extract_strided_slice %div3A {offsets = [8], sizes = [1], strides = [1]} : vector<16xf32> to vector<1xf32>
      %squeeze3A_399 = vector.extract %slice3A_398[0] : f32 from vector<1xf32>
      %get3A_400 = arith.constant 8 : i32
      %get3A_401 = arith.index_cast %get3A_400 : i32 to index
      %get3A_402 = arith.constant 32 : index
      %get3A_403 = tpu.vector_load %arg10[%get3A_401, %get3A_402] {strides = array<i32>} : memref<128x128xf32, #tpu.memory_space<vmem>>, vector<16xf32>,
      %mul3A_404 = vector.broadcast %squeeze3A_399 : f32 to vector<16xf32>
      %mul3A_405 = arith.mulf %mul3A_404, %get3A_403 : vector<16xf32>
      %add3A_406 = arith.addf %add3A_397, %mul3A_405 : vector<16xf32>
      %slice3A_407 = vector.extract_strided_slice %div3A {offsets = [9], sizes = [1], strides = [1]} : vector<16xf32> to vector<1xf32>
      %squeeze3A_408 = vector.extract %slice3A_407[0] : f32 from vector<1xf32>
      %get3A_409 = arith.constant 9 : i32
      %get3A_410 = arith.index_cast %get3A_409 : i32 to index
      %get3A_411 = arith.constant 32 : index
      %get3A_412 = tpu.vector_load %arg10[%get3A_410, %get3A_411] {strides = array<i32>} : memref<128x128xf32, #tpu.memory_space<vmem>>, vector<16xf32>,
      %mul3A_413 = vector.broadcast %squeeze3A_408 : f32 to vector<16xf32>
      %mul3A_414 = arith.mulf %mul3A_413, %get3A_412 : vector<16xf32>
      %add3A_415 = arith.addf %add3A_406, %mul3A_414 : vector<16xf32>
      %slice3A_416 = vector.extract_strided_slice %div3A {offsets = [10], sizes = [1], strides = [1]} : vector<16xf32> to vector<1xf32>
      %squeeze3A_417 = vector.extract %slice3A_416[0] : f32 from vector<1xf32>
      %get3A_418 = arith.constant 10 : i32
      %get3A_419 = arith.index_cast %get3A_418 : i32 to index
      %get3A_420 = arith.constant 32 : index
      %get3A_421 = tpu.vector_load %arg10[%get3A_419, %get3A_420] {strides = array<i32>} : memref<128x128xf32, #tpu.memory_space<vmem>>, vector<16xf32>,
      %mul3A_422 = vector.broadcast %squeeze3A_417 : f32 to vector<16xf32>
      %mul3A_423 = arith.mulf %mul3A_422, %get3A_421 : vector<16xf32>
      %add3A_424 = arith.addf %add3A_415, %mul3A_423 : vector<16xf32>
      %slice3A_425 = vector.extract_strided_slice %div3A {offsets = [11], sizes = [1], strides = [1]} : vector<16xf32> to vector<1xf32>
      %squeeze3A_426 = vector.extract %slice3A_425[0] : f32 from vector<1xf32>
      %get3A_427 = arith.constant 11 : i32
      %get3A_428 = arith.index_cast %get3A_427 : i32 to index
      %get3A_429 = arith.constant 32 : index
      %get3A_430 = tpu.vector_load %arg10[%get3A_428, %get3A_429] {strides = array<i32>} : memref<128x128xf32, #tpu.memory_space<vmem>>, vector<16xf32>,
      %mul3A_431 = vector.broadcast %squeeze3A_426 : f32 to vector<16xf32>
      %mul3A_432 = arith.mulf %mul3A_431, %get3A_430 : vector<16xf32>
      %add3A_433 = arith.addf %add3A_424, %mul3A_432 : vector<16xf32>
      %slice3A_434 = vector.extract_strided_slice %div3A {offsets = [12], sizes = [1], strides = [1]} : vector<16xf32> to vector<1xf32>
      %squeeze3A_435 = vector.extract %slice3A_434[0] : f32 from vector<1xf32>
      %get3A_436 = arith.constant 12 : i32
      %get3A_437 = arith.index_cast %get3A_436 : i32 to index
      %get3A_438 = arith.constant 32 : index
      %get3A_439 = tpu.vector_load %arg10[%get3A_437, %get3A_438] {strides = array<i32>} : memref<128x128xf32, #tpu.memory_space<vmem>>, vector<16xf32>,
      %mul3A_440 = vector.broadcast %squeeze3A_435 : f32 to vector<16xf32>
      %mul3A_441 = arith.mulf %mul3A_440, %get3A_439 : vector<16xf32>
      %add3A_442 = arith.addf %add3A_433, %mul3A_441 : vector<16xf32>
      %slice3A_443 = vector.extract_strided_slice %div3A {offsets = [13], sizes = [1], strides = [1]} : vector<16xf32> to vector<1xf32>
      %squeeze3A_444 = vector.extract %slice3A_443[0] : f32 from vector<1xf32>
      %get3A_445 = arith.constant 13 : i32
      %get3A_446 = arith.index_cast %get3A_445 : i32 to index
      %get3A_447 = arith.constant 32 : index
      %get3A_448 = tpu.vector_load %arg10[%get3A_446, %get3A_447] {strides = array<i32>} : memref<128x128xf32, #tpu.memory_space<vmem>>, vector<16xf32>,
      %mul3A_449 = vector.broadcast %squeeze3A_444 : f32 to vector<16xf32>
      %mul3A_450 = arith.mulf %mul3A_449, %get3A_448 : vector<16xf32>
      %add3A_451 = arith.addf %add3A_442, %mul3A_450 : vector<16xf32>
      %slice3A_452 = vector.extract_strided_slice %div3A {offsets = [14], sizes = [1], strides = [1]} : vector<16xf32> to vector<1xf32>
      %squeeze3A_453 = vector.extract %slice3A_452[0] : f32 from vector<1xf32>
      %get3A_454 = arith.constant 14 : i32
      %get3A_455 = arith.index_cast %get3A_454 : i32 to index
      %get3A_456 = arith.constant 32 : index
      %get3A_457 = tpu.vector_load %arg10[%get3A_455, %get3A_456] {strides = array<i32>} : memref<128x128xf32, #tpu.memory_space<vmem>>, vector<16xf32>,
      %mul3A_458 = vector.broadcast %squeeze3A_453 : f32 to vector<16xf32>
      %mul3A_459 = arith.mulf %mul3A_458, %get3A_457 : vector<16xf32>
      %add3A_460 = arith.addf %add3A_451, %mul3A_459 : vector<16xf32>
      %slice3A_461 = vector.extract_strided_slice %div3A {offsets = [15], sizes = [1], strides = [1]} : vector<16xf32> to vector<1xf32>
      %squeeze3A_462 = vector.extract %slice3A_461[0] : f32 from vector<1xf32>
      %get3A_463 = arith.constant 15 : i32
      %get3A_464 = arith.index_cast %get3A_463 : i32 to index
      %get3A_465 = arith.constant 32 : index
      %get3A_466 = tpu.vector_load %arg10[%get3A_464, %get3A_465] {strides = array<i32>} : memref<128x128xf32, #tpu.memory_space<vmem>>, vector<16xf32>,
      %mul3A_467 = vector.broadcast %squeeze3A_462 : f32 to vector<16xf32>
      %mul3A_468 = arith.mulf %mul3A_467, %get3A_466 : vector<16xf32>
      %add3A_469 = arith.addf %add3A_460, %mul3A_468 : vector<16xf32>
      %swap3A_470 = arith.index_cast %add3A_24 : i32 to index
      %swap3A_471 = arith.constant 32 : index
      %swap3A_472 = tpu.vector_load %arg11[%swap3A_470, %swap3A_471] {strides = array<i32>} : memref<512x64xf32, #tpu.memory_space<vmem>>, vector<16xf32>,
      tpu.vector_store %arg11[%swap3A_470, %swap3A_471], %add3A_469 {strides = array<i32>} : memref<512x64xf32, #tpu.memory_space<vmem>>, vector<16xf32>,
      %slice3A_473 = vector.extract_strided_slice %div3A {offsets = [0], sizes = [1], strides = [1]} : vector<16xf32> to vector<1xf32>
      %squeeze3A_474 = vector.extract %slice3A_473[0] : f32 from vector<1xf32>
      %get3A_475 = arith.constant 0 : i32
      %get3A_476 = arith.index_cast %get3A_475 : i32 to index
      %get3A_477 = arith.constant 48 : index
      %get3A_478 = tpu.vector_load %arg10[%get3A_476, %get3A_477] {strides = array<i32>} : memref<128x128xf32, #tpu.memory_space<vmem>>, vector<16xf32>,
      %mul3A_479 = vector.broadcast %squeeze3A_474 : f32 to vector<16xf32>
      %mul3A_480 = arith.mulf %mul3A_479, %get3A_478 : vector<16xf32>
      %slice3A_481 = vector.extract_strided_slice %div3A {offsets = [1], sizes = [1], strides = [1]} : vector<16xf32> to vector<1xf32>
      %squeeze3A_482 = vector.extract %slice3A_481[0] : f32 from vector<1xf32>
      %get3A_483 = arith.constant 1 : i32
      %get3A_484 = arith.index_cast %get3A_483 : i32 to index
      %get3A_485 = arith.constant 48 : index
      %get3A_486 = tpu.vector_load %arg10[%get3A_484, %get3A_485] {strides = array<i32>} : memref<128x128xf32, #tpu.memory_space<vmem>>, vector<16xf32>,
      %mul3A_487 = vector.broadcast %squeeze3A_482 : f32 to vector<16xf32>
      %mul3A_488 = arith.mulf %mul3A_487, %get3A_486 : vector<16xf32>
      %add3A_489 = arith.addf %mul3A_480, %mul3A_488 : vector<16xf32>
      %slice3A_490 = vector.extract_strided_slice %div3A {offsets = [2], sizes = [1], strides = [1]} : vector<16xf32> to vector<1xf32>
      %squeeze3A_491 = vector.extract %slice3A_490[0] : f32 from vector<1xf32>
      %get3A_492 = arith.constant 2 : i32
      %get3A_493 = arith.index_cast %get3A_492 : i32 to index
      %get3A_494 = arith.constant 48 : index
      %get3A_495 = tpu.vector_load %arg10[%get3A_493, %get3A_494] {strides = array<i32>} : memref<128x128xf32, #tpu.memory_space<vmem>>, vector<16xf32>,
      %mul3A_496 = vector.broadcast %squeeze3A_491 : f32 to vector<16xf32>
      %mul3A_497 = arith.mulf %mul3A_496, %get3A_495 : vector<16xf32>
      %add3A_498 = arith.addf %add3A_489, %mul3A_497 : vector<16xf32>
      %slice3A_499 = vector.extract_strided_slice %div3A {offsets = [3], sizes = [1], strides = [1]} : vector<16xf32> to vector<1xf32>
      %squeeze3A_500 = vector.extract %slice3A_499[0] : f32 from vector<1xf32>
      %get3A_501 = arith.constant 3 : i32
      %get3A_502 = arith.index_cast %get3A_501 : i32 to index
      %get3A_503 = arith.constant 48 : index
      %get3A_504 = tpu.vector_load %arg10[%get3A_502, %get3A_503] {strides = array<i32>} : memref<128x128xf32, #tpu.memory_space<vmem>>, vector<16xf32>,
      %mul3A_505 = vector.broadcast %squeeze3A_500 : f32 to vector<16xf32>
      %mul3A_506 = arith.mulf %mul3A_505, %get3A_504 : vector<16xf32>
      %add3A_507 = arith.addf %add3A_498, %mul3A_506 : vector<16xf32>
      %slice3A_508 = vector.extract_strided_slice %div3A {offsets = [4], sizes = [1], strides = [1]} : vector<16xf32> to vector<1xf32>
      %squeeze3A_509 = vector.extract %slice3A_508[0] : f32 from vector<1xf32>
      %get3A_510 = arith.constant 4 : i32
      %get3A_511 = arith.index_cast %get3A_510 : i32 to index
      %get3A_512 = arith.constant 48 : index
      %get3A_513 = tpu.vector_load %arg10[%get3A_511, %get3A_512] {strides = array<i32>} : memref<128x128xf32, #tpu.memory_space<vmem>>, vector<16xf32>,
      %mul3A_514 = vector.broadcast %squeeze3A_509 : f32 to vector<16xf32>
      %mul3A_515 = arith.mulf %mul3A_514, %get3A_513 : vector<16xf32>
      %add3A_516 = arith.addf %add3A_507, %mul3A_515 : vector<16xf32>
      %slice3A_517 = vector.extract_strided_slice %div3A {offsets = [5], sizes = [1], strides = [1]} : vector<16xf32> to vector<1xf32>
      %squeeze3A_518 = vector.extract %slice3A_517[0] : f32 from vector<1xf32>
      %get3A_519 = arith.constant 5 : i32
      %get3A_520 = arith.index_cast %get3A_519 : i32 to index
      %get3A_521 = arith.constant 48 : index
      %get3A_522 = tpu.vector_load %arg10[%get3A_520, %get3A_521] {strides = array<i32>} : memref<128x128xf32, #tpu.memory_space<vmem>>, vector<16xf32>,
      %mul3A_523 = vector.broadcast %squeeze3A_518 : f32 to vector<16xf32>
      %mul3A_524 = arith.mulf %mul3A_523, %get3A_522 : vector<16xf32>
      %add3A_525 = arith.addf %add3A_516, %mul3A_524 : vector<16xf32>
      %slice3A_526 = vector.extract_strided_slice %div3A {offsets = [6], sizes = [1], strides = [1]} : vector<16xf32> to vector<1xf32>
      %squeeze3A_527 = vector.extract %slice3A_526[0] : f32 from vector<1xf32>
      %get3A_528 = arith.constant 6 : i32
      %get3A_529 = arith.index_cast %get3A_528 : i32 to index
      %get3A_530 = arith.constant 48 : index
      %get3A_531 = tpu.vector_load %arg10[%get3A_529, %get3A_530] {strides = array<i32>} : memref<128x128xf32, #tpu.memory_space<vmem>>, vector<16xf32>,
      %mul3A_532 = vector.broadcast %squeeze3A_527 : f32 to vector<16xf32>
      %mul3A_533 = arith.mulf %mul3A_532, %get3A_531 : vector<16xf32>
      %add3A_534 = arith.addf %add3A_525, %mul3A_533 : vector<16xf32>
      %slice3A_535 = vector.extract_strided_slice %div3A {offsets = [7], sizes = [1], strides = [1]} : vector<16xf32> to vector<1xf32>
      %squeeze3A_536 = vector.extract %slice3A_535[0] : f32 from vector<1xf32>
      %get3A_537 = arith.constant 7 : i32
      %get3A_538 = arith.index_cast %get3A_537 : i32 to index
      %get3A_539 = arith.constant 48 : index
      %get3A_540 = tpu.vector_load %arg10[%get3A_538, %get3A_539] {strides = array<i32>} : memref<128x128xf32, #tpu.memory_space<vmem>>, vector<16xf32>,
      %mul3A_541 = vector.broadcast %squeeze3A_536 : f32 to vector<16xf32>
      %mul3A_542 = arith.mulf %mul3A_541, %get3A_540 : vector<16xf32>
      %add3A_543 = arith.addf %add3A_534, %mul3A_542 : vector<16xf32>
      %slice3A_544 = vector.extract_strided_slice %div3A {offsets = [8], sizes = [1], strides = [1]} : vector<16xf32> to vector<1xf32>
      %squeeze3A_545 = vector.extract %slice3A_544[0] : f32 from vector<1xf32>
      %get3A_546 = arith.constant 8 : i32
      %get3A_547 = arith.index_cast %get3A_546 : i32 to index
      %get3A_548 = arith.constant 48 : index
      %get3A_549 = tpu.vector_load %arg10[%get3A_547, %get3A_548] {strides = array<i32>} : memref<128x128xf32, #tpu.memory_space<vmem>>, vector<16xf32>,
      %mul3A_550 = vector.broadcast %squeeze3A_545 : f32 to vector<16xf32>
      %mul3A_551 = arith.mulf %mul3A_550, %get3A_549 : vector<16xf32>
      %add3A_552 = arith.addf %add3A_543, %mul3A_551 : vector<16xf32>
      %slice3A_553 = vector.extract_strided_slice %div3A {offsets = [9], sizes = [1], strides = [1]} : vector<16xf32> to vector<1xf32>
      %squeeze3A_554 = vector.extract %slice3A_553[0] : f32 from vector<1xf32>
      %get3A_555 = arith.constant 9 : i32
      %get3A_556 = arith.index_cast %get3A_555 : i32 to index
      %get3A_557 = arith.constant 48 : index
      %get3A_558 = tpu.vector_load %arg10[%get3A_556, %get3A_557] {strides = array<i32>} : memref<128x128xf32, #tpu.memory_space<vmem>>, vector<16xf32>,
      %mul3A_559 = vector.broadcast %squeeze3A_554 : f32 to vector<16xf32>
      %mul3A_560 = arith.mulf %mul3A_559, %get3A_558 : vector<16xf32>
      %add3A_561 = arith.addf %add3A_552, %mul3A_560 : vector<16xf32>
      %slice3A_562 = vector.extract_strided_slice %div3A {offsets = [10], sizes = [1], strides = [1]} : vector<16xf32> to vector<1xf32>
      %squeeze3A_563 = vector.extract %slice3A_562[0] : f32 from vector<1xf32>
      %get3A_564 = arith.constant 10 : i32
      %get3A_565 = arith.index_cast %get3A_564 : i32 to index
      %get3A_566 = arith.constant 48 : index
      %get3A_567 = tpu.vector_load %arg10[%get3A_565, %get3A_566] {strides = array<i32>} : memref<128x128xf32, #tpu.memory_space<vmem>>, vector<16xf32>,
      %mul3A_568 = vector.broadcast %squeeze3A_563 : f32 to vector<16xf32>
      %mul3A_569 = arith.mulf %mul3A_568, %get3A_567 : vector<16xf32>
      %add3A_570 = arith.addf %add3A_561, %mul3A_569 : vector<16xf32>
      %slice3A_571 = vector.extract_strided_slice %div3A {offsets = [11], sizes = [1], strides = [1]} : vector<16xf32> to vector<1xf32>
      %squeeze3A_572 = vector.extract %slice3A_571[0] : f32 from vector<1xf32>
      %get3A_573 = arith.constant 11 : i32
      %get3A_574 = arith.index_cast %get3A_573 : i32 to index
      %get3A_575 = arith.constant 48 : index
      %get3A_576 = tpu.vector_load %arg10[%get3A_574, %get3A_575] {strides = array<i32>} : memref<128x128xf32, #tpu.memory_space<vmem>>, vector<16xf32>,
      %mul3A_577 = vector.broadcast %squeeze3A_572 : f32 to vector<16xf32>
      %mul3A_578 = arith.mulf %mul3A_577, %get3A_576 : vector<16xf32>
      %add3A_579 = arith.addf %add3A_570, %mul3A_578 : vector<16xf32>
      %slice3A_580 = vector.extract_strided_slice %div3A {offsets = [12], sizes = [1], strides = [1]} : vector<16xf32> to vector<1xf32>
      %squeeze3A_581 = vector.extract %slice3A_580[0] : f32 from vector<1xf32>
      %get3A_582 = arith.constant 12 : i32
      %get3A_583 = arith.index_cast %get3A_582 : i32 to index
      %get3A_584 = arith.constant 48 : index
      %get3A_585 = tpu.vector_load %arg10[%get3A_583, %get3A_584] {strides = array<i32>} : memref<128x128xf32, #tpu.memory_space<vmem>>, vector<16xf32>,
      %mul3A_586 = vector.broadcast %squeeze3A_581 : f32 to vector<16xf32>
      %mul3A_587 = arith.mulf %mul3A_586, %get3A_585 : vector<16xf32>
      %add3A_588 = arith.addf %add3A_579, %mul3A_587 : vector<16xf32>
      %slice3A_589 = vector.extract_strided_slice %div3A {offsets = [13], sizes = [1], strides = [1]} : vector<16xf32> to vector<1xf32>
      %squeeze3A_590 = vector.extract %slice3A_589[0] : f32 from vector<1xf32>
      %get3A_591 = arith.constant 13 : i32
      %get3A_592 = arith.index_cast %get3A_591 : i32 to index
      %get3A_593 = arith.constant 48 : index
      %get3A_594 = tpu.vector_load %arg10[%get3A_592, %get3A_593] {strides = array<i32>} : memref<128x128xf32, #tpu.memory_space<vmem>>, vector<16xf32>,
      %mul3A_595 = vector.broadcast %squeeze3A_590 : f32 to vector<16xf32>
      %mul3A_596 = arith.mulf %mul3A_595, %get3A_594 : vector<16xf32>
      %add3A_597 = arith.addf %add3A_588, %mul3A_596 : vector<16xf32>
      %slice3A_598 = vector.extract_strided_slice %div3A {offsets = [14], sizes = [1], strides = [1]} : vector<16xf32> to vector<1xf32>
      %squeeze3A_599 = vector.extract %slice3A_598[0] : f32 from vector<1xf32>
      %get3A_600 = arith.constant 14 : i32
      %get3A_601 = arith.index_cast %get3A_600 : i32 to index
      %get3A_602 = arith.constant 48 : index
      %get3A_603 = tpu.vector_load %arg10[%get3A_601, %get3A_602] {strides = array<i32>} : memref<128x128xf32, #tpu.memory_space<vmem>>, vector<16xf32>,
      %mul3A_604 = vector.broadcast %squeeze3A_599 : f32 to vector<16xf32>
      %mul3A_605 = arith.mulf %mul3A_604, %get3A_603 : vector<16xf32>
      %add3A_606 = arith.addf %add3A_597, %mul3A_605 : vector<16xf32>
      %slice3A_607 = vector.extract_strided_slice %div3A {offsets = [15], sizes = [1], strides = [1]} : vector<16xf32> to vector<1xf32>
      %squeeze3A_608 = vector.extract %slice3A_607[0] : f32 from vector<1xf32>
      %get3A_609 = arith.constant 15 : i32
      %get3A_610 = arith.index_cast %get3A_609 : i32 to index
      %get3A_611 = arith.constant 48 : index
      %get3A_612 = tpu.vector_load %arg10[%get3A_610, %get3A_611] {strides = array<i32>} : memref<128x128xf32, #tpu.memory_space<vmem>>, vector<16xf32>,
      %mul3A_613 = vector.broadcast %squeeze3A_608 : f32 to vector<16xf32>
      %mul3A_614 = arith.mulf %mul3A_613, %get3A_612 : vector<16xf32>
      %add3A_615 = arith.addf %add3A_606, %mul3A_614 : vector<16xf32>
      %swap3A_616 = arith.index_cast %add3A_24 : i32 to index
      %swap3A_617 = arith.constant 48 : index
      %swap3A_618 = tpu.vector_load %arg11[%swap3A_616, %swap3A_617] {strides = array<i32>} : memref<512x64xf32, #tpu.memory_space<vmem>>, vector<16xf32>,
      tpu.vector_store %arg11[%swap3A_616, %swap3A_617], %add3A_615 {strides = array<i32>} : memref<512x64xf32, #tpu.memory_space<vmem>>, vector<16xf32>,
      %mul3A_619 = arith.constant 8 : i32
      %mul3A_620 = arith.muli %scan3A_8, %mul3A_619 : i32
      %add3A_621 = arith.constant 1 : i32
      %add3A_622 = arith.addi %mul3A_620, %add3A_621 : i32
      %get3A_623 = arith.constant 16 : index
      %get3A_624 = tpu.vector_load %arg7[%get3A_623] {strides = array<i32>} : memref<128xi32, #tpu.memory_space<vmem>>, vector<16xi32>,
      %gather3A_625 = tpu.vector_load_idx %arg9[%get3A_624] : memref<16384xf32, #tpu.memory_space<vmem>>[vector<16xi32>], vector<16xf32>,
      %slice3A_626 = vector.extract_strided_slice %get3A_20 {offsets = [1], sizes = [1], strides = [1]} : vector<16xf32> to vector<1xf32>
      %squeeze3A_627 = vector.extract %slice3A_626[0] : f32 from vector<1xf32>
      %mul3A_628 = vector.broadcast %squeeze3A_627 : f32 to vector<16xf32>
      %mul3A_629 = arith.mulf %gather3A_625, %mul3A_628 : vector<16xf32>
      %reduce_max3A_630 = arith.constant true
      %reduce_max3A_631 = vector.broadcast %reduce_max3A_630 : i1 to vector<16xi1>
      %reduce_max3A_632 = tpu.scan <max>, %mul3A_629 masked %reduce_max3A_631 : vector<16xf32>, vector<16xi1> -> vector<16xf32>
      %reduce_max3A_633 = vector.extract %reduce_max3A_632[15] : f32 from vector<16xf32>
      %sub3A_634 = vector.broadcast %reduce_max3A_633 : f32 to vector<16xf32>
      %sub3A_635 = arith.subf %mul3A_629, %sub3A_634 : vector<16xf32>
      %exp3A_636 = math.exp %sub3A_635 : vector<16xf32>
      %reduce_sum3A_637 = arith.constant true
      %reduce_sum3A_638 = vector.broadcast %reduce_sum3A_637 : i1 to vector<16xi1>
      %reduce_sum3A_639 = tpu.scan <sum>, %exp3A_636 masked %reduce_sum3A_638 : vector<16xf32>, vector<16xi1> -> vector<16xf32>
      %reduce_sum3A_640 = vector.extract %reduce_sum3A_639[15] : f32 from vector<16xf32>
      %broadcast_in_dim3A_641 = vector.broadcast %reduce_sum3A_640 : f32 to vector<16xf32>
      %div3A_642 = arith.divf %exp3A_636, %broadcast_in_dim3A_641 : vector<16xf32>
      %slice3A_643 = vector.extract_strided_slice %div3A_642 {offsets = [0], sizes = [1], strides = [1]} : vector<16xf32> to vector<1xf32>
      %squeeze3A_644 = vector.extract %slice3A_643[0] : f32 from vector<1xf32>
      %get3A_645 = arith.constant 16 : i32
      %get3A_646 = arith.index_cast %get3A_645 : i32 to index
      %get3A_647 = arith.constant 0 : index
      %get3A_648 = tpu.vector_load %arg10[%get3A_646, %get3A_647] {strides = array<i32>} : memref<128x128xf32, #tpu.memory_space<vmem>>, vector<16xf32>,
      %mul3A_649 = vector.broadcast %squeeze3A_644 : f32 to vector<16xf32>
      %mul3A_650 = arith.mulf %mul3A_649, %get3A_648 : vector<16xf32>
      %slice3A_651 = vector.extract_strided_slice %div3A_642 {offsets = [1], sizes = [1], strides = [1]} : vector<16xf32> to vector<1xf32>
      %squeeze3A_652 = vector.extract %slice3A_651[0] : f32 from vector<1xf32>
      %get3A_653 = arith.constant 17 : i32
      %get3A_654 = arith.index_cast %get3A_653 : i32 to index
      %get3A_655 = arith.constant 0 : index
      %get3A_656 = tpu.vector_load %arg10[%get3A_654, %get3A_655] {strides = array<i32>} : memref<128x128xf32, #tpu.memory_space<vmem>>, vector<16xf32>,
      %mul3A_657 = vector.broadcast %squeeze3A_652 : f32 to vector<16xf32>
      %mul3A_658 = arith.mulf %mul3A_657, %get3A_656 : vector<16xf32>
      %add3A_659 = arith.addf %mul3A_650, %mul3A_658 : vector<16xf32>
      %slice3A_660 = vector.extract_strided_slice %div3A_642 {offsets = [2], sizes = [1], strides = [1]} : vector<16xf32> to vector<1xf32>
      %squeeze3A_661 = vector.extract %slice3A_660[0] : f32 from vector<1xf32>
      %get3A_662 = arith.constant 18 : i32
      %get3A_663 = arith.index_cast %get3A_662 : i32 to index
      %get3A_664 = arith.constant 0 : index
      %get3A_665 = tpu.vector_load %arg10[%get3A_663, %get3A_664] {strides = array<i32>} : memref<128x128xf32, #tpu.memory_space<vmem>>, vector<16xf32>,
      %mul3A_666 = vector.broadcast %squeeze3A_661 : f32 to vector<16xf32>
      %mul3A_667 = arith.mulf %mul3A_666, %get3A_665 : vector<16xf32>
      %add3A_668 = arith.addf %add3A_659, %mul3A_667 : vector<16xf32>
      %slice3A_669 = vector.extract_strided_slice %div3A_642 {offsets = [3], sizes = [1], strides = [1]} : vector<16xf32> to vector<1xf32>
      %squeeze3A_670 = vector.extract %slice3A_669[0] : f32 from vector<1xf32>
      %get3A_671 = arith.constant 19 : i32
      %get3A_672 = arith.index_cast %get3A_671 : i32 to index
      %get3A_673 = arith.constant 0 : index
      %get3A_674 = tpu.vector_load %arg10[%get3A_672, %get3A_673] {strides = array<i32>} : memref<128x128xf32, #tpu.memory_space<vmem>>, vector<16xf32>,
      %mul3A_675 = vector.broadcast %squeeze3A_670 : f32 to vector<16xf32>
      %mul3A_676 = arith.mulf %mul3A_675, %get3A_674 : vector<16xf32>
      %add3A_677 = arith.addf %add3A_668, %mul3A_676 : vector<16xf32>
      %slice3A_678 = vector.extract_strided_slice %div3A_642 {offsets = [4], sizes = [1], strides = [1]} : vector<16xf32> to vector<1xf32>
      %squeeze3A_679 = vector.extract %slice3A_678[0] : f32 from vector<1xf32>
      %get3A_680 = arith.constant 20 : i32
      %get3A_681 = arith.index_cast %get3A_680 : i32 to index
      %get3A_682 = arith.constant 0 : index
      %get3A_683 = tpu.vector_load %arg10[%get3A_681, %get3A_682] {strides = array<i32>} : memref<128x128xf32, #tpu.memory_space<vmem>>, vector<16xf32>,
      %mul3A_684 = vector.broadcast %squeeze3A_679 : f32 to vector<16xf32>
      %mul3A_685 = arith.mulf %mul3A_684, %get3A_683 : vector<16xf32>
      %add3A_686 = arith.addf %add3A_677, %mul3A_685 : vector<16xf32>
      %slice3A_687 = vector.extract_strided_slice %div3A_642 {offsets = [5], sizes = [1], strides = [1]} : vector<16xf32> to vector<1xf32>
      %squeeze3A_688 = vector.extract %slice3A_687[0] : f32 from vector<1xf32>
      %get3A_689 = arith.constant 21 : i32
      %get3A_690 = arith.index_cast %get3A_689 : i32 to index
      %get3A_691 = arith.constant 0 : index
      %get3A_692 = tpu.vector_load %arg10[%get3A_690, %get3A_691] {strides = array<i32>} : memref<128x128xf32, #tpu.memory_space<vmem>>, vector<16xf32>,
      %mul3A_693 = vector.broadcast %squeeze3A_688 : f32 to vector<16xf32>
      %mul3A_694 = arith.mulf %mul3A_693, %get3A_692 : vector<16xf32>
      %add3A_695 = arith.addf %add3A_686, %mul3A_694 : vector<16xf32>
      %slice3A_696 = vector.extract_strided_slice %div3A_642 {offsets = [6], sizes = [1], strides = [1]} : vector<16xf32> to vector<1xf32>
      %squeeze3A_697 = vector.extract %slice3A_696[0] : f32 from vector<1xf32>
      %get3A_698 = arith.constant 22 : i32
      %get3A_699 = arith.index_cast %get3A_698 : i32 to index
      %get3A_700 = arith.constant 0 : index
      %get3A_701 = tpu.vector_load %arg10[%get3A_699, %get3A_700] {strides = array<i32>} : memref<128x128xf32, #tpu.memory_space<vmem>>, vector<16xf32>,
      %mul3A_702 = vector.broadcast %squeeze3A_697 : f32 to vector<16xf32>
      %mul3A_703 = arith.mulf %mul3A_702, %get3A_701 : vector<16xf32>
      %add3A_704 = arith.addf %add3A_695, %mul3A_703 : vector<16xf32>
      %slice3A_705 = vector.extract_strided_slice %div3A_642 {offsets = [7], sizes = [1], strides = [1]} : vector<16xf32> to vector<1xf32>
      %squeeze3A_706 = vector.extract %slice3A_705[0] : f32 from vector<1xf32>
      %get3A_707 = arith.constant 23 : i32
      %get3A_708 = arith.index_cast %get3A_707 : i32 to index
      %get3A_709 = arith.constant 0 : index
      %get3A_710 = tpu.vector_load %arg10[%get3A_708, %get3A_709] {strides = array<i32>} : memref<128x128xf32, #tpu.memory_space<vmem>>, vector<16xf32>,
      %mul3A_711 = vector.broadcast %squeeze3A_706 : f32 to vector<16xf32>
      %mul3A_712 = arith.mulf %mul3A_711, %get3A_710 : vector<16xf32>
      %add3A_713 = arith.addf %add3A_704, %mul3A_712 : vector<16xf32>
      %slice3A_714 = vector.extract_strided_slice %div3A_642 {offsets = [8], sizes = [1], strides = [1]} : vector<16xf32> to vector<1xf32>
      %squeeze3A_715 = vector.extract %slice3A_714[0] : f32 from vector<1xf32>
      %get3A_716 = arith.constant 24 : i32
      %get3A_717 = arith.index_cast %get3A_716 : i32 to index
      %get3A_718 = arith.constant 0 : index
      %get3A_719 = tpu.vector_load %arg10[%get3A_717, %get3A_718] {strides = array<i32>} : memref<128x128xf32, #tpu.memory_space<vmem>>, vector<16xf32>,
      %mul3A_720 = vector.broadcast %squeeze3A_715 : f32 to vector<16xf32>
      %mul3A_721 = arith.mulf %mul3A_720, %get3A_719 : vector<16xf32>
      %add3A_722 = arith.addf %add3A_713, %mul3A_721 : vector<16xf32>
      %slice3A_723 = vector.extract_strided_slice %div3A_642 {offsets = [9], sizes = [1], strides = [1]} : vector<16xf32> to vector<1xf32>
      %squeeze3A_724 = vector.extract %slice3A_723[0] : f32 from vector<1xf32>
      %get3A_725 = arith.constant 25 : i32
      %get3A_726 = arith.index_cast %get3A_725 : i32 to index
      %get3A_727 = arith.constant 0 : index
      %get3A_728 = tpu.vector_load %arg10[%get3A_726, %get3A_727] {strides = array<i32>} : memref<128x128xf32, #tpu.memory_space<vmem>>, vector<16xf32>,
      %mul3A_729 = vector.broadcast %squeeze3A_724 : f32 to vector<16xf32>
      %mul3A_730 = arith.mulf %mul3A_729, %get3A_728 : vector<16xf32>
      %add3A_731 = arith.addf %add3A_722, %mul3A_730 : vector<16xf32>
      %slice3A_732 = vector.extract_strided_slice %div3A_642 {offsets = [10], sizes = [1], strides = [1]} : vector<16xf32> to vector<1xf32>
      %squeeze3A_733 = vector.extract %slice3A_732[0] : f32 from vector<1xf32>
      %get3A_734 = arith.constant 26 : i32
      %get3A_735 = arith.index_cast %get3A_734 : i32 to index
      %get3A_736 = arith.constant 0 : index
      %get3A_737 = tpu.vector_load %arg10[%get3A_735, %get3A_736] {strides = array<i32>} : memref<128x128xf32, #tpu.memory_space<vmem>>, vector<16xf32>,
      %mul3A_738 = vector.broadcast %squeeze3A_733 : f32 to vector<16xf32>
      %mul3A_739 = arith.mulf %mul3A_738, %get3A_737 : vector<16xf32>
      %add3A_740 = arith.addf %add3A_731, %mul3A_739 : vector<16xf32>
      %slice3A_741 = vector.extract_strided_slice %div3A_642 {offsets = [11], sizes = [1], strides = [1]} : vector<16xf32> to vector<1xf32>
      %squeeze3A_742 = vector.extract %slice3A_741[0] : f32 from vector<1xf32>
      %get3A_743 = arith.constant 27 : i32
      %get3A_744 = arith.index_cast %get3A_743 : i32 to index
      %get3A_745 = arith.constant 0 : index
      %get3A_746 = tpu.vector_load %arg10[%get3A_744, %get3A_745] {strides = array<i32>} : memref<128x128xf32, #tpu.memory_space<vmem>>, vector<16xf32>,
      %mul3A_747 = vector.broadcast %squeeze3A_742 : f32 to vector<16xf32>
      %mul3A_748 = arith.mulf %mul3A_747, %get3A_746 : vector<16xf32>
      %add3A_749 = arith.addf %add3A_740, %mul3A_748 : vector<16xf32>
      %slice3A_750 = vector.extract_strided_slice %div3A_642 {offsets = [12], sizes = [1], strides = [1]} : vector<16xf32> to vector<1xf32>
      %squeeze3A_751 = vector.extract %slice3A_750[0] : f32 from vector<1xf32>
      %get3A_752 = arith.constant 28 : i32
      %get3A_753 = arith.index_cast %get3A_752 : i32 to index
      %get3A_754 = arith.constant 0 : index
      %get3A_755 = tpu.vector_load %arg10[%get3A_753, %get3A_754] {strides = array<i32>} : memref<128x128xf32, #tpu.memory_space<vmem>>, vector<16xf32>,
      %mul3A_756 = vector.broadcast %squeeze3A_751 : f32 to vector<16xf32>
      %mul3A_757 = arith.mulf %mul3A_756, %get3A_755 : vector<16xf32>
      %add3A_758 = arith.addf %add3A_749, %mul3A_757 : vector<16xf32>
      %slice3A_759 = vector.extract_strided_slice %div3A_642 {offsets = [13], sizes = [1], strides = [1]} : vector<16xf32> to vector<1xf32>
      %squeeze3A_760 = vector.extract %slice3A_759[0] : f32 from vector<1xf32>
      %get3A_761 = arith.constant 29 : i32
      %get3A_762 = arith.index_cast %get3A_761 : i32 to index
      %get3A_763 = arith.constant 0 : index
      %get3A_764 = tpu.vector_load %arg10[%get3A_762, %get3A_763] {strides = array<i32>} : memref<128x128xf32, #tpu.memory_space<vmem>>, vector<16xf32>,
      %mul3A_765 = vector.broadcast %squeeze3A_760 : f32 to vector<16xf32>
      %mul3A_766 = arith.mulf %mul3A_765, %get3A_764 : vector<16xf32>
      %add3A_767 = arith.addf %add3A_758, %mul3A_766 : vector<16xf32>
      %slice3A_768 = vector.extract_strided_slice %div3A_642 {offsets = [14], sizes = [1], strides = [1]} : vector<16xf32> to vector<1xf32>
      %squeeze3A_769 = vector.extract %slice3A_768[0] : f32 from vector<1xf32>
      %get3A_770 = arith.constant 30 : i32
      %get3A_771 = arith.index_cast %get3A_770 : i32 to index
      %get3A_772 = arith.constant 0 : index
      %get3A_773 = tpu.vector_load %arg10[%get3A_771, %get3A_772] {strides = array<i32>} : memref<128x128xf32, #tpu.memory_space<vmem>>, vector<16xf32>,
      %mul3A_774 = vector.broadcast %squeeze3A_769 : f32 to vector<16xf32>
      %mul3A_775 = arith.mulf %mul3A_774, %get3A_773 : vector<16xf32>
      %add3A_776 = arith.addf %add3A_767, %mul3A_775 : vector<16xf32>
      %slice3A_777 = vector.extract_strided_slice %div3A_642 {offsets = [15], sizes = [1], strides = [1]} : vector<16xf32> to vector<1xf32>
      %squeeze3A_778 = vector.extract %slice3A_777[0] : f32 from vector<1xf32>
      %get3A_779 = arith.constant 31 : i32
      %get3A_780 = arith.index_cast %get3A_779 : i32 to index
      %get3A_781 = arith.constant 0 : index
      %get3A_782 = tpu.vector_load %arg10[%get3A_780, %get3A_781] {strides = array<i32>} : memref<128x128xf32, #tpu.memory_space<vmem>>, vector<16xf32>,
      %mul3A_783 = vector.broadcast %squeeze3A_778 : f32 to vector<16xf32>
      %mul3A_784 = arith.mulf %mul3A_783, %get3A_782 : vector<16xf32>
      %add3A_785 = arith.addf %add3A_776, %mul3A_784 : vector<16xf32>
      %swap3A_786 = arith.index_cast %add3A_622 : i32 to index
      %swap3A_787 = arith.constant 0 : index
      %swap3A_788 = tpu.vector_load %arg11[%swap3A_786, %swap3A_787] {strides = array<i32>} : memref<512x64xf32, #tpu.memory_space<vmem>>, vector<16xf32>,
      tpu.vector_store %arg11[%swap3A_786, %swap3A_787], %add3A_785 {strides = array<i32>} : memref<512x64xf32, #tpu.memory_space<vmem>>, vector<16xf32>,
      %slice3A_789 = vector.extract_strided_slice %div3A_642 {offsets = [0], sizes = [1], strides = [1]} : vector<16xf32> to vector<1xf32>
      %squeeze3A_790 = vector.extract %slice3A_789[0] : f32 from vector<1xf32>
      %get3A_791 = arith.constant 16 : i32
      %get3A_792 = arith.index_cast %get3A_791 : i32 to index
      %get3A_793 = arith.constant 16 : index
      %get3A_794 = tpu.vector_load %arg10[%get3A_792, %get3A_793] {strides = array<i32>} : memref<128x128xf32, #tpu.memory_space<vmem>>, vector<16xf32>,
      %mul3A_795 = vector.broadcast %squeeze3A_790 : f32 to vector<16xf32>
      %mul3A_796 = arith.mulf %mul3A_795, %get3A_794 : vector<16xf32>
      %slice3A_797 = vector.extract_strided_slice %div3A_642 {offsets = [1], sizes = [1], strides = [1]} : vector<16xf32> to vector<1xf32>
      %squeeze3A_798 = vector.extract %slice3A_797[0] : f32 from vector<1xf32>
      %get3A_799 = arith.constant 17 : i32
      %get3A_800 = arith.index_cast %get3A_799 : i32 to index
      %get3A_801 = arith.constant 16 : index
      %get3A_802 = tpu.vector_load %arg10[%get3A_800, %get3A_801] {strides = array<i32>} : memref<128x128xf32, #tpu.memory_space<vmem>>, vector<16xf32>,
      %mul3A_803 = vector.broadcast %squeeze3A_798 : f32 to vector<16xf32>
      %mul3A_804 = arith.mulf %mul3A_803, %get3A_802 : vector<16xf32>
      %add3A_805 = arith.addf %mul3A_796, %mul3A_804 : vector<16xf32>
      %slice3A_806 = vector.extract_strided_slice %div3A_642 {offsets = [2], sizes = [1], strides = [1]} : vector<16xf32> to vector<1xf32>
      %squeeze3A_807 = vector.extract %slice3A_806[0] : f32 from vector<1xf32>
      %get3A_808 = arith.constant 18 : i32
      %get3A_809 = arith.index_cast %get3A_808 : i32 to index
      %get3A_810 = arith.constant 16 : index
      %get3A_811 = tpu.vector_load %arg10[%get3A_809, %get3A_810] {strides = array<i32>} : memref<128x128xf32, #tpu.memory_space<vmem>>, vector<16xf32>,
      %mul3A_812 = vector.broadcast %squeeze3A_807 : f32 to vector<16xf32>
      %mul3A_813 = arith.mulf %mul3A_812, %get3A_811 : vector<16xf32>
      %add3A_814 = arith.addf %add3A_805, %mul3A_813 : vector<16xf32>
      %slice3A_815 = vector.extract_strided_slice %div3A_642 {offsets = [3], sizes = [1], strides = [1]} : vector<16xf32> to vector<1xf32>
      %squeeze3A_816 = vector.extract %slice3A_815[0] : f32 from vector<1xf32>
      %get3A_817 = arith.constant 19 : i32
      %get3A_818 = arith.index_cast %get3A_817 : i32 to index
      %get3A_819 = arith.constant 16 : index
      %get3A_820 = tpu.vector_load %arg10[%get3A_818, %get3A_819] {strides = array<i32>} : memref<128x128xf32, #tpu.memory_space<vmem>>, vector<16xf32>,
      %mul3A_821 = vector.broadcast %squeeze3A_816 : f32 to vector<16xf32>
      %mul3A_822 = arith.mulf %mul3A_821, %get3A_820 : vector<16xf32>
      %add3A_823 = arith.addf %add3A_814, %mul3A_822 : vector<16xf32>
      %slice3A_824 = vector.extract_strided_slice %div3A_642 {offsets = [4], sizes = [1], strides = [1]} : vector<16xf32> to vector<1xf32>
      %squeeze3A_825 = vector.extract %slice3A_824[0] : f32 from vector<1xf32>
      %get3A_826 = arith.constant 20 : i32
      %get3A_827 = arith.index_cast %get3A_826 : i32 to index
      %get3A_828 = arith.constant 16 : index
      %get3A_829 = tpu.vector_load %arg10[%get3A_827, %get3A_828] {strides = array<i32>} : memref<128x128xf32, #tpu.memory_space<vmem>>, vector<16xf32>,
      %mul3A_830 = vector.broadcast %squeeze3A_825 : f32 to vector<16xf32>
      %mul3A_831 = arith.mulf %mul3A_830, %get3A_829 : vector<16xf32>
      %add3A_832 = arith.addf %add3A_823, %mul3A_831 : vector<16xf32>
      %slice3A_833 = vector.extract_strided_slice %div3A_642 {offsets = [5], sizes = [1], strides = [1]} : vector<16xf32> to vector<1xf32>
      %squeeze3A_834 = vector.extract %slice3A_833[0] : f32 from vector<1xf32>
      %get3A_835 = arith.constant 21 : i32
      %get3A_836 = arith.index_cast %get3A_835 : i32 to index
      %get3A_837 = arith.constant 16 : index
      %get3A_838 = tpu.vector_load %arg10[%get3A_836, %get3A_837] {strides = array<i32>} : memref<128x128xf32, #tpu.memory_space<vmem>>, vector<16xf32>,
      %mul3A_839 = vector.broadcast %squeeze3A_834 : f32 to vector<16xf32>
      %mul3A_840 = arith.mulf %mul3A_839, %get3A_838 : vector<16xf32>
      %add3A_841 = arith.addf %add3A_832, %mul3A_840 : vector<16xf32>
      %slice3A_842 = vector.extract_strided_slice %div3A_642 {offsets = [6], sizes = [1], strides = [1]} : vector<16xf32> to vector<1xf32>
      %squeeze3A_843 = vector.extract %slice3A_842[0] : f32 from vector<1xf32>
      %get3A_844 = arith.constant 22 : i32
      %get3A_845 = arith.index_cast %get3A_844 : i32 to index
      %get3A_846 = arith.constant 16 : index
      %get3A_847 = tpu.vector_load %arg10[%get3A_845, %get3A_846] {strides = array<i32>} : memref<128x128xf32, #tpu.memory_space<vmem>>, vector<16xf32>,
      %mul3A_848 = vector.broadcast %squeeze3A_843 : f32 to vector<16xf32>
      %mul3A_849 = arith.mulf %mul3A_848, %get3A_847 : vector<16xf32>
      %add3A_850 = arith.addf %add3A_841, %mul3A_849 : vector<16xf32>
      %slice3A_851 = vector.extract_strided_slice %div3A_642 {offsets = [7], sizes = [1], strides = [1]} : vector<16xf32> to vector<1xf32>
      %squeeze3A_852 = vector.extract %slice3A_851[0] : f32 from vector<1xf32>
      %get3A_853 = arith.constant 23 : i32
      %get3A_854 = arith.index_cast %get3A_853 : i32 to index
      %get3A_855 = arith.constant 16 : index
      %get3A_856 = tpu.vector_load %arg10[%get3A_854, %get3A_855] {strides = array<i32>} : memref<128x128xf32, #tpu.memory_space<vmem>>, vector<16xf32>,
      %mul3A_857 = vector.broadcast %squeeze3A_852 : f32 to vector<16xf32>
      %mul3A_858 = arith.mulf %mul3A_857, %get3A_856 : vector<16xf32>
      %add3A_859 = arith.addf %add3A_850, %mul3A_858 : vector<16xf32>
      %slice3A_860 = vector.extract_strided_slice %div3A_642 {offsets = [8], sizes = [1], strides = [1]} : vector<16xf32> to vector<1xf32>
      %squeeze3A_861 = vector.extract %slice3A_860[0] : f32 from vector<1xf32>
      %get3A_862 = arith.constant 24 : i32
      %get3A_863 = arith.index_cast %get3A_862 : i32 to index
      %get3A_864 = arith.constant 16 : index
      %get3A_865 = tpu.vector_load %arg10[%get3A_863, %get3A_864] {strides = array<i32>} : memref<128x128xf32, #tpu.memory_space<vmem>>, vector<16xf32>,
      %mul3A_866 = vector.broadcast %squeeze3A_861 : f32 to vector<16xf32>
      %mul3A_867 = arith.mulf %mul3A_866, %get3A_865 : vector<16xf32>
      %add3A_868 = arith.addf %add3A_859, %mul3A_867 : vector<16xf32>
      %slice3A_869 = vector.extract_strided_slice %div3A_642 {offsets = [9], sizes = [1], strides = [1]} : vector<16xf32> to vector<1xf32>
      %squeeze3A_870 = vector.extract %slice3A_869[0] : f32 from vector<1xf32>
      %get3A_871 = arith.constant 25 : i32
      %get3A_872 = arith.index_cast %get3A_871 : i32 to index
      %get3A_873 = arith.constant 16 : index
      %get3A_874 = tpu.vector_load %arg10[%get3A_872, %get3A_873] {strides = array<i32>} : memref<128x128xf32, #tpu.memory_space<vmem>>, vector<16xf32>,
      %mul3A_875 = vector.broadcast %squeeze3A_870 : f32 to vector<16xf32>
      %mul3A_876 = arith.mulf %mul3A_875, %get3A_874 : vector<16xf32>
      %add3A_877 = arith.addf %add3A_868, %mul3A_876 : vector<16xf32>
      %slice3A_878 = vector.extract_strided_slice %div3A_642 {offsets = [10], sizes = [1], strides = [1]} : vector<16xf32> to vector<1xf32>
      %squeeze3A_879 = vector.extract %slice3A_878[0] : f32 from vector<1xf32>
      %get3A_880 = arith.constant 26 : i32
      %get3A_881 = arith.index_cast %get3A_880 : i32 to index
      %get3A_882 = arith.constant 16 : index
      %get3A_883 = tpu.vector_load %arg10[%get3A_881, %get3A_882] {strides = array<i32>} : memref<128x128xf32, #tpu.memory_space<vmem>>, vector<16xf32>,
      %mul3A_884 = vector.broadcast %squeeze3A_879 : f32 to vector<16xf32>
      %mul3A_885 = arith.mulf %mul3A_884, %get3A_883 : vector<16xf32>
      %add3A_886 = arith.addf %add3A_877, %mul3A_885 : vector<16xf32>
      %slice3A_887 = vector.extract_strided_slice %div3A_642 {offsets = [11], sizes = [1], strides = [1]} : vector<16xf32> to vector<1xf32>
      %squeeze3A_888 = vector.extract %slice3A_887[0] : f32 from vector<1xf32>
      %get3A_889 = arith.constant 27 : i32
      %get3A_890 = arith.index_cast %get3A_889 : i32 to index
      %get3A_891 = arith.constant 16 : index
      %get3A_892 = tpu.vector_load %arg10[%get3A_890, %get3A_891] {strides = array<i32>} : memref<128x128xf32, #tpu.memory_space<vmem>>, vector<16xf32>,
      %mul3A_893 = vector.broadcast %squeeze3A_888 : f32 to vector<16xf32>
      %mul3A_894 = arith.mulf %mul3A_893, %get3A_892 : vector<16xf32>
      %add3A_895 = arith.addf %add3A_886, %mul3A_894 : vector<16xf32>
      %slice3A_896 = vector.extract_strided_slice %div3A_642 {offsets = [12], sizes = [1], strides = [1]} : vector<16xf32> to vector<1xf32>
      %squeeze3A_897 = vector.extract %slice3A_896[0] : f32 from vector<1xf32>
      %get3A_898 = arith.constant 28 : i32
      %get3A_899 = arith.index_cast %get3A_898 : i32 to index
      %get3A_900 = arith.constant 16 : index
      %get3A_901 = tpu.vector_load %arg10[%get3A_899, %get3A_900] {strides = array<i32>} : memref<128x128xf32, #tpu.memory_space<vmem>>, vector<16xf32>,
      %mul3A_902 = vector.broadcast %squeeze3A_897 : f32 to vector<16xf32>
      %mul3A_903 = arith.mulf %mul3A_902, %get3A_901 : vector<16xf32>
      %add3A_904 = arith.addf %add3A_895, %mul3A_903 : vector<16xf32>
      %slice3A_905 = vector.extract_strided_slice %div3A_642 {offsets = [13], sizes = [1], strides = [1]} : vector<16xf32> to vector<1xf32>
      %squeeze3A_906 = vector.extract %slice3A_905[0] : f32 from vector<1xf32>
      %get3A_907 = arith.constant 29 : i32
      %get3A_908 = arith.index_cast %get3A_907 : i32 to index
      %get3A_909 = arith.constant 16 : index
      %get3A_910 = tpu.vector_load %arg10[%get3A_908, %get3A_909] {strides = array<i32>} : memref<128x128xf32, #tpu.memory_space<vmem>>, vector<16xf32>,
      %mul3A_911 = vector.broadcast %squeeze3A_906 : f32 to vector<16xf32>
      %mul3A_912 = arith.mulf %mul3A_911, %get3A_910 : vector<16xf32>
      %add3A_913 = arith.addf %add3A_904, %mul3A_912 : vector<16xf32>
      %slice3A_914 = vector.extract_strided_slice %div3A_642 {offsets = [14], sizes = [1], strides = [1]} : vector<16xf32> to vector<1xf32>
      %squeeze3A_915 = vector.extract %slice3A_914[0] : f32 from vector<1xf32>
      %get3A_916 = arith.constant 30 : i32
      %get3A_917 = arith.index_cast %get3A_916 : i32 to index
      %get3A_918 = arith.constant 16 : index
      %get3A_919 = tpu.vector_load %arg10[%get3A_917, %get3A_918] {strides = array<i32>} : memref<128x128xf32, #tpu.memory_space<vmem>>, vector<16xf32>,
      %mul3A_920 = vector.broadcast %squeeze3A_915 : f32 to vector<16xf32>
      %mul3A_921 = arith.mulf %mul3A_920, %get3A_919 : vector<16xf32>
      %add3A_922 = arith.addf %add3A_913, %mul3A_921 : vector<16xf32>
      %slice3A_923 = vector.extract_strided_slice %div3A_642 {offsets = [15], sizes = [1], strides = [1]} : vector<16xf32> to vector<1xf32>
      %squeeze3A_924 = vector.extract %slice3A_923[0] : f32 from vector<1xf32>
      %get3A_925 = arith.constant 31 : i32
      %get3A_926 = arith.index_cast %get3A_925 : i32 to index
      %get3A_927 = arith.constant 16 : index
      %get3A_928 = tpu.vector_load %arg10[%get3A_926, %get3A_927] {strides = array<i32>} : memref<128x128xf32, #tpu.memory_space<vmem>>, vector<16xf32>,
      %mul3A_929 = vector.broadcast %squeeze3A_924 : f32 to vector<16xf32>
      %mul3A_930 = arith.mulf %mul3A_929, %get3A_928 : vector<16xf32>
      %add3A_931 = arith.addf %add3A_922, %mul3A_930 : vector<16xf32>
      %swap3A_932 = arith.index_cast %add3A_622 : i32 to index
      %swap3A_933 = arith.constant 16 : index
      %swap3A_934 = tpu.vector_load %arg11[%swap3A_932, %swap3A_933] {strides = array<i32>} : memref<512x64xf32, #tpu.memory_space<vmem>>, vector<16xf32>,
      tpu.vector_store %arg11[%swap3A_932, %swap3A_933], %add3A_931 {strides = array<i32>} : memref<512x64xf32, #tpu.memory_space<vmem>>, vector<16xf32>,
      %slice3A_935 = vector.extract_strided_slice %div3A_642 {offsets = [0], sizes = [1], strides = [1]} : vector<16xf32> to vector<1xf32>
      %squeeze3A_936 = vector.extract %slice3A_935[0] : f32 from vector<1xf32>
      %get3A_937 = arith.constant 16 : i32
      %get3A_938 = arith.index_cast %get3A_937 : i32 to index
      %get3A_939 = arith.constant 32 : index
      %get3A_940 = tpu.vector_load %arg10[%get3A_938, %get3A_939] {strides = array<i32>} : memref<128x128xf32, #tpu.memory_space<vmem>>, vector<16xf32>,
      %mul3A_941 = vector.broadcast %squeeze3A_936 : f32 to vector<16xf32>
      %mul3A_942 = arith.mulf %mul3A_941, %get3A_940 : vector<16xf32>
      %slice3A_943 = vector.extract_strided_slice %div3A_642 {offsets = [1], sizes = [1], strides = [1]} : vector<16xf32> to vector<1xf32>
      %squeeze3A_944 = vector.extract %slice3A_943[0] : f32 from vector<1xf32>
      %get3A_945 = arith.constant 17 : i32
      %get3A_946 = arith.index_cast %get3A_945 : i32 to index
      %get3A_947 = arith.constant 32 : index
      %get3A_948 = tpu.vector_load %arg10[%get3A_946, %get3A_947] {strides = array<i32>} : memref<128x128xf32, #tpu.memory_space<vmem>>, vector<16xf32>,
      %mul3A_949 = vector.broadcast %squeeze3A_944 : f32 to vector<16xf32>
      %mul3A_950 = arith.mulf %mul3A_949, %get3A_948 : vector<16xf32>
      %add3A_951 = arith.addf %mul3A_942, %mul3A_950 : vector<16xf32>
      %slice3A_952 = vector.extract_strided_slice %div3A_642 {offsets = [2], sizes = [1], strides = [1]} : vector<16xf32> to vector<1xf32>
      %squeeze3A_953 = vector.extract %slice3A_952[0] : f32 from vector<1xf32>
      %get3A_954 = arith.constant 18 : i32
      %get3A_955 = arith.index_cast %get3A_954 : i32 to index
      %get3A_956 = arith.constant 32 : index
      %get3A_957 = tpu.vector_load %arg10[%get3A_955, %get3A_956] {strides = array<i32>} : memref<128x128xf32, #tpu.memory_space<vmem>>, vector<16xf32>,
      %mul3A_958 = vector.broadcast %squeeze3A_953 : f32 to vector<16xf32>
      %mul3A_959 = arith.mulf %mul3A_958, %get3A_957 : vector<16xf32>
      %add3A_960 = arith.addf %add3A_951, %mul3A_959 : vector<16xf32>
      %slice3A_961 = vector.extract_strided_slice %div3A_642 {offsets = [3], sizes = [1], strides = [1]} : vector<16xf32> to vector<1xf32>
      %squeeze3A_962 = vector.extract %slice3A_961[0] : f32 from vector<1xf32>
      %get3A_963 = arith.constant 19 : i32
      %get3A_964 = arith.index_cast %get3A_963 : i32 to index
      %get3A_965 = arith.constant 32 : index
      %get3A_966 = tpu.vector_load %arg10[%get3A_964, %get3A_965] {strides = array<i32>} : memref<128x128xf32, #tpu.memory_space<vmem>>, vector<16xf32>,
      %mul3A_967 = vector.broadcast %squeeze3A_962 : f32 to vector<16xf32>
      %mul3A_968 = arith.mulf %mul3A_967, %get3A_966 : vector<16xf32>
      %add3A_969 = arith.addf %add3A_960, %mul3A_968 : vector<16xf32>
      %slice3A_970 = vector.extract_strided_slice %div3A_642 {offsets = [4], sizes = [1], strides = [1]} : vector<16xf32> to vector<1xf32>
      %squeeze3A_971 = vector.extract %slice3A_970[0] : f32 from vector<1xf32>
      %get3A_972 = arith.constant 20 : i32
      %get3A_973 = arith.index_cast %get3A_972 : i32 to index
      %get3A_974 = arith.constant 32 : index
      %get3A_975 = tpu.vector_load %arg10[%get3A_973, %get3A_974] {strides = array<i32>} : memref<128x128xf32, #tpu.memory_space<vmem>>, vector<16xf32>,
      %mul3A_976 = vector.broadcast %squeeze3A_971 : f32 to vector<16xf32>
      %mul3A_977 = arith.mulf %mul3A_976, %get3A_975 : vector<16xf32>
      %add3A_978 = arith.addf %add3A_969, %mul3A_977 : vector<16xf32>
      %slice3A_979 = vector.extract_strided_slice %div3A_642 {offsets = [5], sizes = [1], strides = [1]} : vector<16xf32> to vector<1xf32>
      %squeeze3A_980 = vector.extract %slice3A_979[0] : f32 from vector<1xf32>
      %get3A_981 = arith.constant 21 : i32
      %get3A_982 = arith.index_cast %get3A_981 : i32 to index
      %get3A_983 = arith.constant 32 : index
      %get3A_984 = tpu.vector_load %arg10[%get3A_982, %get3A_983] {strides = array<i32>} : memref<128x128xf32, #tpu.memory_space<vmem>>, vector<16xf32>,
      %mul3A_985 = vector.broadcast %squeeze3A_980 : f32 to vector<16xf32>
      %mul3A_986 = arith.mulf %mul3A_985, %get3A_984 : vector<16xf32>
      %add3A_987 = arith.addf %add3A_978, %mul3A_986 : vector<16xf32>
      %slice3A_988 = vector.extract_strided_slice %div3A_642 {offsets = [6], sizes = [1], strides = [1]} : vector<16xf32> to vector<1xf32>
      %squeeze3A_989 = vector.extract %slice3A_988[0] : f32 from vector<1xf32>
      %get3A_990 = arith.constant 22 : i32
      %get3A_991 = arith.index_cast %get3A_990 : i32 to index
      %get3A_992 = arith.constant 32 : index
      %get3A_993 = tpu.vector_load %arg10[%get3A_991, %get3A_992] {strides = array<i32>} : memref<128x128xf32, #tpu.memory_space<vmem>>, vector<16xf32>,
      %mul3A_994 = vector.broadcast %squeeze3A_989 : f32 to vector<16xf32>
      %mul3A_995 = arith.mulf %mul3A_994, %get3A_993 : vector<16xf32>
      %add3A_996 = arith.addf %add3A_987, %mul3A_995 : vector<16xf32>
      %slice3A_997 = vector.extract_strided_slice %div3A_642 {offsets = [7], sizes = [1], strides = [1]} : vector<16xf32> to vector<1xf32>
      %squeeze3A_998 = vector.extract %slice3A_997[0] : f32 from vector<1xf32>
      %get3A_999 = arith.constant 23 : i32
      %get3A_1000 = arith.index_cast %get3A_999 : i32 to index
      %get3A_1001 = arith.constant 32 : index
      %get3A_1002 = tpu.vector_load %arg10[%get3A_1000, %get3A_1001] {strides = array<i32>} : memref<128x128xf32, #tpu.memory_space<vmem>>, vector<16xf32>,
      %mul3A_1003 = vector.broadcast %squeeze3A_998 : f32 to vector<16xf32>
      %mul3A_1004 = arith.mulf %mul3A_1003, %get3A_1002 : vector<16xf32>
      %add3A_1005 = arith.addf %add3A_996, %mul3A_1004 : vector<16xf32>
      %slice3A_1006 = vector.extract_strided_slice %div3A_642 {offsets = [8], sizes = [1], strides = [1]} : vector<16xf32> to vector<1xf32>
      %squeeze3A_1007 = vector.extract %slice3A_1006[0] : f32 from vector<1xf32>
      %get3A_1008 = arith.constant 24 : i32
      %get3A_1009 = arith.index_cast %get3A_1008 : i32 to index
      %get3A_1010 = arith.constant 32 : index
      %get3A_1011 = tpu.vector_load %arg10[%get3A_1009, %get3A_1010] {strides = array<i32>} : memref<128x128xf32, #tpu.memory_space<vmem>>, vector<16xf32>,
      %mul3A_1012 = vector.broadcast %squeeze3A_1007 : f32 to vector<16xf32>
      %mul3A_1013 = arith.mulf %mul3A_1012, %get3A_1011 : vector<16xf32>
      %add3A_1014 = arith.addf %add3A_1005, %mul3A_1013 : vector<16xf32>
      %slice3A_1015 = vector.extract_strided_slice %div3A_642 {offsets = [9], sizes = [1], strides = [1]} : vector<16xf32> to vector<1xf32>
      %squeeze3A_1016 = vector.extract %slice3A_1015[0] : f32 from vector<1xf32>
      %get3A_1017 = arith.constant 25 : i32
      %get3A_1018 = arith.index_cast %get3A_1017 : i32 to index
      %get3A_1019 = arith.constant 32 : index
      %get3A_1020 = tpu.vector_load %arg10[%get3A_1018, %get3A_1019] {strides = array<i32>} : memref<128x128xf32, #tpu.memory_space<vmem>>, vector<16xf32>,
      %mul3A_1021 = vector.broadcast %squeeze3A_1016 : f32 to vector<16xf32>
      %mul3A_1022 = arith.mulf %mul3A_1021, %get3A_1020 : vector<16xf32>
      %add3A_1023 = arith.addf %add3A_1014, %mul3A_1022 : vector<16xf32>
      %slice3A_1024 = vector.extract_strided_slice %div3A_642 {offsets = [10], sizes = [1], strides = [1]} : vector<16xf32> to vector<1xf32>
      %squeeze3A_1025 = vector.extract %slice3A_1024[0] : f32 from vector<1xf32>
      %get3A_1026 = arith.constant 26 : i32
      %get3A_1027 = arith.index_cast %get3A_1026 : i32 to index
      %get3A_1028 = arith.constant 32 : index
      %get3A_1029 = tpu.vector_load %arg10[%get3A_1027, %get3A_1028] {strides = array<i32>} : memref<128x128xf32, #tpu.memory_space<vmem>>, vector<16xf32>,
      %mul3A_1030 = vector.broadcast %squeeze3A_1025 : f32 to vector<16xf32>
      %mul3A_1031 = arith.mulf %mul3A_1030, %get3A_1029 : vector<16xf32>
      %add3A_1032 = arith.addf %add3A_1023, %mul3A_1031 : vector<16xf32>
      %slice3A_1033 = vector.extract_strided_slice %div3A_642 {offsets = [11], sizes = [1], strides = [1]} : vector<16xf32> to vector<1xf32>
      %squeeze3A_1034 = vector.extract %slice3A_1033[0] : f32 from vector<1xf32>
      %get3A_1035 = arith.constant 27 : i32
      %get3A_1036 = arith.index_cast %get3A_1035 : i32 to index
      %get3A_1037 = arith.constant 32 : index
      %get3A_1038 = tpu.vector_load %arg10[%get3A_1036, %get3A_1037] {strides = array<i32>} : memref<128x128xf32, #tpu.memory_space<vmem>>, vector<16xf32>,
      %mul3A_1039 = vector.broadcast %squeeze3A_1034 : f32 to vector<16xf32>
      %mul3A_1040 = arith.mulf %mul3A_1039, %get3A_1038 : vector<16xf32>
      %add3A_1041 = arith.addf %add3A_1032, %mul3A_1040 : vector<16xf32>
      %slice3A_1042 = vector.extract_strided_slice %div3A_642 {offsets = [12], sizes = [1], strides = [1]} : vector<16xf32> to vector<1xf32>
      %squeeze3A_1043 = vector.extract %slice3A_1042[0] : f32 from vector<1xf32>
      %get3A_1044 = arith.constant 28 : i32
      %get3A_1045 = arith.index_cast %get3A_1044 : i32 to index
      %get3A_1046 = arith.constant 32 : index
      %get3A_1047 = tpu.vector_load %arg10[%get3A_1045, %get3A_1046] {strides = array<i32>} : memref<128x128xf32, #tpu.memory_space<vmem>>, vector<16xf32>,
      %mul3A_1048 = vector.broadcast %squeeze3A_1043 : f32 to vector<16xf32>
      %mul3A_1049 = arith.mulf %mul3A_1048, %get3A_1047 : vector<16xf32>
      %add3A_1050 = arith.addf %add3A_1041, %mul3A_1049 : vector<16xf32>
      %slice3A_1051 = vector.extract_strided_slice %div3A_642 {offsets = [13], sizes = [1], strides = [1]} : vector<16xf32> to vector<1xf32>
      %squeeze3A_1052 = vector.extract %slice3A_1051[0] : f32 from vector<1xf32>
      %get3A_1053 = arith.constant 29 : i32
      %get3A_1054 = arith.index_cast %get3A_1053 : i32 to index
      %get3A_1055 = arith.constant 32 : index
      %get3A_1056 = tpu.vector_load %arg10[%get3A_1054, %get3A_1055] {strides = array<i32>} : memref<128x128xf32, #tpu.memory_space<vmem>>, vector<16xf32>,
      %mul3A_1057 = vector.broadcast %squeeze3A_1052 : f32 to vector<16xf32>
      %mul3A_1058 = arith.mulf %mul3A_1057, %get3A_1056 : vector<16xf32>
      %add3A_1059 = arith.addf %add3A_1050, %mul3A_1058 : vector<16xf32>
      %slice3A_1060 = vector.extract_strided_slice %div3A_642 {offsets = [14], sizes = [1], strides = [1]} : vector<16xf32> to vector<1xf32>
      %squeeze3A_1061 = vector.extract %slice3A_1060[0] : f32 from vector<1xf32>
      %get3A_1062 = arith.constant 30 : i32
      %get3A_1063 = arith.index_cast %get3A_1062 : i32 to index
      %get3A_1064 = arith.constant 32 : index
      %get3A_1065 = tpu.vector_load %arg10[%get3A_1063, %get3A_1064] {strides = array<i32>} : memref<128x128xf32, #tpu.memory_space<vmem>>, vector<16xf32>,
      %mul3A_1066 = vector.broadcast %squeeze3A_1061 : f32 to vector<16xf32>
      %mul3A_1067 = arith.mulf %mul3A_1066, %get3A_1065 : vector<16xf32>
      %add3A_1068 = arith.addf %add3A_1059, %mul3A_1067 : vector<16xf32>
      %slice3A_1069 = vector.extract_strided_slice %div3A_642 {offsets = [15], sizes = [1], strides = [1]} : vector<16xf32> to vector<1xf32>
      %squeeze3A_1070 = vector.extract %slice3A_1069[0] : f32 from vector<1xf32>
      %get3A_1071 = arith.constant 31 : i32
      %get3A_1072 = arith.index_cast %get3A_1071 : i32 to index
      %get3A_1073 = arith.constant 32 : index
      %get3A_1074 = tpu.vector_load %arg10[%get3A_1072, %get3A_1073] {strides = array<i32>} : memref<128x128xf32, #tpu.memory_space<vmem>>, vector<16xf32>,
      %mul3A_1075 = vector.broadcast %squeeze3A_1070 : f32 to vector<16xf32>
      %mul3A_1076 = arith.mulf %mul3A_1075, %get3A_1074 : vector<16xf32>
      %add3A_1077 = arith.addf %add3A_1068, %mul3A_1076 : vector<16xf32>
      %swap3A_1078 = arith.index_cast %add3A_622 : i32 to index
      %swap3A_1079 = arith.constant 32 : index
      %swap3A_1080 = tpu.vector_load %arg11[%swap3A_1078, %swap3A_1079] {strides = array<i32>} : memref<512x64xf32, #tpu.memory_space<vmem>>, vector<16xf32>,
      tpu.vector_store %arg11[%swap3A_1078, %swap3A_1079], %add3A_1077 {strides = array<i32>} : memref<512x64xf32, #tpu.memory_space<vmem>>, vector<16xf32>,
      %slice3A_1081 = vector.extract_strided_slice %div3A_642 {offsets = [0], sizes = [1], strides = [1]} : vector<16xf32> to vector<1xf32>
      %squeeze3A_1082 = vector.extract %slice3A_1081[0] : f32 from vector<1xf32>
      %get3A_1083 = arith.constant 16 : i32
      %get3A_1084 = arith.index_cast %get3A_1083 : i32 to index
      %get3A_1085 = arith.constant 48 : index
      %get3A_1086 = tpu.vector_load %arg10[%get3A_1084, %get3A_1085] {strides = array<i32>} : memref<128x128xf32, #tpu.memory_space<vmem>>, vector<16xf32>,
      %mul3A_1087 = vector.broadcast %squeeze3A_1082 : f32 to vector<16xf32>
      %mul3A_1088 = arith.mulf %mul3A_1087, %get3A_1086 : vector<16xf32>
      %slice3A_1089 = vector.extract_strided_slice %div3A_642 {offsets = [1], sizes = [1], strides = [1]} : vector<16xf32> to vector<1xf32>
      %squeeze3A_1090 = vector.extract %slice3A_1089[0] : f32 from vector<1xf32>
      %get3A_1091 = arith.constant 17 : i32
      %get3A_1092 = arith.index_cast %get3A_1091 : i32 to index
      %get3A_1093 = arith.constant 48 : index
      %get3A_1094 = tpu.vector_load %arg10[%get3A_1092, %get3A_1093] {strides = array<i32>} : memref<128x128xf32, #tpu.memory_space<vmem>>, vector<16xf32>,
      %mul3A_1095 = vector.broadcast %squeeze3A_1090 : f32 to vector<16xf32>
      %mul3A_1096 = arith.mulf %mul3A_1095, %get3A_1094 : vector<16xf32>
      %add3A_1097 = arith.addf %mul3A_1088, %mul3A_1096 : vector<16xf32>
      %slice3A_1098 = vector.extract_strided_slice %div3A_642 {offsets = [2], sizes = [1], strides = [1]} : vector<16xf32> to vector<1xf32>
      %squeeze3A_1099 = vector.extract %slice3A_1098[0] : f32 from vector<1xf32>
      %get3A_1100 = arith.constant 18 : i32
      %get3A_1101 = arith.index_cast %get3A_1100 : i32 to index
      %get3A_1102 = arith.constant 48 : index
      %get3A_1103 = tpu.vector_load %arg10[%get3A_1101, %get3A_1102] {strides = array<i32>} : memref<128x128xf32, #tpu.memory_space<vmem>>, vector<16xf32>,
      %mul3A_1104 = vector.broadcast %squeeze3A_1099 : f32 to vector<16xf32>
      %mul3A_1105 = arith.mulf %mul3A_1104, %get3A_1103 : vector<16xf32>
      %add3A_1106 = arith.addf %add3A_1097, %mul3A_1105 : vector<16xf32>
      %slice3A_1107 = vector.extract_strided_slice %div3A_642 {offsets = [3], sizes = [1], strides = [1]} : vector<16xf32> to vector<1xf32>
      %squeeze3A_1108 = vector.extract %slice3A_1107[0] : f32 from vector<1xf32>
      %get3A_1109 = arith.constant 19 : i32
      %get3A_1110 = arith.index_cast %get3A_1109 : i32 to index
      %get3A_1111 = arith.constant 48 : index
      %get3A_1112 = tpu.vector_load %arg10[%get3A_1110, %get3A_1111] {strides = array<i32>} : memref<128x128xf32, #tpu.memory_space<vmem>>, vector<16xf32>,
      %mul3A_1113 = vector.broadcast %squeeze3A_1108 : f32 to vector<16xf32>
      %mul3A_1114 = arith.mulf %mul3A_1113, %get3A_1112 : vector<16xf32>
      %add3A_1115 = arith.addf %add3A_1106, %mul3A_1114 : vector<16xf32>
      %slice3A_1116 = vector.extract_strided_slice %div3A_642 {offsets = [4], sizes = [1], strides = [1]} : vector<16xf32> to vector<1xf32>
      %squeeze3A_1117 = vector.extract %slice3A_1116[0] : f32 from vector<1xf32>
      %get3A_1118 = arith.constant 20 : i32
      %get3A_1119 = arith.index_cast %get3A_1118 : i32 to index
      %get3A_1120 = arith.constant 48 : index
      %get3A_1121 = tpu.vector_load %arg10[%get3A_1119, %get3A_1120] {strides = array<i32>} : memref<128x128xf32, #tpu.memory_space<vmem>>, vector<16xf32>,
      %mul3A_1122 = vector.broadcast %squeeze3A_1117 : f32 to vector<16xf32>
      %mul3A_1123 = arith.mulf %mul3A_1122, %get3A_1121 : vector<16xf32>
      %add3A_1124 = arith.addf %add3A_1115, %mul3A_1123 : vector<16xf32>
      %slice3A_1125 = vector.extract_strided_slice %div3A_642 {offsets = [5], sizes = [1], strides = [1]} : vector<16xf32> to vector<1xf32>
      %squeeze3A_1126 = vector.extract %slice3A_1125[0] : f32 from vector<1xf32>
      %get3A_1127 = arith.constant 21 : i32
      %get3A_1128 = arith.index_cast %get3A_1127 : i32 to index
      %get3A_1129 = arith.constant 48 : index
      %get3A_1130 = tpu.vector_load %arg10[%get3A_1128, %get3A_1129] {strides = array<i32>} : memref<128x128xf32, #tpu.memory_space<vmem>>, vector<16xf32>,
      %mul3A_1131 = vector.broadcast %squeeze3A_1126 : f32 to vector<16xf32>
      %mul3A_1132 = arith.mulf %mul3A_1131, %get3A_1130 : vector<16xf32>
      %add3A_1133 = arith.addf %add3A_1124, %mul3A_1132 : vector<16xf32>
      %slice3A_1134 = vector.extract_strided_slice %div3A_642 {offsets = [6], sizes = [1], strides = [1]} : vector<16xf32> to vector<1xf32>
      %squeeze3A_1135 = vector.extract %slice3A_1134[0] : f32 from vector<1xf32>
      %get3A_1136 = arith.constant 22 : i32
      %get3A_1137 = arith.index_cast %get3A_1136 : i32 to index
      %get3A_1138 = arith.constant 48 : index
      %get3A_1139 = tpu.vector_load %arg10[%get3A_1137, %get3A_1138] {strides = array<i32>} : memref<128x128xf32, #tpu.memory_space<vmem>>, vector<16xf32>,
      %mul3A_1140 = vector.broadcast %squeeze3A_1135 : f32 to vector<16xf32>
      %mul3A_1141 = arith.mulf %mul3A_1140, %get3A_1139 : vector<16xf32>
      %add3A_1142 = arith.addf %add3A_1133, %mul3A_1141 : vector<16xf32>
      %slice3A_1143 = vector.extract_strided_slice %div3A_642 {offsets = [7], sizes = [1], strides = [1]} : vector<16xf32> to vector<1xf32>
      %squeeze3A_1144 = vector.extract %slice3A_1143[0] : f32 from vector<1xf32>
      %get3A_1145 = arith.constant 23 : i32
      %get3A_1146 = arith.index_cast %get3A_1145 : i32 to index
      %get3A_1147 = arith.constant 48 : index
      %get3A_1148 = tpu.vector_load %arg10[%get3A_1146, %get3A_1147] {strides = array<i32>} : memref<128x128xf32, #tpu.memory_space<vmem>>, vector<16xf32>,
      %mul3A_1149 = vector.broadcast %squeeze3A_1144 : f32 to vector<16xf32>
      %mul3A_1150 = arith.mulf %mul3A_1149, %get3A_1148 : vector<16xf32>
      %add3A_1151 = arith.addf %add3A_1142, %mul3A_1150 : vector<16xf32>
      %slice3A_1152 = vector.extract_strided_slice %div3A_642 {offsets = [8], sizes = [1], strides = [1]} : vector<16xf32> to vector<1xf32>
      %squeeze3A_1153 = vector.extract %slice3A_1152[0] : f32 from vector<1xf32>
      %get3A_1154 = arith.constant 24 : i32
      %get3A_1155 = arith.index_cast %get3A_1154 : i32 to index
      %get3A_1156 = arith.constant 48 : index
      %get3A_1157 = tpu.vector_load %arg10[%get3A_1155, %get3A_1156] {strides = array<i32>} : memref<128x128xf32, #tpu.memory_space<vmem>>, vector<16xf32>,
      %mul3A_1158 = vector.broadcast %squeeze3A_1153 : f32 to vector<16xf32>
      %mul3A_1159 = arith.mulf %mul3A_1158, %get3A_1157 : vector<16xf32>
      %add3A_1160 = arith.addf %add3A_1151, %mul3A_1159 : vector<16xf32>
      %slice3A_1161 = vector.extract_strided_slice %div3A_642 {offsets = [9], sizes = [1], strides = [1]} : vector<16xf32> to vector<1xf32>
      %squeeze3A_1162 = vector.extract %slice3A_1161[0] : f32 from vector<1xf32>
      %get3A_1163 = arith.constant 25 : i32
      %get3A_1164 = arith.index_cast %get3A_1163 : i32 to index
      %get3A_1165 = arith.constant 48 : index
      %get3A_1166 = tpu.vector_load %arg10[%get3A_1164, %get3A_1165] {strides = array<i32>} : memref<128x128xf32, #tpu.memory_space<vmem>>, vector<16xf32>,
      %mul3A_1167 = vector.broadcast %squeeze3A_1162 : f32 to vector<16xf32>
      %mul3A_1168 = arith.mulf %mul3A_1167, %get3A_1166 : vector<16xf32>
      %add3A_1169 = arith.addf %add3A_1160, %mul3A_1168 : vector<16xf32>
      %slice3A_1170 = vector.extract_strided_slice %div3A_642 {offsets = [10], sizes = [1], strides = [1]} : vector<16xf32> to vector<1xf32>
      %squeeze3A_1171 = vector.extract %slice3A_1170[0] : f32 from vector<1xf32>
      %get3A_1172 = arith.constant 26 : i32
      %get3A_1173 = arith.index_cast %get3A_1172 : i32 to index
      %get3A_1174 = arith.constant 48 : index
      %get3A_1175 = tpu.vector_load %arg10[%get3A_1173, %get3A_1174] {strides = array<i32>} : memref<128x128xf32, #tpu.memory_space<vmem>>, vector<16xf32>,
      %mul3A_1176 = vector.broadcast %squeeze3A_1171 : f32 to vector<16xf32>
      %mul3A_1177 = arith.mulf %mul3A_1176, %get3A_1175 : vector<16xf32>
      %add3A_1178 = arith.addf %add3A_1169, %mul3A_1177 : vector<16xf32>
      %slice3A_1179 = vector.extract_strided_slice %div3A_642 {offsets = [11], sizes = [1], strides = [1]} : vector<16xf32> to vector<1xf32>
      %squeeze3A_1180 = vector.extract %slice3A_1179[0] : f32 from vector<1xf32>
      %get3A_1181 = arith.constant 27 : i32
      %get3A_1182 = arith.index_cast %get3A_1181 : i32 to index
      %get3A_1183 = arith.constant 48 : index
      %get3A_1184 = tpu.vector_load %arg10[%get3A_1182, %get3A_1183] {strides = array<i32>} : memref<128x128xf32, #tpu.memory_space<vmem>>, vector<16xf32>,
      %mul3A_1185 = vector.broadcast %squeeze3A_1180 : f32 to vector<16xf32>
      %mul3A_1186 = arith.mulf %mul3A_1185, %get3A_1184 : vector<16xf32>
      %add3A_1187 = arith.addf %add3A_1178, %mul3A_1186 : vector<16xf32>
      %slice3A_1188 = vector.extract_strided_slice %div3A_642 {offsets = [12], sizes = [1], strides = [1]} : vector<16xf32> to vector<1xf32>
      %squeeze3A_1189 = vector.extract %slice3A_1188[0] : f32 from vector<1xf32>
      %get3A_1190 = arith.constant 28 : i32
      %get3A_1191 = arith.index_cast %get3A_1190 : i32 to index
      %get3A_1192 = arith.constant 48 : index
      %get3A_1193 = tpu.vector_load %arg10[%get3A_1191, %get3A_1192] {strides = array<i32>} : memref<128x128xf32, #tpu.memory_space<vmem>>, vector<16xf32>,
      %mul3A_1194 = vector.broadcast %squeeze3A_1189 : f32 to vector<16xf32>
      %mul3A_1195 = arith.mulf %mul3A_1194, %get3A_1193 : vector<16xf32>
      %add3A_1196 = arith.addf %add3A_1187, %mul3A_1195 : vector<16xf32>
      %slice3A_1197 = vector.extract_strided_slice %div3A_642 {offsets = [13], sizes = [1], strides = [1]} : vector<16xf32> to vector<1xf32>
      %squeeze3A_1198 = vector.extract %slice3A_1197[0] : f32 from vector<1xf32>
      %get3A_1199 = arith.constant 29 : i32
      %get3A_1200 = arith.index_cast %get3A_1199 : i32 to index
      %get3A_1201 = arith.constant 48 : index
      %get3A_1202 = tpu.vector_load %arg10[%get3A_1200, %get3A_1201] {strides = array<i32>} : memref<128x128xf32, #tpu.memory_space<vmem>>, vector<16xf32>,
      %mul3A_1203 = vector.broadcast %squeeze3A_1198 : f32 to vector<16xf32>
      %mul3A_1204 = arith.mulf %mul3A_1203, %get3A_1202 : vector<16xf32>
      %add3A_1205 = arith.addf %add3A_1196, %mul3A_1204 : vector<16xf32>
      %slice3A_1206 = vector.extract_strided_slice %div3A_642 {offsets = [14], sizes = [1], strides = [1]} : vector<16xf32> to vector<1xf32>
      %squeeze3A_1207 = vector.extract %slice3A_1206[0] : f32 from vector<1xf32>
      %get3A_1208 = arith.constant 30 : i32
      %get3A_1209 = arith.index_cast %get3A_1208 : i32 to index
      %get3A_1210 = arith.constant 48 : index
      %get3A_1211 = tpu.vector_load %arg10[%get3A_1209, %get3A_1210] {strides = array<i32>} : memref<128x128xf32, #tpu.memory_space<vmem>>, vector<16xf32>,
      %mul3A_1212 = vector.broadcast %squeeze3A_1207 : f32 to vector<16xf32>
      %mul3A_1213 = arith.mulf %mul3A_1212, %get3A_1211 : vector<16xf32>
      %add3A_1214 = arith.addf %add3A_1205, %mul3A_1213 : vector<16xf32>
      %slice3A_1215 = vector.extract_strided_slice %div3A_642 {offsets = [15], sizes = [1], strides = [1]} : vector<16xf32> to vector<1xf32>
      %squeeze3A_1216 = vector.extract %slice3A_1215[0] : f32 from vector<1xf32>
      %get3A_1217 = arith.constant 31 : i32
      %get3A_1218 = arith.index_cast %get3A_1217 : i32 to index
      %get3A_1219 = arith.constant 48 : index
      %get3A_1220 = tpu.vector_load %arg10[%get3A_1218, %get3A_1219] {strides = array<i32>} : memref<128x128xf32, #tpu.memory_space<vmem>>, vector<16xf32>,
      %mul3A_1221 = vector.broadcast %squeeze3A_1216 : f32 to vector<16xf32>
      %mul3A_1222 = arith.mulf %mul3A_1221, %get3A_1220 : vector<16xf32>
      %add3A_1223 = arith.addf %add3A_1214, %mul3A_1222 : vector<16xf32>
      %swap3A_1224 = arith.index_cast %add3A_622 : i32 to index
      %swap3A_1225 = arith.constant 48 : index
      %swap3A_1226 = tpu.vector_load %arg11[%swap3A_1224, %swap3A_1225] {strides = array<i32>} : memref<512x64xf32, #tpu.memory_space<vmem>>, vector<16xf32>,
      tpu.vector_store %arg11[%swap3A_1224, %swap3A_1225], %add3A_1223 {strides = array<i32>} : memref<512x64xf32, #tpu.memory_space<vmem>>, vector<16xf32>,
      %mul3A_1227 = arith.constant 8 : i32
      %mul3A_1228 = arith.muli %scan3A_8, %mul3A_1227 : i32
      %add3A_1229 = arith.constant 2 : i32
      %add3A_1230 = arith.addi %mul3A_1228, %add3A_1229 : i32
      %get3A_1231 = arith.constant 32 : index
      %get3A_1232 = tpu.vector_load %arg7[%get3A_1231] {strides = array<i32>} : memref<128xi32, #tpu.memory_space<vmem>>, vector<16xi32>,
      %gather3A_1233 = tpu.vector_load_idx %arg9[%get3A_1232] : memref<16384xf32, #tpu.memory_space<vmem>>[vector<16xi32>], vector<16xf32>,
      %slice3A_1234 = vector.extract_strided_slice %get3A_20 {offsets = [2], sizes = [1], strides = [1]} : vector<16xf32> to vector<1xf32>
      %squeeze3A_1235 = vector.extract %slice3A_1234[0] : f32 from vector<1xf32>
      %mul3A_1236 = vector.broadcast %squeeze3A_1235 : f32 to vector<16xf32>
      %mul3A_1237 = arith.mulf %gather3A_1233, %mul3A_1236 : vector<16xf32>
      %reduce_max3A_1238 = arith.constant true
      %reduce_max3A_1239 = vector.broadcast %reduce_max3A_1238 : i1 to vector<16xi1>
      %reduce_max3A_1240 = tpu.scan <max>, %mul3A_1237 masked %reduce_max3A_1239 : vector<16xf32>, vector<16xi1> -> vector<16xf32>
      %reduce_max3A_1241 = vector.extract %reduce_max3A_1240[15] : f32 from vector<16xf32>
      %sub3A_1242 = vector.broadcast %reduce_max3A_1241 : f32 to vector<16xf32>
      %sub3A_1243 = arith.subf %mul3A_1237, %sub3A_1242 : vector<16xf32>
      %exp3A_1244 = math.exp %sub3A_1243 : vector<16xf32>
      %reduce_sum3A_1245 = arith.constant true
      %reduce_sum3A_1246 = vector.broadcast %reduce_sum3A_1245 : i1 to vector<16xi1>
      %reduce_sum3A_1247 = tpu.scan <sum>, %exp3A_1244 masked %reduce_sum3A_1246 : vector<16xf32>, vector<16xi1> -> vector<16xf32>
      %reduce_sum3A_1248 = vector.extract %reduce_sum3A_1247[15] : f32 from vector<16xf32>
      %broadcast_in_dim3A_1249 = vector.broadcast %reduce_sum3A_1248 : f32 to vector<16xf32>
      %div3A_1250 = arith.divf %exp3A_1244, %broadcast_in_dim3A_1249 : vector<16xf32>
      %slice3A_1251 = vector.extract_strided_slice %div3A_1250 {offsets = [0], sizes = [1], strides = [1]} : vector<16xf32> to vector<1xf32>
      %squeeze3A_1252 = vector.extract %slice3A_1251[0] : f32 from vector<1xf32>
      %get3A_1253 = arith.constant 32 : i32
      %get3A_1254 = arith.index_cast %get3A_1253 : i32 to index
      %get3A_1255 = arith.constant 0 : index
      %get3A_1256 = tpu.vector_load %arg10[%get3A_1254, %get3A_1255] {strides = array<i32>} : memref<128x128xf32, #tpu.memory_space<vmem>>, vector<16xf32>,
      %mul3A_1257 = vector.broadcast %squeeze3A_1252 : f32 to vector<16xf32>
      %mul3A_1258 = arith.mulf %mul3A_1257, %get3A_1256 : vector<16xf32>
      %slice3A_1259 = vector.extract_strided_slice %div3A_1250 {offsets = [1], sizes = [1], strides = [1]} : vector<16xf32> to vector<1xf32>
      %squeeze3A_1260 = vector.extract %slice3A_1259[0] : f32 from vector<1xf32>
      %get3A_1261 = arith.constant 33 : i32
      %get3A_1262 = arith.index_cast %get3A_1261 : i32 to index
      %get3A_1263 = arith.constant 0 : index
      %get3A_1264 = tpu.vector_load %arg10[%get3A_1262, %get3A_1263] {strides = array<i32>} : memref<128x128xf32, #tpu.memory_space<vmem>>, vector<16xf32>,
      %mul3A_1265 = vector.broadcast %squeeze3A_1260 : f32 to vector<16xf32>
      %mul3A_1266 = arith.mulf %mul3A_1265, %get3A_1264 : vector<16xf32>
      %add3A_1267 = arith.addf %mul3A_1258, %mul3A_1266 : vector<16xf32>
      %slice3A_1268 = vector.extract_strided_slice %div3A_1250 {offsets = [2], sizes = [1], strides = [1]} : vector<16xf32> to vector<1xf32>
      %squeeze3A_1269 = vector.extract %slice3A_1268[0] : f32 from vector<1xf32>
      %get3A_1270 = arith.constant 34 : i32
      %get3A_1271 = arith.index_cast %get3A_1270 : i32 to index
      %get3A_1272 = arith.constant 0 : index
      %get3A_1273 = tpu.vector_load %arg10[%get3A_1271, %get3A_1272] {strides = array<i32>} : memref<128x128xf32, #tpu.memory_space<vmem>>, vector<16xf32>,
      %mul3A_1274 = vector.broadcast %squeeze3A_1269 : f32 to vector<16xf32>
      %mul3A_1275 = arith.mulf %mul3A_1274, %get3A_1273 : vector<16xf32>
      %add3A_1276 = arith.addf %add3A_1267, %mul3A_1275 : vector<16xf32>
      %slice3A_1277 = vector.extract_strided_slice %div3A_1250 {offsets = [3], sizes = [1], strides = [1]} : vector<16xf32> to vector<1xf32>
      %squeeze3A_1278 = vector.extract %slice3A_1277[0] : f32 from vector<1xf32>
      %get3A_1279 = arith.constant 35 : i32
      %get3A_1280 = arith.index_cast %get3A_1279 : i32 to index
      %get3A_1281 = arith.constant 0 : index
      %get3A_1282 = tpu.vector_load %arg10[%get3A_1280, %get3A_1281] {strides = array<i32>} : memref<128x128xf32, #tpu.memory_space<vmem>>, vector<16xf32>,
      %mul3A_1283 = vector.broadcast %squeeze3A_1278 : f32 to vector<16xf32>
      %mul3A_1284 = arith.mulf %mul3A_1283, %get3A_1282 : vector<16xf32>
      %add3A_1285 = arith.addf %add3A_1276, %mul3A_1284 : vector<16xf32>
      %slice3A_1286 = vector.extract_strided_slice %div3A_1250 {offsets = [4], sizes = [1], strides = [1]} : vector<16xf32> to vector<1xf32>
      %squeeze3A_1287 = vector.extract %slice3A_1286[0] : f32 from vector<1xf32>
      %get3A_1288 = arith.constant 36 : i32
      %get3A_1289 = arith.index_cast %get3A_1288 : i32 to index
      %get3A_1290 = arith.constant 0 : index
      %get3A_1291 = tpu.vector_load %arg10[%get3A_1289, %get3A_1290] {strides = array<i32>} : memref<128x128xf32, #tpu.memory_space<vmem>>, vector<16xf32>,
      %mul3A_1292 = vector.broadcast %squeeze3A_1287 : f32 to vector<16xf32>
      %mul3A_1293 = arith.mulf %mul3A_1292, %get3A_1291 : vector<16xf32>
      %add3A_1294 = arith.addf %add3A_1285, %mul3A_1293 : vector<16xf32>
      %slice3A_1295 = vector.extract_strided_slice %div3A_1250 {offsets = [5], sizes = [1], strides = [1]} : vector<16xf32> to vector<1xf32>
      %squeeze3A_1296 = vector.extract %slice3A_1295[0] : f32 from vector<1xf32>
      %get3A_1297 = arith.constant 37 : i32
      %get3A_1298 = arith.index_cast %get3A_1297 : i32 to index
      %get3A_1299 = arith.constant 0 : index
      %get3A_1300 = tpu.vector_load %arg10[%get3A_1298, %get3A_1299] {strides = array<i32>} : memref<128x128xf32, #tpu.memory_space<vmem>>, vector<16xf32>,
      %mul3A_1301 = vector.broadcast %squeeze3A_1296 : f32 to vector<16xf32>
      %mul3A_1302 = arith.mulf %mul3A_1301, %get3A_1300 : vector<16xf32>
      %add3A_1303 = arith.addf %add3A_1294, %mul3A_1302 : vector<16xf32>
      %slice3A_1304 = vector.extract_strided_slice %div3A_1250 {offsets = [6], sizes = [1], strides = [1]} : vector<16xf32> to vector<1xf32>
      %squeeze3A_1305 = vector.extract %slice3A_1304[0] : f32 from vector<1xf32>
      %get3A_1306 = arith.constant 38 : i32
      %get3A_1307 = arith.index_cast %get3A_1306 : i32 to index
      %get3A_1308 = arith.constant 0 : index
      %get3A_1309 = tpu.vector_load %arg10[%get3A_1307, %get3A_1308] {strides = array<i32>} : memref<128x128xf32, #tpu.memory_space<vmem>>, vector<16xf32>,
      %mul3A_1310 = vector.broadcast %squeeze3A_1305 : f32 to vector<16xf32>
      %mul3A_1311 = arith.mulf %mul3A_1310, %get3A_1309 : vector<16xf32>
      %add3A_1312 = arith.addf %add3A_1303, %mul3A_1311 : vector<16xf32>
      %slice3A_1313 = vector.extract_strided_slice %div3A_1250 {offsets = [7], sizes = [1], strides = [1]} : vector<16xf32> to vector<1xf32>
      %squeeze3A_1314 = vector.extract %slice3A_1313[0] : f32 from vector<1xf32>
      %get3A_1315 = arith.constant 39 : i32
      %get3A_1316 = arith.index_cast %get3A_1315 : i32 to index
      %get3A_1317 = arith.constant 0 : index
      %get3A_1318 = tpu.vector_load %arg10[%get3A_1316, %get3A_1317] {strides = array<i32>} : memref<128x128xf32, #tpu.memory_space<vmem>>, vector<16xf32>,
      %mul3A_1319 = vector.broadcast %squeeze3A_1314 : f32 to vector<16xf32>
      %mul3A_1320 = arith.mulf %mul3A_1319, %get3A_1318 : vector<16xf32>
      %add3A_1321 = arith.addf %add3A_1312, %mul3A_1320 : vector<16xf32>
      %slice3A_1322 = vector.extract_strided_slice %div3A_1250 {offsets = [8], sizes = [1], strides = [1]} : vector<16xf32> to vector<1xf32>
      %squeeze3A_1323 = vector.extract %slice3A_1322[0] : f32 from vector<1xf32>
      %get3A_1324 = arith.constant 40 : i32
      %get3A_1325 = arith.index_cast %get3A_1324 : i32 to index
      %get3A_1326 = arith.constant 0 : index
      %get3A_1327 = tpu.vector_load %arg10[%get3A_1325, %get3A_1326] {strides = array<i32>} : memref<128x128xf32, #tpu.memory_space<vmem>>, vector<16xf32>,
      %mul3A_1328 = vector.broadcast %squeeze3A_1323 : f32 to vector<16xf32>
      %mul3A_1329 = arith.mulf %mul3A_1328, %get3A_1327 : vector<16xf32>
      %add3A_1330 = arith.addf %add3A_1321, %mul3A_1329 : vector<16xf32>
      %slice3A_1331 = vector.extract_strided_slice %div3A_1250 {offsets = [9], sizes = [1], strides = [1]} : vector<16xf32> to vector<1xf32>
      %squeeze3A_1332 = vector.extract %slice3A_1331[0] : f32 from vector<1xf32>
      %get3A_1333 = arith.constant 41 : i32
      %get3A_1334 = arith.index_cast %get3A_1333 : i32 to index
      %get3A_1335 = arith.constant 0 : index
      %get3A_1336 = tpu.vector_load %arg10[%get3A_1334, %get3A_1335] {strides = array<i32>} : memref<128x128xf32, #tpu.memory_space<vmem>>, vector<16xf32>,
      %mul3A_1337 = vector.broadcast %squeeze3A_1332 : f32 to vector<16xf32>
      %mul3A_1338 = arith.mulf %mul3A_1337, %get3A_1336 : vector<16xf32>
      %add3A_1339 = arith.addf %add3A_1330, %mul3A_1338 : vector<16xf32>
      %slice3A_1340 = vector.extract_strided_slice %div3A_1250 {offsets = [10], sizes = [1], strides = [1]} : vector<16xf32> to vector<1xf32>
      %squeeze3A_1341 = vector.extract %slice3A_1340[0] : f32 from vector<1xf32>
      %get3A_1342 = arith.constant 42 : i32
      %get3A_1343 = arith.index_cast %get3A_1342 : i32 to index
      %get3A_1344 = arith.constant 0 : index
      %get3A_1345 = tpu.vector_load %arg10[%get3A_1343, %get3A_1344] {strides = array<i32>} : memref<128x128xf32, #tpu.memory_space<vmem>>, vector<16xf32>,
      %mul3A_1346 = vector.broadcast %squeeze3A_1341 : f32 to vector<16xf32>
      %mul3A_1347 = arith.mulf %mul3A_1346, %get3A_1345 : vector<16xf32>
      %add3A_1348 = arith.addf %add3A_1339, %mul3A_1347 : vector<16xf32>
      %slice3A_1349 = vector.extract_strided_slice %div3A_1250 {offsets = [11], sizes = [1], strides = [1]} : vector<16xf32> to vector<1xf32>
      %squeeze3A_1350 = vector.extract %slice3A_1349[0] : f32 from vector<1xf32>
      %get3A_1351 = arith.constant 43 : i32
      %get3A_1352 = arith.index_cast %get3A_1351 : i32 to index
      %get3A_1353 = arith.constant 0 : index
      %get3A_1354 = tpu.vector_load %arg10[%get3A_1352, %get3A_1353] {strides = array<i32>} : memref<128x128xf32, #tpu.memory_space<vmem>>, vector<16xf32>,
      %mul3A_1355 = vector.broadcast %squeeze3A_1350 : f32 to vector<16xf32>
      %mul3A_1356 = arith.mulf %mul3A_1355, %get3A_1354 : vector<16xf32>
      %add3A_1357 = arith.addf %add3A_1348, %mul3A_1356 : vector<16xf32>
      %slice3A_1358 = vector.extract_strided_slice %div3A_1250 {offsets = [12], sizes = [1], strides = [1]} : vector<16xf32> to vector<1xf32>
      %squeeze3A_1359 = vector.extract %slice3A_1358[0] : f32 from vector<1xf32>
      %get3A_1360 = arith.constant 44 : i32
      %get3A_1361 = arith.index_cast %get3A_1360 : i32 to index
      %get3A_1362 = arith.constant 0 : index
      %get3A_1363 = tpu.vector_load %arg10[%get3A_1361, %get3A_1362] {strides = array<i32>} : memref<128x128xf32, #tpu.memory_space<vmem>>, vector<16xf32>,
      %mul3A_1364 = vector.broadcast %squeeze3A_1359 : f32 to vector<16xf32>
      %mul3A_1365 = arith.mulf %mul3A_1364, %get3A_1363 : vector<16xf32>
      %add3A_1366 = arith.addf %add3A_1357, %mul3A_1365 : vector<16xf32>
      %slice3A_1367 = vector.extract_strided_slice %div3A_1250 {offsets = [13], sizes = [1], strides = [1]} : vector<16xf32> to vector<1xf32>
      %squeeze3A_1368 = vector.extract %slice3A_1367[0] : f32 from vector<1xf32>
      %get3A_1369 = arith.constant 45 : i32
      %get3A_1370 = arith.index_cast %get3A_1369 : i32 to index
      %get3A_1371 = arith.constant 0 : index
      %get3A_1372 = tpu.vector_load %arg10[%get3A_1370, %get3A_1371] {strides = array<i32>} : memref<128x128xf32, #tpu.memory_space<vmem>>, vector<16xf32>,
      %mul3A_1373 = vector.broadcast %squeeze3A_1368 : f32 to vector<16xf32>
      %mul3A_1374 = arith.mulf %mul3A_1373, %get3A_1372 : vector<16xf32>
      %add3A_1375 = arith.addf %add3A_1366, %mul3A_1374 : vector<16xf32>
      %slice3A_1376 = vector.extract_strided_slice %div3A_1250 {offsets = [14], sizes = [1], strides = [1]} : vector<16xf32> to vector<1xf32>
      %squeeze3A_1377 = vector.extract %slice3A_1376[0] : f32 from vector<1xf32>
      %get3A_1378 = arith.constant 46 : i32
      %get3A_1379 = arith.index_cast %get3A_1378 : i32 to index
      %get3A_1380 = arith.constant 0 : index
      %get3A_1381 = tpu.vector_load %arg10[%get3A_1379, %get3A_1380] {strides = array<i32>} : memref<128x128xf32, #tpu.memory_space<vmem>>, vector<16xf32>,
      %mul3A_1382 = vector.broadcast %squeeze3A_1377 : f32 to vector<16xf32>
      %mul3A_1383 = arith.mulf %mul3A_1382, %get3A_1381 : vector<16xf32>
      %add3A_1384 = arith.addf %add3A_1375, %mul3A_1383 : vector<16xf32>
      %slice3A_1385 = vector.extract_strided_slice %div3A_1250 {offsets = [15], sizes = [1], strides = [1]} : vector<16xf32> to vector<1xf32>
      %squeeze3A_1386 = vector.extract %slice3A_1385[0] : f32 from vector<1xf32>
      %get3A_1387 = arith.constant 47 : i32
      %get3A_1388 = arith.index_cast %get3A_1387 : i32 to index
      %get3A_1389 = arith.constant 0 : index
      %get3A_1390 = tpu.vector_load %arg10[%get3A_1388, %get3A_1389] {strides = array<i32>} : memref<128x128xf32, #tpu.memory_space<vmem>>, vector<16xf32>,
      %mul3A_1391 = vector.broadcast %squeeze3A_1386 : f32 to vector<16xf32>
      %mul3A_1392 = arith.mulf %mul3A_1391, %get3A_1390 : vector<16xf32>
      %add3A_1393 = arith.addf %add3A_1384, %mul3A_1392 : vector<16xf32>
      %swap3A_1394 = arith.index_cast %add3A_1230 : i32 to index
      %swap3A_1395 = arith.constant 0 : index
      %swap3A_1396 = tpu.vector_load %arg11[%swap3A_1394, %swap3A_1395] {strides = array<i32>} : memref<512x64xf32, #tpu.memory_space<vmem>>, vector<16xf32>,
      tpu.vector_store %arg11[%swap3A_1394, %swap3A_1395], %add3A_1393 {strides = array<i32>} : memref<512x64xf32, #tpu.memory_space<vmem>>, vector<16xf32>,
      %slice3A_1397 = vector.extract_strided_slice %div3A_1250 {offsets = [0], sizes = [1], strides = [1]} : vector<16xf32> to vector<1xf32>
      %squeeze3A_1398 = vector.extract %slice3A_1397[0] : f32 from vector<1xf32>
      %get3A_1399 = arith.constant 32 : i32
      %get3A_1400 = arith.index_cast %get3A_1399 : i32 to index
      %get3A_1401 = arith.constant 16 : index
      %get3A_1402 = tpu.vector_load %arg10[%get3A_1400, %get3A_1401] {strides = array<i32>} : memref<128x128xf32, #tpu.memory_space<vmem>>, vector<16xf32>,
      %mul3A_1403 = vector.broadcast %squeeze3A_1398 : f32 to vector<16xf32>
      %mul3A_1404 = arith.mulf %mul3A_1403, %get3A_1402 : vector<16xf32>
      %slice3A_1405 = vector.extract_strided_slice %div3A_1250 {offsets = [1], sizes = [1], strides = [1]} : vector<16xf32> to vector<1xf32>
      %squeeze3A_1406 = vector.extract %slice3A_1405[0] : f32 from vector<1xf32>
      %get3A_1407 = arith.constant 33 : i32
      %get3A_1408 = arith.index_cast %get3A_1407 : i32 to index
      %get3A_1409 = arith.constant 16 : index
      %get3A_1410 = tpu.vector_load %arg10[%get3A_1408, %get3A_1409] {strides = array<i32>} : memref<128x128xf32, #tpu.memory_space<vmem>>, vector<16xf32>,
      %mul3A_1411 = vector.broadcast %squeeze3A_1406 : f32 to vector<16xf32>
      %mul3A_1412 = arith.mulf %mul3A_1411, %get3A_1410 : vector<16xf32>
      %add3A_1413 = arith.addf %mul3A_1404, %mul3A_1412 : vector<16xf32>
      %slice3A_1414 = vector.extract_strided_slice %div3A_1250 {offsets = [2], sizes = [1], strides = [1]} : vector<16xf32> to vector<1xf32>
      %squeeze3A_1415 = vector.extract %slice3A_1414[0] : f32 from vector<1xf32>
      %get3A_1416 = arith.constant 34 : i32
      %get3A_1417 = arith.index_cast %get3A_1416 : i32 to index
      %get3A_1418 = arith.constant 16 : index
      %get3A_1419 = tpu.vector_load %arg10[%get3A_1417, %get3A_1418] {strides = array<i32>} : memref<128x128xf32, #tpu.memory_space<vmem>>, vector<16xf32>,
      %mul3A_1420 = vector.broadcast %squeeze3A_1415 : f32 to vector<16xf32>
      %mul3A_1421 = arith.mulf %mul3A_1420, %get3A_1419 : vector<16xf32>
      %add3A_1422 = arith.addf %add3A_1413, %mul3A_1421 : vector<16xf32>
      %slice3A_1423 = vector.extract_strided_slice %div3A_1250 {offsets = [3], sizes = [1], strides = [1]} : vector<16xf32> to vector<1xf32>
      %squeeze3A_1424 = vector.extract %slice3A_1423[0] : f32 from vector<1xf32>
      %get3A_1425 = arith.constant 35 : i32
      %get3A_1426 = arith.index_cast %get3A_1425 : i32 to index
      %get3A_1427 = arith.constant 16 : index
      %get3A_1428 = tpu.vector_load %arg10[%get3A_1426, %get3A_1427] {strides = array<i32>} : memref<128x128xf32, #tpu.memory_space<vmem>>, vector<16xf32>,
      %mul3A_1429 = vector.broadcast %squeeze3A_1424 : f32 to vector<16xf32>
      %mul3A_1430 = arith.mulf %mul3A_1429, %get3A_1428 : vector<16xf32>
      %add3A_1431 = arith.addf %add3A_1422, %mul3A_1430 : vector<16xf32>
      %slice3A_1432 = vector.extract_strided_slice %div3A_1250 {offsets = [4], sizes = [1], strides = [1]} : vector<16xf32> to vector<1xf32>
      %squeeze3A_1433 = vector.extract %slice3A_1432[0] : f32 from vector<1xf32>
      %get3A_1434 = arith.constant 36 : i32
      %get3A_1435 = arith.index_cast %get3A_1434 : i32 to index
      %get3A_1436 = arith.constant 16 : index
      %get3A_1437 = tpu.vector_load %arg10[%get3A_1435, %get3A_1436] {strides = array<i32>} : memref<128x128xf32, #tpu.memory_space<vmem>>, vector<16xf32>,
      %mul3A_1438 = vector.broadcast %squeeze3A_1433 : f32 to vector<16xf32>
      %mul3A_1439 = arith.mulf %mul3A_1438, %get3A_1437 : vector<16xf32>
      %add3A_1440 = arith.addf %add3A_1431, %mul3A_1439 : vector<16xf32>
      %slice3A_1441 = vector.extract_strided_slice %div3A_1250 {offsets = [5], sizes = [1], strides = [1]} : vector<16xf32> to vector<1xf32>
      %squeeze3A_1442 = vector.extract %slice3A_1441[0] : f32 from vector<1xf32>
      %get3A_1443 = arith.constant 37 : i32
      %get3A_1444 = arith.index_cast %get3A_1443 : i32 to index
      %get3A_1445 = arith.constant 16 : index
      %get3A_1446 = tpu.vector_load %arg10[%get3A_1444, %get3A_1445] {strides = array<i32>} : memref<128x128xf32, #tpu.memory_space<vmem>>, vector<16xf32>,
      %mul3A_1447 = vector.broadcast %squeeze3A_1442 : f32 to vector<16xf32>
      %mul3A_1448 = arith.mulf %mul3A_1447, %get3A_1446 : vector<16xf32>
      %add3A_1449 = arith.addf %add3A_1440, %mul3A_1448 : vector<16xf32>
      %slice3A_1450 = vector.extract_strided_slice %div3A_1250 {offsets = [6], sizes = [1], strides = [1]} : vector<16xf32> to vector<1xf32>
      %squeeze3A_1451 = vector.extract %slice3A_1450[0] : f32 from vector<1xf32>
      %get3A_1452 = arith.constant 38 : i32
      %get3A_1453 = arith.index_cast %get3A_1452 : i32 to index
      %get3A_1454 = arith.constant 16 : index
      %get3A_1455 = tpu.vector_load %arg10[%get3A_1453, %get3A_1454] {strides = array<i32>} : memref<128x128xf32, #tpu.memory_space<vmem>>, vector<16xf32>,
      %mul3A_1456 = vector.broadcast %squeeze3A_1451 : f32 to vector<16xf32>
      %mul3A_1457 = arith.mulf %mul3A_1456, %get3A_1455 : vector<16xf32>
      %add3A_1458 = arith.addf %add3A_1449, %mul3A_1457 : vector<16xf32>
      %slice3A_1459 = vector.extract_strided_slice %div3A_1250 {offsets = [7], sizes = [1], strides = [1]} : vector<16xf32> to vector<1xf32>
      %squeeze3A_1460 = vector.extract %slice3A_1459[0] : f32 from vector<1xf32>
      %get3A_1461 = arith.constant 39 : i32
      %get3A_1462 = arith.index_cast %get3A_1461 : i32 to index
      %get3A_1463 = arith.constant 16 : index
      %get3A_1464 = tpu.vector_load %arg10[%get3A_1462, %get3A_1463] {strides = array<i32>} : memref<128x128xf32, #tpu.memory_space<vmem>>, vector<16xf32>,
      %mul3A_1465 = vector.broadcast %squeeze3A_1460 : f32 to vector<16xf32>
      %mul3A_1466 = arith.mulf %mul3A_1465, %get3A_1464 : vector<16xf32>
      %add3A_1467 = arith.addf %add3A_1458, %mul3A_1466 : vector<16xf32>
      %slice3A_1468 = vector.extract_strided_slice %div3A_1250 {offsets = [8], sizes = [1], strides = [1]} : vector<16xf32> to vector<1xf32>
      %squeeze3A_1469 = vector.extract %slice3A_1468[0] : f32 from vector<1xf32>
      %get3A_1470 = arith.constant 40 : i32
      %get3A_1471 = arith.index_cast %get3A_1470 : i32 to index
      %get3A_1472 = arith.constant 16 : index
      %get3A_1473 = tpu.vector_load %arg10[%get3A_1471, %get3A_1472] {strides = array<i32>} : memref<128x128xf32, #tpu.memory_space<vmem>>, vector<16xf32>,
      %mul3A_1474 = vector.broadcast %squeeze3A_1469 : f32 to vector<16xf32>
      %mul3A_1475 = arith.mulf %mul3A_1474, %get3A_1473 : vector<16xf32>
      %add3A_1476 = arith.addf %add3A_1467, %mul3A_1475 : vector<16xf32>
      %slice3A_1477 = vector.extract_strided_slice %div3A_1250 {offsets = [9], sizes = [1], strides = [1]} : vector<16xf32> to vector<1xf32>
      %squeeze3A_1478 = vector.extract %slice3A_1477[0] : f32 from vector<1xf32>
      %get3A_1479 = arith.constant 41 : i32
      %get3A_1480 = arith.index_cast %get3A_1479 : i32 to index
      %get3A_1481 = arith.constant 16 : index
      %get3A_1482 = tpu.vector_load %arg10[%get3A_1480, %get3A_1481] {strides = array<i32>} : memref<128x128xf32, #tpu.memory_space<vmem>>, vector<16xf32>,
      %mul3A_1483 = vector.broadcast %squeeze3A_1478 : f32 to vector<16xf32>
      %mul3A_1484 = arith.mulf %mul3A_1483, %get3A_1482 : vector<16xf32>
      %add3A_1485 = arith.addf %add3A_1476, %mul3A_1484 : vector<16xf32>
      %slice3A_1486 = vector.extract_strided_slice %div3A_1250 {offsets = [10], sizes = [1], strides = [1]} : vector<16xf32> to vector<1xf32>
      %squeeze3A_1487 = vector.extract %slice3A_1486[0] : f32 from vector<1xf32>
      %get3A_1488 = arith.constant 42 : i32
      %get3A_1489 = arith.index_cast %get3A_1488 : i32 to index
      %get3A_1490 = arith.constant 16 : index
      %get3A_1491 = tpu.vector_load %arg10[%get3A_1489, %get3A_1490] {strides = array<i32>} : memref<128x128xf32, #tpu.memory_space<vmem>>, vector<16xf32>,
      %mul3A_1492 = vector.broadcast %squeeze3A_1487 : f32 to vector<16xf32>
      %mul3A_1493 = arith.mulf %mul3A_1492, %get3A_1491 : vector<16xf32>
      %add3A_1494 = arith.addf %add3A_1485, %mul3A_1493 : vector<16xf32>
      %slice3A_1495 = vector.extract_strided_slice %div3A_1250 {offsets = [11], sizes = [1], strides = [1]} : vector<16xf32> to vector<1xf32>
      %squeeze3A_1496 = vector.extract %slice3A_1495[0] : f32 from vector<1xf32>
      %get3A_1497 = arith.constant 43 : i32
      %get3A_1498 = arith.index_cast %get3A_1497 : i32 to index
      %get3A_1499 = arith.constant 16 : index
      %get3A_1500 = tpu.vector_load %arg10[%get3A_1498, %get3A_1499] {strides = array<i32>} : memref<128x128xf32, #tpu.memory_space<vmem>>, vector<16xf32>,
      %mul3A_1501 = vector.broadcast %squeeze3A_1496 : f32 to vector<16xf32>
      %mul3A_1502 = arith.mulf %mul3A_1501, %get3A_1500 : vector<16xf32>
      %add3A_1503 = arith.addf %add3A_1494, %mul3A_1502 : vector<16xf32>
      %slice3A_1504 = vector.extract_strided_slice %div3A_1250 {offsets = [12], sizes = [1], strides = [1]} : vector<16xf32> to vector<1xf32>
      %squeeze3A_1505 = vector.extract %slice3A_1504[0] : f32 from vector<1xf32>
      %get3A_1506 = arith.constant 44 : i32
      %get3A_1507 = arith.index_cast %get3A_1506 : i32 to index
      %get3A_1508 = arith.constant 16 : index
      %get3A_1509 = tpu.vector_load %arg10[%get3A_1507, %get3A_1508] {strides = array<i32>} : memref<128x128xf32, #tpu.memory_space<vmem>>, vector<16xf32>,
      %mul3A_1510 = vector.broadcast %squeeze3A_1505 : f32 to vector<16xf32>
      %mul3A_1511 = arith.mulf %mul3A_1510, %get3A_1509 : vector<16xf32>
      %add3A_1512 = arith.addf %add3A_1503, %mul3A_1511 : vector<16xf32>
      %slice3A_1513 = vector.extract_strided_slice %div3A_1250 {offsets = [13], sizes = [1], strides = [1]} : vector<16xf32> to vector<1xf32>
      %squeeze3A_1514 = vector.extract %slice3A_1513[0] : f32 from vector<1xf32>
      %get3A_1515 = arith.constant 45 : i32
      %get3A_1516 = arith.index_cast %get3A_1515 : i32 to index
      %get3A_1517 = arith.constant 16 : index
      %get3A_1518 = tpu.vector_load %arg10[%get3A_1516, %get3A_1517] {strides = array<i32>} : memref<128x128xf32, #tpu.memory_space<vmem>>, vector<16xf32>,
      %mul3A_1519 = vector.broadcast %squeeze3A_1514 : f32 to vector<16xf32>
      %mul3A_1520 = arith.mulf %mul3A_1519, %get3A_1518 : vector<16xf32>
      %add3A_1521 = arith.addf %add3A_1512, %mul3A_1520 : vector<16xf32>
      %slice3A_1522 = vector.extract_strided_slice %div3A_1250 {offsets = [14], sizes = [1], strides = [1]} : vector<16xf32> to vector<1xf32>
      %squeeze3A_1523 = vector.extract %slice3A_1522[0] : f32 from vector<1xf32>
      %get3A_1524 = arith.constant 46 : i32
      %get3A_1525 = arith.index_cast %get3A_1524 : i32 to index
      %get3A_1526 = arith.constant 16 : index
      %get3A_1527 = tpu.vector_load %arg10[%get3A_1525, %get3A_1526] {strides = array<i32>} : memref<128x128xf32, #tpu.memory_space<vmem>>, vector<16xf32>,
      %mul3A_1528 = vector.broadcast %squeeze3A_1523 : f32 to vector<16xf32>
      %mul3A_1529 = arith.mulf %mul3A_1528, %get3A_1527 : vector<16xf32>
      %add3A_1530 = arith.addf %add3A_1521, %mul3A_1529 : vector<16xf32>
      %slice3A_1531 = vector.extract_strided_slice %div3A_1250 {offsets = [15], sizes = [1], strides = [1]} : vector<16xf32> to vector<1xf32>
      %squeeze3A_1532 = vector.extract %slice3A_1531[0] : f32 from vector<1xf32>
      %get3A_1533 = arith.constant 47 : i32
      %get3A_1534 = arith.index_cast %get3A_1533 : i32 to index
      %get3A_1535 = arith.constant 16 : index
      %get3A_1536 = tpu.vector_load %arg10[%get3A_1534, %get3A_1535] {strides = array<i32>} : memref<128x128xf32, #tpu.memory_space<vmem>>, vector<16xf32>,
      %mul3A_1537 = vector.broadcast %squeeze3A_1532 : f32 to vector<16xf32>
      %mul3A_1538 = arith.mulf %mul3A_1537, %get3A_1536 : vector<16xf32>
      %add3A_1539 = arith.addf %add3A_1530, %mul3A_1538 : vector<16xf32>
      %swap3A_1540 = arith.index_cast %add3A_1230 : i32 to index
      %swap3A_1541 = arith.constant 16 : index
      %swap3A_1542 = tpu.vector_load %arg11[%swap3A_1540, %swap3A_1541] {strides = array<i32>} : memref<512x64xf32, #tpu.memory_space<vmem>>, vector<16xf32>,
      tpu.vector_store %arg11[%swap3A_1540, %swap3A_1541], %add3A_1539 {strides = array<i32>} : memref<512x64xf32, #tpu.memory_space<vmem>>, vector<16xf32>,
      %slice3A_1543 = vector.extract_strided_slice %div3A_1250 {offsets = [0], sizes = [1], strides = [1]} : vector<16xf32> to vector<1xf32>
      %squeeze3A_1544 = vector.extract %slice3A_1543[0] : f32 from vector<1xf32>
      %get3A_1545 = arith.constant 32 : i32
      %get3A_1546 = arith.index_cast %get3A_1545 : i32 to index
      %get3A_1547 = arith.constant 32 : index
      %get3A_1548 = tpu.vector_load %arg10[%get3A_1546, %get3A_1547] {strides = array<i32>} : memref<128x128xf32, #tpu.memory_space<vmem>>, vector<16xf32>,
      %mul3A_1549 = vector.broadcast %squeeze3A_1544 : f32 to vector<16xf32>
      %mul3A_1550 = arith.mulf %mul3A_1549, %get3A_1548 : vector<16xf32>
      %slice3A_1551 = vector.extract_strided_slice %div3A_1250 {offsets = [1], sizes = [1], strides = [1]} : vector<16xf32> to vector<1xf32>
      %squeeze3A_1552 = vector.extract %slice3A_1551[0] : f32 from vector<1xf32>
      %get3A_1553 = arith.constant 33 : i32
      %get3A_1554 = arith.index_cast %get3A_1553 : i32 to index
      %get3A_1555 = arith.constant 32 : index
      %get3A_1556 = tpu.vector_load %arg10[%get3A_1554, %get3A_1555] {strides = array<i32>} : memref<128x128xf32, #tpu.memory_space<vmem>>, vector<16xf32>,
      %mul3A_1557 = vector.broadcast %squeeze3A_1552 : f32 to vector<16xf32>
      %mul3A_1558 = arith.mulf %mul3A_1557, %get3A_1556 : vector<16xf32>
      %add3A_1559 = arith.addf %mul3A_1550, %mul3A_1558 : vector<16xf32>
      %slice3A_1560 = vector.extract_strided_slice %div3A_1250 {offsets = [2], sizes = [1], strides = [1]} : vector<16xf32> to vector<1xf32>
      %squeeze3A_1561 = vector.extract %slice3A_1560[0] : f32 from vector<1xf32>
      %get3A_1562 = arith.constant 34 : i32
      %get3A_1563 = arith.index_cast %get3A_1562 : i32 to index
      %get3A_1564 = arith.constant 32 : index
      %get3A_1565 = tpu.vector_load %arg10[%get3A_1563, %get3A_1564] {strides = array<i32>} : memref<128x128xf32, #tpu.memory_space<vmem>>, vector<16xf32>,
      %mul3A_1566 = vector.broadcast %squeeze3A_1561 : f32 to vector<16xf32>
      %mul3A_1567 = arith.mulf %mul3A_1566, %get3A_1565 : vector<16xf32>
      %add3A_1568 = arith.addf %add3A_1559, %mul3A_1567 : vector<16xf32>
      %slice3A_1569 = vector.extract_strided_slice %div3A_1250 {offsets = [3], sizes = [1], strides = [1]} : vector<16xf32> to vector<1xf32>
      %squeeze3A_1570 = vector.extract %slice3A_1569[0] : f32 from vector<1xf32>
      %get3A_1571 = arith.constant 35 : i32
      %get3A_1572 = arith.index_cast %get3A_1571 : i32 to index
      %get3A_1573 = arith.constant 32 : index
      %get3A_1574 = tpu.vector_load %arg10[%get3A_1572, %get3A_1573] {strides = array<i32>} : memref<128x128xf32, #tpu.memory_space<vmem>>, vector<16xf32>,
      %mul3A_1575 = vector.broadcast %squeeze3A_1570 : f32 to vector<16xf32>
      %mul3A_1576 = arith.mulf %mul3A_1575, %get3A_1574 : vector<16xf32>
      %add3A_1577 = arith.addf %add3A_1568, %mul3A_1576 : vector<16xf32>
      %slice3A_1578 = vector.extract_strided_slice %div3A_1250 {offsets = [4], sizes = [1], strides = [1]} : vector<16xf32> to vector<1xf32>
      %squeeze3A_1579 = vector.extract %slice3A_1578[0] : f32 from vector<1xf32>
      %get3A_1580 = arith.constant 36 : i32
      %get3A_1581 = arith.index_cast %get3A_1580 : i32 to index
      %get3A_1582 = arith.constant 32 : index
      %get3A_1583 = tpu.vector_load %arg10[%get3A_1581, %get3A_1582] {strides = array<i32>} : memref<128x128xf32, #tpu.memory_space<vmem>>, vector<16xf32>,
      %mul3A_1584 = vector.broadcast %squeeze3A_1579 : f32 to vector<16xf32>
      %mul3A_1585 = arith.mulf %mul3A_1584, %get3A_1583 : vector<16xf32>
      %add3A_1586 = arith.addf %add3A_1577, %mul3A_1585 : vector<16xf32>
      %slice3A_1587 = vector.extract_strided_slice %div3A_1250 {offsets = [5], sizes = [1], strides = [1]} : vector<16xf32> to vector<1xf32>
      %squeeze3A_1588 = vector.extract %slice3A_1587[0] : f32 from vector<1xf32>
      %get3A_1589 = arith.constant 37 : i32
      %get3A_1590 = arith.index_cast %get3A_1589 : i32 to index
      %get3A_1591 = arith.constant 32 : index
      %get3A_1592 = tpu.vector_load %arg10[%get3A_1590, %get3A_1591] {strides = array<i32>} : memref<128x128xf32, #tpu.memory_space<vmem>>, vector<16xf32>,
      %mul3A_1593 = vector.broadcast %squeeze3A_1588 : f32 to vector<16xf32>
      %mul3A_1594 = arith.mulf %mul3A_1593, %get3A_1592 : vector<16xf32>
      %add3A_1595 = arith.addf %add3A_1586, %mul3A_1594 : vector<16xf32>
      %slice3A_1596 = vector.extract_strided_slice %div3A_1250 {offsets = [6], sizes = [1], strides = [1]} : vector<16xf32> to vector<1xf32>
      %squeeze3A_1597 = vector.extract %slice3A_1596[0] : f32 from vector<1xf32>
      %get3A_1598 = arith.constant 38 : i32
      %get3A_1599 = arith.index_cast %get3A_1598 : i32 to index
      %get3A_1600 = arith.constant 32 : index
      %get3A_1601 = tpu.vector_load %arg10[%get3A_1599, %get3A_1600] {strides = array<i32>} : memref<128x128xf32, #tpu.memory_space<vmem>>, vector<16xf32>,
      %mul3A_1602 = vector.broadcast %squeeze3A_1597 : f32 to vector<16xf32>
      %mul3A_1603 = arith.mulf %mul3A_1602, %get3A_1601 : vector<16xf32>
      %add3A_1604 = arith.addf %add3A_1595, %mul3A_1603 : vector<16xf32>
      %slice3A_1605 = vector.extract_strided_slice %div3A_1250 {offsets = [7], sizes = [1], strides = [1]} : vector<16xf32> to vector<1xf32>
      %squeeze3A_1606 = vector.extract %slice3A_1605[0] : f32 from vector<1xf32>
      %get3A_1607 = arith.constant 39 : i32
      %get3A_1608 = arith.index_cast %get3A_1607 : i32 to index
      %get3A_1609 = arith.constant 32 : index
      %get3A_1610 = tpu.vector_load %arg10[%get3A_1608, %get3A_1609] {strides = array<i32>} : memref<128x128xf32, #tpu.memory_space<vmem>>, vector<16xf32>,
      %mul3A_1611 = vector.broadcast %squeeze3A_1606 : f32 to vector<16xf32>
      %mul3A_1612 = arith.mulf %mul3A_1611, %get3A_1610 : vector<16xf32>
      %add3A_1613 = arith.addf %add3A_1604, %mul3A_1612 : vector<16xf32>
      %slice3A_1614 = vector.extract_strided_slice %div3A_1250 {offsets = [8], sizes = [1], strides = [1]} : vector<16xf32> to vector<1xf32>
      %squeeze3A_1615 = vector.extract %slice3A_1614[0] : f32 from vector<1xf32>
      %get3A_1616 = arith.constant 40 : i32
      %get3A_1617 = arith.index_cast %get3A_1616 : i32 to index
      %get3A_1618 = arith.constant 32 : index
      %get3A_1619 = tpu.vector_load %arg10[%get3A_1617, %get3A_1618] {strides = array<i32>} : memref<128x128xf32, #tpu.memory_space<vmem>>, vector<16xf32>,
      %mul3A_1620 = vector.broadcast %squeeze3A_1615 : f32 to vector<16xf32>
      %mul3A_1621 = arith.mulf %mul3A_1620, %get3A_1619 : vector<16xf32>
      %add3A_1622 = arith.addf %add3A_1613, %mul3A_1621 : vector<16xf32>
      %slice3A_1623 = vector.extract_strided_slice %div3A_1250 {offsets = [9], sizes = [1], strides = [1]} : vector<16xf32> to vector<1xf32>
      %squeeze3A_1624 = vector.extract %slice3A_1623[0] : f32 from vector<1xf32>
      %get3A_1625 = arith.constant 41 : i32
      %get3A_1626 = arith.index_cast %get3A_1625 : i32 to index
      %get3A_1627 = arith.constant 32 : index
      %get3A_1628 = tpu.vector_load %arg10[%get3A_1626, %get3A_1627] {strides = array<i32>} : memref<128x128xf32, #tpu.memory_space<vmem>>, vector<16xf32>,
      %mul3A_1629 = vector.broadcast %squeeze3A_1624 : f32 to vector<16xf32>
      %mul3A_1630 = arith.mulf %mul3A_1629, %get3A_1628 : vector<16xf32>
      %add3A_1631 = arith.addf %add3A_1622, %mul3A_1630 : vector<16xf32>
      %slice3A_1632 = vector.extract_strided_slice %div3A_1250 {offsets = [10], sizes = [1], strides = [1]} : vector<16xf32> to vector<1xf32>
      %squeeze3A_1633 = vector.extract %slice3A_1632[0] : f32 from vector<1xf32>
      %get3A_1634 = arith.constant 42 : i32
      %get3A_1635 = arith.index_cast %get3A_1634 : i32 to index
      %get3A_1636 = arith.constant 32 : index
      %get3A_1637 = tpu.vector_load %arg10[%get3A_1635, %get3A_1636] {strides = array<i32>} : memref<128x128xf32, #tpu.memory_space<vmem>>, vector<16xf32>,
      %mul3A_1638 = vector.broadcast %squeeze3A_1633 : f32 to vector<16xf32>
      %mul3A_1639 = arith.mulf %mul3A_1638, %get3A_1637 : vector<16xf32>
      %add3A_1640 = arith.addf %add3A_1631, %mul3A_1639 : vector<16xf32>
      %slice3A_1641 = vector.extract_strided_slice %div3A_1250 {offsets = [11], sizes = [1], strides = [1]} : vector<16xf32> to vector<1xf32>
      %squeeze3A_1642 = vector.extract %slice3A_1641[0] : f32 from vector<1xf32>
      %get3A_1643 = arith.constant 43 : i32
      %get3A_1644 = arith.index_cast %get3A_1643 : i32 to index
      %get3A_1645 = arith.constant 32 : index
      %get3A_1646 = tpu.vector_load %arg10[%get3A_1644, %get3A_1645] {strides = array<i32>} : memref<128x128xf32, #tpu.memory_space<vmem>>, vector<16xf32>,
      %mul3A_1647 = vector.broadcast %squeeze3A_1642 : f32 to vector<16xf32>
      %mul3A_1648 = arith.mulf %mul3A_1647, %get3A_1646 : vector<16xf32>
      %add3A_1649 = arith.addf %add3A_1640, %mul3A_1648 : vector<16xf32>
      %slice3A_1650 = vector.extract_strided_slice %div3A_1250 {offsets = [12], sizes = [1], strides = [1]} : vector<16xf32> to vector<1xf32>
      %squeeze3A_1651 = vector.extract %slice3A_1650[0] : f32 from vector<1xf32>
      %get3A_1652 = arith.constant 44 : i32
      %get3A_1653 = arith.index_cast %get3A_1652 : i32 to index
      %get3A_1654 = arith.constant 32 : index
      %get3A_1655 = tpu.vector_load %arg10[%get3A_1653, %get3A_1654] {strides = array<i32>} : memref<128x128xf32, #tpu.memory_space<vmem>>, vector<16xf32>,
      %mul3A_1656 = vector.broadcast %squeeze3A_1651 : f32 to vector<16xf32>
      %mul3A_1657 = arith.mulf %mul3A_1656, %get3A_1655 : vector<16xf32>
      %add3A_1658 = arith.addf %add3A_1649, %mul3A_1657 : vector<16xf32>
      %slice3A_1659 = vector.extract_strided_slice %div3A_1250 {offsets = [13], sizes = [1], strides = [1]} : vector<16xf32> to vector<1xf32>
      %squeeze3A_1660 = vector.extract %slice3A_1659[0] : f32 from vector<1xf32>
      %get3A_1661 = arith.constant 45 : i32
      %get3A_1662 = arith.index_cast %get3A_1661 : i32 to index
      %get3A_1663 = arith.constant 32 : index
      %get3A_1664 = tpu.vector_load %arg10[%get3A_1662, %get3A_1663] {strides = array<i32>} : memref<128x128xf32, #tpu.memory_space<vmem>>, vector<16xf32>,
      %mul3A_1665 = vector.broadcast %squeeze3A_1660 : f32 to vector<16xf32>
      %mul3A_1666 = arith.mulf %mul3A_1665, %get3A_1664 : vector<16xf32>
      %add3A_1667 = arith.addf %add3A_1658, %mul3A_1666 : vector<16xf32>
      %slice3A_1668 = vector.extract_strided_slice %div3A_1250 {offsets = [14], sizes = [1], strides = [1]} : vector<16xf32> to vector<1xf32>
      %squeeze3A_1669 = vector.extract %slice3A_1668[0] : f32 from vector<1xf32>
      %get3A_1670 = arith.constant 46 : i32
      %get3A_1671 = arith.index_cast %get3A_1670 : i32 to index
      %get3A_1672 = arith.constant 32 : index
      %get3A_1673 = tpu.vector_load %arg10[%get3A_1671, %get3A_1672] {strides = array<i32>} : memref<128x128xf32, #tpu.memory_space<vmem>>, vector<16xf32>,
      %mul3A_1674 = vector.broadcast %squeeze3A_1669 : f32 to vector<16xf32>
      %mul3A_1675 = arith.mulf %mul3A_1674, %get3A_1673 : vector<16xf32>
      %add3A_1676 = arith.addf %add3A_1667, %mul3A_1675 : vector<16xf32>
      %slice3A_1677 = vector.extract_strided_slice %div3A_1250 {offsets = [15], sizes = [1], strides = [1]} : vector<16xf32> to vector<1xf32>
      %squeeze3A_1678 = vector.extract %slice3A_1677[0] : f32 from vector<1xf32>
      %get3A_1679 = arith.constant 47 : i32
      %get3A_1680 = arith.index_cast %get3A_1679 : i32 to index
      %get3A_1681 = arith.constant 32 : index
      %get3A_1682 = tpu.vector_load %arg10[%get3A_1680, %get3A_1681] {strides = array<i32>} : memref<128x128xf32, #tpu.memory_space<vmem>>, vector<16xf32>,
      %mul3A_1683 = vector.broadcast %squeeze3A_1678 : f32 to vector<16xf32>
      %mul3A_1684 = arith.mulf %mul3A_1683, %get3A_1682 : vector<16xf32>
      %add3A_1685 = arith.addf %add3A_1676, %mul3A_1684 : vector<16xf32>
      %swap3A_1686 = arith.index_cast %add3A_1230 : i32 to index
      %swap3A_1687 = arith.constant 32 : index
      %swap3A_1688 = tpu.vector_load %arg11[%swap3A_1686, %swap3A_1687] {strides = array<i32>} : memref<512x64xf32, #tpu.memory_space<vmem>>, vector<16xf32>,
      tpu.vector_store %arg11[%swap3A_1686, %swap3A_1687], %add3A_1685 {strides = array<i32>} : memref<512x64xf32, #tpu.memory_space<vmem>>, vector<16xf32>,
      %slice3A_1689 = vector.extract_strided_slice %div3A_1250 {offsets = [0], sizes = [1], strides = [1]} : vector<16xf32> to vector<1xf32>
      %squeeze3A_1690 = vector.extract %slice3A_1689[0] : f32 from vector<1xf32>
      %get3A_1691 = arith.constant 32 : i32
      %get3A_1692 = arith.index_cast %get3A_1691 : i32 to index
      %get3A_1693 = arith.constant 48 : index
      %get3A_1694 = tpu.vector_load %arg10[%get3A_1692, %get3A_1693] {strides = array<i32>} : memref<128x128xf32, #tpu.memory_space<vmem>>, vector<16xf32>,
      %mul3A_1695 = vector.broadcast %squeeze3A_1690 : f32 to vector<16xf32>
      %mul3A_1696 = arith.mulf %mul3A_1695, %get3A_1694 : vector<16xf32>
      %slice3A_1697 = vector.extract_strided_slice %div3A_1250 {offsets = [1], sizes = [1], strides = [1]} : vector<16xf32> to vector<1xf32>
      %squeeze3A_1698 = vector.extract %slice3A_1697[0] : f32 from vector<1xf32>
      %get3A_1699 = arith.constant 33 : i32
      %get3A_1700 = arith.index_cast %get3A_1699 : i32 to index
      %get3A_1701 = arith.constant 48 : index
      %get3A_1702 = tpu.vector_load %arg10[%get3A_1700, %get3A_1701] {strides = array<i32>} : memref<128x128xf32, #tpu.memory_space<vmem>>, vector<16xf32>,
      %mul3A_1703 = vector.broadcast %squeeze3A_1698 : f32 to vector<16xf32>
      %mul3A_1704 = arith.mulf %mul3A_1703, %get3A_1702 : vector<16xf32>
      %add3A_1705 = arith.addf %mul3A_1696, %mul3A_1704 : vector<16xf32>
      %slice3A_1706 = vector.extract_strided_slice %div3A_1250 {offsets = [2], sizes = [1], strides = [1]} : vector<16xf32> to vector<1xf32>
      %squeeze3A_1707 = vector.extract %slice3A_1706[0] : f32 from vector<1xf32>
      %get3A_1708 = arith.constant 34 : i32
      %get3A_1709 = arith.index_cast %get3A_1708 : i32 to index
      %get3A_1710 = arith.constant 48 : index
      %get3A_1711 = tpu.vector_load %arg10[%get3A_1709, %get3A_1710] {strides = array<i32>} : memref<128x128xf32, #tpu.memory_space<vmem>>, vector<16xf32>,
      %mul3A_1712 = vector.broadcast %squeeze3A_1707 : f32 to vector<16xf32>
      %mul3A_1713 = arith.mulf %mul3A_1712, %get3A_1711 : vector<16xf32>
      %add3A_1714 = arith.addf %add3A_1705, %mul3A_1713 : vector<16xf32>
      %slice3A_1715 = vector.extract_strided_slice %div3A_1250 {offsets = [3], sizes = [1], strides = [1]} : vector<16xf32> to vector<1xf32>
      %squeeze3A_1716 = vector.extract %slice3A_1715[0] : f32 from vector<1xf32>
      %get3A_1717 = arith.constant 35 : i32
      %get3A_1718 = arith.index_cast %get3A_1717 : i32 to index
      %get3A_1719 = arith.constant 48 : index
      %get3A_1720 = tpu.vector_load %arg10[%get3A_1718, %get3A_1719] {strides = array<i32>} : memref<128x128xf32, #tpu.memory_space<vmem>>, vector<16xf32>,
      %mul3A_1721 = vector.broadcast %squeeze3A_1716 : f32 to vector<16xf32>
      %mul3A_1722 = arith.mulf %mul3A_1721, %get3A_1720 : vector<16xf32>
      %add3A_1723 = arith.addf %add3A_1714, %mul3A_1722 : vector<16xf32>
      %slice3A_1724 = vector.extract_strided_slice %div3A_1250 {offsets = [4], sizes = [1], strides = [1]} : vector<16xf32> to vector<1xf32>
      %squeeze3A_1725 = vector.extract %slice3A_1724[0] : f32 from vector<1xf32>
      %get3A_1726 = arith.constant 36 : i32
      %get3A_1727 = arith.index_cast %get3A_1726 : i32 to index
      %get3A_1728 = arith.constant 48 : index
      %get3A_1729 = tpu.vector_load %arg10[%get3A_1727, %get3A_1728] {strides = array<i32>} : memref<128x128xf32, #tpu.memory_space<vmem>>, vector<16xf32>,
      %mul3A_1730 = vector.broadcast %squeeze3A_1725 : f32 to vector<16xf32>
      %mul3A_1731 = arith.mulf %mul3A_1730, %get3A_1729 : vector<16xf32>
      %add3A_1732 = arith.addf %add3A_1723, %mul3A_1731 : vector<16xf32>
      %slice3A_1733 = vector.extract_strided_slice %div3A_1250 {offsets = [5], sizes = [1], strides = [1]} : vector<16xf32> to vector<1xf32>
      %squeeze3A_1734 = vector.extract %slice3A_1733[0] : f32 from vector<1xf32>
      %get3A_1735 = arith.constant 37 : i32
      %get3A_1736 = arith.index_cast %get3A_1735 : i32 to index
      %get3A_1737 = arith.constant 48 : index
      %get3A_1738 = tpu.vector_load %arg10[%get3A_1736, %get3A_1737] {strides = array<i32>} : memref<128x128xf32, #tpu.memory_space<vmem>>, vector<16xf32>,
      %mul3A_1739 = vector.broadcast %squeeze3A_1734 : f32 to vector<16xf32>
      %mul3A_1740 = arith.mulf %mul3A_1739, %get3A_1738 : vector<16xf32>
      %add3A_1741 = arith.addf %add3A_1732, %mul3A_1740 : vector<16xf32>
      %slice3A_1742 = vector.extract_strided_slice %div3A_1250 {offsets = [6], sizes = [1], strides = [1]} : vector<16xf32> to vector<1xf32>
      %squeeze3A_1743 = vector.extract %slice3A_1742[0] : f32 from vector<1xf32>
      %get3A_1744 = arith.constant 38 : i32
      %get3A_1745 = arith.index_cast %get3A_1744 : i32 to index
      %get3A_1746 = arith.constant 48 : index
      %get3A_1747 = tpu.vector_load %arg10[%get3A_1745, %get3A_1746] {strides = array<i32>} : memref<128x128xf32, #tpu.memory_space<vmem>>, vector<16xf32>,
      %mul3A_1748 = vector.broadcast %squeeze3A_1743 : f32 to vector<16xf32>
      %mul3A_1749 = arith.mulf %mul3A_1748, %get3A_1747 : vector<16xf32>
      %add3A_1750 = arith.addf %add3A_1741, %mul3A_1749 : vector<16xf32>
      %slice3A_1751 = vector.extract_strided_slice %div3A_1250 {offsets = [7], sizes = [1], strides = [1]} : vector<16xf32> to vector<1xf32>
      %squeeze3A_1752 = vector.extract %slice3A_1751[0] : f32 from vector<1xf32>
      %get3A_1753 = arith.constant 39 : i32
      %get3A_1754 = arith.index_cast %get3A_1753 : i32 to index
      %get3A_1755 = arith.constant 48 : index
      %get3A_1756 = tpu.vector_load %arg10[%get3A_1754, %get3A_1755] {strides = array<i32>} : memref<128x128xf32, #tpu.memory_space<vmem>>, vector<16xf32>,
      %mul3A_1757 = vector.broadcast %squeeze3A_1752 : f32 to vector<16xf32>
      %mul3A_1758 = arith.mulf %mul3A_1757, %get3A_1756 : vector<16xf32>
      %add3A_1759 = arith.addf %add3A_1750, %mul3A_1758 : vector<16xf32>
      %slice3A_1760 = vector.extract_strided_slice %div3A_1250 {offsets = [8], sizes = [1], strides = [1]} : vector<16xf32> to vector<1xf32>
      %squeeze3A_1761 = vector.extract %slice3A_1760[0] : f32 from vector<1xf32>
      %get3A_1762 = arith.constant 40 : i32
      %get3A_1763 = arith.index_cast %get3A_1762 : i32 to index
      %get3A_1764 = arith.constant 48 : index
      %get3A_1765 = tpu.vector_load %arg10[%get3A_1763, %get3A_1764] {strides = array<i32>} : memref<128x128xf32, #tpu.memory_space<vmem>>, vector<16xf32>,
      %mul3A_1766 = vector.broadcast %squeeze3A_1761 : f32 to vector<16xf32>
      %mul3A_1767 = arith.mulf %mul3A_1766, %get3A_1765 : vector<16xf32>
      %add3A_1768 = arith.addf %add3A_1759, %mul3A_1767 : vector<16xf32>
      %slice3A_1769 = vector.extract_strided_slice %div3A_1250 {offsets = [9], sizes = [1], strides = [1]} : vector<16xf32> to vector<1xf32>
      %squeeze3A_1770 = vector.extract %slice3A_1769[0] : f32 from vector<1xf32>
      %get3A_1771 = arith.constant 41 : i32
      %get3A_1772 = arith.index_cast %get3A_1771 : i32 to index
      %get3A_1773 = arith.constant 48 : index
      %get3A_1774 = tpu.vector_load %arg10[%get3A_1772, %get3A_1773] {strides = array<i32>} : memref<128x128xf32, #tpu.memory_space<vmem>>, vector<16xf32>,
      %mul3A_1775 = vector.broadcast %squeeze3A_1770 : f32 to vector<16xf32>
      %mul3A_1776 = arith.mulf %mul3A_1775, %get3A_1774 : vector<16xf32>
      %add3A_1777 = arith.addf %add3A_1768, %mul3A_1776 : vector<16xf32>
      %slice3A_1778 = vector.extract_strided_slice %div3A_1250 {offsets = [10], sizes = [1], strides = [1]} : vector<16xf32> to vector<1xf32>
      %squeeze3A_1779 = vector.extract %slice3A_1778[0] : f32 from vector<1xf32>
      %get3A_1780 = arith.constant 42 : i32
      %get3A_1781 = arith.index_cast %get3A_1780 : i32 to index
      %get3A_1782 = arith.constant 48 : index
      %get3A_1783 = tpu.vector_load %arg10[%get3A_1781, %get3A_1782] {strides = array<i32>} : memref<128x128xf32, #tpu.memory_space<vmem>>, vector<16xf32>,
      %mul3A_1784 = vector.broadcast %squeeze3A_1779 : f32 to vector<16xf32>
      %mul3A_1785 = arith.mulf %mul3A_1784, %get3A_1783 : vector<16xf32>
      %add3A_1786 = arith.addf %add3A_1777, %mul3A_1785 : vector<16xf32>
      %slice3A_1787 = vector.extract_strided_slice %div3A_1250 {offsets = [11], sizes = [1], strides = [1]} : vector<16xf32> to vector<1xf32>
      %squeeze3A_1788 = vector.extract %slice3A_1787[0] : f32 from vector<1xf32>
      %get3A_1789 = arith.constant 43 : i32
      %get3A_1790 = arith.index_cast %get3A_1789 : i32 to index
      %get3A_1791 = arith.constant 48 : index
      %get3A_1792 = tpu.vector_load %arg10[%get3A_1790, %get3A_1791] {strides = array<i32>} : memref<128x128xf32, #tpu.memory_space<vmem>>, vector<16xf32>,
      %mul3A_1793 = vector.broadcast %squeeze3A_1788 : f32 to vector<16xf32>
      %mul3A_1794 = arith.mulf %mul3A_1793, %get3A_1792 : vector<16xf32>
      %add3A_1795 = arith.addf %add3A_1786, %mul3A_1794 : vector<16xf32>
      %slice3A_1796 = vector.extract_strided_slice %div3A_1250 {offsets = [12], sizes = [1], strides = [1]} : vector<16xf32> to vector<1xf32>
      %squeeze3A_1797 = vector.extract %slice3A_1796[0] : f32 from vector<1xf32>
      %get3A_1798 = arith.constant 44 : i32
      %get3A_1799 = arith.index_cast %get3A_1798 : i32 to index
      %get3A_1800 = arith.constant 48 : index
      %get3A_1801 = tpu.vector_load %arg10[%get3A_1799, %get3A_1800] {strides = array<i32>} : memref<128x128xf32, #tpu.memory_space<vmem>>, vector<16xf32>,
      %mul3A_1802 = vector.broadcast %squeeze3A_1797 : f32 to vector<16xf32>
      %mul3A_1803 = arith.mulf %mul3A_1802, %get3A_1801 : vector<16xf32>
      %add3A_1804 = arith.addf %add3A_1795, %mul3A_1803 : vector<16xf32>
      %slice3A_1805 = vector.extract_strided_slice %div3A_1250 {offsets = [13], sizes = [1], strides = [1]} : vector<16xf32> to vector<1xf32>
      %squeeze3A_1806 = vector.extract %slice3A_1805[0] : f32 from vector<1xf32>
      %get3A_1807 = arith.constant 45 : i32
      %get3A_1808 = arith.index_cast %get3A_1807 : i32 to index
      %get3A_1809 = arith.constant 48 : index
      %get3A_1810 = tpu.vector_load %arg10[%get3A_1808, %get3A_1809] {strides = array<i32>} : memref<128x128xf32, #tpu.memory_space<vmem>>, vector<16xf32>,
      %mul3A_1811 = vector.broadcast %squeeze3A_1806 : f32 to vector<16xf32>
      %mul3A_1812 = arith.mulf %mul3A_1811, %get3A_1810 : vector<16xf32>
      %add3A_1813 = arith.addf %add3A_1804, %mul3A_1812 : vector<16xf32>
      %slice3A_1814 = vector.extract_strided_slice %div3A_1250 {offsets = [14], sizes = [1], strides = [1]} : vector<16xf32> to vector<1xf32>
      %squeeze3A_1815 = vector.extract %slice3A_1814[0] : f32 from vector<1xf32>
      %get3A_1816 = arith.constant 46 : i32
      %get3A_1817 = arith.index_cast %get3A_1816 : i32 to index
      %get3A_1818 = arith.constant 48 : index
      %get3A_1819 = tpu.vector_load %arg10[%get3A_1817, %get3A_1818] {strides = array<i32>} : memref<128x128xf32, #tpu.memory_space<vmem>>, vector<16xf32>,
      %mul3A_1820 = vector.broadcast %squeeze3A_1815 : f32 to vector<16xf32>
      %mul3A_1821 = arith.mulf %mul3A_1820, %get3A_1819 : vector<16xf32>
      %add3A_1822 = arith.addf %add3A_1813, %mul3A_1821 : vector<16xf32>
      %slice3A_1823 = vector.extract_strided_slice %div3A_1250 {offsets = [15], sizes = [1], strides = [1]} : vector<16xf32> to vector<1xf32>
      %squeeze3A_1824 = vector.extract %slice3A_1823[0] : f32 from vector<1xf32>
      %get3A_1825 = arith.constant 47 : i32
      %get3A_1826 = arith.index_cast %get3A_1825 : i32 to index
      %get3A_1827 = arith.constant 48 : index
      %get3A_1828 = tpu.vector_load %arg10[%get3A_1826, %get3A_1827] {strides = array<i32>} : memref<128x128xf32, #tpu.memory_space<vmem>>, vector<16xf32>,
      %mul3A_1829 = vector.broadcast %squeeze3A_1824 : f32 to vector<16xf32>
      %mul3A_1830 = arith.mulf %mul3A_1829, %get3A_1828 : vector<16xf32>
      %add3A_1831 = arith.addf %add3A_1822, %mul3A_1830 : vector<16xf32>
      %swap3A_1832 = arith.index_cast %add3A_1230 : i32 to index
      %swap3A_1833 = arith.constant 48 : index
      %swap3A_1834 = tpu.vector_load %arg11[%swap3A_1832, %swap3A_1833] {strides = array<i32>} : memref<512x64xf32, #tpu.memory_space<vmem>>, vector<16xf32>,
      tpu.vector_store %arg11[%swap3A_1832, %swap3A_1833], %add3A_1831 {strides = array<i32>} : memref<512x64xf32, #tpu.memory_space<vmem>>, vector<16xf32>,
      %mul3A_1835 = arith.constant 8 : i32
      %mul3A_1836 = arith.muli %scan3A_8, %mul3A_1835 : i32
      %add3A_1837 = arith.constant 3 : i32
      %add3A_1838 = arith.addi %mul3A_1836, %add3A_1837 : i32
      %get3A_1839 = arith.constant 48 : index
      %get3A_1840 = tpu.vector_load %arg7[%get3A_1839] {strides = array<i32>} : memref<128xi32, #tpu.memory_space<vmem>>, vector<16xi32>,
      %gather3A_1841 = tpu.vector_load_idx %arg9[%get3A_1840] : memref<16384xf32, #tpu.memory_space<vmem>>[vector<16xi32>], vector<16xf32>,
      %slice3A_1842 = vector.extract_strided_slice %get3A_20 {offsets = [3], sizes = [1], strides = [1]} : vector<16xf32> to vector<1xf32>
      %squeeze3A_1843 = vector.extract %slice3A_1842[0] : f32 from vector<1xf32>
      %mul3A_1844 = vector.broadcast %squeeze3A_1843 : f32 to vector<16xf32>
      %mul3A_1845 = arith.mulf %gather3A_1841, %mul3A_1844 : vector<16xf32>
      %reduce_max3A_1846 = arith.constant true
      %reduce_max3A_1847 = vector.broadcast %reduce_max3A_1846 : i1 to vector<16xi1>
      %reduce_max3A_1848 = tpu.scan <max>, %mul3A_1845 masked %reduce_max3A_1847 : vector<16xf32>, vector<16xi1> -> vector<16xf32>
      %reduce_max3A_1849 = vector.extract %reduce_max3A_1848[15] : f32 from vector<16xf32>
      %sub3A_1850 = vector.broadcast %reduce_max3A_1849 : f32 to vector<16xf32>
      %sub3A_1851 = arith.subf %mul3A_1845, %sub3A_1850 : vector<16xf32>
      %exp3A_1852 = math.exp %sub3A_1851 : vector<16xf32>
      %reduce_sum3A_1853 = arith.constant true
      %reduce_sum3A_1854 = vector.broadcast %reduce_sum3A_1853 : i1 to vector<16xi1>
      %reduce_sum3A_1855 = tpu.scan <sum>, %exp3A_1852 masked %reduce_sum3A_1854 : vector<16xf32>, vector<16xi1> -> vector<16xf32>
      %reduce_sum3A_1856 = vector.extract %reduce_sum3A_1855[15] : f32 from vector<16xf32>
      %broadcast_in_dim3A_1857 = vector.broadcast %reduce_sum3A_1856 : f32 to vector<16xf32>
      %div3A_1858 = arith.divf %exp3A_1852, %broadcast_in_dim3A_1857 : vector<16xf32>
      %slice3A_1859 = vector.extract_strided_slice %div3A_1858 {offsets = [0], sizes = [1], strides = [1]} : vector<16xf32> to vector<1xf32>
      %squeeze3A_1860 = vector.extract %slice3A_1859[0] : f32 from vector<1xf32>
      %get3A_1861 = arith.constant 48 : i32
      %get3A_1862 = arith.index_cast %get3A_1861 : i32 to index
      %get3A_1863 = arith.constant 0 : index
      %get3A_1864 = tpu.vector_load %arg10[%get3A_1862, %get3A_1863] {strides = array<i32>} : memref<128x128xf32, #tpu.memory_space<vmem>>, vector<16xf32>,
      %mul3A_1865 = vector.broadcast %squeeze3A_1860 : f32 to vector<16xf32>
      %mul3A_1866 = arith.mulf %mul3A_1865, %get3A_1864 : vector<16xf32>
      %slice3A_1867 = vector.extract_strided_slice %div3A_1858 {offsets = [1], sizes = [1], strides = [1]} : vector<16xf32> to vector<1xf32>
      %squeeze3A_1868 = vector.extract %slice3A_1867[0] : f32 from vector<1xf32>
      %get3A_1869 = arith.constant 49 : i32
      %get3A_1870 = arith.index_cast %get3A_1869 : i32 to index
      %get3A_1871 = arith.constant 0 : index
      %get3A_1872 = tpu.vector_load %arg10[%get3A_1870, %get3A_1871] {strides = array<i32>} : memref<128x128xf32, #tpu.memory_space<vmem>>, vector<16xf32>,
      %mul3A_1873 = vector.broadcast %squeeze3A_1868 : f32 to vector<16xf32>
      %mul3A_1874 = arith.mulf %mul3A_1873, %get3A_1872 : vector<16xf32>
      %add3A_1875 = arith.addf %mul3A_1866, %mul3A_1874 : vector<16xf32>
      %slice3A_1876 = vector.extract_strided_slice %div3A_1858 {offsets = [2], sizes = [1], strides = [1]} : vector<16xf32> to vector<1xf32>
      %squeeze3A_1877 = vector.extract %slice3A_1876[0] : f32 from vector<1xf32>
      %get3A_1878 = arith.constant 50 : i32
      %get3A_1879 = arith.index_cast %get3A_1878 : i32 to index
      %get3A_1880 = arith.constant 0 : index
      %get3A_1881 = tpu.vector_load %arg10[%get3A_1879, %get3A_1880] {strides = array<i32>} : memref<128x128xf32, #tpu.memory_space<vmem>>, vector<16xf32>,
      %mul3A_1882 = vector.broadcast %squeeze3A_1877 : f32 to vector<16xf32>
      %mul3A_1883 = arith.mulf %mul3A_1882, %get3A_1881 : vector<16xf32>
      %add3A_1884 = arith.addf %add3A_1875, %mul3A_1883 : vector<16xf32>
      %slice3A_1885 = vector.extract_strided_slice %div3A_1858 {offsets = [3], sizes = [1], strides = [1]} : vector<16xf32> to vector<1xf32>
      %squeeze3A_1886 = vector.extract %slice3A_1885[0] : f32 from vector<1xf32>
      %get3A_1887 = arith.constant 51 : i32
      %get3A_1888 = arith.index_cast %get3A_1887 : i32 to index
      %get3A_1889 = arith.constant 0 : index
      %get3A_1890 = tpu.vector_load %arg10[%get3A_1888, %get3A_1889] {strides = array<i32>} : memref<128x128xf32, #tpu.memory_space<vmem>>, vector<16xf32>,
      %mul3A_1891 = vector.broadcast %squeeze3A_1886 : f32 to vector<16xf32>
      %mul3A_1892 = arith.mulf %mul3A_1891, %get3A_1890 : vector<16xf32>
      %add3A_1893 = arith.addf %add3A_1884, %mul3A_1892 : vector<16xf32>
      %slice3A_1894 = vector.extract_strided_slice %div3A_1858 {offsets = [4], sizes = [1], strides = [1]} : vector<16xf32> to vector<1xf32>
      %squeeze3A_1895 = vector.extract %slice3A_1894[0] : f32 from vector<1xf32>
      %get3A_1896 = arith.constant 52 : i32
      %get3A_1897 = arith.index_cast %get3A_1896 : i32 to index
      %get3A_1898 = arith.constant 0 : index
      %get3A_1899 = tpu.vector_load %arg10[%get3A_1897, %get3A_1898] {strides = array<i32>} : memref<128x128xf32, #tpu.memory_space<vmem>>, vector<16xf32>,
      %mul3A_1900 = vector.broadcast %squeeze3A_1895 : f32 to vector<16xf32>
      %mul3A_1901 = arith.mulf %mul3A_1900, %get3A_1899 : vector<16xf32>
      %add3A_1902 = arith.addf %add3A_1893, %mul3A_1901 : vector<16xf32>
      %slice3A_1903 = vector.extract_strided_slice %div3A_1858 {offsets = [5], sizes = [1], strides = [1]} : vector<16xf32> to vector<1xf32>
      %squeeze3A_1904 = vector.extract %slice3A_1903[0] : f32 from vector<1xf32>
      %get3A_1905 = arith.constant 53 : i32
      %get3A_1906 = arith.index_cast %get3A_1905 : i32 to index
      %get3A_1907 = arith.constant 0 : index
      %get3A_1908 = tpu.vector_load %arg10[%get3A_1906, %get3A_1907] {strides = array<i32>} : memref<128x128xf32, #tpu.memory_space<vmem>>, vector<16xf32>,
      %mul3A_1909 = vector.broadcast %squeeze3A_1904 : f32 to vector<16xf32>
      %mul3A_1910 = arith.mulf %mul3A_1909, %get3A_1908 : vector<16xf32>
      %add3A_1911 = arith.addf %add3A_1902, %mul3A_1910 : vector<16xf32>
      %slice3A_1912 = vector.extract_strided_slice %div3A_1858 {offsets = [6], sizes = [1], strides = [1]} : vector<16xf32> to vector<1xf32>
      %squeeze3A_1913 = vector.extract %slice3A_1912[0] : f32 from vector<1xf32>
      %get3A_1914 = arith.constant 54 : i32
      %get3A_1915 = arith.index_cast %get3A_1914 : i32 to index
      %get3A_1916 = arith.constant 0 : index
      %get3A_1917 = tpu.vector_load %arg10[%get3A_1915, %get3A_1916] {strides = array<i32>} : memref<128x128xf32, #tpu.memory_space<vmem>>, vector<16xf32>,
      %mul3A_1918 = vector.broadcast %squeeze3A_1913 : f32 to vector<16xf32>
      %mul3A_1919 = arith.mulf %mul3A_1918, %get3A_1917 : vector<16xf32>
      %add3A_1920 = arith.addf %add3A_1911, %mul3A_1919 : vector<16xf32>
      %slice3A_1921 = vector.extract_strided_slice %div3A_1858 {offsets = [7], sizes = [1], strides = [1]} : vector<16xf32> to vector<1xf32>
      %squeeze3A_1922 = vector.extract %slice3A_1921[0] : f32 from vector<1xf32>
      %get3A_1923 = arith.constant 55 : i32
      %get3A_1924 = arith.index_cast %get3A_1923 : i32 to index
      %get3A_1925 = arith.constant 0 : index
      %get3A_1926 = tpu.vector_load %arg10[%get3A_1924, %get3A_1925] {strides = array<i32>} : memref<128x128xf32, #tpu.memory_space<vmem>>, vector<16xf32>,
      %mul3A_1927 = vector.broadcast %squeeze3A_1922 : f32 to vector<16xf32>
      %mul3A_1928 = arith.mulf %mul3A_1927, %get3A_1926 : vector<16xf32>
      %add3A_1929 = arith.addf %add3A_1920, %mul3A_1928 : vector<16xf32>
      %slice3A_1930 = vector.extract_strided_slice %div3A_1858 {offsets = [8], sizes = [1], strides = [1]} : vector<16xf32> to vector<1xf32>
      %squeeze3A_1931 = vector.extract %slice3A_1930[0] : f32 from vector<1xf32>
      %get3A_1932 = arith.constant 56 : i32
      %get3A_1933 = arith.index_cast %get3A_1932 : i32 to index
      %get3A_1934 = arith.constant 0 : index
      %get3A_1935 = tpu.vector_load %arg10[%get3A_1933, %get3A_1934] {strides = array<i32>} : memref<128x128xf32, #tpu.memory_space<vmem>>, vector<16xf32>,
      %mul3A_1936 = vector.broadcast %squeeze3A_1931 : f32 to vector<16xf32>
      %mul3A_1937 = arith.mulf %mul3A_1936, %get3A_1935 : vector<16xf32>
      %add3A_1938 = arith.addf %add3A_1929, %mul3A_1937 : vector<16xf32>
      %slice3A_1939 = vector.extract_strided_slice %div3A_1858 {offsets = [9], sizes = [1], strides = [1]} : vector<16xf32> to vector<1xf32>
      %squeeze3A_1940 = vector.extract %slice3A_1939[0] : f32 from vector<1xf32>
      %get3A_1941 = arith.constant 57 : i32
      %get3A_1942 = arith.index_cast %get3A_1941 : i32 to index
      %get3A_1943 = arith.constant 0 : index
      %get3A_1944 = tpu.vector_load %arg10[%get3A_1942, %get3A_1943] {strides = array<i32>} : memref<128x128xf32, #tpu.memory_space<vmem>>, vector<16xf32>,
      %mul3A_1945 = vector.broadcast %squeeze3A_1940 : f32 to vector<16xf32>
      %mul3A_1946 = arith.mulf %mul3A_1945, %get3A_1944 : vector<16xf32>
      %add3A_1947 = arith.addf %add3A_1938, %mul3A_1946 : vector<16xf32>
      %slice3A_1948 = vector.extract_strided_slice %div3A_1858 {offsets = [10], sizes = [1], strides = [1]} : vector<16xf32> to vector<1xf32>
      %squeeze3A_1949 = vector.extract %slice3A_1948[0] : f32 from vector<1xf32>
      %get3A_1950 = arith.constant 58 : i32
      %get3A_1951 = arith.index_cast %get3A_1950 : i32 to index
      %get3A_1952 = arith.constant 0 : index
      %get3A_1953 = tpu.vector_load %arg10[%get3A_1951, %get3A_1952] {strides = array<i32>} : memref<128x128xf32, #tpu.memory_space<vmem>>, vector<16xf32>,
      %mul3A_1954 = vector.broadcast %squeeze3A_1949 : f32 to vector<16xf32>
      %mul3A_1955 = arith.mulf %mul3A_1954, %get3A_1953 : vector<16xf32>
      %add3A_1956 = arith.addf %add3A_1947, %mul3A_1955 : vector<16xf32>
      %slice3A_1957 = vector.extract_strided_slice %div3A_1858 {offsets = [11], sizes = [1], strides = [1]} : vector<16xf32> to vector<1xf32>
      %squeeze3A_1958 = vector.extract %slice3A_1957[0] : f32 from vector<1xf32>
      %get3A_1959 = arith.constant 59 : i32
      %get3A_1960 = arith.index_cast %get3A_1959 : i32 to index
      %get3A_1961 = arith.constant 0 : index
      %get3A_1962 = tpu.vector_load %arg10[%get3A_1960, %get3A_1961] {strides = array<i32>} : memref<128x128xf32, #tpu.memory_space<vmem>>, vector<16xf32>,
      %mul3A_1963 = vector.broadcast %squeeze3A_1958 : f32 to vector<16xf32>
      %mul3A_1964 = arith.mulf %mul3A_1963, %get3A_1962 : vector<16xf32>
      %add3A_1965 = arith.addf %add3A_1956, %mul3A_1964 : vector<16xf32>
      %slice3A_1966 = vector.extract_strided_slice %div3A_1858 {offsets = [12], sizes = [1], strides = [1]} : vector<16xf32> to vector<1xf32>
      %squeeze3A_1967 = vector.extract %slice3A_1966[0] : f32 from vector<1xf32>
      %get3A_1968 = arith.constant 60 : i32
      %get3A_1969 = arith.index_cast %get3A_1968 : i32 to index
      %get3A_1970 = arith.constant 0 : index
      %get3A_1971 = tpu.vector_load %arg10[%get3A_1969, %get3A_1970] {strides = array<i32>} : memref<128x128xf32, #tpu.memory_space<vmem>>, vector<16xf32>,
      %mul3A_1972 = vector.broadcast %squeeze3A_1967 : f32 to vector<16xf32>
      %mul3A_1973 = arith.mulf %mul3A_1972, %get3A_1971 : vector<16xf32>
      %add3A_1974 = arith.addf %add3A_1965, %mul3A_1973 : vector<16xf32>
      %slice3A_1975 = vector.extract_strided_slice %div3A_1858 {offsets = [13], sizes = [1], strides = [1]} : vector<16xf32> to vector<1xf32>
      %squeeze3A_1976 = vector.extract %slice3A_1975[0] : f32 from vector<1xf32>
      %get3A_1977 = arith.constant 61 : i32
      %get3A_1978 = arith.index_cast %get3A_1977 : i32 to index
      %get3A_1979 = arith.constant 0 : index
      %get3A_1980 = tpu.vector_load %arg10[%get3A_1978, %get3A_1979] {strides = array<i32>} : memref<128x128xf32, #tpu.memory_space<vmem>>, vector<16xf32>,
      %mul3A_1981 = vector.broadcast %squeeze3A_1976 : f32 to vector<16xf32>
      %mul3A_1982 = arith.mulf %mul3A_1981, %get3A_1980 : vector<16xf32>
      %add3A_1983 = arith.addf %add3A_1974, %mul3A_1982 : vector<16xf32>
      %slice3A_1984 = vector.extract_strided_slice %div3A_1858 {offsets = [14], sizes = [1], strides = [1]} : vector<16xf32> to vector<1xf32>
      %squeeze3A_1985 = vector.extract %slice3A_1984[0] : f32 from vector<1xf32>
      %get3A_1986 = arith.constant 62 : i32
      %get3A_1987 = arith.index_cast %get3A_1986 : i32 to index
      %get3A_1988 = arith.constant 0 : index
      %get3A_1989 = tpu.vector_load %arg10[%get3A_1987, %get3A_1988] {strides = array<i32>} : memref<128x128xf32, #tpu.memory_space<vmem>>, vector<16xf32>,
      %mul3A_1990 = vector.broadcast %squeeze3A_1985 : f32 to vector<16xf32>
      %mul3A_1991 = arith.mulf %mul3A_1990, %get3A_1989 : vector<16xf32>
      %add3A_1992 = arith.addf %add3A_1983, %mul3A_1991 : vector<16xf32>
      %slice3A_1993 = vector.extract_strided_slice %div3A_1858 {offsets = [15], sizes = [1], strides = [1]} : vector<16xf32> to vector<1xf32>
      %squeeze3A_1994 = vector.extract %slice3A_1993[0] : f32 from vector<1xf32>
      %get3A_1995 = arith.constant 63 : i32
      %get3A_1996 = arith.index_cast %get3A_1995 : i32 to index
      %get3A_1997 = arith.constant 0 : index
      %get3A_1998 = tpu.vector_load %arg10[%get3A_1996, %get3A_1997] {strides = array<i32>} : memref<128x128xf32, #tpu.memory_space<vmem>>, vector<16xf32>,
      %mul3A_1999 = vector.broadcast %squeeze3A_1994 : f32 to vector<16xf32>
      %mul3A_2000 = arith.mulf %mul3A_1999, %get3A_1998 : vector<16xf32>
      %add3A_2001 = arith.addf %add3A_1992, %mul3A_2000 : vector<16xf32>
      %swap3A_2002 = arith.index_cast %add3A_1838 : i32 to index
      %swap3A_2003 = arith.constant 0 : index
      %swap3A_2004 = tpu.vector_load %arg11[%swap3A_2002, %swap3A_2003] {strides = array<i32>} : memref<512x64xf32, #tpu.memory_space<vmem>>, vector<16xf32>,
      tpu.vector_store %arg11[%swap3A_2002, %swap3A_2003], %add3A_2001 {strides = array<i32>} : memref<512x64xf32, #tpu.memory_space<vmem>>, vector<16xf32>,
      %slice3A_2005 = vector.extract_strided_slice %div3A_1858 {offsets = [0], sizes = [1], strides = [1]} : vector<16xf32> to vector<1xf32>
      %squeeze3A_2006 = vector.extract %slice3A_2005[0] : f32 from vector<1xf32>
      %get3A_2007 = arith.constant 48 : i32
      %get3A_2008 = arith.index_cast %get3A_2007 : i32 to index
      %get3A_2009 = arith.constant 16 : index
      %get3A_2010 = tpu.vector_load %arg10[%get3A_2008, %get3A_2009] {strides = array<i32>} : memref<128x128xf32, #tpu.memory_space<vmem>>, vector<16xf32>,
      %mul3A_2011 = vector.broadcast %squeeze3A_2006 : f32 to vector<16xf32>
      %mul3A_2012 = arith.mulf %mul3A_2011, %get3A_2010 : vector<16xf32>
      %slice3A_2013 = vector.extract_strided_slice %div3A_1858 {offsets = [1], sizes = [1], strides = [1]} : vector<16xf32> to vector<1xf32>
      %squeeze3A_2014 = vector.extract %slice3A_2013[0] : f32 from vector<1xf32>
      %get3A_2015 = arith.constant 49 : i32
      %get3A_2016 = arith.index_cast %get3A_2015 : i32 to index
      %get3A_2017 = arith.constant 16 : index
      %get3A_2018 = tpu.vector_load %arg10[%get3A_2016, %get3A_2017] {strides = array<i32>} : memref<128x128xf32, #tpu.memory_space<vmem>>, vector<16xf32>,
      %mul3A_2019 = vector.broadcast %squeeze3A_2014 : f32 to vector<16xf32>
      %mul3A_2020 = arith.mulf %mul3A_2019, %get3A_2018 : vector<16xf32>
      %add3A_2021 = arith.addf %mul3A_2012, %mul3A_2020 : vector<16xf32>
      %slice3A_2022 = vector.extract_strided_slice %div3A_1858 {offsets = [2], sizes = [1], strides = [1]} : vector<16xf32> to vector<1xf32>
      %squeeze3A_2023 = vector.extract %slice3A_2022[0] : f32 from vector<1xf32>
      %get3A_2024 = arith.constant 50 : i32
      %get3A_2025 = arith.index_cast %get3A_2024 : i32 to index
      %get3A_2026 = arith.constant 16 : index
      %get3A_2027 = tpu.vector_load %arg10[%get3A_2025, %get3A_2026] {strides = array<i32>} : memref<128x128xf32, #tpu.memory_space<vmem>>, vector<16xf32>,
      %mul3A_2028 = vector.broadcast %squeeze3A_2023 : f32 to vector<16xf32>
      %mul3A_2029 = arith.mulf %mul3A_2028, %get3A_2027 : vector<16xf32>
      %add3A_2030 = arith.addf %add3A_2021, %mul3A_2029 : vector<16xf32>
      %slice3A_2031 = vector.extract_strided_slice %div3A_1858 {offsets = [3], sizes = [1], strides = [1]} : vector<16xf32> to vector<1xf32>
      %squeeze3A_2032 = vector.extract %slice3A_2031[0] : f32 from vector<1xf32>
      %get3A_2033 = arith.constant 51 : i32
      %get3A_2034 = arith.index_cast %get3A_2033 : i32 to index
      %get3A_2035 = arith.constant 16 : index
      %get3A_2036 = tpu.vector_load %arg10[%get3A_2034, %get3A_2035] {strides = array<i32>} : memref<128x128xf32, #tpu.memory_space<vmem>>, vector<16xf32>,
      %mul3A_2037 = vector.broadcast %squeeze3A_2032 : f32 to vector<16xf32>
      %mul3A_2038 = arith.mulf %mul3A_2037, %get3A_2036 : vector<16xf32>
      %add3A_2039 = arith.addf %add3A_2030, %mul3A_2038 : vector<16xf32>
      %slice3A_2040 = vector.extract_strided_slice %div3A_1858 {offsets = [4], sizes = [1], strides = [1]} : vector<16xf32> to vector<1xf32>
      %squeeze3A_2041 = vector.extract %slice3A_2040[0] : f32 from vector<1xf32>
      %get3A_2042 = arith.constant 52 : i32
      %get3A_2043 = arith.index_cast %get3A_2042 : i32 to index
      %get3A_2044 = arith.constant 16 : index
      %get3A_2045 = tpu.vector_load %arg10[%get3A_2043, %get3A_2044] {strides = array<i32>} : memref<128x128xf32, #tpu.memory_space<vmem>>, vector<16xf32>,
      %mul3A_2046 = vector.broadcast %squeeze3A_2041 : f32 to vector<16xf32>
      %mul3A_2047 = arith.mulf %mul3A_2046, %get3A_2045 : vector<16xf32>
      %add3A_2048 = arith.addf %add3A_2039, %mul3A_2047 : vector<16xf32>
      %slice3A_2049 = vector.extract_strided_slice %div3A_1858 {offsets = [5], sizes = [1], strides = [1]} : vector<16xf32> to vector<1xf32>
      %squeeze3A_2050 = vector.extract %slice3A_2049[0] : f32 from vector<1xf32>
      %get3A_2051 = arith.constant 53 : i32
      %get3A_2052 = arith.index_cast %get3A_2051 : i32 to index
      %get3A_2053 = arith.constant 16 : index
      %get3A_2054 = tpu.vector_load %arg10[%get3A_2052, %get3A_2053] {strides = array<i32>} : memref<128x128xf32, #tpu.memory_space<vmem>>, vector<16xf32>,
      %mul3A_2055 = vector.broadcast %squeeze3A_2050 : f32 to vector<16xf32>
      %mul3A_2056 = arith.mulf %mul3A_2055, %get3A_2054 : vector<16xf32>
      %add3A_2057 = arith.addf %add3A_2048, %mul3A_2056 : vector<16xf32>
      %slice3A_2058 = vector.extract_strided_slice %div3A_1858 {offsets = [6], sizes = [1], strides = [1]} : vector<16xf32> to vector<1xf32>
      %squeeze3A_2059 = vector.extract %slice3A_2058[0] : f32 from vector<1xf32>
      %get3A_2060 = arith.constant 54 : i32
      %get3A_2061 = arith.index_cast %get3A_2060 : i32 to index
      %get3A_2062 = arith.constant 16 : index
      %get3A_2063 = tpu.vector_load %arg10[%get3A_2061, %get3A_2062] {strides = array<i32>} : memref<128x128xf32, #tpu.memory_space<vmem>>, vector<16xf32>,
      %mul3A_2064 = vector.broadcast %squeeze3A_2059 : f32 to vector<16xf32>
      %mul3A_2065 = arith.mulf %mul3A_2064, %get3A_2063 : vector<16xf32>
      %add3A_2066 = arith.addf %add3A_2057, %mul3A_2065 : vector<16xf32>
      %slice3A_2067 = vector.extract_strided_slice %div3A_1858 {offsets = [7], sizes = [1], strides = [1]} : vector<16xf32> to vector<1xf32>
      %squeeze3A_2068 = vector.extract %slice3A_2067[0] : f32 from vector<1xf32>
      %get3A_2069 = arith.constant 55 : i32
      %get3A_2070 = arith.index_cast %get3A_2069 : i32 to index
      %get3A_2071 = arith.constant 16 : index
      %get3A_2072 = tpu.vector_load %arg10[%get3A_2070, %get3A_2071] {strides = array<i32>} : memref<128x128xf32, #tpu.memory_space<vmem>>, vector<16xf32>,
      %mul3A_2073 = vector.broadcast %squeeze3A_2068 : f32 to vector<16xf32>
      %mul3A_2074 = arith.mulf %mul3A_2073, %get3A_2072 : vector<16xf32>
      %add3A_2075 = arith.addf %add3A_2066, %mul3A_2074 : vector<16xf32>
      %slice3A_2076 = vector.extract_strided_slice %div3A_1858 {offsets = [8], sizes = [1], strides = [1]} : vector<16xf32> to vector<1xf32>
      %squeeze3A_2077 = vector.extract %slice3A_2076[0] : f32 from vector<1xf32>
      %get3A_2078 = arith.constant 56 : i32
      %get3A_2079 = arith.index_cast %get3A_2078 : i32 to index
      %get3A_2080 = arith.constant 16 : index
      %get3A_2081 = tpu.vector_load %arg10[%get3A_2079, %get3A_2080] {strides = array<i32>} : memref<128x128xf32, #tpu.memory_space<vmem>>, vector<16xf32>,
      %mul3A_2082 = vector.broadcast %squeeze3A_2077 : f32 to vector<16xf32>
      %mul3A_2083 = arith.mulf %mul3A_2082, %get3A_2081 : vector<16xf32>
      %add3A_2084 = arith.addf %add3A_2075, %mul3A_2083 : vector<16xf32>
      %slice3A_2085 = vector.extract_strided_slice %div3A_1858 {offsets = [9], sizes = [1], strides = [1]} : vector<16xf32> to vector<1xf32>
      %squeeze3A_2086 = vector.extract %slice3A_2085[0] : f32 from vector<1xf32>
      %get3A_2087 = arith.constant 57 : i32
      %get3A_2088 = arith.index_cast %get3A_2087 : i32 to index
      %get3A_2089 = arith.constant 16 : index
      %get3A_2090 = tpu.vector_load %arg10[%get3A_2088, %get3A_2089] {strides = array<i32>} : memref<128x128xf32, #tpu.memory_space<vmem>>, vector<16xf32>,
      %mul3A_2091 = vector.broadcast %squeeze3A_2086 : f32 to vector<16xf32>
      %mul3A_2092 = arith.mulf %mul3A_2091, %get3A_2090 : vector<16xf32>
      %add3A_2093 = arith.addf %add3A_2084, %mul3A_2092 : vector<16xf32>
      %slice3A_2094 = vector.extract_strided_slice %div3A_1858 {offsets = [10], sizes = [1], strides = [1]} : vector<16xf32> to vector<1xf32>
      %squeeze3A_2095 = vector.extract %slice3A_2094[0] : f32 from vector<1xf32>
      %get3A_2096 = arith.constant 58 : i32
      %get3A_2097 = arith.index_cast %get3A_2096 : i32 to index
      %get3A_2098 = arith.constant 16 : index
      %get3A_2099 = tpu.vector_load %arg10[%get3A_2097, %get3A_2098] {strides = array<i32>} : memref<128x128xf32, #tpu.memory_space<vmem>>, vector<16xf32>,
      %mul3A_2100 = vector.broadcast %squeeze3A_2095 : f32 to vector<16xf32>
      %mul3A_2101 = arith.mulf %mul3A_2100, %get3A_2099 : vector<16xf32>
      %add3A_2102 = arith.addf %add3A_2093, %mul3A_2101 : vector<16xf32>
      %slice3A_2103 = vector.extract_strided_slice %div3A_1858 {offsets = [11], sizes = [1], strides = [1]} : vector<16xf32> to vector<1xf32>
      %squeeze3A_2104 = vector.extract %slice3A_2103[0] : f32 from vector<1xf32>
      %get3A_2105 = arith.constant 59 : i32
      %get3A_2106 = arith.index_cast %get3A_2105 : i32 to index
      %get3A_2107 = arith.constant 16 : index
      %get3A_2108 = tpu.vector_load %arg10[%get3A_2106, %get3A_2107] {strides = array<i32>} : memref<128x128xf32, #tpu.memory_space<vmem>>, vector<16xf32>,
      %mul3A_2109 = vector.broadcast %squeeze3A_2104 : f32 to vector<16xf32>
      %mul3A_2110 = arith.mulf %mul3A_2109, %get3A_2108 : vector<16xf32>
      %add3A_2111 = arith.addf %add3A_2102, %mul3A_2110 : vector<16xf32>
      %slice3A_2112 = vector.extract_strided_slice %div3A_1858 {offsets = [12], sizes = [1], strides = [1]} : vector<16xf32> to vector<1xf32>
      %squeeze3A_2113 = vector.extract %slice3A_2112[0] : f32 from vector<1xf32>
      %get3A_2114 = arith.constant 60 : i32
      %get3A_2115 = arith.index_cast %get3A_2114 : i32 to index
      %get3A_2116 = arith.constant 16 : index
      %get3A_2117 = tpu.vector_load %arg10[%get3A_2115, %get3A_2116] {strides = array<i32>} : memref<128x128xf32, #tpu.memory_space<vmem>>, vector<16xf32>,
      %mul3A_2118 = vector.broadcast %squeeze3A_2113 : f32 to vector<16xf32>
      %mul3A_2119 = arith.mulf %mul3A_2118, %get3A_2117 : vector<16xf32>
      %add3A_2120 = arith.addf %add3A_2111, %mul3A_2119 : vector<16xf32>
      %slice3A_2121 = vector.extract_strided_slice %div3A_1858 {offsets = [13], sizes = [1], strides = [1]} : vector<16xf32> to vector<1xf32>
      %squeeze3A_2122 = vector.extract %slice3A_2121[0] : f32 from vector<1xf32>
      %get3A_2123 = arith.constant 61 : i32
      %get3A_2124 = arith.index_cast %get3A_2123 : i32 to index
      %get3A_2125 = arith.constant 16 : index
      %get3A_2126 = tpu.vector_load %arg10[%get3A_2124, %get3A_2125] {strides = array<i32>} : memref<128x128xf32, #tpu.memory_space<vmem>>, vector<16xf32>,
      %mul3A_2127 = vector.broadcast %squeeze3A_2122 : f32 to vector<16xf32>
      %mul3A_2128 = arith.mulf %mul3A_2127, %get3A_2126 : vector<16xf32>
      %add3A_2129 = arith.addf %add3A_2120, %mul3A_2128 : vector<16xf32>
      %slice3A_2130 = vector.extract_strided_slice %div3A_1858 {offsets = [14], sizes = [1], strides = [1]} : vector<16xf32> to vector<1xf32>
      %squeeze3A_2131 = vector.extract %slice3A_2130[0] : f32 from vector<1xf32>
      %get3A_2132 = arith.constant 62 : i32
      %get3A_2133 = arith.index_cast %get3A_2132 : i32 to index
      %get3A_2134 = arith.constant 16 : index
      %get3A_2135 = tpu.vector_load %arg10[%get3A_2133, %get3A_2134] {strides = array<i32>} : memref<128x128xf32, #tpu.memory_space<vmem>>, vector<16xf32>,
      %mul3A_2136 = vector.broadcast %squeeze3A_2131 : f32 to vector<16xf32>
      %mul3A_2137 = arith.mulf %mul3A_2136, %get3A_2135 : vector<16xf32>
      %add3A_2138 = arith.addf %add3A_2129, %mul3A_2137 : vector<16xf32>
      %slice3A_2139 = vector.extract_strided_slice %div3A_1858 {offsets = [15], sizes = [1], strides = [1]} : vector<16xf32> to vector<1xf32>
      %squeeze3A_2140 = vector.extract %slice3A_2139[0] : f32 from vector<1xf32>
      %get3A_2141 = arith.constant 63 : i32
      %get3A_2142 = arith.index_cast %get3A_2141 : i32 to index
      %get3A_2143 = arith.constant 16 : index
      %get3A_2144 = tpu.vector_load %arg10[%get3A_2142, %get3A_2143] {strides = array<i32>} : memref<128x128xf32, #tpu.memory_space<vmem>>, vector<16xf32>,
      %mul3A_2145 = vector.broadcast %squeeze3A_2140 : f32 to vector<16xf32>
      %mul3A_2146 = arith.mulf %mul3A_2145, %get3A_2144 : vector<16xf32>
      %add3A_2147 = arith.addf %add3A_2138, %mul3A_2146 : vector<16xf32>
      %swap3A_2148 = arith.index_cast %add3A_1838 : i32 to index
      %swap3A_2149 = arith.constant 16 : index
      %swap3A_2150 = tpu.vector_load %arg11[%swap3A_2148, %swap3A_2149] {strides = array<i32>} : memref<512x64xf32, #tpu.memory_space<vmem>>, vector<16xf32>,
      tpu.vector_store %arg11[%swap3A_2148, %swap3A_2149], %add3A_2147 {strides = array<i32>} : memref<512x64xf32, #tpu.memory_space<vmem>>, vector<16xf32>,
      %slice3A_2151 = vector.extract_strided_slice %div3A_1858 {offsets = [0], sizes = [1], strides = [1]} : vector<16xf32> to vector<1xf32>
      %squeeze3A_2152 = vector.extract %slice3A_2151[0] : f32 from vector<1xf32>
      %get3A_2153 = arith.constant 48 : i32
      %get3A_2154 = arith.index_cast %get3A_2153 : i32 to index
      %get3A_2155 = arith.constant 32 : index
      %get3A_2156 = tpu.vector_load %arg10[%get3A_2154, %get3A_2155] {strides = array<i32>} : memref<128x128xf32, #tpu.memory_space<vmem>>, vector<16xf32>,
      %mul3A_2157 = vector.broadcast %squeeze3A_2152 : f32 to vector<16xf32>
      %mul3A_2158 = arith.mulf %mul3A_2157, %get3A_2156 : vector<16xf32>
      %slice3A_2159 = vector.extract_strided_slice %div3A_1858 {offsets = [1], sizes = [1], strides = [1]} : vector<16xf32> to vector<1xf32>
      %squeeze3A_2160 = vector.extract %slice3A_2159[0] : f32 from vector<1xf32>
      %get3A_2161 = arith.constant 49 : i32
      %get3A_2162 = arith.index_cast %get3A_2161 : i32 to index
      %get3A_2163 = arith.constant 32 : index
      %get3A_2164 = tpu.vector_load %arg10[%get3A_2162, %get3A_2163] {strides = array<i32>} : memref<128x128xf32, #tpu.memory_space<vmem>>, vector<16xf32>,
      %mul3A_2165 = vector.broadcast %squeeze3A_2160 : f32 to vector<16xf32>
      %mul3A_2166 = arith.mulf %mul3A_2165, %get3A_2164 : vector<16xf32>
      %add3A_2167 = arith.addf %mul3A_2158, %mul3A_2166 : vector<16xf32>
      %slice3A_2168 = vector.extract_strided_slice %div3A_1858 {offsets = [2], sizes = [1], strides = [1]} : vector<16xf32> to vector<1xf32>
      %squeeze3A_2169 = vector.extract %slice3A_2168[0] : f32 from vector<1xf32>
      %get3A_2170 = arith.constant 50 : i32
      %get3A_2171 = arith.index_cast %get3A_2170 : i32 to index
      %get3A_2172 = arith.constant 32 : index
      %get3A_2173 = tpu.vector_load %arg10[%get3A_2171, %get3A_2172] {strides = array<i32>} : memref<128x128xf32, #tpu.memory_space<vmem>>, vector<16xf32>,
      %mul3A_2174 = vector.broadcast %squeeze3A_2169 : f32 to vector<16xf32>
      %mul3A_2175 = arith.mulf %mul3A_2174, %get3A_2173 : vector<16xf32>
      %add3A_2176 = arith.addf %add3A_2167, %mul3A_2175 : vector<16xf32>
      %slice3A_2177 = vector.extract_strided_slice %div3A_1858 {offsets = [3], sizes = [1], strides = [1]} : vector<16xf32> to vector<1xf32>
      %squeeze3A_2178 = vector.extract %slice3A_2177[0] : f32 from vector<1xf32>
      %get3A_2179 = arith.constant 51 : i32
      %get3A_2180 = arith.index_cast %get3A_2179 : i32 to index
      %get3A_2181 = arith.constant 32 : index
      %get3A_2182 = tpu.vector_load %arg10[%get3A_2180, %get3A_2181] {strides = array<i32>} : memref<128x128xf32, #tpu.memory_space<vmem>>, vector<16xf32>,
      %mul3A_2183 = vector.broadcast %squeeze3A_2178 : f32 to vector<16xf32>
      %mul3A_2184 = arith.mulf %mul3A_2183, %get3A_2182 : vector<16xf32>
      %add3A_2185 = arith.addf %add3A_2176, %mul3A_2184 : vector<16xf32>
      %slice3A_2186 = vector.extract_strided_slice %div3A_1858 {offsets = [4], sizes = [1], strides = [1]} : vector<16xf32> to vector<1xf32>
      %squeeze3A_2187 = vector.extract %slice3A_2186[0] : f32 from vector<1xf32>
      %get3A_2188 = arith.constant 52 : i32
      %get3A_2189 = arith.index_cast %get3A_2188 : i32 to index
      %get3A_2190 = arith.constant 32 : index
      %get3A_2191 = tpu.vector_load %arg10[%get3A_2189, %get3A_2190] {strides = array<i32>} : memref<128x128xf32, #tpu.memory_space<vmem>>, vector<16xf32>,
      %mul3A_2192 = vector.broadcast %squeeze3A_2187 : f32 to vector<16xf32>
      %mul3A_2193 = arith.mulf %mul3A_2192, %get3A_2191 : vector<16xf32>
      %add3A_2194 = arith.addf %add3A_2185, %mul3A_2193 : vector<16xf32>
      %slice3A_2195 = vector.extract_strided_slice %div3A_1858 {offsets = [5], sizes = [1], strides = [1]} : vector<16xf32> to vector<1xf32>
      %squeeze3A_2196 = vector.extract %slice3A_2195[0] : f32 from vector<1xf32>
      %get3A_2197 = arith.constant 53 : i32
      %get3A_2198 = arith.index_cast %get3A_2197 : i32 to index
      %get3A_2199 = arith.constant 32 : index
      %get3A_2200 = tpu.vector_load %arg10[%get3A_2198, %get3A_2199] {strides = array<i32>} : memref<128x128xf32, #tpu.memory_space<vmem>>, vector<16xf32>,
      %mul3A_2201 = vector.broadcast %squeeze3A_2196 : f32 to vector<16xf32>
      %mul3A_2202 = arith.mulf %mul3A_2201, %get3A_2200 : vector<16xf32>
      %add3A_2203 = arith.addf %add3A_2194, %mul3A_2202 : vector<16xf32>
      %slice3A_2204 = vector.extract_strided_slice %div3A_1858 {offsets = [6], sizes = [1], strides = [1]} : vector<16xf32> to vector<1xf32>
      %squeeze3A_2205 = vector.extract %slice3A_2204[0] : f32 from vector<1xf32>
      %get3A_2206 = arith.constant 54 : i32
      %get3A_2207 = arith.index_cast %get3A_2206 : i32 to index
      %get3A_2208 = arith.constant 32 : index
      %get3A_2209 = tpu.vector_load %arg10[%get3A_2207, %get3A_2208] {strides = array<i32>} : memref<128x128xf32, #tpu.memory_space<vmem>>, vector<16xf32>,
      %mul3A_2210 = vector.broadcast %squeeze3A_2205 : f32 to vector<16xf32>
      %mul3A_2211 = arith.mulf %mul3A_2210, %get3A_2209 : vector<16xf32>
      %add3A_2212 = arith.addf %add3A_2203, %mul3A_2211 : vector<16xf32>
      %slice3A_2213 = vector.extract_strided_slice %div3A_1858 {offsets = [7], sizes = [1], strides = [1]} : vector<16xf32> to vector<1xf32>
      %squeeze3A_2214 = vector.extract %slice3A_2213[0] : f32 from vector<1xf32>
      %get3A_2215 = arith.constant 55 : i32
      %get3A_2216 = arith.index_cast %get3A_2215 : i32 to index
      %get3A_2217 = arith.constant 32 : index
      %get3A_2218 = tpu.vector_load %arg10[%get3A_2216, %get3A_2217] {strides = array<i32>} : memref<128x128xf32, #tpu.memory_space<vmem>>, vector<16xf32>,
      %mul3A_2219 = vector.broadcast %squeeze3A_2214 : f32 to vector<16xf32>
      %mul3A_2220 = arith.mulf %mul3A_2219, %get3A_2218 : vector<16xf32>
      %add3A_2221 = arith.addf %add3A_2212, %mul3A_2220 : vector<16xf32>
      %slice3A_2222 = vector.extract_strided_slice %div3A_1858 {offsets = [8], sizes = [1], strides = [1]} : vector<16xf32> to vector<1xf32>
      %squeeze3A_2223 = vector.extract %slice3A_2222[0] : f32 from vector<1xf32>
      %get3A_2224 = arith.constant 56 : i32
      %get3A_2225 = arith.index_cast %get3A_2224 : i32 to index
      %get3A_2226 = arith.constant 32 : index
      %get3A_2227 = tpu.vector_load %arg10[%get3A_2225, %get3A_2226] {strides = array<i32>} : memref<128x128xf32, #tpu.memory_space<vmem>>, vector<16xf32>,
      %mul3A_2228 = vector.broadcast %squeeze3A_2223 : f32 to vector<16xf32>
      %mul3A_2229 = arith.mulf %mul3A_2228, %get3A_2227 : vector<16xf32>
      %add3A_2230 = arith.addf %add3A_2221, %mul3A_2229 : vector<16xf32>
      %slice3A_2231 = vector.extract_strided_slice %div3A_1858 {offsets = [9], sizes = [1], strides = [1]} : vector<16xf32> to vector<1xf32>
      %squeeze3A_2232 = vector.extract %slice3A_2231[0] : f32 from vector<1xf32>
      %get3A_2233 = arith.constant 57 : i32
      %get3A_2234 = arith.index_cast %get3A_2233 : i32 to index
      %get3A_2235 = arith.constant 32 : index
      %get3A_2236 = tpu.vector_load %arg10[%get3A_2234, %get3A_2235] {strides = array<i32>} : memref<128x128xf32, #tpu.memory_space<vmem>>, vector<16xf32>,
      %mul3A_2237 = vector.broadcast %squeeze3A_2232 : f32 to vector<16xf32>
      %mul3A_2238 = arith.mulf %mul3A_2237, %get3A_2236 : vector<16xf32>
      %add3A_2239 = arith.addf %add3A_2230, %mul3A_2238 : vector<16xf32>
      %slice3A_2240 = vector.extract_strided_slice %div3A_1858 {offsets = [10], sizes = [1], strides = [1]} : vector<16xf32> to vector<1xf32>
      %squeeze3A_2241 = vector.extract %slice3A_2240[0] : f32 from vector<1xf32>
      %get3A_2242 = arith.constant 58 : i32
      %get3A_2243 = arith.index_cast %get3A_2242 : i32 to index
      %get3A_2244 = arith.constant 32 : index
      %get3A_2245 = tpu.vector_load %arg10[%get3A_2243, %get3A_2244] {strides = array<i32>} : memref<128x128xf32, #tpu.memory_space<vmem>>, vector<16xf32>,
      %mul3A_2246 = vector.broadcast %squeeze3A_2241 : f32 to vector<16xf32>
      %mul3A_2247 = arith.mulf %mul3A_2246, %get3A_2245 : vector<16xf32>
      %add3A_2248 = arith.addf %add3A_2239, %mul3A_2247 : vector<16xf32>
      %slice3A_2249 = vector.extract_strided_slice %div3A_1858 {offsets = [11], sizes = [1], strides = [1]} : vector<16xf32> to vector<1xf32>
      %squeeze3A_2250 = vector.extract %slice3A_2249[0] : f32 from vector<1xf32>
      %get3A_2251 = arith.constant 59 : i32
      %get3A_2252 = arith.index_cast %get3A_2251 : i32 to index
      %get3A_2253 = arith.constant 32 : index
      %get3A_2254 = tpu.vector_load %arg10[%get3A_2252, %get3A_2253] {strides = array<i32>} : memref<128x128xf32, #tpu.memory_space<vmem>>, vector<16xf32>,
      %mul3A_2255 = vector.broadcast %squeeze3A_2250 : f32 to vector<16xf32>
      %mul3A_2256 = arith.mulf %mul3A_2255, %get3A_2254 : vector<16xf32>
      %add3A_2257 = arith.addf %add3A_2248, %mul3A_2256 : vector<16xf32>
      %slice3A_2258 = vector.extract_strided_slice %div3A_1858 {offsets = [12], sizes = [1], strides = [1]} : vector<16xf32> to vector<1xf32>
      %squeeze3A_2259 = vector.extract %slice3A_2258[0] : f32 from vector<1xf32>
      %get3A_2260 = arith.constant 60 : i32
      %get3A_2261 = arith.index_cast %get3A_2260 : i32 to index
      %get3A_2262 = arith.constant 32 : index
      %get3A_2263 = tpu.vector_load %arg10[%get3A_2261, %get3A_2262] {strides = array<i32>} : memref<128x128xf32, #tpu.memory_space<vmem>>, vector<16xf32>,
      %mul3A_2264 = vector.broadcast %squeeze3A_2259 : f32 to vector<16xf32>
      %mul3A_2265 = arith.mulf %mul3A_2264, %get3A_2263 : vector<16xf32>
      %add3A_2266 = arith.addf %add3A_2257, %mul3A_2265 : vector<16xf32>
      %slice3A_2267 = vector.extract_strided_slice %div3A_1858 {offsets = [13], sizes = [1], strides = [1]} : vector<16xf32> to vector<1xf32>
      %squeeze3A_2268 = vector.extract %slice3A_2267[0] : f32 from vector<1xf32>
      %get3A_2269 = arith.constant 61 : i32
      %get3A_2270 = arith.index_cast %get3A_2269 : i32 to index
      %get3A_2271 = arith.constant 32 : index
      %get3A_2272 = tpu.vector_load %arg10[%get3A_2270, %get3A_2271] {strides = array<i32>} : memref<128x128xf32, #tpu.memory_space<vmem>>, vector<16xf32>,
      %mul3A_2273 = vector.broadcast %squeeze3A_2268 : f32 to vector<16xf32>
      %mul3A_2274 = arith.mulf %mul3A_2273, %get3A_2272 : vector<16xf32>
      %add3A_2275 = arith.addf %add3A_2266, %mul3A_2274 : vector<16xf32>
      %slice3A_2276 = vector.extract_strided_slice %div3A_1858 {offsets = [14], sizes = [1], strides = [1]} : vector<16xf32> to vector<1xf32>
      %squeeze3A_2277 = vector.extract %slice3A_2276[0] : f32 from vector<1xf32>
      %get3A_2278 = arith.constant 62 : i32
      %get3A_2279 = arith.index_cast %get3A_2278 : i32 to index
      %get3A_2280 = arith.constant 32 : index
      %get3A_2281 = tpu.vector_load %arg10[%get3A_2279, %get3A_2280] {strides = array<i32>} : memref<128x128xf32, #tpu.memory_space<vmem>>, vector<16xf32>,
      %mul3A_2282 = vector.broadcast %squeeze3A_2277 : f32 to vector<16xf32>
      %mul3A_2283 = arith.mulf %mul3A_2282, %get3A_2281 : vector<16xf32>
      %add3A_2284 = arith.addf %add3A_2275, %mul3A_2283 : vector<16xf32>
      %slice3A_2285 = vector.extract_strided_slice %div3A_1858 {offsets = [15], sizes = [1], strides = [1]} : vector<16xf32> to vector<1xf32>
      %squeeze3A_2286 = vector.extract %slice3A_2285[0] : f32 from vector<1xf32>
      %get3A_2287 = arith.constant 63 : i32
      %get3A_2288 = arith.index_cast %get3A_2287 : i32 to index
      %get3A_2289 = arith.constant 32 : index
      %get3A_2290 = tpu.vector_load %arg10[%get3A_2288, %get3A_2289] {strides = array<i32>} : memref<128x128xf32, #tpu.memory_space<vmem>>, vector<16xf32>,
      %mul3A_2291 = vector.broadcast %squeeze3A_2286 : f32 to vector<16xf32>
      %mul3A_2292 = arith.mulf %mul3A_2291, %get3A_2290 : vector<16xf32>
      %add3A_2293 = arith.addf %add3A_2284, %mul3A_2292 : vector<16xf32>
      %swap3A_2294 = arith.index_cast %add3A_1838 : i32 to index
      %swap3A_2295 = arith.constant 32 : index
      %swap3A_2296 = tpu.vector_load %arg11[%swap3A_2294, %swap3A_2295] {strides = array<i32>} : memref<512x64xf32, #tpu.memory_space<vmem>>, vector<16xf32>,
      tpu.vector_store %arg11[%swap3A_2294, %swap3A_2295], %add3A_2293 {strides = array<i32>} : memref<512x64xf32, #tpu.memory_space<vmem>>, vector<16xf32>,
      %slice3A_2297 = vector.extract_strided_slice %div3A_1858 {offsets = [0], sizes = [1], strides = [1]} : vector<16xf32> to vector<1xf32>
      %squeeze3A_2298 = vector.extract %slice3A_2297[0] : f32 from vector<1xf32>
      %get3A_2299 = arith.constant 48 : i32
      %get3A_2300 = arith.index_cast %get3A_2299 : i32 to index
      %get3A_2301 = arith.constant 48 : index
      %get3A_2302 = tpu.vector_load %arg10[%get3A_2300, %get3A_2301] {strides = array<i32>} : memref<128x128xf32, #tpu.memory_space<vmem>>, vector<16xf32>,
      %mul3A_2303 = vector.broadcast %squeeze3A_2298 : f32 to vector<16xf32>
      %mul3A_2304 = arith.mulf %mul3A_2303, %get3A_2302 : vector<16xf32>
      %slice3A_2305 = vector.extract_strided_slice %div3A_1858 {offsets = [1], sizes = [1], strides = [1]} : vector<16xf32> to vector<1xf32>
      %squeeze3A_2306 = vector.extract %slice3A_2305[0] : f32 from vector<1xf32>
      %get3A_2307 = arith.constant 49 : i32
      %get3A_2308 = arith.index_cast %get3A_2307 : i32 to index
      %get3A_2309 = arith.constant 48 : index
      %get3A_2310 = tpu.vector_load %arg10[%get3A_2308, %get3A_2309] {strides = array<i32>} : memref<128x128xf32, #tpu.memory_space<vmem>>, vector<16xf32>,
      %mul3A_2311 = vector.broadcast %squeeze3A_2306 : f32 to vector<16xf32>
      %mul3A_2312 = arith.mulf %mul3A_2311, %get3A_2310 : vector<16xf32>
      %add3A_2313 = arith.addf %mul3A_2304, %mul3A_2312 : vector<16xf32>
      %slice3A_2314 = vector.extract_strided_slice %div3A_1858 {offsets = [2], sizes = [1], strides = [1]} : vector<16xf32> to vector<1xf32>
      %squeeze3A_2315 = vector.extract %slice3A_2314[0] : f32 from vector<1xf32>
      %get3A_2316 = arith.constant 50 : i32
      %get3A_2317 = arith.index_cast %get3A_2316 : i32 to index
      %get3A_2318 = arith.constant 48 : index
      %get3A_2319 = tpu.vector_load %arg10[%get3A_2317, %get3A_2318] {strides = array<i32>} : memref<128x128xf32, #tpu.memory_space<vmem>>, vector<16xf32>,
      %mul3A_2320 = vector.broadcast %squeeze3A_2315 : f32 to vector<16xf32>
      %mul3A_2321 = arith.mulf %mul3A_2320, %get3A_2319 : vector<16xf32>
      %add3A_2322 = arith.addf %add3A_2313, %mul3A_2321 : vector<16xf32>
      %slice3A_2323 = vector.extract_strided_slice %div3A_1858 {offsets = [3], sizes = [1], strides = [1]} : vector<16xf32> to vector<1xf32>
      %squeeze3A_2324 = vector.extract %slice3A_2323[0] : f32 from vector<1xf32>
      %get3A_2325 = arith.constant 51 : i32
      %get3A_2326 = arith.index_cast %get3A_2325 : i32 to index
      %get3A_2327 = arith.constant 48 : index
      %get3A_2328 = tpu.vector_load %arg10[%get3A_2326, %get3A_2327] {strides = array<i32>} : memref<128x128xf32, #tpu.memory_space<vmem>>, vector<16xf32>,
      %mul3A_2329 = vector.broadcast %squeeze3A_2324 : f32 to vector<16xf32>
      %mul3A_2330 = arith.mulf %mul3A_2329, %get3A_2328 : vector<16xf32>
      %add3A_2331 = arith.addf %add3A_2322, %mul3A_2330 : vector<16xf32>
      %slice3A_2332 = vector.extract_strided_slice %div3A_1858 {offsets = [4], sizes = [1], strides = [1]} : vector<16xf32> to vector<1xf32>
      %squeeze3A_2333 = vector.extract %slice3A_2332[0] : f32 from vector<1xf32>
      %get3A_2334 = arith.constant 52 : i32
      %get3A_2335 = arith.index_cast %get3A_2334 : i32 to index
      %get3A_2336 = arith.constant 48 : index
      %get3A_2337 = tpu.vector_load %arg10[%get3A_2335, %get3A_2336] {strides = array<i32>} : memref<128x128xf32, #tpu.memory_space<vmem>>, vector<16xf32>,
      %mul3A_2338 = vector.broadcast %squeeze3A_2333 : f32 to vector<16xf32>
      %mul3A_2339 = arith.mulf %mul3A_2338, %get3A_2337 : vector<16xf32>
      %add3A_2340 = arith.addf %add3A_2331, %mul3A_2339 : vector<16xf32>
      %slice3A_2341 = vector.extract_strided_slice %div3A_1858 {offsets = [5], sizes = [1], strides = [1]} : vector<16xf32> to vector<1xf32>
      %squeeze3A_2342 = vector.extract %slice3A_2341[0] : f32 from vector<1xf32>
      %get3A_2343 = arith.constant 53 : i32
      %get3A_2344 = arith.index_cast %get3A_2343 : i32 to index
      %get3A_2345 = arith.constant 48 : index
      %get3A_2346 = tpu.vector_load %arg10[%get3A_2344, %get3A_2345] {strides = array<i32>} : memref<128x128xf32, #tpu.memory_space<vmem>>, vector<16xf32>,
      %mul3A_2347 = vector.broadcast %squeeze3A_2342 : f32 to vector<16xf32>
      %mul3A_2348 = arith.mulf %mul3A_2347, %get3A_2346 : vector<16xf32>
      %add3A_2349 = arith.addf %add3A_2340, %mul3A_2348 : vector<16xf32>
      %slice3A_2350 = vector.extract_strided_slice %div3A_1858 {offsets = [6], sizes = [1], strides = [1]} : vector<16xf32> to vector<1xf32>
      %squeeze3A_2351 = vector.extract %slice3A_2350[0] : f32 from vector<1xf32>
      %get3A_2352 = arith.constant 54 : i32
      %get3A_2353 = arith.index_cast %get3A_2352 : i32 to index
      %get3A_2354 = arith.constant 48 : index
      %get3A_2355 = tpu.vector_load %arg10[%get3A_2353, %get3A_2354] {strides = array<i32>} : memref<128x128xf32, #tpu.memory_space<vmem>>, vector<16xf32>,
      %mul3A_2356 = vector.broadcast %squeeze3A_2351 : f32 to vector<16xf32>
      %mul3A_2357 = arith.mulf %mul3A_2356, %get3A_2355 : vector<16xf32>
      %add3A_2358 = arith.addf %add3A_2349, %mul3A_2357 : vector<16xf32>
      %slice3A_2359 = vector.extract_strided_slice %div3A_1858 {offsets = [7], sizes = [1], strides = [1]} : vector<16xf32> to vector<1xf32>
      %squeeze3A_2360 = vector.extract %slice3A_2359[0] : f32 from vector<1xf32>
      %get3A_2361 = arith.constant 55 : i32
      %get3A_2362 = arith.index_cast %get3A_2361 : i32 to index
      %get3A_2363 = arith.constant 48 : index
      %get3A_2364 = tpu.vector_load %arg10[%get3A_2362, %get3A_2363] {strides = array<i32>} : memref<128x128xf32, #tpu.memory_space<vmem>>, vector<16xf32>,
      %mul3A_2365 = vector.broadcast %squeeze3A_2360 : f32 to vector<16xf32>
      %mul3A_2366 = arith.mulf %mul3A_2365, %get3A_2364 : vector<16xf32>
      %add3A_2367 = arith.addf %add3A_2358, %mul3A_2366 : vector<16xf32>
      %slice3A_2368 = vector.extract_strided_slice %div3A_1858 {offsets = [8], sizes = [1], strides = [1]} : vector<16xf32> to vector<1xf32>
      %squeeze3A_2369 = vector.extract %slice3A_2368[0] : f32 from vector<1xf32>
      %get3A_2370 = arith.constant 56 : i32
      %get3A_2371 = arith.index_cast %get3A_2370 : i32 to index
      %get3A_2372 = arith.constant 48 : index
      %get3A_2373 = tpu.vector_load %arg10[%get3A_2371, %get3A_2372] {strides = array<i32>} : memref<128x128xf32, #tpu.memory_space<vmem>>, vector<16xf32>,
      %mul3A_2374 = vector.broadcast %squeeze3A_2369 : f32 to vector<16xf32>
      %mul3A_2375 = arith.mulf %mul3A_2374, %get3A_2373 : vector<16xf32>
      %add3A_2376 = arith.addf %add3A_2367, %mul3A_2375 : vector<16xf32>
      %slice3A_2377 = vector.extract_strided_slice %div3A_1858 {offsets = [9], sizes = [1], strides = [1]} : vector<16xf32> to vector<1xf32>
      %squeeze3A_2378 = vector.extract %slice3A_2377[0] : f32 from vector<1xf32>
      %get3A_2379 = arith.constant 57 : i32
      %get3A_2380 = arith.index_cast %get3A_2379 : i32 to index
      %get3A_2381 = arith.constant 48 : index
      %get3A_2382 = tpu.vector_load %arg10[%get3A_2380, %get3A_2381] {strides = array<i32>} : memref<128x128xf32, #tpu.memory_space<vmem>>, vector<16xf32>,
      %mul3A_2383 = vector.broadcast %squeeze3A_2378 : f32 to vector<16xf32>
      %mul3A_2384 = arith.mulf %mul3A_2383, %get3A_2382 : vector<16xf32>
      %add3A_2385 = arith.addf %add3A_2376, %mul3A_2384 : vector<16xf32>
      %slice3A_2386 = vector.extract_strided_slice %div3A_1858 {offsets = [10], sizes = [1], strides = [1]} : vector<16xf32> to vector<1xf32>
      %squeeze3A_2387 = vector.extract %slice3A_2386[0] : f32 from vector<1xf32>
      %get3A_2388 = arith.constant 58 : i32
      %get3A_2389 = arith.index_cast %get3A_2388 : i32 to index
      %get3A_2390 = arith.constant 48 : index
      %get3A_2391 = tpu.vector_load %arg10[%get3A_2389, %get3A_2390] {strides = array<i32>} : memref<128x128xf32, #tpu.memory_space<vmem>>, vector<16xf32>,
      %mul3A_2392 = vector.broadcast %squeeze3A_2387 : f32 to vector<16xf32>
      %mul3A_2393 = arith.mulf %mul3A_2392, %get3A_2391 : vector<16xf32>
      %add3A_2394 = arith.addf %add3A_2385, %mul3A_2393 : vector<16xf32>
      %slice3A_2395 = vector.extract_strided_slice %div3A_1858 {offsets = [11], sizes = [1], strides = [1]} : vector<16xf32> to vector<1xf32>
      %squeeze3A_2396 = vector.extract %slice3A_2395[0] : f32 from vector<1xf32>
      %get3A_2397 = arith.constant 59 : i32
      %get3A_2398 = arith.index_cast %get3A_2397 : i32 to index
      %get3A_2399 = arith.constant 48 : index
      %get3A_2400 = tpu.vector_load %arg10[%get3A_2398, %get3A_2399] {strides = array<i32>} : memref<128x128xf32, #tpu.memory_space<vmem>>, vector<16xf32>,
      %mul3A_2401 = vector.broadcast %squeeze3A_2396 : f32 to vector<16xf32>
      %mul3A_2402 = arith.mulf %mul3A_2401, %get3A_2400 : vector<16xf32>
      %add3A_2403 = arith.addf %add3A_2394, %mul3A_2402 : vector<16xf32>
      %slice3A_2404 = vector.extract_strided_slice %div3A_1858 {offsets = [12], sizes = [1], strides = [1]} : vector<16xf32> to vector<1xf32>
      %squeeze3A_2405 = vector.extract %slice3A_2404[0] : f32 from vector<1xf32>
      %get3A_2406 = arith.constant 60 : i32
      %get3A_2407 = arith.index_cast %get3A_2406 : i32 to index
      %get3A_2408 = arith.constant 48 : index
      %get3A_2409 = tpu.vector_load %arg10[%get3A_2407, %get3A_2408] {strides = array<i32>} : memref<128x128xf32, #tpu.memory_space<vmem>>, vector<16xf32>,
      %mul3A_2410 = vector.broadcast %squeeze3A_2405 : f32 to vector<16xf32>
      %mul3A_2411 = arith.mulf %mul3A_2410, %get3A_2409 : vector<16xf32>
      %add3A_2412 = arith.addf %add3A_2403, %mul3A_2411 : vector<16xf32>
      %slice3A_2413 = vector.extract_strided_slice %div3A_1858 {offsets = [13], sizes = [1], strides = [1]} : vector<16xf32> to vector<1xf32>
      %squeeze3A_2414 = vector.extract %slice3A_2413[0] : f32 from vector<1xf32>
      %get3A_2415 = arith.constant 61 : i32
      %get3A_2416 = arith.index_cast %get3A_2415 : i32 to index
      %get3A_2417 = arith.constant 48 : index
      %get3A_2418 = tpu.vector_load %arg10[%get3A_2416, %get3A_2417] {strides = array<i32>} : memref<128x128xf32, #tpu.memory_space<vmem>>, vector<16xf32>,
      %mul3A_2419 = vector.broadcast %squeeze3A_2414 : f32 to vector<16xf32>
      %mul3A_2420 = arith.mulf %mul3A_2419, %get3A_2418 : vector<16xf32>
      %add3A_2421 = arith.addf %add3A_2412, %mul3A_2420 : vector<16xf32>
      %slice3A_2422 = vector.extract_strided_slice %div3A_1858 {offsets = [14], sizes = [1], strides = [1]} : vector<16xf32> to vector<1xf32>
      %squeeze3A_2423 = vector.extract %slice3A_2422[0] : f32 from vector<1xf32>
      %get3A_2424 = arith.constant 62 : i32
      %get3A_2425 = arith.index_cast %get3A_2424 : i32 to index
      %get3A_2426 = arith.constant 48 : index
      %get3A_2427 = tpu.vector_load %arg10[%get3A_2425, %get3A_2426] {strides = array<i32>} : memref<128x128xf32, #tpu.memory_space<vmem>>, vector<16xf32>,
      %mul3A_2428 = vector.broadcast %squeeze3A_2423 : f32 to vector<16xf32>
      %mul3A_2429 = arith.mulf %mul3A_2428, %get3A_2427 : vector<16xf32>
      %add3A_2430 = arith.addf %add3A_2421, %mul3A_2429 : vector<16xf32>
      %slice3A_2431 = vector.extract_strided_slice %div3A_1858 {offsets = [15], sizes = [1], strides = [1]} : vector<16xf32> to vector<1xf32>
      %squeeze3A_2432 = vector.extract %slice3A_2431[0] : f32 from vector<1xf32>
      %get3A_2433 = arith.constant 63 : i32
      %get3A_2434 = arith.index_cast %get3A_2433 : i32 to index
      %get3A_2435 = arith.constant 48 : index
      %get3A_2436 = tpu.vector_load %arg10[%get3A_2434, %get3A_2435] {strides = array<i32>} : memref<128x128xf32, #tpu.memory_space<vmem>>, vector<16xf32>,
      %mul3A_2437 = vector.broadcast %squeeze3A_2432 : f32 to vector<16xf32>
      %mul3A_2438 = arith.mulf %mul3A_2437, %get3A_2436 : vector<16xf32>
      %add3A_2439 = arith.addf %add3A_2430, %mul3A_2438 : vector<16xf32>
      %swap3A_2440 = arith.index_cast %add3A_1838 : i32 to index
      %swap3A_2441 = arith.constant 48 : index
      %swap3A_2442 = tpu.vector_load %arg11[%swap3A_2440, %swap3A_2441] {strides = array<i32>} : memref<512x64xf32, #tpu.memory_space<vmem>>, vector<16xf32>,
      tpu.vector_store %arg11[%swap3A_2440, %swap3A_2441], %add3A_2439 {strides = array<i32>} : memref<512x64xf32, #tpu.memory_space<vmem>>, vector<16xf32>,
      %mul3A_2443 = arith.constant 8 : i32
      %mul3A_2444 = arith.muli %scan3A_8, %mul3A_2443 : i32
      %add3A_2445 = arith.constant 4 : i32
      %add3A_2446 = arith.addi %mul3A_2444, %add3A_2445 : i32
      %get3A_2447 = arith.constant 64 : index
      %get3A_2448 = tpu.vector_load %arg7[%get3A_2447] {strides = array<i32>} : memref<128xi32, #tpu.memory_space<vmem>>, vector<16xi32>,
      %gather3A_2449 = tpu.vector_load_idx %arg9[%get3A_2448] : memref<16384xf32, #tpu.memory_space<vmem>>[vector<16xi32>], vector<16xf32>,
      %slice3A_2450 = vector.extract_strided_slice %get3A_20 {offsets = [4], sizes = [1], strides = [1]} : vector<16xf32> to vector<1xf32>
      %squeeze3A_2451 = vector.extract %slice3A_2450[0] : f32 from vector<1xf32>
      %mul3A_2452 = vector.broadcast %squeeze3A_2451 : f32 to vector<16xf32>
      %mul3A_2453 = arith.mulf %gather3A_2449, %mul3A_2452 : vector<16xf32>
      %reduce_max3A_2454 = arith.constant true
      %reduce_max3A_2455 = vector.broadcast %reduce_max3A_2454 : i1 to vector<16xi1>
      %reduce_max3A_2456 = tpu.scan <max>, %mul3A_2453 masked %reduce_max3A_2455 : vector<16xf32>, vector<16xi1> -> vector<16xf32>
      %reduce_max3A_2457 = vector.extract %reduce_max3A_2456[15] : f32 from vector<16xf32>
      %sub3A_2458 = vector.broadcast %reduce_max3A_2457 : f32 to vector<16xf32>
      %sub3A_2459 = arith.subf %mul3A_2453, %sub3A_2458 : vector<16xf32>
      %exp3A_2460 = math.exp %sub3A_2459 : vector<16xf32>
      %reduce_sum3A_2461 = arith.constant true
      %reduce_sum3A_2462 = vector.broadcast %reduce_sum3A_2461 : i1 to vector<16xi1>
      %reduce_sum3A_2463 = tpu.scan <sum>, %exp3A_2460 masked %reduce_sum3A_2462 : vector<16xf32>, vector<16xi1> -> vector<16xf32>
      %reduce_sum3A_2464 = vector.extract %reduce_sum3A_2463[15] : f32 from vector<16xf32>
      %broadcast_in_dim3A_2465 = vector.broadcast %reduce_sum3A_2464 : f32 to vector<16xf32>
      %div3A_2466 = arith.divf %exp3A_2460, %broadcast_in_dim3A_2465 : vector<16xf32>
      %slice3A_2467 = vector.extract_strided_slice %div3A_2466 {offsets = [0], sizes = [1], strides = [1]} : vector<16xf32> to vector<1xf32>
      %squeeze3A_2468 = vector.extract %slice3A_2467[0] : f32 from vector<1xf32>
      %get3A_2469 = arith.constant 64 : i32
      %get3A_2470 = arith.index_cast %get3A_2469 : i32 to index
      %get3A_2471 = arith.constant 0 : index
      %get3A_2472 = tpu.vector_load %arg10[%get3A_2470, %get3A_2471] {strides = array<i32>} : memref<128x128xf32, #tpu.memory_space<vmem>>, vector<16xf32>,
      %mul3A_2473 = vector.broadcast %squeeze3A_2468 : f32 to vector<16xf32>
      %mul3A_2474 = arith.mulf %mul3A_2473, %get3A_2472 : vector<16xf32>
      %slice3A_2475 = vector.extract_strided_slice %div3A_2466 {offsets = [1], sizes = [1], strides = [1]} : vector<16xf32> to vector<1xf32>
      %squeeze3A_2476 = vector.extract %slice3A_2475[0] : f32 from vector<1xf32>
      %get3A_2477 = arith.constant 65 : i32
      %get3A_2478 = arith.index_cast %get3A_2477 : i32 to index
      %get3A_2479 = arith.constant 0 : index
      %get3A_2480 = tpu.vector_load %arg10[%get3A_2478, %get3A_2479] {strides = array<i32>} : memref<128x128xf32, #tpu.memory_space<vmem>>, vector<16xf32>,
      %mul3A_2481 = vector.broadcast %squeeze3A_2476 : f32 to vector<16xf32>
      %mul3A_2482 = arith.mulf %mul3A_2481, %get3A_2480 : vector<16xf32>
      %add3A_2483 = arith.addf %mul3A_2474, %mul3A_2482 : vector<16xf32>
      %slice3A_2484 = vector.extract_strided_slice %div3A_2466 {offsets = [2], sizes = [1], strides = [1]} : vector<16xf32> to vector<1xf32>
      %squeeze3A_2485 = vector.extract %slice3A_2484[0] : f32 from vector<1xf32>
      %get3A_2486 = arith.constant 66 : i32
      %get3A_2487 = arith.index_cast %get3A_2486 : i32 to index
      %get3A_2488 = arith.constant 0 : index
      %get3A_2489 = tpu.vector_load %arg10[%get3A_2487, %get3A_2488] {strides = array<i32>} : memref<128x128xf32, #tpu.memory_space<vmem>>, vector<16xf32>,
      %mul3A_2490 = vector.broadcast %squeeze3A_2485 : f32 to vector<16xf32>
      %mul3A_2491 = arith.mulf %mul3A_2490, %get3A_2489 : vector<16xf32>
      %add3A_2492 = arith.addf %add3A_2483, %mul3A_2491 : vector<16xf32>
      %slice3A_2493 = vector.extract_strided_slice %div3A_2466 {offsets = [3], sizes = [1], strides = [1]} : vector<16xf32> to vector<1xf32>
      %squeeze3A_2494 = vector.extract %slice3A_2493[0] : f32 from vector<1xf32>
      %get3A_2495 = arith.constant 67 : i32
      %get3A_2496 = arith.index_cast %get3A_2495 : i32 to index
      %get3A_2497 = arith.constant 0 : index
      %get3A_2498 = tpu.vector_load %arg10[%get3A_2496, %get3A_2497] {strides = array<i32>} : memref<128x128xf32, #tpu.memory_space<vmem>>, vector<16xf32>,
      %mul3A_2499 = vector.broadcast %squeeze3A_2494 : f32 to vector<16xf32>
      %mul3A_2500 = arith.mulf %mul3A_2499, %get3A_2498 : vector<16xf32>
      %add3A_2501 = arith.addf %add3A_2492, %mul3A_2500 : vector<16xf32>
      %slice3A_2502 = vector.extract_strided_slice %div3A_2466 {offsets = [4], sizes = [1], strides = [1]} : vector<16xf32> to vector<1xf32>
      %squeeze3A_2503 = vector.extract %slice3A_2502[0] : f32 from vector<1xf32>
      %get3A_2504 = arith.constant 68 : i32
      %get3A_2505 = arith.index_cast %get3A_2504 : i32 to index
      %get3A_2506 = arith.constant 0 : index
      %get3A_2507 = tpu.vector_load %arg10[%get3A_2505, %get3A_2506] {strides = array<i32>} : memref<128x128xf32, #tpu.memory_space<vmem>>, vector<16xf32>,
      %mul3A_2508 = vector.broadcast %squeeze3A_2503 : f32 to vector<16xf32>
      %mul3A_2509 = arith.mulf %mul3A_2508, %get3A_2507 : vector<16xf32>
      %add3A_2510 = arith.addf %add3A_2501, %mul3A_2509 : vector<16xf32>
      %slice3A_2511 = vector.extract_strided_slice %div3A_2466 {offsets = [5], sizes = [1], strides = [1]} : vector<16xf32> to vector<1xf32>
      %squeeze3A_2512 = vector.extract %slice3A_2511[0] : f32 from vector<1xf32>
      %get3A_2513 = arith.constant 69 : i32
      %get3A_2514 = arith.index_cast %get3A_2513 : i32 to index
      %get3A_2515 = arith.constant 0 : index
      %get3A_2516 = tpu.vector_load %arg10[%get3A_2514, %get3A_2515] {strides = array<i32>} : memref<128x128xf32, #tpu.memory_space<vmem>>, vector<16xf32>,
      %mul3A_2517 = vector.broadcast %squeeze3A_2512 : f32 to vector<16xf32>
      %mul3A_2518 = arith.mulf %mul3A_2517, %get3A_2516 : vector<16xf32>
      %add3A_2519 = arith.addf %add3A_2510, %mul3A_2518 : vector<16xf32>
      %slice3A_2520 = vector.extract_strided_slice %div3A_2466 {offsets = [6], sizes = [1], strides = [1]} : vector<16xf32> to vector<1xf32>
      %squeeze3A_2521 = vector.extract %slice3A_2520[0] : f32 from vector<1xf32>
      %get3A_2522 = arith.constant 70 : i32
      %get3A_2523 = arith.index_cast %get3A_2522 : i32 to index
      %get3A_2524 = arith.constant 0 : index
      %get3A_2525 = tpu.vector_load %arg10[%get3A_2523, %get3A_2524] {strides = array<i32>} : memref<128x128xf32, #tpu.memory_space<vmem>>, vector<16xf32>,
      %mul3A_2526 = vector.broadcast %squeeze3A_2521 : f32 to vector<16xf32>
      %mul3A_2527 = arith.mulf %mul3A_2526, %get3A_2525 : vector<16xf32>
      %add3A_2528 = arith.addf %add3A_2519, %mul3A_2527 : vector<16xf32>
      %slice3A_2529 = vector.extract_strided_slice %div3A_2466 {offsets = [7], sizes = [1], strides = [1]} : vector<16xf32> to vector<1xf32>
      %squeeze3A_2530 = vector.extract %slice3A_2529[0] : f32 from vector<1xf32>
      %get3A_2531 = arith.constant 71 : i32
      %get3A_2532 = arith.index_cast %get3A_2531 : i32 to index
      %get3A_2533 = arith.constant 0 : index
      %get3A_2534 = tpu.vector_load %arg10[%get3A_2532, %get3A_2533] {strides = array<i32>} : memref<128x128xf32, #tpu.memory_space<vmem>>, vector<16xf32>,
      %mul3A_2535 = vector.broadcast %squeeze3A_2530 : f32 to vector<16xf32>
      %mul3A_2536 = arith.mulf %mul3A_2535, %get3A_2534 : vector<16xf32>
      %add3A_2537 = arith.addf %add3A_2528, %mul3A_2536 : vector<16xf32>
      %slice3A_2538 = vector.extract_strided_slice %div3A_2466 {offsets = [8], sizes = [1], strides = [1]} : vector<16xf32> to vector<1xf32>
      %squeeze3A_2539 = vector.extract %slice3A_2538[0] : f32 from vector<1xf32>
      %get3A_2540 = arith.constant 72 : i32
      %get3A_2541 = arith.index_cast %get3A_2540 : i32 to index
      %get3A_2542 = arith.constant 0 : index
      %get3A_2543 = tpu.vector_load %arg10[%get3A_2541, %get3A_2542] {strides = array<i32>} : memref<128x128xf32, #tpu.memory_space<vmem>>, vector<16xf32>,
      %mul3A_2544 = vector.broadcast %squeeze3A_2539 : f32 to vector<16xf32>
      %mul3A_2545 = arith.mulf %mul3A_2544, %get3A_2543 : vector<16xf32>
      %add3A_2546 = arith.addf %add3A_2537, %mul3A_2545 : vector<16xf32>
      %slice3A_2547 = vector.extract_strided_slice %div3A_2466 {offsets = [9], sizes = [1], strides = [1]} : vector<16xf32> to vector<1xf32>
      %squeeze3A_2548 = vector.extract %slice3A_2547[0] : f32 from vector<1xf32>
      %get3A_2549 = arith.constant 73 : i32
      %get3A_2550 = arith.index_cast %get3A_2549 : i32 to index
      %get3A_2551 = arith.constant 0 : index
      %get3A_2552 = tpu.vector_load %arg10[%get3A_2550, %get3A_2551] {strides = array<i32>} : memref<128x128xf32, #tpu.memory_space<vmem>>, vector<16xf32>,
      %mul3A_2553 = vector.broadcast %squeeze3A_2548 : f32 to vector<16xf32>
      %mul3A_2554 = arith.mulf %mul3A_2553, %get3A_2552 : vector<16xf32>
      %add3A_2555 = arith.addf %add3A_2546, %mul3A_2554 : vector<16xf32>
      %slice3A_2556 = vector.extract_strided_slice %div3A_2466 {offsets = [10], sizes = [1], strides = [1]} : vector<16xf32> to vector<1xf32>
      %squeeze3A_2557 = vector.extract %slice3A_2556[0] : f32 from vector<1xf32>
      %get3A_2558 = arith.constant 74 : i32
      %get3A_2559 = arith.index_cast %get3A_2558 : i32 to index
      %get3A_2560 = arith.constant 0 : index
      %get3A_2561 = tpu.vector_load %arg10[%get3A_2559, %get3A_2560] {strides = array<i32>} : memref<128x128xf32, #tpu.memory_space<vmem>>, vector<16xf32>,
      %mul3A_2562 = vector.broadcast %squeeze3A_2557 : f32 to vector<16xf32>
      %mul3A_2563 = arith.mulf %mul3A_2562, %get3A_2561 : vector<16xf32>
      %add3A_2564 = arith.addf %add3A_2555, %mul3A_2563 : vector<16xf32>
      %slice3A_2565 = vector.extract_strided_slice %div3A_2466 {offsets = [11], sizes = [1], strides = [1]} : vector<16xf32> to vector<1xf32>
      %squeeze3A_2566 = vector.extract %slice3A_2565[0] : f32 from vector<1xf32>
      %get3A_2567 = arith.constant 75 : i32
      %get3A_2568 = arith.index_cast %get3A_2567 : i32 to index
      %get3A_2569 = arith.constant 0 : index
      %get3A_2570 = tpu.vector_load %arg10[%get3A_2568, %get3A_2569] {strides = array<i32>} : memref<128x128xf32, #tpu.memory_space<vmem>>, vector<16xf32>,
      %mul3A_2571 = vector.broadcast %squeeze3A_2566 : f32 to vector<16xf32>
      %mul3A_2572 = arith.mulf %mul3A_2571, %get3A_2570 : vector<16xf32>
      %add3A_2573 = arith.addf %add3A_2564, %mul3A_2572 : vector<16xf32>
      %slice3A_2574 = vector.extract_strided_slice %div3A_2466 {offsets = [12], sizes = [1], strides = [1]} : vector<16xf32> to vector<1xf32>
      %squeeze3A_2575 = vector.extract %slice3A_2574[0] : f32 from vector<1xf32>
      %get3A_2576 = arith.constant 76 : i32
      %get3A_2577 = arith.index_cast %get3A_2576 : i32 to index
      %get3A_2578 = arith.constant 0 : index
      %get3A_2579 = tpu.vector_load %arg10[%get3A_2577, %get3A_2578] {strides = array<i32>} : memref<128x128xf32, #tpu.memory_space<vmem>>, vector<16xf32>,
      %mul3A_2580 = vector.broadcast %squeeze3A_2575 : f32 to vector<16xf32>
      %mul3A_2581 = arith.mulf %mul3A_2580, %get3A_2579 : vector<16xf32>
      %add3A_2582 = arith.addf %add3A_2573, %mul3A_2581 : vector<16xf32>
      %slice3A_2583 = vector.extract_strided_slice %div3A_2466 {offsets = [13], sizes = [1], strides = [1]} : vector<16xf32> to vector<1xf32>
      %squeeze3A_2584 = vector.extract %slice3A_2583[0] : f32 from vector<1xf32>
      %get3A_2585 = arith.constant 77 : i32
      %get3A_2586 = arith.index_cast %get3A_2585 : i32 to index
      %get3A_2587 = arith.constant 0 : index
      %get3A_2588 = tpu.vector_load %arg10[%get3A_2586, %get3A_2587] {strides = array<i32>} : memref<128x128xf32, #tpu.memory_space<vmem>>, vector<16xf32>,
      %mul3A_2589 = vector.broadcast %squeeze3A_2584 : f32 to vector<16xf32>
      %mul3A_2590 = arith.mulf %mul3A_2589, %get3A_2588 : vector<16xf32>
      %add3A_2591 = arith.addf %add3A_2582, %mul3A_2590 : vector<16xf32>
      %slice3A_2592 = vector.extract_strided_slice %div3A_2466 {offsets = [14], sizes = [1], strides = [1]} : vector<16xf32> to vector<1xf32>
      %squeeze3A_2593 = vector.extract %slice3A_2592[0] : f32 from vector<1xf32>
      %get3A_2594 = arith.constant 78 : i32
      %get3A_2595 = arith.index_cast %get3A_2594 : i32 to index
      %get3A_2596 = arith.constant 0 : index
      %get3A_2597 = tpu.vector_load %arg10[%get3A_2595, %get3A_2596] {strides = array<i32>} : memref<128x128xf32, #tpu.memory_space<vmem>>, vector<16xf32>,
      %mul3A_2598 = vector.broadcast %squeeze3A_2593 : f32 to vector<16xf32>
      %mul3A_2599 = arith.mulf %mul3A_2598, %get3A_2597 : vector<16xf32>
      %add3A_2600 = arith.addf %add3A_2591, %mul3A_2599 : vector<16xf32>
      %slice3A_2601 = vector.extract_strided_slice %div3A_2466 {offsets = [15], sizes = [1], strides = [1]} : vector<16xf32> to vector<1xf32>
      %squeeze3A_2602 = vector.extract %slice3A_2601[0] : f32 from vector<1xf32>
      %get3A_2603 = arith.constant 79 : i32
      %get3A_2604 = arith.index_cast %get3A_2603 : i32 to index
      %get3A_2605 = arith.constant 0 : index
      %get3A_2606 = tpu.vector_load %arg10[%get3A_2604, %get3A_2605] {strides = array<i32>} : memref<128x128xf32, #tpu.memory_space<vmem>>, vector<16xf32>,
      %mul3A_2607 = vector.broadcast %squeeze3A_2602 : f32 to vector<16xf32>
      %mul3A_2608 = arith.mulf %mul3A_2607, %get3A_2606 : vector<16xf32>
      %add3A_2609 = arith.addf %add3A_2600, %mul3A_2608 : vector<16xf32>
      %swap3A_2610 = arith.index_cast %add3A_2446 : i32 to index
      %swap3A_2611 = arith.constant 0 : index
      %swap3A_2612 = tpu.vector_load %arg11[%swap3A_2610, %swap3A_2611] {strides = array<i32>} : memref<512x64xf32, #tpu.memory_space<vmem>>, vector<16xf32>,
      tpu.vector_store %arg11[%swap3A_2610, %swap3A_2611], %add3A_2609 {strides = array<i32>} : memref<512x64xf32, #tpu.memory_space<vmem>>, vector<16xf32>,
      %slice3A_2613 = vector.extract_strided_slice %div3A_2466 {offsets = [0], sizes = [1], strides = [1]} : vector<16xf32> to vector<1xf32>
      %squeeze3A_2614 = vector.extract %slice3A_2613[0] : f32 from vector<1xf32>
      %get3A_2615 = arith.constant 64 : i32
      %get3A_2616 = arith.index_cast %get3A_2615 : i32 to index
      %get3A_2617 = arith.constant 16 : index
      %get3A_2618 = tpu.vector_load %arg10[%get3A_2616, %get3A_2617] {strides = array<i32>} : memref<128x128xf32, #tpu.memory_space<vmem>>, vector<16xf32>,
      %mul3A_2619 = vector.broadcast %squeeze3A_2614 : f32 to vector<16xf32>
      %mul3A_2620 = arith.mulf %mul3A_2619, %get3A_2618 : vector<16xf32>
      %slice3A_2621 = vector.extract_strided_slice %div3A_2466 {offsets = [1], sizes = [1], strides = [1]} : vector<16xf32> to vector<1xf32>
      %squeeze3A_2622 = vector.extract %slice3A_2621[0] : f32 from vector<1xf32>
      %get3A_2623 = arith.constant 65 : i32
      %get3A_2624 = arith.index_cast %get3A_2623 : i32 to index
      %get3A_2625 = arith.constant 16 : index
      %get3A_2626 = tpu.vector_load %arg10[%get3A_2624, %get3A_2625] {strides = array<i32>} : memref<128x128xf32, #tpu.memory_space<vmem>>, vector<16xf32>,
      %mul3A_2627 = vector.broadcast %squeeze3A_2622 : f32 to vector<16xf32>
      %mul3A_2628 = arith.mulf %mul3A_2627, %get3A_2626 : vector<16xf32>
      %add3A_2629 = arith.addf %mul3A_2620, %mul3A_2628 : vector<16xf32>
      %slice3A_2630 = vector.extract_strided_slice %div3A_2466 {offsets = [2], sizes = [1], strides = [1]} : vector<16xf32> to vector<1xf32>
      %squeeze3A_2631 = vector.extract %slice3A_2630[0] : f32 from vector<1xf32>
      %get3A_2632 = arith.constant 66 : i32
      %get3A_2633 = arith.index_cast %get3A_2632 : i32 to index
      %get3A_2634 = arith.constant 16 : index
      %get3A_2635 = tpu.vector_load %arg10[%get3A_2633, %get3A_2634] {strides = array<i32>} : memref<128x128xf32, #tpu.memory_space<vmem>>, vector<16xf32>,
      %mul3A_2636 = vector.broadcast %squeeze3A_2631 : f32 to vector<16xf32>
      %mul3A_2637 = arith.mulf %mul3A_2636, %get3A_2635 : vector<16xf32>
      %add3A_2638 = arith.addf %add3A_2629, %mul3A_2637 : vector<16xf32>
      %slice3A_2639 = vector.extract_strided_slice %div3A_2466 {offsets = [3], sizes = [1], strides = [1]} : vector<16xf32> to vector<1xf32>
      %squeeze3A_2640 = vector.extract %slice3A_2639[0] : f32 from vector<1xf32>
      %get3A_2641 = arith.constant 67 : i32
      %get3A_2642 = arith.index_cast %get3A_2641 : i32 to index
      %get3A_2643 = arith.constant 16 : index
      %get3A_2644 = tpu.vector_load %arg10[%get3A_2642, %get3A_2643] {strides = array<i32>} : memref<128x128xf32, #tpu.memory_space<vmem>>, vector<16xf32>,
      %mul3A_2645 = vector.broadcast %squeeze3A_2640 : f32 to vector<16xf32>
      %mul3A_2646 = arith.mulf %mul3A_2645, %get3A_2644 : vector<16xf32>
      %add3A_2647 = arith.addf %add3A_2638, %mul3A_2646 : vector<16xf32>
      %slice3A_2648 = vector.extract_strided_slice %div3A_2466 {offsets = [4], sizes = [1], strides = [1]} : vector<16xf32> to vector<1xf32>
      %squeeze3A_2649 = vector.extract %slice3A_2648[0] : f32 from vector<1xf32>
      %get3A_2650 = arith.constant 68 : i32
      %get3A_2651 = arith.index_cast %get3A_2650 : i32 to index
      %get3A_2652 = arith.constant 16 : index
      %get3A_2653 = tpu.vector_load %arg10[%get3A_2651, %get3A_2652] {strides = array<i32>} : memref<128x128xf32, #tpu.memory_space<vmem>>, vector<16xf32>,
      %mul3A_2654 = vector.broadcast %squeeze3A_2649 : f32 to vector<16xf32>
      %mul3A_2655 = arith.mulf %mul3A_2654, %get3A_2653 : vector<16xf32>
      %add3A_2656 = arith.addf %add3A_2647, %mul3A_2655 : vector<16xf32>
      %slice3A_2657 = vector.extract_strided_slice %div3A_2466 {offsets = [5], sizes = [1], strides = [1]} : vector<16xf32> to vector<1xf32>
      %squeeze3A_2658 = vector.extract %slice3A_2657[0] : f32 from vector<1xf32>
      %get3A_2659 = arith.constant 69 : i32
      %get3A_2660 = arith.index_cast %get3A_2659 : i32 to index
      %get3A_2661 = arith.constant 16 : index
      %get3A_2662 = tpu.vector_load %arg10[%get3A_2660, %get3A_2661] {strides = array<i32>} : memref<128x128xf32, #tpu.memory_space<vmem>>, vector<16xf32>,
      %mul3A_2663 = vector.broadcast %squeeze3A_2658 : f32 to vector<16xf32>
      %mul3A_2664 = arith.mulf %mul3A_2663, %get3A_2662 : vector<16xf32>
      %add3A_2665 = arith.addf %add3A_2656, %mul3A_2664 : vector<16xf32>
      %slice3A_2666 = vector.extract_strided_slice %div3A_2466 {offsets = [6], sizes = [1], strides = [1]} : vector<16xf32> to vector<1xf32>
      %squeeze3A_2667 = vector.extract %slice3A_2666[0] : f32 from vector<1xf32>
      %get3A_2668 = arith.constant 70 : i32
      %get3A_2669 = arith.index_cast %get3A_2668 : i32 to index
      %get3A_2670 = arith.constant 16 : index
      %get3A_2671 = tpu.vector_load %arg10[%get3A_2669, %get3A_2670] {strides = array<i32>} : memref<128x128xf32, #tpu.memory_space<vmem>>, vector<16xf32>,
      %mul3A_2672 = vector.broadcast %squeeze3A_2667 : f32 to vector<16xf32>
      %mul3A_2673 = arith.mulf %mul3A_2672, %get3A_2671 : vector<16xf32>
      %add3A_2674 = arith.addf %add3A_2665, %mul3A_2673 : vector<16xf32>
      %slice3A_2675 = vector.extract_strided_slice %div3A_2466 {offsets = [7], sizes = [1], strides = [1]} : vector<16xf32> to vector<1xf32>
      %squeeze3A_2676 = vector.extract %slice3A_2675[0] : f32 from vector<1xf32>
      %get3A_2677 = arith.constant 71 : i32
      %get3A_2678 = arith.index_cast %get3A_2677 : i32 to index
      %get3A_2679 = arith.constant 16 : index
      %get3A_2680 = tpu.vector_load %arg10[%get3A_2678, %get3A_2679] {strides = array<i32>} : memref<128x128xf32, #tpu.memory_space<vmem>>, vector<16xf32>,
      %mul3A_2681 = vector.broadcast %squeeze3A_2676 : f32 to vector<16xf32>
      %mul3A_2682 = arith.mulf %mul3A_2681, %get3A_2680 : vector<16xf32>
      %add3A_2683 = arith.addf %add3A_2674, %mul3A_2682 : vector<16xf32>
      %slice3A_2684 = vector.extract_strided_slice %div3A_2466 {offsets = [8], sizes = [1], strides = [1]} : vector<16xf32> to vector<1xf32>
      %squeeze3A_2685 = vector.extract %slice3A_2684[0] : f32 from vector<1xf32>
      %get3A_2686 = arith.constant 72 : i32
      %get3A_2687 = arith.index_cast %get3A_2686 : i32 to index
      %get3A_2688 = arith.constant 16 : index
      %get3A_2689 = tpu.vector_load %arg10[%get3A_2687, %get3A_2688] {strides = array<i32>} : memref<128x128xf32, #tpu.memory_space<vmem>>, vector<16xf32>,
      %mul3A_2690 = vector.broadcast %squeeze3A_2685 : f32 to vector<16xf32>
      %mul3A_2691 = arith.mulf %mul3A_2690, %get3A_2689 : vector<16xf32>
      %add3A_2692 = arith.addf %add3A_2683, %mul3A_2691 : vector<16xf32>
      %slice3A_2693 = vector.extract_strided_slice %div3A_2466 {offsets = [9], sizes = [1], strides = [1]} : vector<16xf32> to vector<1xf32>
      %squeeze3A_2694 = vector.extract %slice3A_2693[0] : f32 from vector<1xf32>
      %get3A_2695 = arith.constant 73 : i32
      %get3A_2696 = arith.index_cast %get3A_2695 : i32 to index
      %get3A_2697 = arith.constant 16 : index
      %get3A_2698 = tpu.vector_load %arg10[%get3A_2696, %get3A_2697] {strides = array<i32>} : memref<128x128xf32, #tpu.memory_space<vmem>>, vector<16xf32>,
      %mul3A_2699 = vector.broadcast %squeeze3A_2694 : f32 to vector<16xf32>
      %mul3A_2700 = arith.mulf %mul3A_2699, %get3A_2698 : vector<16xf32>
      %add3A_2701 = arith.addf %add3A_2692, %mul3A_2700 : vector<16xf32>
      %slice3A_2702 = vector.extract_strided_slice %div3A_2466 {offsets = [10], sizes = [1], strides = [1]} : vector<16xf32> to vector<1xf32>
      %squeeze3A_2703 = vector.extract %slice3A_2702[0] : f32 from vector<1xf32>
      %get3A_2704 = arith.constant 74 : i32
      %get3A_2705 = arith.index_cast %get3A_2704 : i32 to index
      %get3A_2706 = arith.constant 16 : index
      %get3A_2707 = tpu.vector_load %arg10[%get3A_2705, %get3A_2706] {strides = array<i32>} : memref<128x128xf32, #tpu.memory_space<vmem>>, vector<16xf32>,
      %mul3A_2708 = vector.broadcast %squeeze3A_2703 : f32 to vector<16xf32>
      %mul3A_2709 = arith.mulf %mul3A_2708, %get3A_2707 : vector<16xf32>
      %add3A_2710 = arith.addf %add3A_2701, %mul3A_2709 : vector<16xf32>
      %slice3A_2711 = vector.extract_strided_slice %div3A_2466 {offsets = [11], sizes = [1], strides = [1]} : vector<16xf32> to vector<1xf32>
      %squeeze3A_2712 = vector.extract %slice3A_2711[0] : f32 from vector<1xf32>
      %get3A_2713 = arith.constant 75 : i32
      %get3A_2714 = arith.index_cast %get3A_2713 : i32 to index
      %get3A_2715 = arith.constant 16 : index
      %get3A_2716 = tpu.vector_load %arg10[%get3A_2714, %get3A_2715] {strides = array<i32>} : memref<128x128xf32, #tpu.memory_space<vmem>>, vector<16xf32>,
      %mul3A_2717 = vector.broadcast %squeeze3A_2712 : f32 to vector<16xf32>
      %mul3A_2718 = arith.mulf %mul3A_2717, %get3A_2716 : vector<16xf32>
      %add3A_2719 = arith.addf %add3A_2710, %mul3A_2718 : vector<16xf32>
      %slice3A_2720 = vector.extract_strided_slice %div3A_2466 {offsets = [12], sizes = [1], strides = [1]} : vector<16xf32> to vector<1xf32>
      %squeeze3A_2721 = vector.extract %slice3A_2720[0] : f32 from vector<1xf32>
      %get3A_2722 = arith.constant 76 : i32
      %get3A_2723 = arith.index_cast %get3A_2722 : i32 to index
      %get3A_2724 = arith.constant 16 : index
      %get3A_2725 = tpu.vector_load %arg10[%get3A_2723, %get3A_2724] {strides = array<i32>} : memref<128x128xf32, #tpu.memory_space<vmem>>, vector<16xf32>,
      %mul3A_2726 = vector.broadcast %squeeze3A_2721 : f32 to vector<16xf32>
      %mul3A_2727 = arith.mulf %mul3A_2726, %get3A_2725 : vector<16xf32>
      %add3A_2728 = arith.addf %add3A_2719, %mul3A_2727 : vector<16xf32>
      %slice3A_2729 = vector.extract_strided_slice %div3A_2466 {offsets = [13], sizes = [1], strides = [1]} : vector<16xf32> to vector<1xf32>
      %squeeze3A_2730 = vector.extract %slice3A_2729[0] : f32 from vector<1xf32>
      %get3A_2731 = arith.constant 77 : i32
      %get3A_2732 = arith.index_cast %get3A_2731 : i32 to index
      %get3A_2733 = arith.constant 16 : index
      %get3A_2734 = tpu.vector_load %arg10[%get3A_2732, %get3A_2733] {strides = array<i32>} : memref<128x128xf32, #tpu.memory_space<vmem>>, vector<16xf32>,
      %mul3A_2735 = vector.broadcast %squeeze3A_2730 : f32 to vector<16xf32>
      %mul3A_2736 = arith.mulf %mul3A_2735, %get3A_2734 : vector<16xf32>
      %add3A_2737 = arith.addf %add3A_2728, %mul3A_2736 : vector<16xf32>
      %slice3A_2738 = vector.extract_strided_slice %div3A_2466 {offsets = [14], sizes = [1], strides = [1]} : vector<16xf32> to vector<1xf32>
      %squeeze3A_2739 = vector.extract %slice3A_2738[0] : f32 from vector<1xf32>
      %get3A_2740 = arith.constant 78 : i32
      %get3A_2741 = arith.index_cast %get3A_2740 : i32 to index
      %get3A_2742 = arith.constant 16 : index
      %get3A_2743 = tpu.vector_load %arg10[%get3A_2741, %get3A_2742] {strides = array<i32>} : memref<128x128xf32, #tpu.memory_space<vmem>>, vector<16xf32>,
      %mul3A_2744 = vector.broadcast %squeeze3A_2739 : f32 to vector<16xf32>
      %mul3A_2745 = arith.mulf %mul3A_2744, %get3A_2743 : vector<16xf32>
      %add3A_2746 = arith.addf %add3A_2737, %mul3A_2745 : vector<16xf32>
      %slice3A_2747 = vector.extract_strided_slice %div3A_2466 {offsets = [15], sizes = [1], strides = [1]} : vector<16xf32> to vector<1xf32>
      %squeeze3A_2748 = vector.extract %slice3A_2747[0] : f32 from vector<1xf32>
      %get3A_2749 = arith.constant 79 : i32
      %get3A_2750 = arith.index_cast %get3A_2749 : i32 to index
      %get3A_2751 = arith.constant 16 : index
      %get3A_2752 = tpu.vector_load %arg10[%get3A_2750, %get3A_2751] {strides = array<i32>} : memref<128x128xf32, #tpu.memory_space<vmem>>, vector<16xf32>,
      %mul3A_2753 = vector.broadcast %squeeze3A_2748 : f32 to vector<16xf32>
      %mul3A_2754 = arith.mulf %mul3A_2753, %get3A_2752 : vector<16xf32>
      %add3A_2755 = arith.addf %add3A_2746, %mul3A_2754 : vector<16xf32>
      %swap3A_2756 = arith.index_cast %add3A_2446 : i32 to index
      %swap3A_2757 = arith.constant 16 : index
      %swap3A_2758 = tpu.vector_load %arg11[%swap3A_2756, %swap3A_2757] {strides = array<i32>} : memref<512x64xf32, #tpu.memory_space<vmem>>, vector<16xf32>,
      tpu.vector_store %arg11[%swap3A_2756, %swap3A_2757], %add3A_2755 {strides = array<i32>} : memref<512x64xf32, #tpu.memory_space<vmem>>, vector<16xf32>,
      %slice3A_2759 = vector.extract_strided_slice %div3A_2466 {offsets = [0], sizes = [1], strides = [1]} : vector<16xf32> to vector<1xf32>
      %squeeze3A_2760 = vector.extract %slice3A_2759[0] : f32 from vector<1xf32>
      %get3A_2761 = arith.constant 64 : i32
      %get3A_2762 = arith.index_cast %get3A_2761 : i32 to index
      %get3A_2763 = arith.constant 32 : index
      %get3A_2764 = tpu.vector_load %arg10[%get3A_2762, %get3A_2763] {strides = array<i32>} : memref<128x128xf32, #tpu.memory_space<vmem>>, vector<16xf32>,
      %mul3A_2765 = vector.broadcast %squeeze3A_2760 : f32 to vector<16xf32>
      %mul3A_2766 = arith.mulf %mul3A_2765, %get3A_2764 : vector<16xf32>
      %slice3A_2767 = vector.extract_strided_slice %div3A_2466 {offsets = [1], sizes = [1], strides = [1]} : vector<16xf32> to vector<1xf32>
      %squeeze3A_2768 = vector.extract %slice3A_2767[0] : f32 from vector<1xf32>
      %get3A_2769 = arith.constant 65 : i32
      %get3A_2770 = arith.index_cast %get3A_2769 : i32 to index
      %get3A_2771 = arith.constant 32 : index
      %get3A_2772 = tpu.vector_load %arg10[%get3A_2770, %get3A_2771] {strides = array<i32>} : memref<128x128xf32, #tpu.memory_space<vmem>>, vector<16xf32>,
      %mul3A_2773 = vector.broadcast %squeeze3A_2768 : f32 to vector<16xf32>
      %mul3A_2774 = arith.mulf %mul3A_2773, %get3A_2772 : vector<16xf32>
      %add3A_2775 = arith.addf %mul3A_2766, %mul3A_2774 : vector<16xf32>
      %slice3A_2776 = vector.extract_strided_slice %div3A_2466 {offsets = [2], sizes = [1], strides = [1]} : vector<16xf32> to vector<1xf32>
      %squeeze3A_2777 = vector.extract %slice3A_2776[0] : f32 from vector<1xf32>
      %get3A_2778 = arith.constant 66 : i32
      %get3A_2779 = arith.index_cast %get3A_2778 : i32 to index
      %get3A_2780 = arith.constant 32 : index
      %get3A_2781 = tpu.vector_load %arg10[%get3A_2779, %get3A_2780] {strides = array<i32>} : memref<128x128xf32, #tpu.memory_space<vmem>>, vector<16xf32>,
      %mul3A_2782 = vector.broadcast %squeeze3A_2777 : f32 to vector<16xf32>
      %mul3A_2783 = arith.mulf %mul3A_2782, %get3A_2781 : vector<16xf32>
      %add3A_2784 = arith.addf %add3A_2775, %mul3A_2783 : vector<16xf32>
      %slice3A_2785 = vector.extract_strided_slice %div3A_2466 {offsets = [3], sizes = [1], strides = [1]} : vector<16xf32> to vector<1xf32>
      %squeeze3A_2786 = vector.extract %slice3A_2785[0] : f32 from vector<1xf32>
      %get3A_2787 = arith.constant 67 : i32
      %get3A_2788 = arith.index_cast %get3A_2787 : i32 to index
      %get3A_2789 = arith.constant 32 : index
      %get3A_2790 = tpu.vector_load %arg10[%get3A_2788, %get3A_2789] {strides = array<i32>} : memref<128x128xf32, #tpu.memory_space<vmem>>, vector<16xf32>,
      %mul3A_2791 = vector.broadcast %squeeze3A_2786 : f32 to vector<16xf32>
      %mul3A_2792 = arith.mulf %mul3A_2791, %get3A_2790 : vector<16xf32>
      %add3A_2793 = arith.addf %add3A_2784, %mul3A_2792 : vector<16xf32>
      %slice3A_2794 = vector.extract_strided_slice %div3A_2466 {offsets = [4], sizes = [1], strides = [1]} : vector<16xf32> to vector<1xf32>
      %squeeze3A_2795 = vector.extract %slice3A_2794[0] : f32 from vector<1xf32>
      %get3A_2796 = arith.constant 68 : i32
      %get3A_2797 = arith.index_cast %get3A_2796 : i32 to index
      %get3A_2798 = arith.constant 32 : index
      %get3A_2799 = tpu.vector_load %arg10[%get3A_2797, %get3A_2798] {strides = array<i32>} : memref<128x128xf32, #tpu.memory_space<vmem>>, vector<16xf32>,
      %mul3A_2800 = vector.broadcast %squeeze3A_2795 : f32 to vector<16xf32>
      %mul3A_2801 = arith.mulf %mul3A_2800, %get3A_2799 : vector<16xf32>
      %add3A_2802 = arith.addf %add3A_2793, %mul3A_2801 : vector<16xf32>
      %slice3A_2803 = vector.extract_strided_slice %div3A_2466 {offsets = [5], sizes = [1], strides = [1]} : vector<16xf32> to vector<1xf32>
      %squeeze3A_2804 = vector.extract %slice3A_2803[0] : f32 from vector<1xf32>
      %get3A_2805 = arith.constant 69 : i32
      %get3A_2806 = arith.index_cast %get3A_2805 : i32 to index
      %get3A_2807 = arith.constant 32 : index
      %get3A_2808 = tpu.vector_load %arg10[%get3A_2806, %get3A_2807] {strides = array<i32>} : memref<128x128xf32, #tpu.memory_space<vmem>>, vector<16xf32>,
      %mul3A_2809 = vector.broadcast %squeeze3A_2804 : f32 to vector<16xf32>
      %mul3A_2810 = arith.mulf %mul3A_2809, %get3A_2808 : vector<16xf32>
      %add3A_2811 = arith.addf %add3A_2802, %mul3A_2810 : vector<16xf32>
      %slice3A_2812 = vector.extract_strided_slice %div3A_2466 {offsets = [6], sizes = [1], strides = [1]} : vector<16xf32> to vector<1xf32>
      %squeeze3A_2813 = vector.extract %slice3A_2812[0] : f32 from vector<1xf32>
      %get3A_2814 = arith.constant 70 : i32
      %get3A_2815 = arith.index_cast %get3A_2814 : i32 to index
      %get3A_2816 = arith.constant 32 : index
      %get3A_2817 = tpu.vector_load %arg10[%get3A_2815, %get3A_2816] {strides = array<i32>} : memref<128x128xf32, #tpu.memory_space<vmem>>, vector<16xf32>,
      %mul3A_2818 = vector.broadcast %squeeze3A_2813 : f32 to vector<16xf32>
      %mul3A_2819 = arith.mulf %mul3A_2818, %get3A_2817 : vector<16xf32>
      %add3A_2820 = arith.addf %add3A_2811, %mul3A_2819 : vector<16xf32>
      %slice3A_2821 = vector.extract_strided_slice %div3A_2466 {offsets = [7], sizes = [1], strides = [1]} : vector<16xf32> to vector<1xf32>
      %squeeze3A_2822 = vector.extract %slice3A_2821[0] : f32 from vector<1xf32>
      %get3A_2823 = arith.constant 71 : i32
      %get3A_2824 = arith.index_cast %get3A_2823 : i32 to index
      %get3A_2825 = arith.constant 32 : index
      %get3A_2826 = tpu.vector_load %arg10[%get3A_2824, %get3A_2825] {strides = array<i32>} : memref<128x128xf32, #tpu.memory_space<vmem>>, vector<16xf32>,
      %mul3A_2827 = vector.broadcast %squeeze3A_2822 : f32 to vector<16xf32>
      %mul3A_2828 = arith.mulf %mul3A_2827, %get3A_2826 : vector<16xf32>
      %add3A_2829 = arith.addf %add3A_2820, %mul3A_2828 : vector<16xf32>
      %slice3A_2830 = vector.extract_strided_slice %div3A_2466 {offsets = [8], sizes = [1], strides = [1]} : vector<16xf32> to vector<1xf32>
      %squeeze3A_2831 = vector.extract %slice3A_2830[0] : f32 from vector<1xf32>
      %get3A_2832 = arith.constant 72 : i32
      %get3A_2833 = arith.index_cast %get3A_2832 : i32 to index
      %get3A_2834 = arith.constant 32 : index
      %get3A_2835 = tpu.vector_load %arg10[%get3A_2833, %get3A_2834] {strides = array<i32>} : memref<128x128xf32, #tpu.memory_space<vmem>>, vector<16xf32>,
      %mul3A_2836 = vector.broadcast %squeeze3A_2831 : f32 to vector<16xf32>
      %mul3A_2837 = arith.mulf %mul3A_2836, %get3A_2835 : vector<16xf32>
      %add3A_2838 = arith.addf %add3A_2829, %mul3A_2837 : vector<16xf32>
      %slice3A_2839 = vector.extract_strided_slice %div3A_2466 {offsets = [9], sizes = [1], strides = [1]} : vector<16xf32> to vector<1xf32>
      %squeeze3A_2840 = vector.extract %slice3A_2839[0] : f32 from vector<1xf32>
      %get3A_2841 = arith.constant 73 : i32
      %get3A_2842 = arith.index_cast %get3A_2841 : i32 to index
      %get3A_2843 = arith.constant 32 : index
      %get3A_2844 = tpu.vector_load %arg10[%get3A_2842, %get3A_2843] {strides = array<i32>} : memref<128x128xf32, #tpu.memory_space<vmem>>, vector<16xf32>,
      %mul3A_2845 = vector.broadcast %squeeze3A_2840 : f32 to vector<16xf32>
      %mul3A_2846 = arith.mulf %mul3A_2845, %get3A_2844 : vector<16xf32>
      %add3A_2847 = arith.addf %add3A_2838, %mul3A_2846 : vector<16xf32>
      %slice3A_2848 = vector.extract_strided_slice %div3A_2466 {offsets = [10], sizes = [1], strides = [1]} : vector<16xf32> to vector<1xf32>
      %squeeze3A_2849 = vector.extract %slice3A_2848[0] : f32 from vector<1xf32>
      %get3A_2850 = arith.constant 74 : i32
      %get3A_2851 = arith.index_cast %get3A_2850 : i32 to index
      %get3A_2852 = arith.constant 32 : index
      %get3A_2853 = tpu.vector_load %arg10[%get3A_2851, %get3A_2852] {strides = array<i32>} : memref<128x128xf32, #tpu.memory_space<vmem>>, vector<16xf32>,
      %mul3A_2854 = vector.broadcast %squeeze3A_2849 : f32 to vector<16xf32>
      %mul3A_2855 = arith.mulf %mul3A_2854, %get3A_2853 : vector<16xf32>
      %add3A_2856 = arith.addf %add3A_2847, %mul3A_2855 : vector<16xf32>
      %slice3A_2857 = vector.extract_strided_slice %div3A_2466 {offsets = [11], sizes = [1], strides = [1]} : vector<16xf32> to vector<1xf32>
      %squeeze3A_2858 = vector.extract %slice3A_2857[0] : f32 from vector<1xf32>
      %get3A_2859 = arith.constant 75 : i32
      %get3A_2860 = arith.index_cast %get3A_2859 : i32 to index
      %get3A_2861 = arith.constant 32 : index
      %get3A_2862 = tpu.vector_load %arg10[%get3A_2860, %get3A_2861] {strides = array<i32>} : memref<128x128xf32, #tpu.memory_space<vmem>>, vector<16xf32>,
      %mul3A_2863 = vector.broadcast %squeeze3A_2858 : f32 to vector<16xf32>
      %mul3A_2864 = arith.mulf %mul3A_2863, %get3A_2862 : vector<16xf32>
      %add3A_2865 = arith.addf %add3A_2856, %mul3A_2864 : vector<16xf32>
      %slice3A_2866 = vector.extract_strided_slice %div3A_2466 {offsets = [12], sizes = [1], strides = [1]} : vector<16xf32> to vector<1xf32>
      %squeeze3A_2867 = vector.extract %slice3A_2866[0] : f32 from vector<1xf32>
      %get3A_2868 = arith.constant 76 : i32
      %get3A_2869 = arith.index_cast %get3A_2868 : i32 to index
      %get3A_2870 = arith.constant 32 : index
      %get3A_2871 = tpu.vector_load %arg10[%get3A_2869, %get3A_2870] {strides = array<i32>} : memref<128x128xf32, #tpu.memory_space<vmem>>, vector<16xf32>,
      %mul3A_2872 = vector.broadcast %squeeze3A_2867 : f32 to vector<16xf32>
      %mul3A_2873 = arith.mulf %mul3A_2872, %get3A_2871 : vector<16xf32>
      %add3A_2874 = arith.addf %add3A_2865, %mul3A_2873 : vector<16xf32>
      %slice3A_2875 = vector.extract_strided_slice %div3A_2466 {offsets = [13], sizes = [1], strides = [1]} : vector<16xf32> to vector<1xf32>
      %squeeze3A_2876 = vector.extract %slice3A_2875[0] : f32 from vector<1xf32>
      %get3A_2877 = arith.constant 77 : i32
      %get3A_2878 = arith.index_cast %get3A_2877 : i32 to index
      %get3A_2879 = arith.constant 32 : index
      %get3A_2880 = tpu.vector_load %arg10[%get3A_2878, %get3A_2879] {strides = array<i32>} : memref<128x128xf32, #tpu.memory_space<vmem>>, vector<16xf32>,
      %mul3A_2881 = vector.broadcast %squeeze3A_2876 : f32 to vector<16xf32>
      %mul3A_2882 = arith.mulf %mul3A_2881, %get3A_2880 : vector<16xf32>
      %add3A_2883 = arith.addf %add3A_2874, %mul3A_2882 : vector<16xf32>
      %slice3A_2884 = vector.extract_strided_slice %div3A_2466 {offsets = [14], sizes = [1], strides = [1]} : vector<16xf32> to vector<1xf32>
      %squeeze3A_2885 = vector.extract %slice3A_2884[0] : f32 from vector<1xf32>
      %get3A_2886 = arith.constant 78 : i32
      %get3A_2887 = arith.index_cast %get3A_2886 : i32 to index
      %get3A_2888 = arith.constant 32 : index
      %get3A_2889 = tpu.vector_load %arg10[%get3A_2887, %get3A_2888] {strides = array<i32>} : memref<128x128xf32, #tpu.memory_space<vmem>>, vector<16xf32>,
      %mul3A_2890 = vector.broadcast %squeeze3A_2885 : f32 to vector<16xf32>
      %mul3A_2891 = arith.mulf %mul3A_2890, %get3A_2889 : vector<16xf32>
      %add3A_2892 = arith.addf %add3A_2883, %mul3A_2891 : vector<16xf32>
      %slice3A_2893 = vector.extract_strided_slice %div3A_2466 {offsets = [15], sizes = [1], strides = [1]} : vector<16xf32> to vector<1xf32>
      %squeeze3A_2894 = vector.extract %slice3A_2893[0] : f32 from vector<1xf32>
      %get3A_2895 = arith.constant 79 : i32
      %get3A_2896 = arith.index_cast %get3A_2895 : i32 to index
      %get3A_2897 = arith.constant 32 : index
      %get3A_2898 = tpu.vector_load %arg10[%get3A_2896, %get3A_2897] {strides = array<i32>} : memref<128x128xf32, #tpu.memory_space<vmem>>, vector<16xf32>,
      %mul3A_2899 = vector.broadcast %squeeze3A_2894 : f32 to vector<16xf32>
      %mul3A_2900 = arith.mulf %mul3A_2899, %get3A_2898 : vector<16xf32>
      %add3A_2901 = arith.addf %add3A_2892, %mul3A_2900 : vector<16xf32>
      %swap3A_2902 = arith.index_cast %add3A_2446 : i32 to index
      %swap3A_2903 = arith.constant 32 : index
      %swap3A_2904 = tpu.vector_load %arg11[%swap3A_2902, %swap3A_2903] {strides = array<i32>} : memref<512x64xf32, #tpu.memory_space<vmem>>, vector<16xf32>,
      tpu.vector_store %arg11[%swap3A_2902, %swap3A_2903], %add3A_2901 {strides = array<i32>} : memref<512x64xf32, #tpu.memory_space<vmem>>, vector<16xf32>,
      %slice3A_2905 = vector.extract_strided_slice %div3A_2466 {offsets = [0], sizes = [1], strides = [1]} : vector<16xf32> to vector<1xf32>
      %squeeze3A_2906 = vector.extract %slice3A_2905[0] : f32 from vector<1xf32>
      %get3A_2907 = arith.constant 64 : i32
      %get3A_2908 = arith.index_cast %get3A_2907 : i32 to index
      %get3A_2909 = arith.constant 48 : index
      %get3A_2910 = tpu.vector_load %arg10[%get3A_2908, %get3A_2909] {strides = array<i32>} : memref<128x128xf32, #tpu.memory_space<vmem>>, vector<16xf32>,
      %mul3A_2911 = vector.broadcast %squeeze3A_2906 : f32 to vector<16xf32>
      %mul3A_2912 = arith.mulf %mul3A_2911, %get3A_2910 : vector<16xf32>
      %slice3A_2913 = vector.extract_strided_slice %div3A_2466 {offsets = [1], sizes = [1], strides = [1]} : vector<16xf32> to vector<1xf32>
      %squeeze3A_2914 = vector.extract %slice3A_2913[0] : f32 from vector<1xf32>
      %get3A_2915 = arith.constant 65 : i32
      %get3A_2916 = arith.index_cast %get3A_2915 : i32 to index
      %get3A_2917 = arith.constant 48 : index
      %get3A_2918 = tpu.vector_load %arg10[%get3A_2916, %get3A_2917] {strides = array<i32>} : memref<128x128xf32, #tpu.memory_space<vmem>>, vector<16xf32>,
      %mul3A_2919 = vector.broadcast %squeeze3A_2914 : f32 to vector<16xf32>
      %mul3A_2920 = arith.mulf %mul3A_2919, %get3A_2918 : vector<16xf32>
      %add3A_2921 = arith.addf %mul3A_2912, %mul3A_2920 : vector<16xf32>
      %slice3A_2922 = vector.extract_strided_slice %div3A_2466 {offsets = [2], sizes = [1], strides = [1]} : vector<16xf32> to vector<1xf32>
      %squeeze3A_2923 = vector.extract %slice3A_2922[0] : f32 from vector<1xf32>
      %get3A_2924 = arith.constant 66 : i32
      %get3A_2925 = arith.index_cast %get3A_2924 : i32 to index
      %get3A_2926 = arith.constant 48 : index
      %get3A_2927 = tpu.vector_load %arg10[%get3A_2925, %get3A_2926] {strides = array<i32>} : memref<128x128xf32, #tpu.memory_space<vmem>>, vector<16xf32>,
      %mul3A_2928 = vector.broadcast %squeeze3A_2923 : f32 to vector<16xf32>
      %mul3A_2929 = arith.mulf %mul3A_2928, %get3A_2927 : vector<16xf32>
      %add3A_2930 = arith.addf %add3A_2921, %mul3A_2929 : vector<16xf32>
      %slice3A_2931 = vector.extract_strided_slice %div3A_2466 {offsets = [3], sizes = [1], strides = [1]} : vector<16xf32> to vector<1xf32>
      %squeeze3A_2932 = vector.extract %slice3A_2931[0] : f32 from vector<1xf32>
      %get3A_2933 = arith.constant 67 : i32
      %get3A_2934 = arith.index_cast %get3A_2933 : i32 to index
      %get3A_2935 = arith.constant 48 : index
      %get3A_2936 = tpu.vector_load %arg10[%get3A_2934, %get3A_2935] {strides = array<i32>} : memref<128x128xf32, #tpu.memory_space<vmem>>, vector<16xf32>,
      %mul3A_2937 = vector.broadcast %squeeze3A_2932 : f32 to vector<16xf32>
      %mul3A_2938 = arith.mulf %mul3A_2937, %get3A_2936 : vector<16xf32>
      %add3A_2939 = arith.addf %add3A_2930, %mul3A_2938 : vector<16xf32>
      %slice3A_2940 = vector.extract_strided_slice %div3A_2466 {offsets = [4], sizes = [1], strides = [1]} : vector<16xf32> to vector<1xf32>
      %squeeze3A_2941 = vector.extract %slice3A_2940[0] : f32 from vector<1xf32>
      %get3A_2942 = arith.constant 68 : i32
      %get3A_2943 = arith.index_cast %get3A_2942 : i32 to index
      %get3A_2944 = arith.constant 48 : index
      %get3A_2945 = tpu.vector_load %arg10[%get3A_2943, %get3A_2944] {strides = array<i32>} : memref<128x128xf32, #tpu.memory_space<vmem>>, vector<16xf32>,
      %mul3A_2946 = vector.broadcast %squeeze3A_2941 : f32 to vector<16xf32>
      %mul3A_2947 = arith.mulf %mul3A_2946, %get3A_2945 : vector<16xf32>
      %add3A_2948 = arith.addf %add3A_2939, %mul3A_2947 : vector<16xf32>
      %slice3A_2949 = vector.extract_strided_slice %div3A_2466 {offsets = [5], sizes = [1], strides = [1]} : vector<16xf32> to vector<1xf32>
      %squeeze3A_2950 = vector.extract %slice3A_2949[0] : f32 from vector<1xf32>
      %get3A_2951 = arith.constant 69 : i32
      %get3A_2952 = arith.index_cast %get3A_2951 : i32 to index
      %get3A_2953 = arith.constant 48 : index
      %get3A_2954 = tpu.vector_load %arg10[%get3A_2952, %get3A_2953] {strides = array<i32>} : memref<128x128xf32, #tpu.memory_space<vmem>>, vector<16xf32>,
      %mul3A_2955 = vector.broadcast %squeeze3A_2950 : f32 to vector<16xf32>
      %mul3A_2956 = arith.mulf %mul3A_2955, %get3A_2954 : vector<16xf32>
      %add3A_2957 = arith.addf %add3A_2948, %mul3A_2956 : vector<16xf32>
      %slice3A_2958 = vector.extract_strided_slice %div3A_2466 {offsets = [6], sizes = [1], strides = [1]} : vector<16xf32> to vector<1xf32>
      %squeeze3A_2959 = vector.extract %slice3A_2958[0] : f32 from vector<1xf32>
      %get3A_2960 = arith.constant 70 : i32
      %get3A_2961 = arith.index_cast %get3A_2960 : i32 to index
      %get3A_2962 = arith.constant 48 : index
      %get3A_2963 = tpu.vector_load %arg10[%get3A_2961, %get3A_2962] {strides = array<i32>} : memref<128x128xf32, #tpu.memory_space<vmem>>, vector<16xf32>,
      %mul3A_2964 = vector.broadcast %squeeze3A_2959 : f32 to vector<16xf32>
      %mul3A_2965 = arith.mulf %mul3A_2964, %get3A_2963 : vector<16xf32>
      %add3A_2966 = arith.addf %add3A_2957, %mul3A_2965 : vector<16xf32>
      %slice3A_2967 = vector.extract_strided_slice %div3A_2466 {offsets = [7], sizes = [1], strides = [1]} : vector<16xf32> to vector<1xf32>
      %squeeze3A_2968 = vector.extract %slice3A_2967[0] : f32 from vector<1xf32>
      %get3A_2969 = arith.constant 71 : i32
      %get3A_2970 = arith.index_cast %get3A_2969 : i32 to index
      %get3A_2971 = arith.constant 48 : index
      %get3A_2972 = tpu.vector_load %arg10[%get3A_2970, %get3A_2971] {strides = array<i32>} : memref<128x128xf32, #tpu.memory_space<vmem>>, vector<16xf32>,
      %mul3A_2973 = vector.broadcast %squeeze3A_2968 : f32 to vector<16xf32>
      %mul3A_2974 = arith.mulf %mul3A_2973, %get3A_2972 : vector<16xf32>
      %add3A_2975 = arith.addf %add3A_2966, %mul3A_2974 : vector<16xf32>
      %slice3A_2976 = vector.extract_strided_slice %div3A_2466 {offsets = [8], sizes = [1], strides = [1]} : vector<16xf32> to vector<1xf32>
      %squeeze3A_2977 = vector.extract %slice3A_2976[0] : f32 from vector<1xf32>
      %get3A_2978 = arith.constant 72 : i32
      %get3A_2979 = arith.index_cast %get3A_2978 : i32 to index
      %get3A_2980 = arith.constant 48 : index
      %get3A_2981 = tpu.vector_load %arg10[%get3A_2979, %get3A_2980] {strides = array<i32>} : memref<128x128xf32, #tpu.memory_space<vmem>>, vector<16xf32>,
      %mul3A_2982 = vector.broadcast %squeeze3A_2977 : f32 to vector<16xf32>
      %mul3A_2983 = arith.mulf %mul3A_2982, %get3A_2981 : vector<16xf32>
      %add3A_2984 = arith.addf %add3A_2975, %mul3A_2983 : vector<16xf32>
      %slice3A_2985 = vector.extract_strided_slice %div3A_2466 {offsets = [9], sizes = [1], strides = [1]} : vector<16xf32> to vector<1xf32>
      %squeeze3A_2986 = vector.extract %slice3A_2985[0] : f32 from vector<1xf32>
      %get3A_2987 = arith.constant 73 : i32
      %get3A_2988 = arith.index_cast %get3A_2987 : i32 to index
      %get3A_2989 = arith.constant 48 : index
      %get3A_2990 = tpu.vector_load %arg10[%get3A_2988, %get3A_2989] {strides = array<i32>} : memref<128x128xf32, #tpu.memory_space<vmem>>, vector<16xf32>,
      %mul3A_2991 = vector.broadcast %squeeze3A_2986 : f32 to vector<16xf32>
      %mul3A_2992 = arith.mulf %mul3A_2991, %get3A_2990 : vector<16xf32>
      %add3A_2993 = arith.addf %add3A_2984, %mul3A_2992 : vector<16xf32>
      %slice3A_2994 = vector.extract_strided_slice %div3A_2466 {offsets = [10], sizes = [1], strides = [1]} : vector<16xf32> to vector<1xf32>
      %squeeze3A_2995 = vector.extract %slice3A_2994[0] : f32 from vector<1xf32>
      %get3A_2996 = arith.constant 74 : i32
      %get3A_2997 = arith.index_cast %get3A_2996 : i32 to index
      %get3A_2998 = arith.constant 48 : index
      %get3A_2999 = tpu.vector_load %arg10[%get3A_2997, %get3A_2998] {strides = array<i32>} : memref<128x128xf32, #tpu.memory_space<vmem>>, vector<16xf32>,
      %mul3A_3000 = vector.broadcast %squeeze3A_2995 : f32 to vector<16xf32>
      %mul3A_3001 = arith.mulf %mul3A_3000, %get3A_2999 : vector<16xf32>
      %add3A_3002 = arith.addf %add3A_2993, %mul3A_3001 : vector<16xf32>
      %slice3A_3003 = vector.extract_strided_slice %div3A_2466 {offsets = [11], sizes = [1], strides = [1]} : vector<16xf32> to vector<1xf32>
      %squeeze3A_3004 = vector.extract %slice3A_3003[0] : f32 from vector<1xf32>
      %get3A_3005 = arith.constant 75 : i32
      %get3A_3006 = arith.index_cast %get3A_3005 : i32 to index
      %get3A_3007 = arith.constant 48 : index
      %get3A_3008 = tpu.vector_load %arg10[%get3A_3006, %get3A_3007] {strides = array<i32>} : memref<128x128xf32, #tpu.memory_space<vmem>>, vector<16xf32>,
      %mul3A_3009 = vector.broadcast %squeeze3A_3004 : f32 to vector<16xf32>
      %mul3A_3010 = arith.mulf %mul3A_3009, %get3A_3008 : vector<16xf32>
      %add3A_3011 = arith.addf %add3A_3002, %mul3A_3010 : vector<16xf32>
      %slice3A_3012 = vector.extract_strided_slice %div3A_2466 {offsets = [12], sizes = [1], strides = [1]} : vector<16xf32> to vector<1xf32>
      %squeeze3A_3013 = vector.extract %slice3A_3012[0] : f32 from vector<1xf32>
      %get3A_3014 = arith.constant 76 : i32
      %get3A_3015 = arith.index_cast %get3A_3014 : i32 to index
      %get3A_3016 = arith.constant 48 : index
      %get3A_3017 = tpu.vector_load %arg10[%get3A_3015, %get3A_3016] {strides = array<i32>} : memref<128x128xf32, #tpu.memory_space<vmem>>, vector<16xf32>,
      %mul3A_3018 = vector.broadcast %squeeze3A_3013 : f32 to vector<16xf32>
      %mul3A_3019 = arith.mulf %mul3A_3018, %get3A_3017 : vector<16xf32>
      %add3A_3020 = arith.addf %add3A_3011, %mul3A_3019 : vector<16xf32>
      %slice3A_3021 = vector.extract_strided_slice %div3A_2466 {offsets = [13], sizes = [1], strides = [1]} : vector<16xf32> to vector<1xf32>
      %squeeze3A_3022 = vector.extract %slice3A_3021[0] : f32 from vector<1xf32>
      %get3A_3023 = arith.constant 77 : i32
      %get3A_3024 = arith.index_cast %get3A_3023 : i32 to index
      %get3A_3025 = arith.constant 48 : index
      %get3A_3026 = tpu.vector_load %arg10[%get3A_3024, %get3A_3025] {strides = array<i32>} : memref<128x128xf32, #tpu.memory_space<vmem>>, vector<16xf32>,
      %mul3A_3027 = vector.broadcast %squeeze3A_3022 : f32 to vector<16xf32>
      %mul3A_3028 = arith.mulf %mul3A_3027, %get3A_3026 : vector<16xf32>
      %add3A_3029 = arith.addf %add3A_3020, %mul3A_3028 : vector<16xf32>
      %slice3A_3030 = vector.extract_strided_slice %div3A_2466 {offsets = [14], sizes = [1], strides = [1]} : vector<16xf32> to vector<1xf32>
      %squeeze3A_3031 = vector.extract %slice3A_3030[0] : f32 from vector<1xf32>
      %get3A_3032 = arith.constant 78 : i32
      %get3A_3033 = arith.index_cast %get3A_3032 : i32 to index
      %get3A_3034 = arith.constant 48 : index
      %get3A_3035 = tpu.vector_load %arg10[%get3A_3033, %get3A_3034] {strides = array<i32>} : memref<128x128xf32, #tpu.memory_space<vmem>>, vector<16xf32>,
      %mul3A_3036 = vector.broadcast %squeeze3A_3031 : f32 to vector<16xf32>
      %mul3A_3037 = arith.mulf %mul3A_3036, %get3A_3035 : vector<16xf32>
      %add3A_3038 = arith.addf %add3A_3029, %mul3A_3037 : vector<16xf32>
      %slice3A_3039 = vector.extract_strided_slice %div3A_2466 {offsets = [15], sizes = [1], strides = [1]} : vector<16xf32> to vector<1xf32>
      %squeeze3A_3040 = vector.extract %slice3A_3039[0] : f32 from vector<1xf32>
      %get3A_3041 = arith.constant 79 : i32
      %get3A_3042 = arith.index_cast %get3A_3041 : i32 to index
      %get3A_3043 = arith.constant 48 : index
      %get3A_3044 = tpu.vector_load %arg10[%get3A_3042, %get3A_3043] {strides = array<i32>} : memref<128x128xf32, #tpu.memory_space<vmem>>, vector<16xf32>,
      %mul3A_3045 = vector.broadcast %squeeze3A_3040 : f32 to vector<16xf32>
      %mul3A_3046 = arith.mulf %mul3A_3045, %get3A_3044 : vector<16xf32>
      %add3A_3047 = arith.addf %add3A_3038, %mul3A_3046 : vector<16xf32>
      %swap3A_3048 = arith.index_cast %add3A_2446 : i32 to index
      %swap3A_3049 = arith.constant 48 : index
      %swap3A_3050 = tpu.vector_load %arg11[%swap3A_3048, %swap3A_3049] {strides = array<i32>} : memref<512x64xf32, #tpu.memory_space<vmem>>, vector<16xf32>,
      tpu.vector_store %arg11[%swap3A_3048, %swap3A_3049], %add3A_3047 {strides = array<i32>} : memref<512x64xf32, #tpu.memory_space<vmem>>, vector<16xf32>,
      %mul3A_3051 = arith.constant 8 : i32
      %mul3A_3052 = arith.muli %scan3A_8, %mul3A_3051 : i32
      %add3A_3053 = arith.constant 5 : i32
      %add3A_3054 = arith.addi %mul3A_3052, %add3A_3053 : i32
      %get3A_3055 = arith.constant 80 : index
      %get3A_3056 = tpu.vector_load %arg7[%get3A_3055] {strides = array<i32>} : memref<128xi32, #tpu.memory_space<vmem>>, vector<16xi32>,
      %gather3A_3057 = tpu.vector_load_idx %arg9[%get3A_3056] : memref<16384xf32, #tpu.memory_space<vmem>>[vector<16xi32>], vector<16xf32>,
      %slice3A_3058 = vector.extract_strided_slice %get3A_20 {offsets = [5], sizes = [1], strides = [1]} : vector<16xf32> to vector<1xf32>
      %squeeze3A_3059 = vector.extract %slice3A_3058[0] : f32 from vector<1xf32>
      %mul3A_3060 = vector.broadcast %squeeze3A_3059 : f32 to vector<16xf32>
      %mul3A_3061 = arith.mulf %gather3A_3057, %mul3A_3060 : vector<16xf32>
      %reduce_max3A_3062 = arith.constant true
      %reduce_max3A_3063 = vector.broadcast %reduce_max3A_3062 : i1 to vector<16xi1>
      %reduce_max3A_3064 = tpu.scan <max>, %mul3A_3061 masked %reduce_max3A_3063 : vector<16xf32>, vector<16xi1> -> vector<16xf32>
      %reduce_max3A_3065 = vector.extract %reduce_max3A_3064[15] : f32 from vector<16xf32>
      %sub3A_3066 = vector.broadcast %reduce_max3A_3065 : f32 to vector<16xf32>
      %sub3A_3067 = arith.subf %mul3A_3061, %sub3A_3066 : vector<16xf32>
      %exp3A_3068 = math.exp %sub3A_3067 : vector<16xf32>
      %reduce_sum3A_3069 = arith.constant true
      %reduce_sum3A_3070 = vector.broadcast %reduce_sum3A_3069 : i1 to vector<16xi1>
      %reduce_sum3A_3071 = tpu.scan <sum>, %exp3A_3068 masked %reduce_sum3A_3070 : vector<16xf32>, vector<16xi1> -> vector<16xf32>
      %reduce_sum3A_3072 = vector.extract %reduce_sum3A_3071[15] : f32 from vector<16xf32>
      %broadcast_in_dim3A_3073 = vector.broadcast %reduce_sum3A_3072 : f32 to vector<16xf32>
      %div3A_3074 = arith.divf %exp3A_3068, %broadcast_in_dim3A_3073 : vector<16xf32>
      %slice3A_3075 = vector.extract_strided_slice %div3A_3074 {offsets = [0], sizes = [1], strides = [1]} : vector<16xf32> to vector<1xf32>
      %squeeze3A_3076 = vector.extract %slice3A_3075[0] : f32 from vector<1xf32>
      %get3A_3077 = arith.constant 80 : i32
      %get3A_3078 = arith.index_cast %get3A_3077 : i32 to index
      %get3A_3079 = arith.constant 0 : index
      %get3A_3080 = tpu.vector_load %arg10[%get3A_3078, %get3A_3079] {strides = array<i32>} : memref<128x128xf32, #tpu.memory_space<vmem>>, vector<16xf32>,
      %mul3A_3081 = vector.broadcast %squeeze3A_3076 : f32 to vector<16xf32>
      %mul3A_3082 = arith.mulf %mul3A_3081, %get3A_3080 : vector<16xf32>
      %slice3A_3083 = vector.extract_strided_slice %div3A_3074 {offsets = [1], sizes = [1], strides = [1]} : vector<16xf32> to vector<1xf32>
      %squeeze3A_3084 = vector.extract %slice3A_3083[0] : f32 from vector<1xf32>
      %get3A_3085 = arith.constant 81 : i32
      %get3A_3086 = arith.index_cast %get3A_3085 : i32 to index
      %get3A_3087 = arith.constant 0 : index
      %get3A_3088 = tpu.vector_load %arg10[%get3A_3086, %get3A_3087] {strides = array<i32>} : memref<128x128xf32, #tpu.memory_space<vmem>>, vector<16xf32>,
      %mul3A_3089 = vector.broadcast %squeeze3A_3084 : f32 to vector<16xf32>
      %mul3A_3090 = arith.mulf %mul3A_3089, %get3A_3088 : vector<16xf32>
      %add3A_3091 = arith.addf %mul3A_3082, %mul3A_3090 : vector<16xf32>
      %slice3A_3092 = vector.extract_strided_slice %div3A_3074 {offsets = [2], sizes = [1], strides = [1]} : vector<16xf32> to vector<1xf32>
      %squeeze3A_3093 = vector.extract %slice3A_3092[0] : f32 from vector<1xf32>
      %get3A_3094 = arith.constant 82 : i32
      %get3A_3095 = arith.index_cast %get3A_3094 : i32 to index
      %get3A_3096 = arith.constant 0 : index
      %get3A_3097 = tpu.vector_load %arg10[%get3A_3095, %get3A_3096] {strides = array<i32>} : memref<128x128xf32, #tpu.memory_space<vmem>>, vector<16xf32>,
      %mul3A_3098 = vector.broadcast %squeeze3A_3093 : f32 to vector<16xf32>
      %mul3A_3099 = arith.mulf %mul3A_3098, %get3A_3097 : vector<16xf32>
      %add3A_3100 = arith.addf %add3A_3091, %mul3A_3099 : vector<16xf32>
      %slice3A_3101 = vector.extract_strided_slice %div3A_3074 {offsets = [3], sizes = [1], strides = [1]} : vector<16xf32> to vector<1xf32>
      %squeeze3A_3102 = vector.extract %slice3A_3101[0] : f32 from vector<1xf32>
      %get3A_3103 = arith.constant 83 : i32
      %get3A_3104 = arith.index_cast %get3A_3103 : i32 to index
      %get3A_3105 = arith.constant 0 : index
      %get3A_3106 = tpu.vector_load %arg10[%get3A_3104, %get3A_3105] {strides = array<i32>} : memref<128x128xf32, #tpu.memory_space<vmem>>, vector<16xf32>,
      %mul3A_3107 = vector.broadcast %squeeze3A_3102 : f32 to vector<16xf32>
      %mul3A_3108 = arith.mulf %mul3A_3107, %get3A_3106 : vector<16xf32>
      %add3A_3109 = arith.addf %add3A_3100, %mul3A_3108 : vector<16xf32>
      %slice3A_3110 = vector.extract_strided_slice %div3A_3074 {offsets = [4], sizes = [1], strides = [1]} : vector<16xf32> to vector<1xf32>
      %squeeze3A_3111 = vector.extract %slice3A_3110[0] : f32 from vector<1xf32>
      %get3A_3112 = arith.constant 84 : i32
      %get3A_3113 = arith.index_cast %get3A_3112 : i32 to index
      %get3A_3114 = arith.constant 0 : index
      %get3A_3115 = tpu.vector_load %arg10[%get3A_3113, %get3A_3114] {strides = array<i32>} : memref<128x128xf32, #tpu.memory_space<vmem>>, vector<16xf32>,
      %mul3A_3116 = vector.broadcast %squeeze3A_3111 : f32 to vector<16xf32>
      %mul3A_3117 = arith.mulf %mul3A_3116, %get3A_3115 : vector<16xf32>
      %add3A_3118 = arith.addf %add3A_3109, %mul3A_3117 : vector<16xf32>
      %slice3A_3119 = vector.extract_strided_slice %div3A_3074 {offsets = [5], sizes = [1], strides = [1]} : vector<16xf32> to vector<1xf32>
      %squeeze3A_3120 = vector.extract %slice3A_3119[0] : f32 from vector<1xf32>
      %get3A_3121 = arith.constant 85 : i32
      %get3A_3122 = arith.index_cast %get3A_3121 : i32 to index
      %get3A_3123 = arith.constant 0 : index
      %get3A_3124 = tpu.vector_load %arg10[%get3A_3122, %get3A_3123] {strides = array<i32>} : memref<128x128xf32, #tpu.memory_space<vmem>>, vector<16xf32>,
      %mul3A_3125 = vector.broadcast %squeeze3A_3120 : f32 to vector<16xf32>
      %mul3A_3126 = arith.mulf %mul3A_3125, %get3A_3124 : vector<16xf32>
      %add3A_3127 = arith.addf %add3A_3118, %mul3A_3126 : vector<16xf32>
      %slice3A_3128 = vector.extract_strided_slice %div3A_3074 {offsets = [6], sizes = [1], strides = [1]} : vector<16xf32> to vector<1xf32>
      %squeeze3A_3129 = vector.extract %slice3A_3128[0] : f32 from vector<1xf32>
      %get3A_3130 = arith.constant 86 : i32
      %get3A_3131 = arith.index_cast %get3A_3130 : i32 to index
      %get3A_3132 = arith.constant 0 : index
      %get3A_3133 = tpu.vector_load %arg10[%get3A_3131, %get3A_3132] {strides = array<i32>} : memref<128x128xf32, #tpu.memory_space<vmem>>, vector<16xf32>,
      %mul3A_3134 = vector.broadcast %squeeze3A_3129 : f32 to vector<16xf32>
      %mul3A_3135 = arith.mulf %mul3A_3134, %get3A_3133 : vector<16xf32>
      %add3A_3136 = arith.addf %add3A_3127, %mul3A_3135 : vector<16xf32>
      %slice3A_3137 = vector.extract_strided_slice %div3A_3074 {offsets = [7], sizes = [1], strides = [1]} : vector<16xf32> to vector<1xf32>
      %squeeze3A_3138 = vector.extract %slice3A_3137[0] : f32 from vector<1xf32>
      %get3A_3139 = arith.constant 87 : i32
      %get3A_3140 = arith.index_cast %get3A_3139 : i32 to index
      %get3A_3141 = arith.constant 0 : index
      %get3A_3142 = tpu.vector_load %arg10[%get3A_3140, %get3A_3141] {strides = array<i32>} : memref<128x128xf32, #tpu.memory_space<vmem>>, vector<16xf32>,
      %mul3A_3143 = vector.broadcast %squeeze3A_3138 : f32 to vector<16xf32>
      %mul3A_3144 = arith.mulf %mul3A_3143, %get3A_3142 : vector<16xf32>
      %add3A_3145 = arith.addf %add3A_3136, %mul3A_3144 : vector<16xf32>
      %slice3A_3146 = vector.extract_strided_slice %div3A_3074 {offsets = [8], sizes = [1], strides = [1]} : vector<16xf32> to vector<1xf32>
      %squeeze3A_3147 = vector.extract %slice3A_3146[0] : f32 from vector<1xf32>
      %get3A_3148 = arith.constant 88 : i32
      %get3A_3149 = arith.index_cast %get3A_3148 : i32 to index
      %get3A_3150 = arith.constant 0 : index
      %get3A_3151 = tpu.vector_load %arg10[%get3A_3149, %get3A_3150] {strides = array<i32>} : memref<128x128xf32, #tpu.memory_space<vmem>>, vector<16xf32>,
      %mul3A_3152 = vector.broadcast %squeeze3A_3147 : f32 to vector<16xf32>
      %mul3A_3153 = arith.mulf %mul3A_3152, %get3A_3151 : vector<16xf32>
      %add3A_3154 = arith.addf %add3A_3145, %mul3A_3153 : vector<16xf32>
      %slice3A_3155 = vector.extract_strided_slice %div3A_3074 {offsets = [9], sizes = [1], strides = [1]} : vector<16xf32> to vector<1xf32>
      %squeeze3A_3156 = vector.extract %slice3A_3155[0] : f32 from vector<1xf32>
      %get3A_3157 = arith.constant 89 : i32
      %get3A_3158 = arith.index_cast %get3A_3157 : i32 to index
      %get3A_3159 = arith.constant 0 : index
      %get3A_3160 = tpu.vector_load %arg10[%get3A_3158, %get3A_3159] {strides = array<i32>} : memref<128x128xf32, #tpu.memory_space<vmem>>, vector<16xf32>,
      %mul3A_3161 = vector.broadcast %squeeze3A_3156 : f32 to vector<16xf32>
      %mul3A_3162 = arith.mulf %mul3A_3161, %get3A_3160 : vector<16xf32>
      %add3A_3163 = arith.addf %add3A_3154, %mul3A_3162 : vector<16xf32>
      %slice3A_3164 = vector.extract_strided_slice %div3A_3074 {offsets = [10], sizes = [1], strides = [1]} : vector<16xf32> to vector<1xf32>
      %squeeze3A_3165 = vector.extract %slice3A_3164[0] : f32 from vector<1xf32>
      %get3A_3166 = arith.constant 90 : i32
      %get3A_3167 = arith.index_cast %get3A_3166 : i32 to index
      %get3A_3168 = arith.constant 0 : index
      %get3A_3169 = tpu.vector_load %arg10[%get3A_3167, %get3A_3168] {strides = array<i32>} : memref<128x128xf32, #tpu.memory_space<vmem>>, vector<16xf32>,
      %mul3A_3170 = vector.broadcast %squeeze3A_3165 : f32 to vector<16xf32>
      %mul3A_3171 = arith.mulf %mul3A_3170, %get3A_3169 : vector<16xf32>
      %add3A_3172 = arith.addf %add3A_3163, %mul3A_3171 : vector<16xf32>
      %slice3A_3173 = vector.extract_strided_slice %div3A_3074 {offsets = [11], sizes = [1], strides = [1]} : vector<16xf32> to vector<1xf32>
      %squeeze3A_3174 = vector.extract %slice3A_3173[0] : f32 from vector<1xf32>
      %get3A_3175 = arith.constant 91 : i32
      %get3A_3176 = arith.index_cast %get3A_3175 : i32 to index
      %get3A_3177 = arith.constant 0 : index
      %get3A_3178 = tpu.vector_load %arg10[%get3A_3176, %get3A_3177] {strides = array<i32>} : memref<128x128xf32, #tpu.memory_space<vmem>>, vector<16xf32>,
      %mul3A_3179 = vector.broadcast %squeeze3A_3174 : f32 to vector<16xf32>
      %mul3A_3180 = arith.mulf %mul3A_3179, %get3A_3178 : vector<16xf32>
      %add3A_3181 = arith.addf %add3A_3172, %mul3A_3180 : vector<16xf32>
      %slice3A_3182 = vector.extract_strided_slice %div3A_3074 {offsets = [12], sizes = [1], strides = [1]} : vector<16xf32> to vector<1xf32>
      %squeeze3A_3183 = vector.extract %slice3A_3182[0] : f32 from vector<1xf32>
      %get3A_3184 = arith.constant 92 : i32
      %get3A_3185 = arith.index_cast %get3A_3184 : i32 to index
      %get3A_3186 = arith.constant 0 : index
      %get3A_3187 = tpu.vector_load %arg10[%get3A_3185, %get3A_3186] {strides = array<i32>} : memref<128x128xf32, #tpu.memory_space<vmem>>, vector<16xf32>,
      %mul3A_3188 = vector.broadcast %squeeze3A_3183 : f32 to vector<16xf32>
      %mul3A_3189 = arith.mulf %mul3A_3188, %get3A_3187 : vector<16xf32>
      %add3A_3190 = arith.addf %add3A_3181, %mul3A_3189 : vector<16xf32>
      %slice3A_3191 = vector.extract_strided_slice %div3A_3074 {offsets = [13], sizes = [1], strides = [1]} : vector<16xf32> to vector<1xf32>
      %squeeze3A_3192 = vector.extract %slice3A_3191[0] : f32 from vector<1xf32>
      %get3A_3193 = arith.constant 93 : i32
      %get3A_3194 = arith.index_cast %get3A_3193 : i32 to index
      %get3A_3195 = arith.constant 0 : index
      %get3A_3196 = tpu.vector_load %arg10[%get3A_3194, %get3A_3195] {strides = array<i32>} : memref<128x128xf32, #tpu.memory_space<vmem>>, vector<16xf32>,
      %mul3A_3197 = vector.broadcast %squeeze3A_3192 : f32 to vector<16xf32>
      %mul3A_3198 = arith.mulf %mul3A_3197, %get3A_3196 : vector<16xf32>
      %add3A_3199 = arith.addf %add3A_3190, %mul3A_3198 : vector<16xf32>
      %slice3A_3200 = vector.extract_strided_slice %div3A_3074 {offsets = [14], sizes = [1], strides = [1]} : vector<16xf32> to vector<1xf32>
      %squeeze3A_3201 = vector.extract %slice3A_3200[0] : f32 from vector<1xf32>
      %get3A_3202 = arith.constant 94 : i32
      %get3A_3203 = arith.index_cast %get3A_3202 : i32 to index
      %get3A_3204 = arith.constant 0 : index
      %get3A_3205 = tpu.vector_load %arg10[%get3A_3203, %get3A_3204] {strides = array<i32>} : memref<128x128xf32, #tpu.memory_space<vmem>>, vector<16xf32>,
      %mul3A_3206 = vector.broadcast %squeeze3A_3201 : f32 to vector<16xf32>
      %mul3A_3207 = arith.mulf %mul3A_3206, %get3A_3205 : vector<16xf32>
      %add3A_3208 = arith.addf %add3A_3199, %mul3A_3207 : vector<16xf32>
      %slice3A_3209 = vector.extract_strided_slice %div3A_3074 {offsets = [15], sizes = [1], strides = [1]} : vector<16xf32> to vector<1xf32>
      %squeeze3A_3210 = vector.extract %slice3A_3209[0] : f32 from vector<1xf32>
      %get3A_3211 = arith.constant 95 : i32
      %get3A_3212 = arith.index_cast %get3A_3211 : i32 to index
      %get3A_3213 = arith.constant 0 : index
      %get3A_3214 = tpu.vector_load %arg10[%get3A_3212, %get3A_3213] {strides = array<i32>} : memref<128x128xf32, #tpu.memory_space<vmem>>, vector<16xf32>,
      %mul3A_3215 = vector.broadcast %squeeze3A_3210 : f32 to vector<16xf32>
      %mul3A_3216 = arith.mulf %mul3A_3215, %get3A_3214 : vector<16xf32>
      %add3A_3217 = arith.addf %add3A_3208, %mul3A_3216 : vector<16xf32>
      %swap3A_3218 = arith.index_cast %add3A_3054 : i32 to index
      %swap3A_3219 = arith.constant 0 : index
      %swap3A_3220 = tpu.vector_load %arg11[%swap3A_3218, %swap3A_3219] {strides = array<i32>} : memref<512x64xf32, #tpu.memory_space<vmem>>, vector<16xf32>,
      tpu.vector_store %arg11[%swap3A_3218, %swap3A_3219], %add3A_3217 {strides = array<i32>} : memref<512x64xf32, #tpu.memory_space<vmem>>, vector<16xf32>,
      %slice3A_3221 = vector.extract_strided_slice %div3A_3074 {offsets = [0], sizes = [1], strides = [1]} : vector<16xf32> to vector<1xf32>
      %squeeze3A_3222 = vector.extract %slice3A_3221[0] : f32 from vector<1xf32>
      %get3A_3223 = arith.constant 80 : i32
      %get3A_3224 = arith.index_cast %get3A_3223 : i32 to index
      %get3A_3225 = arith.constant 16 : index
      %get3A_3226 = tpu.vector_load %arg10[%get3A_3224, %get3A_3225] {strides = array<i32>} : memref<128x128xf32, #tpu.memory_space<vmem>>, vector<16xf32>,
      %mul3A_3227 = vector.broadcast %squeeze3A_3222 : f32 to vector<16xf32>
      %mul3A_3228 = arith.mulf %mul3A_3227, %get3A_3226 : vector<16xf32>
      %slice3A_3229 = vector.extract_strided_slice %div3A_3074 {offsets = [1], sizes = [1], strides = [1]} : vector<16xf32> to vector<1xf32>
      %squeeze3A_3230 = vector.extract %slice3A_3229[0] : f32 from vector<1xf32>
      %get3A_3231 = arith.constant 81 : i32
      %get3A_3232 = arith.index_cast %get3A_3231 : i32 to index
      %get3A_3233 = arith.constant 16 : index
      %get3A_3234 = tpu.vector_load %arg10[%get3A_3232, %get3A_3233] {strides = array<i32>} : memref<128x128xf32, #tpu.memory_space<vmem>>, vector<16xf32>,
      %mul3A_3235 = vector.broadcast %squeeze3A_3230 : f32 to vector<16xf32>
      %mul3A_3236 = arith.mulf %mul3A_3235, %get3A_3234 : vector<16xf32>
      %add3A_3237 = arith.addf %mul3A_3228, %mul3A_3236 : vector<16xf32>
      %slice3A_3238 = vector.extract_strided_slice %div3A_3074 {offsets = [2], sizes = [1], strides = [1]} : vector<16xf32> to vector<1xf32>
      %squeeze3A_3239 = vector.extract %slice3A_3238[0] : f32 from vector<1xf32>
      %get3A_3240 = arith.constant 82 : i32
      %get3A_3241 = arith.index_cast %get3A_3240 : i32 to index
      %get3A_3242 = arith.constant 16 : index
      %get3A_3243 = tpu.vector_load %arg10[%get3A_3241, %get3A_3242] {strides = array<i32>} : memref<128x128xf32, #tpu.memory_space<vmem>>, vector<16xf32>,
      %mul3A_3244 = vector.broadcast %squeeze3A_3239 : f32 to vector<16xf32>
      %mul3A_3245 = arith.mulf %mul3A_3244, %get3A_3243 : vector<16xf32>
      %add3A_3246 = arith.addf %add3A_3237, %mul3A_3245 : vector<16xf32>
      %slice3A_3247 = vector.extract_strided_slice %div3A_3074 {offsets = [3], sizes = [1], strides = [1]} : vector<16xf32> to vector<1xf32>
      %squeeze3A_3248 = vector.extract %slice3A_3247[0] : f32 from vector<1xf32>
      %get3A_3249 = arith.constant 83 : i32
      %get3A_3250 = arith.index_cast %get3A_3249 : i32 to index
      %get3A_3251 = arith.constant 16 : index
      %get3A_3252 = tpu.vector_load %arg10[%get3A_3250, %get3A_3251] {strides = array<i32>} : memref<128x128xf32, #tpu.memory_space<vmem>>, vector<16xf32>,
      %mul3A_3253 = vector.broadcast %squeeze3A_3248 : f32 to vector<16xf32>
      %mul3A_3254 = arith.mulf %mul3A_3253, %get3A_3252 : vector<16xf32>
      %add3A_3255 = arith.addf %add3A_3246, %mul3A_3254 : vector<16xf32>
      %slice3A_3256 = vector.extract_strided_slice %div3A_3074 {offsets = [4], sizes = [1], strides = [1]} : vector<16xf32> to vector<1xf32>
      %squeeze3A_3257 = vector.extract %slice3A_3256[0] : f32 from vector<1xf32>
      %get3A_3258 = arith.constant 84 : i32
      %get3A_3259 = arith.index_cast %get3A_3258 : i32 to index
      %get3A_3260 = arith.constant 16 : index
      %get3A_3261 = tpu.vector_load %arg10[%get3A_3259, %get3A_3260] {strides = array<i32>} : memref<128x128xf32, #tpu.memory_space<vmem>>, vector<16xf32>,
      %mul3A_3262 = vector.broadcast %squeeze3A_3257 : f32 to vector<16xf32>
      %mul3A_3263 = arith.mulf %mul3A_3262, %get3A_3261 : vector<16xf32>
      %add3A_3264 = arith.addf %add3A_3255, %mul3A_3263 : vector<16xf32>
      %slice3A_3265 = vector.extract_strided_slice %div3A_3074 {offsets = [5], sizes = [1], strides = [1]} : vector<16xf32> to vector<1xf32>
      %squeeze3A_3266 = vector.extract %slice3A_3265[0] : f32 from vector<1xf32>
      %get3A_3267 = arith.constant 85 : i32
      %get3A_3268 = arith.index_cast %get3A_3267 : i32 to index
      %get3A_3269 = arith.constant 16 : index
      %get3A_3270 = tpu.vector_load %arg10[%get3A_3268, %get3A_3269] {strides = array<i32>} : memref<128x128xf32, #tpu.memory_space<vmem>>, vector<16xf32>,
      %mul3A_3271 = vector.broadcast %squeeze3A_3266 : f32 to vector<16xf32>
      %mul3A_3272 = arith.mulf %mul3A_3271, %get3A_3270 : vector<16xf32>
      %add3A_3273 = arith.addf %add3A_3264, %mul3A_3272 : vector<16xf32>
      %slice3A_3274 = vector.extract_strided_slice %div3A_3074 {offsets = [6], sizes = [1], strides = [1]} : vector<16xf32> to vector<1xf32>
      %squeeze3A_3275 = vector.extract %slice3A_3274[0] : f32 from vector<1xf32>
      %get3A_3276 = arith.constant 86 : i32
      %get3A_3277 = arith.index_cast %get3A_3276 : i32 to index
      %get3A_3278 = arith.constant 16 : index
      %get3A_3279 = tpu.vector_load %arg10[%get3A_3277, %get3A_3278] {strides = array<i32>} : memref<128x128xf32, #tpu.memory_space<vmem>>, vector<16xf32>,
      %mul3A_3280 = vector.broadcast %squeeze3A_3275 : f32 to vector<16xf32>
      %mul3A_3281 = arith.mulf %mul3A_3280, %get3A_3279 : vector<16xf32>
      %add3A_3282 = arith.addf %add3A_3273, %mul3A_3281 : vector<16xf32>
      %slice3A_3283 = vector.extract_strided_slice %div3A_3074 {offsets = [7], sizes = [1], strides = [1]} : vector<16xf32> to vector<1xf32>
      %squeeze3A_3284 = vector.extract %slice3A_3283[0] : f32 from vector<1xf32>
      %get3A_3285 = arith.constant 87 : i32
      %get3A_3286 = arith.index_cast %get3A_3285 : i32 to index
      %get3A_3287 = arith.constant 16 : index
      %get3A_3288 = tpu.vector_load %arg10[%get3A_3286, %get3A_3287] {strides = array<i32>} : memref<128x128xf32, #tpu.memory_space<vmem>>, vector<16xf32>,
      %mul3A_3289 = vector.broadcast %squeeze3A_3284 : f32 to vector<16xf32>
      %mul3A_3290 = arith.mulf %mul3A_3289, %get3A_3288 : vector<16xf32>
      %add3A_3291 = arith.addf %add3A_3282, %mul3A_3290 : vector<16xf32>
      %slice3A_3292 = vector.extract_strided_slice %div3A_3074 {offsets = [8], sizes = [1], strides = [1]} : vector<16xf32> to vector<1xf32>
      %squeeze3A_3293 = vector.extract %slice3A_3292[0] : f32 from vector<1xf32>
      %get3A_3294 = arith.constant 88 : i32
      %get3A_3295 = arith.index_cast %get3A_3294 : i32 to index
      %get3A_3296 = arith.constant 16 : index
      %get3A_3297 = tpu.vector_load %arg10[%get3A_3295, %get3A_3296] {strides = array<i32>} : memref<128x128xf32, #tpu.memory_space<vmem>>, vector<16xf32>,
      %mul3A_3298 = vector.broadcast %squeeze3A_3293 : f32 to vector<16xf32>
      %mul3A_3299 = arith.mulf %mul3A_3298, %get3A_3297 : vector<16xf32>
      %add3A_3300 = arith.addf %add3A_3291, %mul3A_3299 : vector<16xf32>
      %slice3A_3301 = vector.extract_strided_slice %div3A_3074 {offsets = [9], sizes = [1], strides = [1]} : vector<16xf32> to vector<1xf32>
      %squeeze3A_3302 = vector.extract %slice3A_3301[0] : f32 from vector<1xf32>
      %get3A_3303 = arith.constant 89 : i32
      %get3A_3304 = arith.index_cast %get3A_3303 : i32 to index
      %get3A_3305 = arith.constant 16 : index
      %get3A_3306 = tpu.vector_load %arg10[%get3A_3304, %get3A_3305] {strides = array<i32>} : memref<128x128xf32, #tpu.memory_space<vmem>>, vector<16xf32>,
      %mul3A_3307 = vector.broadcast %squeeze3A_3302 : f32 to vector<16xf32>
      %mul3A_3308 = arith.mulf %mul3A_3307, %get3A_3306 : vector<16xf32>
      %add3A_3309 = arith.addf %add3A_3300, %mul3A_3308 : vector<16xf32>
      %slice3A_3310 = vector.extract_strided_slice %div3A_3074 {offsets = [10], sizes = [1], strides = [1]} : vector<16xf32> to vector<1xf32>
      %squeeze3A_3311 = vector.extract %slice3A_3310[0] : f32 from vector<1xf32>
      %get3A_3312 = arith.constant 90 : i32
      %get3A_3313 = arith.index_cast %get3A_3312 : i32 to index
      %get3A_3314 = arith.constant 16 : index
      %get3A_3315 = tpu.vector_load %arg10[%get3A_3313, %get3A_3314] {strides = array<i32>} : memref<128x128xf32, #tpu.memory_space<vmem>>, vector<16xf32>,
      %mul3A_3316 = vector.broadcast %squeeze3A_3311 : f32 to vector<16xf32>
      %mul3A_3317 = arith.mulf %mul3A_3316, %get3A_3315 : vector<16xf32>
      %add3A_3318 = arith.addf %add3A_3309, %mul3A_3317 : vector<16xf32>
      %slice3A_3319 = vector.extract_strided_slice %div3A_3074 {offsets = [11], sizes = [1], strides = [1]} : vector<16xf32> to vector<1xf32>
      %squeeze3A_3320 = vector.extract %slice3A_3319[0] : f32 from vector<1xf32>
      %get3A_3321 = arith.constant 91 : i32
      %get3A_3322 = arith.index_cast %get3A_3321 : i32 to index
      %get3A_3323 = arith.constant 16 : index
      %get3A_3324 = tpu.vector_load %arg10[%get3A_3322, %get3A_3323] {strides = array<i32>} : memref<128x128xf32, #tpu.memory_space<vmem>>, vector<16xf32>,
      %mul3A_3325 = vector.broadcast %squeeze3A_3320 : f32 to vector<16xf32>
      %mul3A_3326 = arith.mulf %mul3A_3325, %get3A_3324 : vector<16xf32>
      %add3A_3327 = arith.addf %add3A_3318, %mul3A_3326 : vector<16xf32>
      %slice3A_3328 = vector.extract_strided_slice %div3A_3074 {offsets = [12], sizes = [1], strides = [1]} : vector<16xf32> to vector<1xf32>
      %squeeze3A_3329 = vector.extract %slice3A_3328[0] : f32 from vector<1xf32>
      %get3A_3330 = arith.constant 92 : i32
      %get3A_3331 = arith.index_cast %get3A_3330 : i32 to index
      %get3A_3332 = arith.constant 16 : index
      %get3A_3333 = tpu.vector_load %arg10[%get3A_3331, %get3A_3332] {strides = array<i32>} : memref<128x128xf32, #tpu.memory_space<vmem>>, vector<16xf32>,
      %mul3A_3334 = vector.broadcast %squeeze3A_3329 : f32 to vector<16xf32>
      %mul3A_3335 = arith.mulf %mul3A_3334, %get3A_3333 : vector<16xf32>
      %add3A_3336 = arith.addf %add3A_3327, %mul3A_3335 : vector<16xf32>
      %slice3A_3337 = vector.extract_strided_slice %div3A_3074 {offsets = [13], sizes = [1], strides = [1]} : vector<16xf32> to vector<1xf32>
      %squeeze3A_3338 = vector.extract %slice3A_3337[0] : f32 from vector<1xf32>
      %get3A_3339 = arith.constant 93 : i32
      %get3A_3340 = arith.index_cast %get3A_3339 : i32 to index
      %get3A_3341 = arith.constant 16 : index
      %get3A_3342 = tpu.vector_load %arg10[%get3A_3340, %get3A_3341] {strides = array<i32>} : memref<128x128xf32, #tpu.memory_space<vmem>>, vector<16xf32>,
      %mul3A_3343 = vector.broadcast %squeeze3A_3338 : f32 to vector<16xf32>
      %mul3A_3344 = arith.mulf %mul3A_3343, %get3A_3342 : vector<16xf32>
      %add3A_3345 = arith.addf %add3A_3336, %mul3A_3344 : vector<16xf32>
      %slice3A_3346 = vector.extract_strided_slice %div3A_3074 {offsets = [14], sizes = [1], strides = [1]} : vector<16xf32> to vector<1xf32>
      %squeeze3A_3347 = vector.extract %slice3A_3346[0] : f32 from vector<1xf32>
      %get3A_3348 = arith.constant 94 : i32
      %get3A_3349 = arith.index_cast %get3A_3348 : i32 to index
      %get3A_3350 = arith.constant 16 : index
      %get3A_3351 = tpu.vector_load %arg10[%get3A_3349, %get3A_3350] {strides = array<i32>} : memref<128x128xf32, #tpu.memory_space<vmem>>, vector<16xf32>,
      %mul3A_3352 = vector.broadcast %squeeze3A_3347 : f32 to vector<16xf32>
      %mul3A_3353 = arith.mulf %mul3A_3352, %get3A_3351 : vector<16xf32>
      %add3A_3354 = arith.addf %add3A_3345, %mul3A_3353 : vector<16xf32>
      %slice3A_3355 = vector.extract_strided_slice %div3A_3074 {offsets = [15], sizes = [1], strides = [1]} : vector<16xf32> to vector<1xf32>
      %squeeze3A_3356 = vector.extract %slice3A_3355[0] : f32 from vector<1xf32>
      %get3A_3357 = arith.constant 95 : i32
      %get3A_3358 = arith.index_cast %get3A_3357 : i32 to index
      %get3A_3359 = arith.constant 16 : index
      %get3A_3360 = tpu.vector_load %arg10[%get3A_3358, %get3A_3359] {strides = array<i32>} : memref<128x128xf32, #tpu.memory_space<vmem>>, vector<16xf32>,
      %mul3A_3361 = vector.broadcast %squeeze3A_3356 : f32 to vector<16xf32>
      %mul3A_3362 = arith.mulf %mul3A_3361, %get3A_3360 : vector<16xf32>
      %add3A_3363 = arith.addf %add3A_3354, %mul3A_3362 : vector<16xf32>
      %swap3A_3364 = arith.index_cast %add3A_3054 : i32 to index
      %swap3A_3365 = arith.constant 16 : index
      %swap3A_3366 = tpu.vector_load %arg11[%swap3A_3364, %swap3A_3365] {strides = array<i32>} : memref<512x64xf32, #tpu.memory_space<vmem>>, vector<16xf32>,
      tpu.vector_store %arg11[%swap3A_3364, %swap3A_3365], %add3A_3363 {strides = array<i32>} : memref<512x64xf32, #tpu.memory_space<vmem>>, vector<16xf32>,
      %slice3A_3367 = vector.extract_strided_slice %div3A_3074 {offsets = [0], sizes = [1], strides = [1]} : vector<16xf32> to vector<1xf32>
      %squeeze3A_3368 = vector.extract %slice3A_3367[0] : f32 from vector<1xf32>
      %get3A_3369 = arith.constant 80 : i32
      %get3A_3370 = arith.index_cast %get3A_3369 : i32 to index
      %get3A_3371 = arith.constant 32 : index
      %get3A_3372 = tpu.vector_load %arg10[%get3A_3370, %get3A_3371] {strides = array<i32>} : memref<128x128xf32, #tpu.memory_space<vmem>>, vector<16xf32>,
      %mul3A_3373 = vector.broadcast %squeeze3A_3368 : f32 to vector<16xf32>
      %mul3A_3374 = arith.mulf %mul3A_3373, %get3A_3372 : vector<16xf32>
      %slice3A_3375 = vector.extract_strided_slice %div3A_3074 {offsets = [1], sizes = [1], strides = [1]} : vector<16xf32> to vector<1xf32>
      %squeeze3A_3376 = vector.extract %slice3A_3375[0] : f32 from vector<1xf32>
      %get3A_3377 = arith.constant 81 : i32
      %get3A_3378 = arith.index_cast %get3A_3377 : i32 to index
      %get3A_3379 = arith.constant 32 : index
      %get3A_3380 = tpu.vector_load %arg10[%get3A_3378, %get3A_3379] {strides = array<i32>} : memref<128x128xf32, #tpu.memory_space<vmem>>, vector<16xf32>,
      %mul3A_3381 = vector.broadcast %squeeze3A_3376 : f32 to vector<16xf32>
      %mul3A_3382 = arith.mulf %mul3A_3381, %get3A_3380 : vector<16xf32>
      %add3A_3383 = arith.addf %mul3A_3374, %mul3A_3382 : vector<16xf32>
      %slice3A_3384 = vector.extract_strided_slice %div3A_3074 {offsets = [2], sizes = [1], strides = [1]} : vector<16xf32> to vector<1xf32>
      %squeeze3A_3385 = vector.extract %slice3A_3384[0] : f32 from vector<1xf32>
      %get3A_3386 = arith.constant 82 : i32
      %get3A_3387 = arith.index_cast %get3A_3386 : i32 to index
      %get3A_3388 = arith.constant 32 : index
      %get3A_3389 = tpu.vector_load %arg10[%get3A_3387, %get3A_3388] {strides = array<i32>} : memref<128x128xf32, #tpu.memory_space<vmem>>, vector<16xf32>,
      %mul3A_3390 = vector.broadcast %squeeze3A_3385 : f32 to vector<16xf32>
      %mul3A_3391 = arith.mulf %mul3A_3390, %get3A_3389 : vector<16xf32>
      %add3A_3392 = arith.addf %add3A_3383, %mul3A_3391 : vector<16xf32>
      %slice3A_3393 = vector.extract_strided_slice %div3A_3074 {offsets = [3], sizes = [1], strides = [1]} : vector<16xf32> to vector<1xf32>
      %squeeze3A_3394 = vector.extract %slice3A_3393[0] : f32 from vector<1xf32>
      %get3A_3395 = arith.constant 83 : i32
      %get3A_3396 = arith.index_cast %get3A_3395 : i32 to index
      %get3A_3397 = arith.constant 32 : index
      %get3A_3398 = tpu.vector_load %arg10[%get3A_3396, %get3A_3397] {strides = array<i32>} : memref<128x128xf32, #tpu.memory_space<vmem>>, vector<16xf32>,
      %mul3A_3399 = vector.broadcast %squeeze3A_3394 : f32 to vector<16xf32>
      %mul3A_3400 = arith.mulf %mul3A_3399, %get3A_3398 : vector<16xf32>
      %add3A_3401 = arith.addf %add3A_3392, %mul3A_3400 : vector<16xf32>
      %slice3A_3402 = vector.extract_strided_slice %div3A_3074 {offsets = [4], sizes = [1], strides = [1]} : vector<16xf32> to vector<1xf32>
      %squeeze3A_3403 = vector.extract %slice3A_3402[0] : f32 from vector<1xf32>
      %get3A_3404 = arith.constant 84 : i32
      %get3A_3405 = arith.index_cast %get3A_3404 : i32 to index
      %get3A_3406 = arith.constant 32 : index
      %get3A_3407 = tpu.vector_load %arg10[%get3A_3405, %get3A_3406] {strides = array<i32>} : memref<128x128xf32, #tpu.memory_space<vmem>>, vector<16xf32>,
      %mul3A_3408 = vector.broadcast %squeeze3A_3403 : f32 to vector<16xf32>
      %mul3A_3409 = arith.mulf %mul3A_3408, %get3A_3407 : vector<16xf32>
      %add3A_3410 = arith.addf %add3A_3401, %mul3A_3409 : vector<16xf32>
      %slice3A_3411 = vector.extract_strided_slice %div3A_3074 {offsets = [5], sizes = [1], strides = [1]} : vector<16xf32> to vector<1xf32>
      %squeeze3A_3412 = vector.extract %slice3A_3411[0] : f32 from vector<1xf32>
      %get3A_3413 = arith.constant 85 : i32
      %get3A_3414 = arith.index_cast %get3A_3413 : i32 to index
      %get3A_3415 = arith.constant 32 : index
      %get3A_3416 = tpu.vector_load %arg10[%get3A_3414, %get3A_3415] {strides = array<i32>} : memref<128x128xf32, #tpu.memory_space<vmem>>, vector<16xf32>,
      %mul3A_3417 = vector.broadcast %squeeze3A_3412 : f32 to vector<16xf32>
      %mul3A_3418 = arith.mulf %mul3A_3417, %get3A_3416 : vector<16xf32>
      %add3A_3419 = arith.addf %add3A_3410, %mul3A_3418 : vector<16xf32>
      %slice3A_3420 = vector.extract_strided_slice %div3A_3074 {offsets = [6], sizes = [1], strides = [1]} : vector<16xf32> to vector<1xf32>
      %squeeze3A_3421 = vector.extract %slice3A_3420[0] : f32 from vector<1xf32>
      %get3A_3422 = arith.constant 86 : i32
      %get3A_3423 = arith.index_cast %get3A_3422 : i32 to index
      %get3A_3424 = arith.constant 32 : index
      %get3A_3425 = tpu.vector_load %arg10[%get3A_3423, %get3A_3424] {strides = array<i32>} : memref<128x128xf32, #tpu.memory_space<vmem>>, vector<16xf32>,
      %mul3A_3426 = vector.broadcast %squeeze3A_3421 : f32 to vector<16xf32>
      %mul3A_3427 = arith.mulf %mul3A_3426, %get3A_3425 : vector<16xf32>
      %add3A_3428 = arith.addf %add3A_3419, %mul3A_3427 : vector<16xf32>
      %slice3A_3429 = vector.extract_strided_slice %div3A_3074 {offsets = [7], sizes = [1], strides = [1]} : vector<16xf32> to vector<1xf32>
      %squeeze3A_3430 = vector.extract %slice3A_3429[0] : f32 from vector<1xf32>
      %get3A_3431 = arith.constant 87 : i32
      %get3A_3432 = arith.index_cast %get3A_3431 : i32 to index
      %get3A_3433 = arith.constant 32 : index
      %get3A_3434 = tpu.vector_load %arg10[%get3A_3432, %get3A_3433] {strides = array<i32>} : memref<128x128xf32, #tpu.memory_space<vmem>>, vector<16xf32>,
      %mul3A_3435 = vector.broadcast %squeeze3A_3430 : f32 to vector<16xf32>
      %mul3A_3436 = arith.mulf %mul3A_3435, %get3A_3434 : vector<16xf32>
      %add3A_3437 = arith.addf %add3A_3428, %mul3A_3436 : vector<16xf32>
      %slice3A_3438 = vector.extract_strided_slice %div3A_3074 {offsets = [8], sizes = [1], strides = [1]} : vector<16xf32> to vector<1xf32>
      %squeeze3A_3439 = vector.extract %slice3A_3438[0] : f32 from vector<1xf32>
      %get3A_3440 = arith.constant 88 : i32
      %get3A_3441 = arith.index_cast %get3A_3440 : i32 to index
      %get3A_3442 = arith.constant 32 : index
      %get3A_3443 = tpu.vector_load %arg10[%get3A_3441, %get3A_3442] {strides = array<i32>} : memref<128x128xf32, #tpu.memory_space<vmem>>, vector<16xf32>,
      %mul3A_3444 = vector.broadcast %squeeze3A_3439 : f32 to vector<16xf32>
      %mul3A_3445 = arith.mulf %mul3A_3444, %get3A_3443 : vector<16xf32>
      %add3A_3446 = arith.addf %add3A_3437, %mul3A_3445 : vector<16xf32>
      %slice3A_3447 = vector.extract_strided_slice %div3A_3074 {offsets = [9], sizes = [1], strides = [1]} : vector<16xf32> to vector<1xf32>
      %squeeze3A_3448 = vector.extract %slice3A_3447[0] : f32 from vector<1xf32>
      %get3A_3449 = arith.constant 89 : i32
      %get3A_3450 = arith.index_cast %get3A_3449 : i32 to index
      %get3A_3451 = arith.constant 32 : index
      %get3A_3452 = tpu.vector_load %arg10[%get3A_3450, %get3A_3451] {strides = array<i32>} : memref<128x128xf32, #tpu.memory_space<vmem>>, vector<16xf32>,
      %mul3A_3453 = vector.broadcast %squeeze3A_3448 : f32 to vector<16xf32>
      %mul3A_3454 = arith.mulf %mul3A_3453, %get3A_3452 : vector<16xf32>
      %add3A_3455 = arith.addf %add3A_3446, %mul3A_3454 : vector<16xf32>
      %slice3A_3456 = vector.extract_strided_slice %div3A_3074 {offsets = [10], sizes = [1], strides = [1]} : vector<16xf32> to vector<1xf32>
      %squeeze3A_3457 = vector.extract %slice3A_3456[0] : f32 from vector<1xf32>
      %get3A_3458 = arith.constant 90 : i32
      %get3A_3459 = arith.index_cast %get3A_3458 : i32 to index
      %get3A_3460 = arith.constant 32 : index
      %get3A_3461 = tpu.vector_load %arg10[%get3A_3459, %get3A_3460] {strides = array<i32>} : memref<128x128xf32, #tpu.memory_space<vmem>>, vector<16xf32>,
      %mul3A_3462 = vector.broadcast %squeeze3A_3457 : f32 to vector<16xf32>
      %mul3A_3463 = arith.mulf %mul3A_3462, %get3A_3461 : vector<16xf32>
      %add3A_3464 = arith.addf %add3A_3455, %mul3A_3463 : vector<16xf32>
      %slice3A_3465 = vector.extract_strided_slice %div3A_3074 {offsets = [11], sizes = [1], strides = [1]} : vector<16xf32> to vector<1xf32>
      %squeeze3A_3466 = vector.extract %slice3A_3465[0] : f32 from vector<1xf32>
      %get3A_3467 = arith.constant 91 : i32
      %get3A_3468 = arith.index_cast %get3A_3467 : i32 to index
      %get3A_3469 = arith.constant 32 : index
      %get3A_3470 = tpu.vector_load %arg10[%get3A_3468, %get3A_3469] {strides = array<i32>} : memref<128x128xf32, #tpu.memory_space<vmem>>, vector<16xf32>,
      %mul3A_3471 = vector.broadcast %squeeze3A_3466 : f32 to vector<16xf32>
      %mul3A_3472 = arith.mulf %mul3A_3471, %get3A_3470 : vector<16xf32>
      %add3A_3473 = arith.addf %add3A_3464, %mul3A_3472 : vector<16xf32>
      %slice3A_3474 = vector.extract_strided_slice %div3A_3074 {offsets = [12], sizes = [1], strides = [1]} : vector<16xf32> to vector<1xf32>
      %squeeze3A_3475 = vector.extract %slice3A_3474[0] : f32 from vector<1xf32>
      %get3A_3476 = arith.constant 92 : i32
      %get3A_3477 = arith.index_cast %get3A_3476 : i32 to index
      %get3A_3478 = arith.constant 32 : index
      %get3A_3479 = tpu.vector_load %arg10[%get3A_3477, %get3A_3478] {strides = array<i32>} : memref<128x128xf32, #tpu.memory_space<vmem>>, vector<16xf32>,
      %mul3A_3480 = vector.broadcast %squeeze3A_3475 : f32 to vector<16xf32>
      %mul3A_3481 = arith.mulf %mul3A_3480, %get3A_3479 : vector<16xf32>
      %add3A_3482 = arith.addf %add3A_3473, %mul3A_3481 : vector<16xf32>
      %slice3A_3483 = vector.extract_strided_slice %div3A_3074 {offsets = [13], sizes = [1], strides = [1]} : vector<16xf32> to vector<1xf32>
      %squeeze3A_3484 = vector.extract %slice3A_3483[0] : f32 from vector<1xf32>
      %get3A_3485 = arith.constant 93 : i32
      %get3A_3486 = arith.index_cast %get3A_3485 : i32 to index
      %get3A_3487 = arith.constant 32 : index
      %get3A_3488 = tpu.vector_load %arg10[%get3A_3486, %get3A_3487] {strides = array<i32>} : memref<128x128xf32, #tpu.memory_space<vmem>>, vector<16xf32>,
      %mul3A_3489 = vector.broadcast %squeeze3A_3484 : f32 to vector<16xf32>
      %mul3A_3490 = arith.mulf %mul3A_3489, %get3A_3488 : vector<16xf32>
      %add3A_3491 = arith.addf %add3A_3482, %mul3A_3490 : vector<16xf32>
      %slice3A_3492 = vector.extract_strided_slice %div3A_3074 {offsets = [14], sizes = [1], strides = [1]} : vector<16xf32> to vector<1xf32>
      %squeeze3A_3493 = vector.extract %slice3A_3492[0] : f32 from vector<1xf32>
      %get3A_3494 = arith.constant 94 : i32
      %get3A_3495 = arith.index_cast %get3A_3494 : i32 to index
      %get3A_3496 = arith.constant 32 : index
      %get3A_3497 = tpu.vector_load %arg10[%get3A_3495, %get3A_3496] {strides = array<i32>} : memref<128x128xf32, #tpu.memory_space<vmem>>, vector<16xf32>,
      %mul3A_3498 = vector.broadcast %squeeze3A_3493 : f32 to vector<16xf32>
      %mul3A_3499 = arith.mulf %mul3A_3498, %get3A_3497 : vector<16xf32>
      %add3A_3500 = arith.addf %add3A_3491, %mul3A_3499 : vector<16xf32>
      %slice3A_3501 = vector.extract_strided_slice %div3A_3074 {offsets = [15], sizes = [1], strides = [1]} : vector<16xf32> to vector<1xf32>
      %squeeze3A_3502 = vector.extract %slice3A_3501[0] : f32 from vector<1xf32>
      %get3A_3503 = arith.constant 95 : i32
      %get3A_3504 = arith.index_cast %get3A_3503 : i32 to index
      %get3A_3505 = arith.constant 32 : index
      %get3A_3506 = tpu.vector_load %arg10[%get3A_3504, %get3A_3505] {strides = array<i32>} : memref<128x128xf32, #tpu.memory_space<vmem>>, vector<16xf32>,
      %mul3A_3507 = vector.broadcast %squeeze3A_3502 : f32 to vector<16xf32>
      %mul3A_3508 = arith.mulf %mul3A_3507, %get3A_3506 : vector<16xf32>
      %add3A_3509 = arith.addf %add3A_3500, %mul3A_3508 : vector<16xf32>
      %swap3A_3510 = arith.index_cast %add3A_3054 : i32 to index
      %swap3A_3511 = arith.constant 32 : index
      %swap3A_3512 = tpu.vector_load %arg11[%swap3A_3510, %swap3A_3511] {strides = array<i32>} : memref<512x64xf32, #tpu.memory_space<vmem>>, vector<16xf32>,
      tpu.vector_store %arg11[%swap3A_3510, %swap3A_3511], %add3A_3509 {strides = array<i32>} : memref<512x64xf32, #tpu.memory_space<vmem>>, vector<16xf32>,
      %slice3A_3513 = vector.extract_strided_slice %div3A_3074 {offsets = [0], sizes = [1], strides = [1]} : vector<16xf32> to vector<1xf32>
      %squeeze3A_3514 = vector.extract %slice3A_3513[0] : f32 from vector<1xf32>
      %get3A_3515 = arith.constant 80 : i32
      %get3A_3516 = arith.index_cast %get3A_3515 : i32 to index
      %get3A_3517 = arith.constant 48 : index
      %get3A_3518 = tpu.vector_load %arg10[%get3A_3516, %get3A_3517] {strides = array<i32>} : memref<128x128xf32, #tpu.memory_space<vmem>>, vector<16xf32>,
      %mul3A_3519 = vector.broadcast %squeeze3A_3514 : f32 to vector<16xf32>
      %mul3A_3520 = arith.mulf %mul3A_3519, %get3A_3518 : vector<16xf32>
      %slice3A_3521 = vector.extract_strided_slice %div3A_3074 {offsets = [1], sizes = [1], strides = [1]} : vector<16xf32> to vector<1xf32>
      %squeeze3A_3522 = vector.extract %slice3A_3521[0] : f32 from vector<1xf32>
      %get3A_3523 = arith.constant 81 : i32
      %get3A_3524 = arith.index_cast %get3A_3523 : i32 to index
      %get3A_3525 = arith.constant 48 : index
      %get3A_3526 = tpu.vector_load %arg10[%get3A_3524, %get3A_3525] {strides = array<i32>} : memref<128x128xf32, #tpu.memory_space<vmem>>, vector<16xf32>,
      %mul3A_3527 = vector.broadcast %squeeze3A_3522 : f32 to vector<16xf32>
      %mul3A_3528 = arith.mulf %mul3A_3527, %get3A_3526 : vector<16xf32>
      %add3A_3529 = arith.addf %mul3A_3520, %mul3A_3528 : vector<16xf32>
      %slice3A_3530 = vector.extract_strided_slice %div3A_3074 {offsets = [2], sizes = [1], strides = [1]} : vector<16xf32> to vector<1xf32>
      %squeeze3A_3531 = vector.extract %slice3A_3530[0] : f32 from vector<1xf32>
      %get3A_3532 = arith.constant 82 : i32
      %get3A_3533 = arith.index_cast %get3A_3532 : i32 to index
      %get3A_3534 = arith.constant 48 : index
      %get3A_3535 = tpu.vector_load %arg10[%get3A_3533, %get3A_3534] {strides = array<i32>} : memref<128x128xf32, #tpu.memory_space<vmem>>, vector<16xf32>,
      %mul3A_3536 = vector.broadcast %squeeze3A_3531 : f32 to vector<16xf32>
      %mul3A_3537 = arith.mulf %mul3A_3536, %get3A_3535 : vector<16xf32>
      %add3A_3538 = arith.addf %add3A_3529, %mul3A_3537 : vector<16xf32>
      %slice3A_3539 = vector.extract_strided_slice %div3A_3074 {offsets = [3], sizes = [1], strides = [1]} : vector<16xf32> to vector<1xf32>
      %squeeze3A_3540 = vector.extract %slice3A_3539[0] : f32 from vector<1xf32>
      %get3A_3541 = arith.constant 83 : i32
      %get3A_3542 = arith.index_cast %get3A_3541 : i32 to index
      %get3A_3543 = arith.constant 48 : index
      %get3A_3544 = tpu.vector_load %arg10[%get3A_3542, %get3A_3543] {strides = array<i32>} : memref<128x128xf32, #tpu.memory_space<vmem>>, vector<16xf32>,
      %mul3A_3545 = vector.broadcast %squeeze3A_3540 : f32 to vector<16xf32>
      %mul3A_3546 = arith.mulf %mul3A_3545, %get3A_3544 : vector<16xf32>
      %add3A_3547 = arith.addf %add3A_3538, %mul3A_3546 : vector<16xf32>
      %slice3A_3548 = vector.extract_strided_slice %div3A_3074 {offsets = [4], sizes = [1], strides = [1]} : vector<16xf32> to vector<1xf32>
      %squeeze3A_3549 = vector.extract %slice3A_3548[0] : f32 from vector<1xf32>
      %get3A_3550 = arith.constant 84 : i32
      %get3A_3551 = arith.index_cast %get3A_3550 : i32 to index
      %get3A_3552 = arith.constant 48 : index
      %get3A_3553 = tpu.vector_load %arg10[%get3A_3551, %get3A_3552] {strides = array<i32>} : memref<128x128xf32, #tpu.memory_space<vmem>>, vector<16xf32>,
      %mul3A_3554 = vector.broadcast %squeeze3A_3549 : f32 to vector<16xf32>
      %mul3A_3555 = arith.mulf %mul3A_3554, %get3A_3553 : vector<16xf32>
      %add3A_3556 = arith.addf %add3A_3547, %mul3A_3555 : vector<16xf32>
      %slice3A_3557 = vector.extract_strided_slice %div3A_3074 {offsets = [5], sizes = [1], strides = [1]} : vector<16xf32> to vector<1xf32>
      %squeeze3A_3558 = vector.extract %slice3A_3557[0] : f32 from vector<1xf32>
      %get3A_3559 = arith.constant 85 : i32
      %get3A_3560 = arith.index_cast %get3A_3559 : i32 to index
      %get3A_3561 = arith.constant 48 : index
      %get3A_3562 = tpu.vector_load %arg10[%get3A_3560, %get3A_3561] {strides = array<i32>} : memref<128x128xf32, #tpu.memory_space<vmem>>, vector<16xf32>,
      %mul3A_3563 = vector.broadcast %squeeze3A_3558 : f32 to vector<16xf32>
      %mul3A_3564 = arith.mulf %mul3A_3563, %get3A_3562 : vector<16xf32>
      %add3A_3565 = arith.addf %add3A_3556, %mul3A_3564 : vector<16xf32>
      %slice3A_3566 = vector.extract_strided_slice %div3A_3074 {offsets = [6], sizes = [1], strides = [1]} : vector<16xf32> to vector<1xf32>
      %squeeze3A_3567 = vector.extract %slice3A_3566[0] : f32 from vector<1xf32>
      %get3A_3568 = arith.constant 86 : i32
      %get3A_3569 = arith.index_cast %get3A_3568 : i32 to index
      %get3A_3570 = arith.constant 48 : index
      %get3A_3571 = tpu.vector_load %arg10[%get3A_3569, %get3A_3570] {strides = array<i32>} : memref<128x128xf32, #tpu.memory_space<vmem>>, vector<16xf32>,
      %mul3A_3572 = vector.broadcast %squeeze3A_3567 : f32 to vector<16xf32>
      %mul3A_3573 = arith.mulf %mul3A_3572, %get3A_3571 : vector<16xf32>
      %add3A_3574 = arith.addf %add3A_3565, %mul3A_3573 : vector<16xf32>
      %slice3A_3575 = vector.extract_strided_slice %div3A_3074 {offsets = [7], sizes = [1], strides = [1]} : vector<16xf32> to vector<1xf32>
      %squeeze3A_3576 = vector.extract %slice3A_3575[0] : f32 from vector<1xf32>
      %get3A_3577 = arith.constant 87 : i32
      %get3A_3578 = arith.index_cast %get3A_3577 : i32 to index
      %get3A_3579 = arith.constant 48 : index
      %get3A_3580 = tpu.vector_load %arg10[%get3A_3578, %get3A_3579] {strides = array<i32>} : memref<128x128xf32, #tpu.memory_space<vmem>>, vector<16xf32>,
      %mul3A_3581 = vector.broadcast %squeeze3A_3576 : f32 to vector<16xf32>
      %mul3A_3582 = arith.mulf %mul3A_3581, %get3A_3580 : vector<16xf32>
      %add3A_3583 = arith.addf %add3A_3574, %mul3A_3582 : vector<16xf32>
      %slice3A_3584 = vector.extract_strided_slice %div3A_3074 {offsets = [8], sizes = [1], strides = [1]} : vector<16xf32> to vector<1xf32>
      %squeeze3A_3585 = vector.extract %slice3A_3584[0] : f32 from vector<1xf32>
      %get3A_3586 = arith.constant 88 : i32
      %get3A_3587 = arith.index_cast %get3A_3586 : i32 to index
      %get3A_3588 = arith.constant 48 : index
      %get3A_3589 = tpu.vector_load %arg10[%get3A_3587, %get3A_3588] {strides = array<i32>} : memref<128x128xf32, #tpu.memory_space<vmem>>, vector<16xf32>,
      %mul3A_3590 = vector.broadcast %squeeze3A_3585 : f32 to vector<16xf32>
      %mul3A_3591 = arith.mulf %mul3A_3590, %get3A_3589 : vector<16xf32>
      %add3A_3592 = arith.addf %add3A_3583, %mul3A_3591 : vector<16xf32>
      %slice3A_3593 = vector.extract_strided_slice %div3A_3074 {offsets = [9], sizes = [1], strides = [1]} : vector<16xf32> to vector<1xf32>
      %squeeze3A_3594 = vector.extract %slice3A_3593[0] : f32 from vector<1xf32>
      %get3A_3595 = arith.constant 89 : i32
      %get3A_3596 = arith.index_cast %get3A_3595 : i32 to index
      %get3A_3597 = arith.constant 48 : index
      %get3A_3598 = tpu.vector_load %arg10[%get3A_3596, %get3A_3597] {strides = array<i32>} : memref<128x128xf32, #tpu.memory_space<vmem>>, vector<16xf32>,
      %mul3A_3599 = vector.broadcast %squeeze3A_3594 : f32 to vector<16xf32>
      %mul3A_3600 = arith.mulf %mul3A_3599, %get3A_3598 : vector<16xf32>
      %add3A_3601 = arith.addf %add3A_3592, %mul3A_3600 : vector<16xf32>
      %slice3A_3602 = vector.extract_strided_slice %div3A_3074 {offsets = [10], sizes = [1], strides = [1]} : vector<16xf32> to vector<1xf32>
      %squeeze3A_3603 = vector.extract %slice3A_3602[0] : f32 from vector<1xf32>
      %get3A_3604 = arith.constant 90 : i32
      %get3A_3605 = arith.index_cast %get3A_3604 : i32 to index
      %get3A_3606 = arith.constant 48 : index
      %get3A_3607 = tpu.vector_load %arg10[%get3A_3605, %get3A_3606] {strides = array<i32>} : memref<128x128xf32, #tpu.memory_space<vmem>>, vector<16xf32>,
      %mul3A_3608 = vector.broadcast %squeeze3A_3603 : f32 to vector<16xf32>
      %mul3A_3609 = arith.mulf %mul3A_3608, %get3A_3607 : vector<16xf32>
      %add3A_3610 = arith.addf %add3A_3601, %mul3A_3609 : vector<16xf32>
      %slice3A_3611 = vector.extract_strided_slice %div3A_3074 {offsets = [11], sizes = [1], strides = [1]} : vector<16xf32> to vector<1xf32>
      %squeeze3A_3612 = vector.extract %slice3A_3611[0] : f32 from vector<1xf32>
      %get3A_3613 = arith.constant 91 : i32
      %get3A_3614 = arith.index_cast %get3A_3613 : i32 to index
      %get3A_3615 = arith.constant 48 : index
      %get3A_3616 = tpu.vector_load %arg10[%get3A_3614, %get3A_3615] {strides = array<i32>} : memref<128x128xf32, #tpu.memory_space<vmem>>, vector<16xf32>,
      %mul3A_3617 = vector.broadcast %squeeze3A_3612 : f32 to vector<16xf32>
      %mul3A_3618 = arith.mulf %mul3A_3617, %get3A_3616 : vector<16xf32>
      %add3A_3619 = arith.addf %add3A_3610, %mul3A_3618 : vector<16xf32>
      %slice3A_3620 = vector.extract_strided_slice %div3A_3074 {offsets = [12], sizes = [1], strides = [1]} : vector<16xf32> to vector<1xf32>
      %squeeze3A_3621 = vector.extract %slice3A_3620[0] : f32 from vector<1xf32>
      %get3A_3622 = arith.constant 92 : i32
      %get3A_3623 = arith.index_cast %get3A_3622 : i32 to index
      %get3A_3624 = arith.constant 48 : index
      %get3A_3625 = tpu.vector_load %arg10[%get3A_3623, %get3A_3624] {strides = array<i32>} : memref<128x128xf32, #tpu.memory_space<vmem>>, vector<16xf32>,
      %mul3A_3626 = vector.broadcast %squeeze3A_3621 : f32 to vector<16xf32>
      %mul3A_3627 = arith.mulf %mul3A_3626, %get3A_3625 : vector<16xf32>
      %add3A_3628 = arith.addf %add3A_3619, %mul3A_3627 : vector<16xf32>
      %slice3A_3629 = vector.extract_strided_slice %div3A_3074 {offsets = [13], sizes = [1], strides = [1]} : vector<16xf32> to vector<1xf32>
      %squeeze3A_3630 = vector.extract %slice3A_3629[0] : f32 from vector<1xf32>
      %get3A_3631 = arith.constant 93 : i32
      %get3A_3632 = arith.index_cast %get3A_3631 : i32 to index
      %get3A_3633 = arith.constant 48 : index
      %get3A_3634 = tpu.vector_load %arg10[%get3A_3632, %get3A_3633] {strides = array<i32>} : memref<128x128xf32, #tpu.memory_space<vmem>>, vector<16xf32>,
      %mul3A_3635 = vector.broadcast %squeeze3A_3630 : f32 to vector<16xf32>
      %mul3A_3636 = arith.mulf %mul3A_3635, %get3A_3634 : vector<16xf32>
      %add3A_3637 = arith.addf %add3A_3628, %mul3A_3636 : vector<16xf32>
      %slice3A_3638 = vector.extract_strided_slice %div3A_3074 {offsets = [14], sizes = [1], strides = [1]} : vector<16xf32> to vector<1xf32>
      %squeeze3A_3639 = vector.extract %slice3A_3638[0] : f32 from vector<1xf32>
      %get3A_3640 = arith.constant 94 : i32
      %get3A_3641 = arith.index_cast %get3A_3640 : i32 to index
      %get3A_3642 = arith.constant 48 : index
      %get3A_3643 = tpu.vector_load %arg10[%get3A_3641, %get3A_3642] {strides = array<i32>} : memref<128x128xf32, #tpu.memory_space<vmem>>, vector<16xf32>,
      %mul3A_3644 = vector.broadcast %squeeze3A_3639 : f32 to vector<16xf32>
      %mul3A_3645 = arith.mulf %mul3A_3644, %get3A_3643 : vector<16xf32>
      %add3A_3646 = arith.addf %add3A_3637, %mul3A_3645 : vector<16xf32>
      %slice3A_3647 = vector.extract_strided_slice %div3A_3074 {offsets = [15], sizes = [1], strides = [1]} : vector<16xf32> to vector<1xf32>
      %squeeze3A_3648 = vector.extract %slice3A_3647[0] : f32 from vector<1xf32>
      %get3A_3649 = arith.constant 95 : i32
      %get3A_3650 = arith.index_cast %get3A_3649 : i32 to index
      %get3A_3651 = arith.constant 48 : index
      %get3A_3652 = tpu.vector_load %arg10[%get3A_3650, %get3A_3651] {strides = array<i32>} : memref<128x128xf32, #tpu.memory_space<vmem>>, vector<16xf32>,
      %mul3A_3653 = vector.broadcast %squeeze3A_3648 : f32 to vector<16xf32>
      %mul3A_3654 = arith.mulf %mul3A_3653, %get3A_3652 : vector<16xf32>
      %add3A_3655 = arith.addf %add3A_3646, %mul3A_3654 : vector<16xf32>
      %swap3A_3656 = arith.index_cast %add3A_3054 : i32 to index
      %swap3A_3657 = arith.constant 48 : index
      %swap3A_3658 = tpu.vector_load %arg11[%swap3A_3656, %swap3A_3657] {strides = array<i32>} : memref<512x64xf32, #tpu.memory_space<vmem>>, vector<16xf32>,
      tpu.vector_store %arg11[%swap3A_3656, %swap3A_3657], %add3A_3655 {strides = array<i32>} : memref<512x64xf32, #tpu.memory_space<vmem>>, vector<16xf32>,
      %mul3A_3659 = arith.constant 8 : i32
      %mul3A_3660 = arith.muli %scan3A_8, %mul3A_3659 : i32
      %add3A_3661 = arith.constant 6 : i32
      %add3A_3662 = arith.addi %mul3A_3660, %add3A_3661 : i32
      %get3A_3663 = arith.constant 96 : index
      %get3A_3664 = tpu.vector_load %arg7[%get3A_3663] {strides = array<i32>} : memref<128xi32, #tpu.memory_space<vmem>>, vector<16xi32>,
      %gather3A_3665 = tpu.vector_load_idx %arg9[%get3A_3664] : memref<16384xf32, #tpu.memory_space<vmem>>[vector<16xi32>], vector<16xf32>,
      %slice3A_3666 = vector.extract_strided_slice %get3A_20 {offsets = [6], sizes = [1], strides = [1]} : vector<16xf32> to vector<1xf32>
      %squeeze3A_3667 = vector.extract %slice3A_3666[0] : f32 from vector<1xf32>
      %mul3A_3668 = vector.broadcast %squeeze3A_3667 : f32 to vector<16xf32>
      %mul3A_3669 = arith.mulf %gather3A_3665, %mul3A_3668 : vector<16xf32>
      %reduce_max3A_3670 = arith.constant true
      %reduce_max3A_3671 = vector.broadcast %reduce_max3A_3670 : i1 to vector<16xi1>
      %reduce_max3A_3672 = tpu.scan <max>, %mul3A_3669 masked %reduce_max3A_3671 : vector<16xf32>, vector<16xi1> -> vector<16xf32>
      %reduce_max3A_3673 = vector.extract %reduce_max3A_3672[15] : f32 from vector<16xf32>
      %sub3A_3674 = vector.broadcast %reduce_max3A_3673 : f32 to vector<16xf32>
      %sub3A_3675 = arith.subf %mul3A_3669, %sub3A_3674 : vector<16xf32>
      %exp3A_3676 = math.exp %sub3A_3675 : vector<16xf32>
      %reduce_sum3A_3677 = arith.constant true
      %reduce_sum3A_3678 = vector.broadcast %reduce_sum3A_3677 : i1 to vector<16xi1>
      %reduce_sum3A_3679 = tpu.scan <sum>, %exp3A_3676 masked %reduce_sum3A_3678 : vector<16xf32>, vector<16xi1> -> vector<16xf32>
      %reduce_sum3A_3680 = vector.extract %reduce_sum3A_3679[15] : f32 from vector<16xf32>
      %broadcast_in_dim3A_3681 = vector.broadcast %reduce_sum3A_3680 : f32 to vector<16xf32>
      %div3A_3682 = arith.divf %exp3A_3676, %broadcast_in_dim3A_3681 : vector<16xf32>
      %slice3A_3683 = vector.extract_strided_slice %div3A_3682 {offsets = [0], sizes = [1], strides = [1]} : vector<16xf32> to vector<1xf32>
      %squeeze3A_3684 = vector.extract %slice3A_3683[0] : f32 from vector<1xf32>
      %get3A_3685 = arith.constant 96 : i32
      %get3A_3686 = arith.index_cast %get3A_3685 : i32 to index
      %get3A_3687 = arith.constant 0 : index
      %get3A_3688 = tpu.vector_load %arg10[%get3A_3686, %get3A_3687] {strides = array<i32>} : memref<128x128xf32, #tpu.memory_space<vmem>>, vector<16xf32>,
      %mul3A_3689 = vector.broadcast %squeeze3A_3684 : f32 to vector<16xf32>
      %mul3A_3690 = arith.mulf %mul3A_3689, %get3A_3688 : vector<16xf32>
      %slice3A_3691 = vector.extract_strided_slice %div3A_3682 {offsets = [1], sizes = [1], strides = [1]} : vector<16xf32> to vector<1xf32>
      %squeeze3A_3692 = vector.extract %slice3A_3691[0] : f32 from vector<1xf32>
      %get3A_3693 = arith.constant 97 : i32
      %get3A_3694 = arith.index_cast %get3A_3693 : i32 to index
      %get3A_3695 = arith.constant 0 : index
      %get3A_3696 = tpu.vector_load %arg10[%get3A_3694, %get3A_3695] {strides = array<i32>} : memref<128x128xf32, #tpu.memory_space<vmem>>, vector<16xf32>,
      %mul3A_3697 = vector.broadcast %squeeze3A_3692 : f32 to vector<16xf32>
      %mul3A_3698 = arith.mulf %mul3A_3697, %get3A_3696 : vector<16xf32>
      %add3A_3699 = arith.addf %mul3A_3690, %mul3A_3698 : vector<16xf32>
      %slice3A_3700 = vector.extract_strided_slice %div3A_3682 {offsets = [2], sizes = [1], strides = [1]} : vector<16xf32> to vector<1xf32>
      %squeeze3A_3701 = vector.extract %slice3A_3700[0] : f32 from vector<1xf32>
      %get3A_3702 = arith.constant 98 : i32
      %get3A_3703 = arith.index_cast %get3A_3702 : i32 to index
      %get3A_3704 = arith.constant 0 : index
      %get3A_3705 = tpu.vector_load %arg10[%get3A_3703, %get3A_3704] {strides = array<i32>} : memref<128x128xf32, #tpu.memory_space<vmem>>, vector<16xf32>,
      %mul3A_3706 = vector.broadcast %squeeze3A_3701 : f32 to vector<16xf32>
      %mul3A_3707 = arith.mulf %mul3A_3706, %get3A_3705 : vector<16xf32>
      %add3A_3708 = arith.addf %add3A_3699, %mul3A_3707 : vector<16xf32>
      %slice3A_3709 = vector.extract_strided_slice %div3A_3682 {offsets = [3], sizes = [1], strides = [1]} : vector<16xf32> to vector<1xf32>
      %squeeze3A_3710 = vector.extract %slice3A_3709[0] : f32 from vector<1xf32>
      %get3A_3711 = arith.constant 99 : i32
      %get3A_3712 = arith.index_cast %get3A_3711 : i32 to index
      %get3A_3713 = arith.constant 0 : index
      %get3A_3714 = tpu.vector_load %arg10[%get3A_3712, %get3A_3713] {strides = array<i32>} : memref<128x128xf32, #tpu.memory_space<vmem>>, vector<16xf32>,
      %mul3A_3715 = vector.broadcast %squeeze3A_3710 : f32 to vector<16xf32>
      %mul3A_3716 = arith.mulf %mul3A_3715, %get3A_3714 : vector<16xf32>
      %add3A_3717 = arith.addf %add3A_3708, %mul3A_3716 : vector<16xf32>
      %slice3A_3718 = vector.extract_strided_slice %div3A_3682 {offsets = [4], sizes = [1], strides = [1]} : vector<16xf32> to vector<1xf32>
      %squeeze3A_3719 = vector.extract %slice3A_3718[0] : f32 from vector<1xf32>
      %get3A_3720 = arith.constant 100 : i32
      %get3A_3721 = arith.index_cast %get3A_3720 : i32 to index
      %get3A_3722 = arith.constant 0 : index
      %get3A_3723 = tpu.vector_load %arg10[%get3A_3721, %get3A_3722] {strides = array<i32>} : memref<128x128xf32, #tpu.memory_space<vmem>>, vector<16xf32>,
      %mul3A_3724 = vector.broadcast %squeeze3A_3719 : f32 to vector<16xf32>
      %mul3A_3725 = arith.mulf %mul3A_3724, %get3A_3723 : vector<16xf32>
      %add3A_3726 = arith.addf %add3A_3717, %mul3A_3725 : vector<16xf32>
      %slice3A_3727 = vector.extract_strided_slice %div3A_3682 {offsets = [5], sizes = [1], strides = [1]} : vector<16xf32> to vector<1xf32>
      %squeeze3A_3728 = vector.extract %slice3A_3727[0] : f32 from vector<1xf32>
      %get3A_3729 = arith.constant 101 : i32
      %get3A_3730 = arith.index_cast %get3A_3729 : i32 to index
      %get3A_3731 = arith.constant 0 : index
      %get3A_3732 = tpu.vector_load %arg10[%get3A_3730, %get3A_3731] {strides = array<i32>} : memref<128x128xf32, #tpu.memory_space<vmem>>, vector<16xf32>,
      %mul3A_3733 = vector.broadcast %squeeze3A_3728 : f32 to vector<16xf32>
      %mul3A_3734 = arith.mulf %mul3A_3733, %get3A_3732 : vector<16xf32>
      %add3A_3735 = arith.addf %add3A_3726, %mul3A_3734 : vector<16xf32>
      %slice3A_3736 = vector.extract_strided_slice %div3A_3682 {offsets = [6], sizes = [1], strides = [1]} : vector<16xf32> to vector<1xf32>
      %squeeze3A_3737 = vector.extract %slice3A_3736[0] : f32 from vector<1xf32>
      %get3A_3738 = arith.constant 102 : i32
      %get3A_3739 = arith.index_cast %get3A_3738 : i32 to index
      %get3A_3740 = arith.constant 0 : index
      %get3A_3741 = tpu.vector_load %arg10[%get3A_3739, %get3A_3740] {strides = array<i32>} : memref<128x128xf32, #tpu.memory_space<vmem>>, vector<16xf32>,
      %mul3A_3742 = vector.broadcast %squeeze3A_3737 : f32 to vector<16xf32>
      %mul3A_3743 = arith.mulf %mul3A_3742, %get3A_3741 : vector<16xf32>
      %add3A_3744 = arith.addf %add3A_3735, %mul3A_3743 : vector<16xf32>
      %slice3A_3745 = vector.extract_strided_slice %div3A_3682 {offsets = [7], sizes = [1], strides = [1]} : vector<16xf32> to vector<1xf32>
      %squeeze3A_3746 = vector.extract %slice3A_3745[0] : f32 from vector<1xf32>
      %get3A_3747 = arith.constant 103 : i32
      %get3A_3748 = arith.index_cast %get3A_3747 : i32 to index
      %get3A_3749 = arith.constant 0 : index
      %get3A_3750 = tpu.vector_load %arg10[%get3A_3748, %get3A_3749] {strides = array<i32>} : memref<128x128xf32, #tpu.memory_space<vmem>>, vector<16xf32>,
      %mul3A_3751 = vector.broadcast %squeeze3A_3746 : f32 to vector<16xf32>
      %mul3A_3752 = arith.mulf %mul3A_3751, %get3A_3750 : vector<16xf32>
      %add3A_3753 = arith.addf %add3A_3744, %mul3A_3752 : vector<16xf32>
      %slice3A_3754 = vector.extract_strided_slice %div3A_3682 {offsets = [8], sizes = [1], strides = [1]} : vector<16xf32> to vector<1xf32>
      %squeeze3A_3755 = vector.extract %slice3A_3754[0] : f32 from vector<1xf32>
      %get3A_3756 = arith.constant 104 : i32
      %get3A_3757 = arith.index_cast %get3A_3756 : i32 to index
      %get3A_3758 = arith.constant 0 : index
      %get3A_3759 = tpu.vector_load %arg10[%get3A_3757, %get3A_3758] {strides = array<i32>} : memref<128x128xf32, #tpu.memory_space<vmem>>, vector<16xf32>,
      %mul3A_3760 = vector.broadcast %squeeze3A_3755 : f32 to vector<16xf32>
      %mul3A_3761 = arith.mulf %mul3A_3760, %get3A_3759 : vector<16xf32>
      %add3A_3762 = arith.addf %add3A_3753, %mul3A_3761 : vector<16xf32>
      %slice3A_3763 = vector.extract_strided_slice %div3A_3682 {offsets = [9], sizes = [1], strides = [1]} : vector<16xf32> to vector<1xf32>
      %squeeze3A_3764 = vector.extract %slice3A_3763[0] : f32 from vector<1xf32>
      %get3A_3765 = arith.constant 105 : i32
      %get3A_3766 = arith.index_cast %get3A_3765 : i32 to index
      %get3A_3767 = arith.constant 0 : index
      %get3A_3768 = tpu.vector_load %arg10[%get3A_3766, %get3A_3767] {strides = array<i32>} : memref<128x128xf32, #tpu.memory_space<vmem>>, vector<16xf32>,
      %mul3A_3769 = vector.broadcast %squeeze3A_3764 : f32 to vector<16xf32>
      %mul3A_3770 = arith.mulf %mul3A_3769, %get3A_3768 : vector<16xf32>
      %add3A_3771 = arith.addf %add3A_3762, %mul3A_3770 : vector<16xf32>
      %slice3A_3772 = vector.extract_strided_slice %div3A_3682 {offsets = [10], sizes = [1], strides = [1]} : vector<16xf32> to vector<1xf32>
      %squeeze3A_3773 = vector.extract %slice3A_3772[0] : f32 from vector<1xf32>
      %get3A_3774 = arith.constant 106 : i32
      %get3A_3775 = arith.index_cast %get3A_3774 : i32 to index
      %get3A_3776 = arith.constant 0 : index
      %get3A_3777 = tpu.vector_load %arg10[%get3A_3775, %get3A_3776] {strides = array<i32>} : memref<128x128xf32, #tpu.memory_space<vmem>>, vector<16xf32>,
      %mul3A_3778 = vector.broadcast %squeeze3A_3773 : f32 to vector<16xf32>
      %mul3A_3779 = arith.mulf %mul3A_3778, %get3A_3777 : vector<16xf32>
      %add3A_3780 = arith.addf %add3A_3771, %mul3A_3779 : vector<16xf32>
      %slice3A_3781 = vector.extract_strided_slice %div3A_3682 {offsets = [11], sizes = [1], strides = [1]} : vector<16xf32> to vector<1xf32>
      %squeeze3A_3782 = vector.extract %slice3A_3781[0] : f32 from vector<1xf32>
      %get3A_3783 = arith.constant 107 : i32
      %get3A_3784 = arith.index_cast %get3A_3783 : i32 to index
      %get3A_3785 = arith.constant 0 : index
      %get3A_3786 = tpu.vector_load %arg10[%get3A_3784, %get3A_3785] {strides = array<i32>} : memref<128x128xf32, #tpu.memory_space<vmem>>, vector<16xf32>,
      %mul3A_3787 = vector.broadcast %squeeze3A_3782 : f32 to vector<16xf32>
      %mul3A_3788 = arith.mulf %mul3A_3787, %get3A_3786 : vector<16xf32>
      %add3A_3789 = arith.addf %add3A_3780, %mul3A_3788 : vector<16xf32>
      %slice3A_3790 = vector.extract_strided_slice %div3A_3682 {offsets = [12], sizes = [1], strides = [1]} : vector<16xf32> to vector<1xf32>
      %squeeze3A_3791 = vector.extract %slice3A_3790[0] : f32 from vector<1xf32>
      %get3A_3792 = arith.constant 108 : i32
      %get3A_3793 = arith.index_cast %get3A_3792 : i32 to index
      %get3A_3794 = arith.constant 0 : index
      %get3A_3795 = tpu.vector_load %arg10[%get3A_3793, %get3A_3794] {strides = array<i32>} : memref<128x128xf32, #tpu.memory_space<vmem>>, vector<16xf32>,
      %mul3A_3796 = vector.broadcast %squeeze3A_3791 : f32 to vector<16xf32>
      %mul3A_3797 = arith.mulf %mul3A_3796, %get3A_3795 : vector<16xf32>
      %add3A_3798 = arith.addf %add3A_3789, %mul3A_3797 : vector<16xf32>
      %slice3A_3799 = vector.extract_strided_slice %div3A_3682 {offsets = [13], sizes = [1], strides = [1]} : vector<16xf32> to vector<1xf32>
      %squeeze3A_3800 = vector.extract %slice3A_3799[0] : f32 from vector<1xf32>
      %get3A_3801 = arith.constant 109 : i32
      %get3A_3802 = arith.index_cast %get3A_3801 : i32 to index
      %get3A_3803 = arith.constant 0 : index
      %get3A_3804 = tpu.vector_load %arg10[%get3A_3802, %get3A_3803] {strides = array<i32>} : memref<128x128xf32, #tpu.memory_space<vmem>>, vector<16xf32>,
      %mul3A_3805 = vector.broadcast %squeeze3A_3800 : f32 to vector<16xf32>
      %mul3A_3806 = arith.mulf %mul3A_3805, %get3A_3804 : vector<16xf32>
      %add3A_3807 = arith.addf %add3A_3798, %mul3A_3806 : vector<16xf32>
      %slice3A_3808 = vector.extract_strided_slice %div3A_3682 {offsets = [14], sizes = [1], strides = [1]} : vector<16xf32> to vector<1xf32>
      %squeeze3A_3809 = vector.extract %slice3A_3808[0] : f32 from vector<1xf32>
      %get3A_3810 = arith.constant 110 : i32
      %get3A_3811 = arith.index_cast %get3A_3810 : i32 to index
      %get3A_3812 = arith.constant 0 : index
      %get3A_3813 = tpu.vector_load %arg10[%get3A_3811, %get3A_3812] {strides = array<i32>} : memref<128x128xf32, #tpu.memory_space<vmem>>, vector<16xf32>,
      %mul3A_3814 = vector.broadcast %squeeze3A_3809 : f32 to vector<16xf32>
      %mul3A_3815 = arith.mulf %mul3A_3814, %get3A_3813 : vector<16xf32>
      %add3A_3816 = arith.addf %add3A_3807, %mul3A_3815 : vector<16xf32>
      %slice3A_3817 = vector.extract_strided_slice %div3A_3682 {offsets = [15], sizes = [1], strides = [1]} : vector<16xf32> to vector<1xf32>
      %squeeze3A_3818 = vector.extract %slice3A_3817[0] : f32 from vector<1xf32>
      %get3A_3819 = arith.constant 111 : i32
      %get3A_3820 = arith.index_cast %get3A_3819 : i32 to index
      %get3A_3821 = arith.constant 0 : index
      %get3A_3822 = tpu.vector_load %arg10[%get3A_3820, %get3A_3821] {strides = array<i32>} : memref<128x128xf32, #tpu.memory_space<vmem>>, vector<16xf32>,
      %mul3A_3823 = vector.broadcast %squeeze3A_3818 : f32 to vector<16xf32>
      %mul3A_3824 = arith.mulf %mul3A_3823, %get3A_3822 : vector<16xf32>
      %add3A_3825 = arith.addf %add3A_3816, %mul3A_3824 : vector<16xf32>
      %swap3A_3826 = arith.index_cast %add3A_3662 : i32 to index
      %swap3A_3827 = arith.constant 0 : index
      %swap3A_3828 = tpu.vector_load %arg11[%swap3A_3826, %swap3A_3827] {strides = array<i32>} : memref<512x64xf32, #tpu.memory_space<vmem>>, vector<16xf32>,
      tpu.vector_store %arg11[%swap3A_3826, %swap3A_3827], %add3A_3825 {strides = array<i32>} : memref<512x64xf32, #tpu.memory_space<vmem>>, vector<16xf32>,
      %slice3A_3829 = vector.extract_strided_slice %div3A_3682 {offsets = [0], sizes = [1], strides = [1]} : vector<16xf32> to vector<1xf32>
      %squeeze3A_3830 = vector.extract %slice3A_3829[0] : f32 from vector<1xf32>
      %get3A_3831 = arith.constant 96 : i32
      %get3A_3832 = arith.index_cast %get3A_3831 : i32 to index
      %get3A_3833 = arith.constant 16 : index
      %get3A_3834 = tpu.vector_load %arg10[%get3A_3832, %get3A_3833] {strides = array<i32>} : memref<128x128xf32, #tpu.memory_space<vmem>>, vector<16xf32>,
      %mul3A_3835 = vector.broadcast %squeeze3A_3830 : f32 to vector<16xf32>
      %mul3A_3836 = arith.mulf %mul3A_3835, %get3A_3834 : vector<16xf32>
      %slice3A_3837 = vector.extract_strided_slice %div3A_3682 {offsets = [1], sizes = [1], strides = [1]} : vector<16xf32> to vector<1xf32>
      %squeeze3A_3838 = vector.extract %slice3A_3837[0] : f32 from vector<1xf32>
      %get3A_3839 = arith.constant 97 : i32
      %get3A_3840 = arith.index_cast %get3A_3839 : i32 to index
      %get3A_3841 = arith.constant 16 : index
      %get3A_3842 = tpu.vector_load %arg10[%get3A_3840, %get3A_3841] {strides = array<i32>} : memref<128x128xf32, #tpu.memory_space<vmem>>, vector<16xf32>,
      %mul3A_3843 = vector.broadcast %squeeze3A_3838 : f32 to vector<16xf32>
      %mul3A_3844 = arith.mulf %mul3A_3843, %get3A_3842 : vector<16xf32>
      %add3A_3845 = arith.addf %mul3A_3836, %mul3A_3844 : vector<16xf32>
      %slice3A_3846 = vector.extract_strided_slice %div3A_3682 {offsets = [2], sizes = [1], strides = [1]} : vector<16xf32> to vector<1xf32>
      %squeeze3A_3847 = vector.extract %slice3A_3846[0] : f32 from vector<1xf32>
      %get3A_3848 = arith.constant 98 : i32
      %get3A_3849 = arith.index_cast %get3A_3848 : i32 to index
      %get3A_3850 = arith.constant 16 : index
      %get3A_3851 = tpu.vector_load %arg10[%get3A_3849, %get3A_3850] {strides = array<i32>} : memref<128x128xf32, #tpu.memory_space<vmem>>, vector<16xf32>,
      %mul3A_3852 = vector.broadcast %squeeze3A_3847 : f32 to vector<16xf32>
      %mul3A_3853 = arith.mulf %mul3A_3852, %get3A_3851 : vector<16xf32>
      %add3A_3854 = arith.addf %add3A_3845, %mul3A_3853 : vector<16xf32>
      %slice3A_3855 = vector.extract_strided_slice %div3A_3682 {offsets = [3], sizes = [1], strides = [1]} : vector<16xf32> to vector<1xf32>
      %squeeze3A_3856 = vector.extract %slice3A_3855[0] : f32 from vector<1xf32>
      %get3A_3857 = arith.constant 99 : i32
      %get3A_3858 = arith.index_cast %get3A_3857 : i32 to index
      %get3A_3859 = arith.constant 16 : index
      %get3A_3860 = tpu.vector_load %arg10[%get3A_3858, %get3A_3859] {strides = array<i32>} : memref<128x128xf32, #tpu.memory_space<vmem>>, vector<16xf32>,
      %mul3A_3861 = vector.broadcast %squeeze3A_3856 : f32 to vector<16xf32>
      %mul3A_3862 = arith.mulf %mul3A_3861, %get3A_3860 : vector<16xf32>
      %add3A_3863 = arith.addf %add3A_3854, %mul3A_3862 : vector<16xf32>
      %slice3A_3864 = vector.extract_strided_slice %div3A_3682 {offsets = [4], sizes = [1], strides = [1]} : vector<16xf32> to vector<1xf32>
      %squeeze3A_3865 = vector.extract %slice3A_3864[0] : f32 from vector<1xf32>
      %get3A_3866 = arith.constant 100 : i32
      %get3A_3867 = arith.index_cast %get3A_3866 : i32 to index
      %get3A_3868 = arith.constant 16 : index
      %get3A_3869 = tpu.vector_load %arg10[%get3A_3867, %get3A_3868] {strides = array<i32>} : memref<128x128xf32, #tpu.memory_space<vmem>>, vector<16xf32>,
      %mul3A_3870 = vector.broadcast %squeeze3A_3865 : f32 to vector<16xf32>
      %mul3A_3871 = arith.mulf %mul3A_3870, %get3A_3869 : vector<16xf32>
      %add3A_3872 = arith.addf %add3A_3863, %mul3A_3871 : vector<16xf32>
      %slice3A_3873 = vector.extract_strided_slice %div3A_3682 {offsets = [5], sizes = [1], strides = [1]} : vector<16xf32> to vector<1xf32>
      %squeeze3A_3874 = vector.extract %slice3A_3873[0] : f32 from vector<1xf32>
      %get3A_3875 = arith.constant 101 : i32
      %get3A_3876 = arith.index_cast %get3A_3875 : i32 to index
      %get3A_3877 = arith.constant 16 : index
      %get3A_3878 = tpu.vector_load %arg10[%get3A_3876, %get3A_3877] {strides = array<i32>} : memref<128x128xf32, #tpu.memory_space<vmem>>, vector<16xf32>,
      %mul3A_3879 = vector.broadcast %squeeze3A_3874 : f32 to vector<16xf32>
      %mul3A_3880 = arith.mulf %mul3A_3879, %get3A_3878 : vector<16xf32>
      %add3A_3881 = arith.addf %add3A_3872, %mul3A_3880 : vector<16xf32>
      %slice3A_3882 = vector.extract_strided_slice %div3A_3682 {offsets = [6], sizes = [1], strides = [1]} : vector<16xf32> to vector<1xf32>
      %squeeze3A_3883 = vector.extract %slice3A_3882[0] : f32 from vector<1xf32>
      %get3A_3884 = arith.constant 102 : i32
      %get3A_3885 = arith.index_cast %get3A_3884 : i32 to index
      %get3A_3886 = arith.constant 16 : index
      %get3A_3887 = tpu.vector_load %arg10[%get3A_3885, %get3A_3886] {strides = array<i32>} : memref<128x128xf32, #tpu.memory_space<vmem>>, vector<16xf32>,
      %mul3A_3888 = vector.broadcast %squeeze3A_3883 : f32 to vector<16xf32>
      %mul3A_3889 = arith.mulf %mul3A_3888, %get3A_3887 : vector<16xf32>
      %add3A_3890 = arith.addf %add3A_3881, %mul3A_3889 : vector<16xf32>
      %slice3A_3891 = vector.extract_strided_slice %div3A_3682 {offsets = [7], sizes = [1], strides = [1]} : vector<16xf32> to vector<1xf32>
      %squeeze3A_3892 = vector.extract %slice3A_3891[0] : f32 from vector<1xf32>
      %get3A_3893 = arith.constant 103 : i32
      %get3A_3894 = arith.index_cast %get3A_3893 : i32 to index
      %get3A_3895 = arith.constant 16 : index
      %get3A_3896 = tpu.vector_load %arg10[%get3A_3894, %get3A_3895] {strides = array<i32>} : memref<128x128xf32, #tpu.memory_space<vmem>>, vector<16xf32>,
      %mul3A_3897 = vector.broadcast %squeeze3A_3892 : f32 to vector<16xf32>
      %mul3A_3898 = arith.mulf %mul3A_3897, %get3A_3896 : vector<16xf32>
      %add3A_3899 = arith.addf %add3A_3890, %mul3A_3898 : vector<16xf32>
      %slice3A_3900 = vector.extract_strided_slice %div3A_3682 {offsets = [8], sizes = [1], strides = [1]} : vector<16xf32> to vector<1xf32>
      %squeeze3A_3901 = vector.extract %slice3A_3900[0] : f32 from vector<1xf32>
      %get3A_3902 = arith.constant 104 : i32
      %get3A_3903 = arith.index_cast %get3A_3902 : i32 to index
      %get3A_3904 = arith.constant 16 : index
      %get3A_3905 = tpu.vector_load %arg10[%get3A_3903, %get3A_3904] {strides = array<i32>} : memref<128x128xf32, #tpu.memory_space<vmem>>, vector<16xf32>,
      %mul3A_3906 = vector.broadcast %squeeze3A_3901 : f32 to vector<16xf32>
      %mul3A_3907 = arith.mulf %mul3A_3906, %get3A_3905 : vector<16xf32>
      %add3A_3908 = arith.addf %add3A_3899, %mul3A_3907 : vector<16xf32>
      %slice3A_3909 = vector.extract_strided_slice %div3A_3682 {offsets = [9], sizes = [1], strides = [1]} : vector<16xf32> to vector<1xf32>
      %squeeze3A_3910 = vector.extract %slice3A_3909[0] : f32 from vector<1xf32>
      %get3A_3911 = arith.constant 105 : i32
      %get3A_3912 = arith.index_cast %get3A_3911 : i32 to index
      %get3A_3913 = arith.constant 16 : index
      %get3A_3914 = tpu.vector_load %arg10[%get3A_3912, %get3A_3913] {strides = array<i32>} : memref<128x128xf32, #tpu.memory_space<vmem>>, vector<16xf32>,
      %mul3A_3915 = vector.broadcast %squeeze3A_3910 : f32 to vector<16xf32>
      %mul3A_3916 = arith.mulf %mul3A_3915, %get3A_3914 : vector<16xf32>
      %add3A_3917 = arith.addf %add3A_3908, %mul3A_3916 : vector<16xf32>
      %slice3A_3918 = vector.extract_strided_slice %div3A_3682 {offsets = [10], sizes = [1], strides = [1]} : vector<16xf32> to vector<1xf32>
      %squeeze3A_3919 = vector.extract %slice3A_3918[0] : f32 from vector<1xf32>
      %get3A_3920 = arith.constant 106 : i32
      %get3A_3921 = arith.index_cast %get3A_3920 : i32 to index
      %get3A_3922 = arith.constant 16 : index
      %get3A_3923 = tpu.vector_load %arg10[%get3A_3921, %get3A_3922] {strides = array<i32>} : memref<128x128xf32, #tpu.memory_space<vmem>>, vector<16xf32>,
      %mul3A_3924 = vector.broadcast %squeeze3A_3919 : f32 to vector<16xf32>
      %mul3A_3925 = arith.mulf %mul3A_3924, %get3A_3923 : vector<16xf32>
      %add3A_3926 = arith.addf %add3A_3917, %mul3A_3925 : vector<16xf32>
      %slice3A_3927 = vector.extract_strided_slice %div3A_3682 {offsets = [11], sizes = [1], strides = [1]} : vector<16xf32> to vector<1xf32>
      %squeeze3A_3928 = vector.extract %slice3A_3927[0] : f32 from vector<1xf32>
      %get3A_3929 = arith.constant 107 : i32
      %get3A_3930 = arith.index_cast %get3A_3929 : i32 to index
      %get3A_3931 = arith.constant 16 : index
      %get3A_3932 = tpu.vector_load %arg10[%get3A_3930, %get3A_3931] {strides = array<i32>} : memref<128x128xf32, #tpu.memory_space<vmem>>, vector<16xf32>,
      %mul3A_3933 = vector.broadcast %squeeze3A_3928 : f32 to vector<16xf32>
      %mul3A_3934 = arith.mulf %mul3A_3933, %get3A_3932 : vector<16xf32>
      %add3A_3935 = arith.addf %add3A_3926, %mul3A_3934 : vector<16xf32>
      %slice3A_3936 = vector.extract_strided_slice %div3A_3682 {offsets = [12], sizes = [1], strides = [1]} : vector<16xf32> to vector<1xf32>
      %squeeze3A_3937 = vector.extract %slice3A_3936[0] : f32 from vector<1xf32>
      %get3A_3938 = arith.constant 108 : i32
      %get3A_3939 = arith.index_cast %get3A_3938 : i32 to index
      %get3A_3940 = arith.constant 16 : index
      %get3A_3941 = tpu.vector_load %arg10[%get3A_3939, %get3A_3940] {strides = array<i32>} : memref<128x128xf32, #tpu.memory_space<vmem>>, vector<16xf32>,
      %mul3A_3942 = vector.broadcast %squeeze3A_3937 : f32 to vector<16xf32>
      %mul3A_3943 = arith.mulf %mul3A_3942, %get3A_3941 : vector<16xf32>
      %add3A_3944 = arith.addf %add3A_3935, %mul3A_3943 : vector<16xf32>
      %slice3A_3945 = vector.extract_strided_slice %div3A_3682 {offsets = [13], sizes = [1], strides = [1]} : vector<16xf32> to vector<1xf32>
      %squeeze3A_3946 = vector.extract %slice3A_3945[0] : f32 from vector<1xf32>
      %get3A_3947 = arith.constant 109 : i32
      %get3A_3948 = arith.index_cast %get3A_3947 : i32 to index
      %get3A_3949 = arith.constant 16 : index
      %get3A_3950 = tpu.vector_load %arg10[%get3A_3948, %get3A_3949] {strides = array<i32>} : memref<128x128xf32, #tpu.memory_space<vmem>>, vector<16xf32>,
      %mul3A_3951 = vector.broadcast %squeeze3A_3946 : f32 to vector<16xf32>
      %mul3A_3952 = arith.mulf %mul3A_3951, %get3A_3950 : vector<16xf32>
      %add3A_3953 = arith.addf %add3A_3944, %mul3A_3952 : vector<16xf32>
      %slice3A_3954 = vector.extract_strided_slice %div3A_3682 {offsets = [14], sizes = [1], strides = [1]} : vector<16xf32> to vector<1xf32>
      %squeeze3A_3955 = vector.extract %slice3A_3954[0] : f32 from vector<1xf32>
      %get3A_3956 = arith.constant 110 : i32
      %get3A_3957 = arith.index_cast %get3A_3956 : i32 to index
      %get3A_3958 = arith.constant 16 : index
      %get3A_3959 = tpu.vector_load %arg10[%get3A_3957, %get3A_3958] {strides = array<i32>} : memref<128x128xf32, #tpu.memory_space<vmem>>, vector<16xf32>,
      %mul3A_3960 = vector.broadcast %squeeze3A_3955 : f32 to vector<16xf32>
      %mul3A_3961 = arith.mulf %mul3A_3960, %get3A_3959 : vector<16xf32>
      %add3A_3962 = arith.addf %add3A_3953, %mul3A_3961 : vector<16xf32>
      %slice3A_3963 = vector.extract_strided_slice %div3A_3682 {offsets = [15], sizes = [1], strides = [1]} : vector<16xf32> to vector<1xf32>
      %squeeze3A_3964 = vector.extract %slice3A_3963[0] : f32 from vector<1xf32>
      %get3A_3965 = arith.constant 111 : i32
      %get3A_3966 = arith.index_cast %get3A_3965 : i32 to index
      %get3A_3967 = arith.constant 16 : index
      %get3A_3968 = tpu.vector_load %arg10[%get3A_3966, %get3A_3967] {strides = array<i32>} : memref<128x128xf32, #tpu.memory_space<vmem>>, vector<16xf32>,
      %mul3A_3969 = vector.broadcast %squeeze3A_3964 : f32 to vector<16xf32>
      %mul3A_3970 = arith.mulf %mul3A_3969, %get3A_3968 : vector<16xf32>
      %add3A_3971 = arith.addf %add3A_3962, %mul3A_3970 : vector<16xf32>
      %swap3A_3972 = arith.index_cast %add3A_3662 : i32 to index
      %swap3A_3973 = arith.constant 16 : index
      %swap3A_3974 = tpu.vector_load %arg11[%swap3A_3972, %swap3A_3973] {strides = array<i32>} : memref<512x64xf32, #tpu.memory_space<vmem>>, vector<16xf32>,
      tpu.vector_store %arg11[%swap3A_3972, %swap3A_3973], %add3A_3971 {strides = array<i32>} : memref<512x64xf32, #tpu.memory_space<vmem>>, vector<16xf32>,
      %slice3A_3975 = vector.extract_strided_slice %div3A_3682 {offsets = [0], sizes = [1], strides = [1]} : vector<16xf32> to vector<1xf32>
      %squeeze3A_3976 = vector.extract %slice3A_3975[0] : f32 from vector<1xf32>
      %get3A_3977 = arith.constant 96 : i32
      %get3A_3978 = arith.index_cast %get3A_3977 : i32 to index
      %get3A_3979 = arith.constant 32 : index
      %get3A_3980 = tpu.vector_load %arg10[%get3A_3978, %get3A_3979] {strides = array<i32>} : memref<128x128xf32, #tpu.memory_space<vmem>>, vector<16xf32>,
      %mul3A_3981 = vector.broadcast %squeeze3A_3976 : f32 to vector<16xf32>
      %mul3A_3982 = arith.mulf %mul3A_3981, %get3A_3980 : vector<16xf32>
      %slice3A_3983 = vector.extract_strided_slice %div3A_3682 {offsets = [1], sizes = [1], strides = [1]} : vector<16xf32> to vector<1xf32>
      %squeeze3A_3984 = vector.extract %slice3A_3983[0] : f32 from vector<1xf32>
      %get3A_3985 = arith.constant 97 : i32
      %get3A_3986 = arith.index_cast %get3A_3985 : i32 to index
      %get3A_3987 = arith.constant 32 : index
      %get3A_3988 = tpu.vector_load %arg10[%get3A_3986, %get3A_3987] {strides = array<i32>} : memref<128x128xf32, #tpu.memory_space<vmem>>, vector<16xf32>,
      %mul3A_3989 = vector.broadcast %squeeze3A_3984 : f32 to vector<16xf32>
      %mul3A_3990 = arith.mulf %mul3A_3989, %get3A_3988 : vector<16xf32>
      %add3A_3991 = arith.addf %mul3A_3982, %mul3A_3990 : vector<16xf32>
      %slice3A_3992 = vector.extract_strided_slice %div3A_3682 {offsets = [2], sizes = [1], strides = [1]} : vector<16xf32> to vector<1xf32>
      %squeeze3A_3993 = vector.extract %slice3A_3992[0] : f32 from vector<1xf32>
      %get3A_3994 = arith.constant 98 : i32
      %get3A_3995 = arith.index_cast %get3A_3994 : i32 to index
      %get3A_3996 = arith.constant 32 : index
      %get3A_3997 = tpu.vector_load %arg10[%get3A_3995, %get3A_3996] {strides = array<i32>} : memref<128x128xf32, #tpu.memory_space<vmem>>, vector<16xf32>,
      %mul3A_3998 = vector.broadcast %squeeze3A_3993 : f32 to vector<16xf32>
      %mul3A_3999 = arith.mulf %mul3A_3998, %get3A_3997 : vector<16xf32>
      %add3A_4000 = arith.addf %add3A_3991, %mul3A_3999 : vector<16xf32>
      %slice3A_4001 = vector.extract_strided_slice %div3A_3682 {offsets = [3], sizes = [1], strides = [1]} : vector<16xf32> to vector<1xf32>
      %squeeze3A_4002 = vector.extract %slice3A_4001[0] : f32 from vector<1xf32>
      %get3A_4003 = arith.constant 99 : i32
      %get3A_4004 = arith.index_cast %get3A_4003 : i32 to index
      %get3A_4005 = arith.constant 32 : index
      %get3A_4006 = tpu.vector_load %arg10[%get3A_4004, %get3A_4005] {strides = array<i32>} : memref<128x128xf32, #tpu.memory_space<vmem>>, vector<16xf32>,
      %mul3A_4007 = vector.broadcast %squeeze3A_4002 : f32 to vector<16xf32>
      %mul3A_4008 = arith.mulf %mul3A_4007, %get3A_4006 : vector<16xf32>
      %add3A_4009 = arith.addf %add3A_4000, %mul3A_4008 : vector<16xf32>
      %slice3A_4010 = vector.extract_strided_slice %div3A_3682 {offsets = [4], sizes = [1], strides = [1]} : vector<16xf32> to vector<1xf32>
      %squeeze3A_4011 = vector.extract %slice3A_4010[0] : f32 from vector<1xf32>
      %get3A_4012 = arith.constant 100 : i32
      %get3A_4013 = arith.index_cast %get3A_4012 : i32 to index
      %get3A_4014 = arith.constant 32 : index
      %get3A_4015 = tpu.vector_load %arg10[%get3A_4013, %get3A_4014] {strides = array<i32>} : memref<128x128xf32, #tpu.memory_space<vmem>>, vector<16xf32>,
      %mul3A_4016 = vector.broadcast %squeeze3A_4011 : f32 to vector<16xf32>
      %mul3A_4017 = arith.mulf %mul3A_4016, %get3A_4015 : vector<16xf32>
      %add3A_4018 = arith.addf %add3A_4009, %mul3A_4017 : vector<16xf32>
      %slice3A_4019 = vector.extract_strided_slice %div3A_3682 {offsets = [5], sizes = [1], strides = [1]} : vector<16xf32> to vector<1xf32>
      %squeeze3A_4020 = vector.extract %slice3A_4019[0] : f32 from vector<1xf32>
      %get3A_4021 = arith.constant 101 : i32
      %get3A_4022 = arith.index_cast %get3A_4021 : i32 to index
      %get3A_4023 = arith.constant 32 : index
      %get3A_4024 = tpu.vector_load %arg10[%get3A_4022, %get3A_4023] {strides = array<i32>} : memref<128x128xf32, #tpu.memory_space<vmem>>, vector<16xf32>,
      %mul3A_4025 = vector.broadcast %squeeze3A_4020 : f32 to vector<16xf32>
      %mul3A_4026 = arith.mulf %mul3A_4025, %get3A_4024 : vector<16xf32>
      %add3A_4027 = arith.addf %add3A_4018, %mul3A_4026 : vector<16xf32>
      %slice3A_4028 = vector.extract_strided_slice %div3A_3682 {offsets = [6], sizes = [1], strides = [1]} : vector<16xf32> to vector<1xf32>
      %squeeze3A_4029 = vector.extract %slice3A_4028[0] : f32 from vector<1xf32>
      %get3A_4030 = arith.constant 102 : i32
      %get3A_4031 = arith.index_cast %get3A_4030 : i32 to index
      %get3A_4032 = arith.constant 32 : index
      %get3A_4033 = tpu.vector_load %arg10[%get3A_4031, %get3A_4032] {strides = array<i32>} : memref<128x128xf32, #tpu.memory_space<vmem>>, vector<16xf32>,
      %mul3A_4034 = vector.broadcast %squeeze3A_4029 : f32 to vector<16xf32>
      %mul3A_4035 = arith.mulf %mul3A_4034, %get3A_4033 : vector<16xf32>
      %add3A_4036 = arith.addf %add3A_4027, %mul3A_4035 : vector<16xf32>
      %slice3A_4037 = vector.extract_strided_slice %div3A_3682 {offsets = [7], sizes = [1], strides = [1]} : vector<16xf32> to vector<1xf32>
      %squeeze3A_4038 = vector.extract %slice3A_4037[0] : f32 from vector<1xf32>
      %get3A_4039 = arith.constant 103 : i32
      %get3A_4040 = arith.index_cast %get3A_4039 : i32 to index
      %get3A_4041 = arith.constant 32 : index
      %get3A_4042 = tpu.vector_load %arg10[%get3A_4040, %get3A_4041] {strides = array<i32>} : memref<128x128xf32, #tpu.memory_space<vmem>>, vector<16xf32>,
      %mul3A_4043 = vector.broadcast %squeeze3A_4038 : f32 to vector<16xf32>
      %mul3A_4044 = arith.mulf %mul3A_4043, %get3A_4042 : vector<16xf32>
      %add3A_4045 = arith.addf %add3A_4036, %mul3A_4044 : vector<16xf32>
      %slice3A_4046 = vector.extract_strided_slice %div3A_3682 {offsets = [8], sizes = [1], strides = [1]} : vector<16xf32> to vector<1xf32>
      %squeeze3A_4047 = vector.extract %slice3A_4046[0] : f32 from vector<1xf32>
      %get3A_4048 = arith.constant 104 : i32
      %get3A_4049 = arith.index_cast %get3A_4048 : i32 to index
      %get3A_4050 = arith.constant 32 : index
      %get3A_4051 = tpu.vector_load %arg10[%get3A_4049, %get3A_4050] {strides = array<i32>} : memref<128x128xf32, #tpu.memory_space<vmem>>, vector<16xf32>,
      %mul3A_4052 = vector.broadcast %squeeze3A_4047 : f32 to vector<16xf32>
      %mul3A_4053 = arith.mulf %mul3A_4052, %get3A_4051 : vector<16xf32>
      %add3A_4054 = arith.addf %add3A_4045, %mul3A_4053 : vector<16xf32>
      %slice3A_4055 = vector.extract_strided_slice %div3A_3682 {offsets = [9], sizes = [1], strides = [1]} : vector<16xf32> to vector<1xf32>
      %squeeze3A_4056 = vector.extract %slice3A_4055[0] : f32 from vector<1xf32>
      %get3A_4057 = arith.constant 105 : i32
      %get3A_4058 = arith.index_cast %get3A_4057 : i32 to index
      %get3A_4059 = arith.constant 32 : index
      %get3A_4060 = tpu.vector_load %arg10[%get3A_4058, %get3A_4059] {strides = array<i32>} : memref<128x128xf32, #tpu.memory_space<vmem>>, vector<16xf32>,
      %mul3A_4061 = vector.broadcast %squeeze3A_4056 : f32 to vector<16xf32>
      %mul3A_4062 = arith.mulf %mul3A_4061, %get3A_4060 : vector<16xf32>
      %add3A_4063 = arith.addf %add3A_4054, %mul3A_4062 : vector<16xf32>
      %slice3A_4064 = vector.extract_strided_slice %div3A_3682 {offsets = [10], sizes = [1], strides = [1]} : vector<16xf32> to vector<1xf32>
      %squeeze3A_4065 = vector.extract %slice3A_4064[0] : f32 from vector<1xf32>
      %get3A_4066 = arith.constant 106 : i32
      %get3A_4067 = arith.index_cast %get3A_4066 : i32 to index
      %get3A_4068 = arith.constant 32 : index
      %get3A_4069 = tpu.vector_load %arg10[%get3A_4067, %get3A_4068] {strides = array<i32>} : memref<128x128xf32, #tpu.memory_space<vmem>>, vector<16xf32>,
      %mul3A_4070 = vector.broadcast %squeeze3A_4065 : f32 to vector<16xf32>
      %mul3A_4071 = arith.mulf %mul3A_4070, %get3A_4069 : vector<16xf32>
      %add3A_4072 = arith.addf %add3A_4063, %mul3A_4071 : vector<16xf32>
      %slice3A_4073 = vector.extract_strided_slice %div3A_3682 {offsets = [11], sizes = [1], strides = [1]} : vector<16xf32> to vector<1xf32>
      %squeeze3A_4074 = vector.extract %slice3A_4073[0] : f32 from vector<1xf32>
      %get3A_4075 = arith.constant 107 : i32
      %get3A_4076 = arith.index_cast %get3A_4075 : i32 to index
      %get3A_4077 = arith.constant 32 : index
      %get3A_4078 = tpu.vector_load %arg10[%get3A_4076, %get3A_4077] {strides = array<i32>} : memref<128x128xf32, #tpu.memory_space<vmem>>, vector<16xf32>,
      %mul3A_4079 = vector.broadcast %squeeze3A_4074 : f32 to vector<16xf32>
      %mul3A_4080 = arith.mulf %mul3A_4079, %get3A_4078 : vector<16xf32>
      %add3A_4081 = arith.addf %add3A_4072, %mul3A_4080 : vector<16xf32>
      %slice3A_4082 = vector.extract_strided_slice %div3A_3682 {offsets = [12], sizes = [1], strides = [1]} : vector<16xf32> to vector<1xf32>
      %squeeze3A_4083 = vector.extract %slice3A_4082[0] : f32 from vector<1xf32>
      %get3A_4084 = arith.constant 108 : i32
      %get3A_4085 = arith.index_cast %get3A_4084 : i32 to index
      %get3A_4086 = arith.constant 32 : index
      %get3A_4087 = tpu.vector_load %arg10[%get3A_4085, %get3A_4086] {strides = array<i32>} : memref<128x128xf32, #tpu.memory_space<vmem>>, vector<16xf32>,
      %mul3A_4088 = vector.broadcast %squeeze3A_4083 : f32 to vector<16xf32>
      %mul3A_4089 = arith.mulf %mul3A_4088, %get3A_4087 : vector<16xf32>
      %add3A_4090 = arith.addf %add3A_4081, %mul3A_4089 : vector<16xf32>
      %slice3A_4091 = vector.extract_strided_slice %div3A_3682 {offsets = [13], sizes = [1], strides = [1]} : vector<16xf32> to vector<1xf32>
      %squeeze3A_4092 = vector.extract %slice3A_4091[0] : f32 from vector<1xf32>
      %get3A_4093 = arith.constant 109 : i32
      %get3A_4094 = arith.index_cast %get3A_4093 : i32 to index
      %get3A_4095 = arith.constant 32 : index
      %get3A_4096 = tpu.vector_load %arg10[%get3A_4094, %get3A_4095] {strides = array<i32>} : memref<128x128xf32, #tpu.memory_space<vmem>>, vector<16xf32>,
      %mul3A_4097 = vector.broadcast %squeeze3A_4092 : f32 to vector<16xf32>
      %mul3A_4098 = arith.mulf %mul3A_4097, %get3A_4096 : vector<16xf32>
      %add3A_4099 = arith.addf %add3A_4090, %mul3A_4098 : vector<16xf32>
      %slice3A_4100 = vector.extract_strided_slice %div3A_3682 {offsets = [14], sizes = [1], strides = [1]} : vector<16xf32> to vector<1xf32>
      %squeeze3A_4101 = vector.extract %slice3A_4100[0] : f32 from vector<1xf32>
      %get3A_4102 = arith.constant 110 : i32
      %get3A_4103 = arith.index_cast %get3A_4102 : i32 to index
      %get3A_4104 = arith.constant 32 : index
      %get3A_4105 = tpu.vector_load %arg10[%get3A_4103, %get3A_4104] {strides = array<i32>} : memref<128x128xf32, #tpu.memory_space<vmem>>, vector<16xf32>,
      %mul3A_4106 = vector.broadcast %squeeze3A_4101 : f32 to vector<16xf32>
      %mul3A_4107 = arith.mulf %mul3A_4106, %get3A_4105 : vector<16xf32>
      %add3A_4108 = arith.addf %add3A_4099, %mul3A_4107 : vector<16xf32>
      %slice3A_4109 = vector.extract_strided_slice %div3A_3682 {offsets = [15], sizes = [1], strides = [1]} : vector<16xf32> to vector<1xf32>
      %squeeze3A_4110 = vector.extract %slice3A_4109[0] : f32 from vector<1xf32>
      %get3A_4111 = arith.constant 111 : i32
      %get3A_4112 = arith.index_cast %get3A_4111 : i32 to index
      %get3A_4113 = arith.constant 32 : index
      %get3A_4114 = tpu.vector_load %arg10[%get3A_4112, %get3A_4113] {strides = array<i32>} : memref<128x128xf32, #tpu.memory_space<vmem>>, vector<16xf32>,
      %mul3A_4115 = vector.broadcast %squeeze3A_4110 : f32 to vector<16xf32>
      %mul3A_4116 = arith.mulf %mul3A_4115, %get3A_4114 : vector<16xf32>
      %add3A_4117 = arith.addf %add3A_4108, %mul3A_4116 : vector<16xf32>
      %swap3A_4118 = arith.index_cast %add3A_3662 : i32 to index
      %swap3A_4119 = arith.constant 32 : index
      %swap3A_4120 = tpu.vector_load %arg11[%swap3A_4118, %swap3A_4119] {strides = array<i32>} : memref<512x64xf32, #tpu.memory_space<vmem>>, vector<16xf32>,
      tpu.vector_store %arg11[%swap3A_4118, %swap3A_4119], %add3A_4117 {strides = array<i32>} : memref<512x64xf32, #tpu.memory_space<vmem>>, vector<16xf32>,
      %slice3A_4121 = vector.extract_strided_slice %div3A_3682 {offsets = [0], sizes = [1], strides = [1]} : vector<16xf32> to vector<1xf32>
      %squeeze3A_4122 = vector.extract %slice3A_4121[0] : f32 from vector<1xf32>
      %get3A_4123 = arith.constant 96 : i32
      %get3A_4124 = arith.index_cast %get3A_4123 : i32 to index
      %get3A_4125 = arith.constant 48 : index
      %get3A_4126 = tpu.vector_load %arg10[%get3A_4124, %get3A_4125] {strides = array<i32>} : memref<128x128xf32, #tpu.memory_space<vmem>>, vector<16xf32>,
      %mul3A_4127 = vector.broadcast %squeeze3A_4122 : f32 to vector<16xf32>
      %mul3A_4128 = arith.mulf %mul3A_4127, %get3A_4126 : vector<16xf32>
      %slice3A_4129 = vector.extract_strided_slice %div3A_3682 {offsets = [1], sizes = [1], strides = [1]} : vector<16xf32> to vector<1xf32>
      %squeeze3A_4130 = vector.extract %slice3A_4129[0] : f32 from vector<1xf32>
      %get3A_4131 = arith.constant 97 : i32
      %get3A_4132 = arith.index_cast %get3A_4131 : i32 to index
      %get3A_4133 = arith.constant 48 : index
      %get3A_4134 = tpu.vector_load %arg10[%get3A_4132, %get3A_4133] {strides = array<i32>} : memref<128x128xf32, #tpu.memory_space<vmem>>, vector<16xf32>,
      %mul3A_4135 = vector.broadcast %squeeze3A_4130 : f32 to vector<16xf32>
      %mul3A_4136 = arith.mulf %mul3A_4135, %get3A_4134 : vector<16xf32>
      %add3A_4137 = arith.addf %mul3A_4128, %mul3A_4136 : vector<16xf32>
      %slice3A_4138 = vector.extract_strided_slice %div3A_3682 {offsets = [2], sizes = [1], strides = [1]} : vector<16xf32> to vector<1xf32>
      %squeeze3A_4139 = vector.extract %slice3A_4138[0] : f32 from vector<1xf32>
      %get3A_4140 = arith.constant 98 : i32
      %get3A_4141 = arith.index_cast %get3A_4140 : i32 to index
      %get3A_4142 = arith.constant 48 : index
      %get3A_4143 = tpu.vector_load %arg10[%get3A_4141, %get3A_4142] {strides = array<i32>} : memref<128x128xf32, #tpu.memory_space<vmem>>, vector<16xf32>,
      %mul3A_4144 = vector.broadcast %squeeze3A_4139 : f32 to vector<16xf32>
      %mul3A_4145 = arith.mulf %mul3A_4144, %get3A_4143 : vector<16xf32>
      %add3A_4146 = arith.addf %add3A_4137, %mul3A_4145 : vector<16xf32>
      %slice3A_4147 = vector.extract_strided_slice %div3A_3682 {offsets = [3], sizes = [1], strides = [1]} : vector<16xf32> to vector<1xf32>
      %squeeze3A_4148 = vector.extract %slice3A_4147[0] : f32 from vector<1xf32>
      %get3A_4149 = arith.constant 99 : i32
      %get3A_4150 = arith.index_cast %get3A_4149 : i32 to index
      %get3A_4151 = arith.constant 48 : index
      %get3A_4152 = tpu.vector_load %arg10[%get3A_4150, %get3A_4151] {strides = array<i32>} : memref<128x128xf32, #tpu.memory_space<vmem>>, vector<16xf32>,
      %mul3A_4153 = vector.broadcast %squeeze3A_4148 : f32 to vector<16xf32>
      %mul3A_4154 = arith.mulf %mul3A_4153, %get3A_4152 : vector<16xf32>
      %add3A_4155 = arith.addf %add3A_4146, %mul3A_4154 : vector<16xf32>
      %slice3A_4156 = vector.extract_strided_slice %div3A_3682 {offsets = [4], sizes = [1], strides = [1]} : vector<16xf32> to vector<1xf32>
      %squeeze3A_4157 = vector.extract %slice3A_4156[0] : f32 from vector<1xf32>
      %get3A_4158 = arith.constant 100 : i32
      %get3A_4159 = arith.index_cast %get3A_4158 : i32 to index
      %get3A_4160 = arith.constant 48 : index
      %get3A_4161 = tpu.vector_load %arg10[%get3A_4159, %get3A_4160] {strides = array<i32>} : memref<128x128xf32, #tpu.memory_space<vmem>>, vector<16xf32>,
      %mul3A_4162 = vector.broadcast %squeeze3A_4157 : f32 to vector<16xf32>
      %mul3A_4163 = arith.mulf %mul3A_4162, %get3A_4161 : vector<16xf32>
      %add3A_4164 = arith.addf %add3A_4155, %mul3A_4163 : vector<16xf32>
      %slice3A_4165 = vector.extract_strided_slice %div3A_3682 {offsets = [5], sizes = [1], strides = [1]} : vector<16xf32> to vector<1xf32>
      %squeeze3A_4166 = vector.extract %slice3A_4165[0] : f32 from vector<1xf32>
      %get3A_4167 = arith.constant 101 : i32
      %get3A_4168 = arith.index_cast %get3A_4167 : i32 to index
      %get3A_4169 = arith.constant 48 : index
      %get3A_4170 = tpu.vector_load %arg10[%get3A_4168, %get3A_4169] {strides = array<i32>} : memref<128x128xf32, #tpu.memory_space<vmem>>, vector<16xf32>,
      %mul3A_4171 = vector.broadcast %squeeze3A_4166 : f32 to vector<16xf32>
      %mul3A_4172 = arith.mulf %mul3A_4171, %get3A_4170 : vector<16xf32>
      %add3A_4173 = arith.addf %add3A_4164, %mul3A_4172 : vector<16xf32>
      %slice3A_4174 = vector.extract_strided_slice %div3A_3682 {offsets = [6], sizes = [1], strides = [1]} : vector<16xf32> to vector<1xf32>
      %squeeze3A_4175 = vector.extract %slice3A_4174[0] : f32 from vector<1xf32>
      %get3A_4176 = arith.constant 102 : i32
      %get3A_4177 = arith.index_cast %get3A_4176 : i32 to index
      %get3A_4178 = arith.constant 48 : index
      %get3A_4179 = tpu.vector_load %arg10[%get3A_4177, %get3A_4178] {strides = array<i32>} : memref<128x128xf32, #tpu.memory_space<vmem>>, vector<16xf32>,
      %mul3A_4180 = vector.broadcast %squeeze3A_4175 : f32 to vector<16xf32>
      %mul3A_4181 = arith.mulf %mul3A_4180, %get3A_4179 : vector<16xf32>
      %add3A_4182 = arith.addf %add3A_4173, %mul3A_4181 : vector<16xf32>
      %slice3A_4183 = vector.extract_strided_slice %div3A_3682 {offsets = [7], sizes = [1], strides = [1]} : vector<16xf32> to vector<1xf32>
      %squeeze3A_4184 = vector.extract %slice3A_4183[0] : f32 from vector<1xf32>
      %get3A_4185 = arith.constant 103 : i32
      %get3A_4186 = arith.index_cast %get3A_4185 : i32 to index
      %get3A_4187 = arith.constant 48 : index
      %get3A_4188 = tpu.vector_load %arg10[%get3A_4186, %get3A_4187] {strides = array<i32>} : memref<128x128xf32, #tpu.memory_space<vmem>>, vector<16xf32>,
      %mul3A_4189 = vector.broadcast %squeeze3A_4184 : f32 to vector<16xf32>
      %mul3A_4190 = arith.mulf %mul3A_4189, %get3A_4188 : vector<16xf32>
      %add3A_4191 = arith.addf %add3A_4182, %mul3A_4190 : vector<16xf32>
      %slice3A_4192 = vector.extract_strided_slice %div3A_3682 {offsets = [8], sizes = [1], strides = [1]} : vector<16xf32> to vector<1xf32>
      %squeeze3A_4193 = vector.extract %slice3A_4192[0] : f32 from vector<1xf32>
      %get3A_4194 = arith.constant 104 : i32
      %get3A_4195 = arith.index_cast %get3A_4194 : i32 to index
      %get3A_4196 = arith.constant 48 : index
      %get3A_4197 = tpu.vector_load %arg10[%get3A_4195, %get3A_4196] {strides = array<i32>} : memref<128x128xf32, #tpu.memory_space<vmem>>, vector<16xf32>,
      %mul3A_4198 = vector.broadcast %squeeze3A_4193 : f32 to vector<16xf32>
      %mul3A_4199 = arith.mulf %mul3A_4198, %get3A_4197 : vector<16xf32>
      %add3A_4200 = arith.addf %add3A_4191, %mul3A_4199 : vector<16xf32>
      %slice3A_4201 = vector.extract_strided_slice %div3A_3682 {offsets = [9], sizes = [1], strides = [1]} : vector<16xf32> to vector<1xf32>
      %squeeze3A_4202 = vector.extract %slice3A_4201[0] : f32 from vector<1xf32>
      %get3A_4203 = arith.constant 105 : i32
      %get3A_4204 = arith.index_cast %get3A_4203 : i32 to index
      %get3A_4205 = arith.constant 48 : index
      %get3A_4206 = tpu.vector_load %arg10[%get3A_4204, %get3A_4205] {strides = array<i32>} : memref<128x128xf32, #tpu.memory_space<vmem>>, vector<16xf32>,
      %mul3A_4207 = vector.broadcast %squeeze3A_4202 : f32 to vector<16xf32>
      %mul3A_4208 = arith.mulf %mul3A_4207, %get3A_4206 : vector<16xf32>
      %add3A_4209 = arith.addf %add3A_4200, %mul3A_4208 : vector<16xf32>
      %slice3A_4210 = vector.extract_strided_slice %div3A_3682 {offsets = [10], sizes = [1], strides = [1]} : vector<16xf32> to vector<1xf32>
      %squeeze3A_4211 = vector.extract %slice3A_4210[0] : f32 from vector<1xf32>
      %get3A_4212 = arith.constant 106 : i32
      %get3A_4213 = arith.index_cast %get3A_4212 : i32 to index
      %get3A_4214 = arith.constant 48 : index
      %get3A_4215 = tpu.vector_load %arg10[%get3A_4213, %get3A_4214] {strides = array<i32>} : memref<128x128xf32, #tpu.memory_space<vmem>>, vector<16xf32>,
      %mul3A_4216 = vector.broadcast %squeeze3A_4211 : f32 to vector<16xf32>
      %mul3A_4217 = arith.mulf %mul3A_4216, %get3A_4215 : vector<16xf32>
      %add3A_4218 = arith.addf %add3A_4209, %mul3A_4217 : vector<16xf32>
      %slice3A_4219 = vector.extract_strided_slice %div3A_3682 {offsets = [11], sizes = [1], strides = [1]} : vector<16xf32> to vector<1xf32>
      %squeeze3A_4220 = vector.extract %slice3A_4219[0] : f32 from vector<1xf32>
      %get3A_4221 = arith.constant 107 : i32
      %get3A_4222 = arith.index_cast %get3A_4221 : i32 to index
      %get3A_4223 = arith.constant 48 : index
      %get3A_4224 = tpu.vector_load %arg10[%get3A_4222, %get3A_4223] {strides = array<i32>} : memref<128x128xf32, #tpu.memory_space<vmem>>, vector<16xf32>,
      %mul3A_4225 = vector.broadcast %squeeze3A_4220 : f32 to vector<16xf32>
      %mul3A_4226 = arith.mulf %mul3A_4225, %get3A_4224 : vector<16xf32>
      %add3A_4227 = arith.addf %add3A_4218, %mul3A_4226 : vector<16xf32>
      %slice3A_4228 = vector.extract_strided_slice %div3A_3682 {offsets = [12], sizes = [1], strides = [1]} : vector<16xf32> to vector<1xf32>
      %squeeze3A_4229 = vector.extract %slice3A_4228[0] : f32 from vector<1xf32>
      %get3A_4230 = arith.constant 108 : i32
      %get3A_4231 = arith.index_cast %get3A_4230 : i32 to index
      %get3A_4232 = arith.constant 48 : index
      %get3A_4233 = tpu.vector_load %arg10[%get3A_4231, %get3A_4232] {strides = array<i32>} : memref<128x128xf32, #tpu.memory_space<vmem>>, vector<16xf32>,
      %mul3A_4234 = vector.broadcast %squeeze3A_4229 : f32 to vector<16xf32>
      %mul3A_4235 = arith.mulf %mul3A_4234, %get3A_4233 : vector<16xf32>
      %add3A_4236 = arith.addf %add3A_4227, %mul3A_4235 : vector<16xf32>
      %slice3A_4237 = vector.extract_strided_slice %div3A_3682 {offsets = [13], sizes = [1], strides = [1]} : vector<16xf32> to vector<1xf32>
      %squeeze3A_4238 = vector.extract %slice3A_4237[0] : f32 from vector<1xf32>
      %get3A_4239 = arith.constant 109 : i32
      %get3A_4240 = arith.index_cast %get3A_4239 : i32 to index
      %get3A_4241 = arith.constant 48 : index
      %get3A_4242 = tpu.vector_load %arg10[%get3A_4240, %get3A_4241] {strides = array<i32>} : memref<128x128xf32, #tpu.memory_space<vmem>>, vector<16xf32>,
      %mul3A_4243 = vector.broadcast %squeeze3A_4238 : f32 to vector<16xf32>
      %mul3A_4244 = arith.mulf %mul3A_4243, %get3A_4242 : vector<16xf32>
      %add3A_4245 = arith.addf %add3A_4236, %mul3A_4244 : vector<16xf32>
      %slice3A_4246 = vector.extract_strided_slice %div3A_3682 {offsets = [14], sizes = [1], strides = [1]} : vector<16xf32> to vector<1xf32>
      %squeeze3A_4247 = vector.extract %slice3A_4246[0] : f32 from vector<1xf32>
      %get3A_4248 = arith.constant 110 : i32
      %get3A_4249 = arith.index_cast %get3A_4248 : i32 to index
      %get3A_4250 = arith.constant 48 : index
      %get3A_4251 = tpu.vector_load %arg10[%get3A_4249, %get3A_4250] {strides = array<i32>} : memref<128x128xf32, #tpu.memory_space<vmem>>, vector<16xf32>,
      %mul3A_4252 = vector.broadcast %squeeze3A_4247 : f32 to vector<16xf32>
      %mul3A_4253 = arith.mulf %mul3A_4252, %get3A_4251 : vector<16xf32>
      %add3A_4254 = arith.addf %add3A_4245, %mul3A_4253 : vector<16xf32>
      %slice3A_4255 = vector.extract_strided_slice %div3A_3682 {offsets = [15], sizes = [1], strides = [1]} : vector<16xf32> to vector<1xf32>
      %squeeze3A_4256 = vector.extract %slice3A_4255[0] : f32 from vector<1xf32>
      %get3A_4257 = arith.constant 111 : i32
      %get3A_4258 = arith.index_cast %get3A_4257 : i32 to index
      %get3A_4259 = arith.constant 48 : index
      %get3A_4260 = tpu.vector_load %arg10[%get3A_4258, %get3A_4259] {strides = array<i32>} : memref<128x128xf32, #tpu.memory_space<vmem>>, vector<16xf32>,
      %mul3A_4261 = vector.broadcast %squeeze3A_4256 : f32 to vector<16xf32>
      %mul3A_4262 = arith.mulf %mul3A_4261, %get3A_4260 : vector<16xf32>
      %add3A_4263 = arith.addf %add3A_4254, %mul3A_4262 : vector<16xf32>
      %swap3A_4264 = arith.index_cast %add3A_3662 : i32 to index
      %swap3A_4265 = arith.constant 48 : index
      %swap3A_4266 = tpu.vector_load %arg11[%swap3A_4264, %swap3A_4265] {strides = array<i32>} : memref<512x64xf32, #tpu.memory_space<vmem>>, vector<16xf32>,
      tpu.vector_store %arg11[%swap3A_4264, %swap3A_4265], %add3A_4263 {strides = array<i32>} : memref<512x64xf32, #tpu.memory_space<vmem>>, vector<16xf32>,
      %mul3A_4267 = arith.constant 8 : i32
      %mul3A_4268 = arith.muli %scan3A_8, %mul3A_4267 : i32
      %add3A_4269 = arith.constant 7 : i32
      %add3A_4270 = arith.addi %mul3A_4268, %add3A_4269 : i32
      %get3A_4271 = arith.constant 112 : index
      %get3A_4272 = tpu.vector_load %arg7[%get3A_4271] {strides = array<i32>} : memref<128xi32, #tpu.memory_space<vmem>>, vector<16xi32>,
      %gather3A_4273 = tpu.vector_load_idx %arg9[%get3A_4272] : memref<16384xf32, #tpu.memory_space<vmem>>[vector<16xi32>], vector<16xf32>,
      %slice3A_4274 = vector.extract_strided_slice %get3A_20 {offsets = [7], sizes = [1], strides = [1]} : vector<16xf32> to vector<1xf32>
      %squeeze3A_4275 = vector.extract %slice3A_4274[0] : f32 from vector<1xf32>
      %mul3A_4276 = vector.broadcast %squeeze3A_4275 : f32 to vector<16xf32>
      %mul3A_4277 = arith.mulf %gather3A_4273, %mul3A_4276 : vector<16xf32>
      %reduce_max3A_4278 = arith.constant true
      %reduce_max3A_4279 = vector.broadcast %reduce_max3A_4278 : i1 to vector<16xi1>
      %reduce_max3A_4280 = tpu.scan <max>, %mul3A_4277 masked %reduce_max3A_4279 : vector<16xf32>, vector<16xi1> -> vector<16xf32>
      %reduce_max3A_4281 = vector.extract %reduce_max3A_4280[15] : f32 from vector<16xf32>
      %sub3A_4282 = vector.broadcast %reduce_max3A_4281 : f32 to vector<16xf32>
      %sub3A_4283 = arith.subf %mul3A_4277, %sub3A_4282 : vector<16xf32>
      %exp3A_4284 = math.exp %sub3A_4283 : vector<16xf32>
      %reduce_sum3A_4285 = arith.constant true
      %reduce_sum3A_4286 = vector.broadcast %reduce_sum3A_4285 : i1 to vector<16xi1>
      %reduce_sum3A_4287 = tpu.scan <sum>, %exp3A_4284 masked %reduce_sum3A_4286 : vector<16xf32>, vector<16xi1> -> vector<16xf32>
      %reduce_sum3A_4288 = vector.extract %reduce_sum3A_4287[15] : f32 from vector<16xf32>
      %broadcast_in_dim3A_4289 = vector.broadcast %reduce_sum3A_4288 : f32 to vector<16xf32>
      %div3A_4290 = arith.divf %exp3A_4284, %broadcast_in_dim3A_4289 : vector<16xf32>
      %slice3A_4291 = vector.extract_strided_slice %div3A_4290 {offsets = [0], sizes = [1], strides = [1]} : vector<16xf32> to vector<1xf32>
      %squeeze3A_4292 = vector.extract %slice3A_4291[0] : f32 from vector<1xf32>
      %get3A_4293 = arith.constant 112 : i32
      %get3A_4294 = arith.index_cast %get3A_4293 : i32 to index
      %get3A_4295 = arith.constant 0 : index
      %get3A_4296 = tpu.vector_load %arg10[%get3A_4294, %get3A_4295] {strides = array<i32>} : memref<128x128xf32, #tpu.memory_space<vmem>>, vector<16xf32>,
      %mul3A_4297 = vector.broadcast %squeeze3A_4292 : f32 to vector<16xf32>
      %mul3A_4298 = arith.mulf %mul3A_4297, %get3A_4296 : vector<16xf32>
      %slice3A_4299 = vector.extract_strided_slice %div3A_4290 {offsets = [1], sizes = [1], strides = [1]} : vector<16xf32> to vector<1xf32>
      %squeeze3A_4300 = vector.extract %slice3A_4299[0] : f32 from vector<1xf32>
      %get3A_4301 = arith.constant 113 : i32
      %get3A_4302 = arith.index_cast %get3A_4301 : i32 to index
      %get3A_4303 = arith.constant 0 : index
      %get3A_4304 = tpu.vector_load %arg10[%get3A_4302, %get3A_4303] {strides = array<i32>} : memref<128x128xf32, #tpu.memory_space<vmem>>, vector<16xf32>,
      %mul3A_4305 = vector.broadcast %squeeze3A_4300 : f32 to vector<16xf32>
      %mul3A_4306 = arith.mulf %mul3A_4305, %get3A_4304 : vector<16xf32>
      %add3A_4307 = arith.addf %mul3A_4298, %mul3A_4306 : vector<16xf32>
      %slice3A_4308 = vector.extract_strided_slice %div3A_4290 {offsets = [2], sizes = [1], strides = [1]} : vector<16xf32> to vector<1xf32>
      %squeeze3A_4309 = vector.extract %slice3A_4308[0] : f32 from vector<1xf32>
      %get3A_4310 = arith.constant 114 : i32
      %get3A_4311 = arith.index_cast %get3A_4310 : i32 to index
      %get3A_4312 = arith.constant 0 : index
      %get3A_4313 = tpu.vector_load %arg10[%get3A_4311, %get3A_4312] {strides = array<i32>} : memref<128x128xf32, #tpu.memory_space<vmem>>, vector<16xf32>,
      %mul3A_4314 = vector.broadcast %squeeze3A_4309 : f32 to vector<16xf32>
      %mul3A_4315 = arith.mulf %mul3A_4314, %get3A_4313 : vector<16xf32>
      %add3A_4316 = arith.addf %add3A_4307, %mul3A_4315 : vector<16xf32>
      %slice3A_4317 = vector.extract_strided_slice %div3A_4290 {offsets = [3], sizes = [1], strides = [1]} : vector<16xf32> to vector<1xf32>
      %squeeze3A_4318 = vector.extract %slice3A_4317[0] : f32 from vector<1xf32>
      %get3A_4319 = arith.constant 115 : i32
      %get3A_4320 = arith.index_cast %get3A_4319 : i32 to index
      %get3A_4321 = arith.constant 0 : index
      %get3A_4322 = tpu.vector_load %arg10[%get3A_4320, %get3A_4321] {strides = array<i32>} : memref<128x128xf32, #tpu.memory_space<vmem>>, vector<16xf32>,
      %mul3A_4323 = vector.broadcast %squeeze3A_4318 : f32 to vector<16xf32>
      %mul3A_4324 = arith.mulf %mul3A_4323, %get3A_4322 : vector<16xf32>
      %add3A_4325 = arith.addf %add3A_4316, %mul3A_4324 : vector<16xf32>
      %slice3A_4326 = vector.extract_strided_slice %div3A_4290 {offsets = [4], sizes = [1], strides = [1]} : vector<16xf32> to vector<1xf32>
      %squeeze3A_4327 = vector.extract %slice3A_4326[0] : f32 from vector<1xf32>
      %get3A_4328 = arith.constant 116 : i32
      %get3A_4329 = arith.index_cast %get3A_4328 : i32 to index
      %get3A_4330 = arith.constant 0 : index
      %get3A_4331 = tpu.vector_load %arg10[%get3A_4329, %get3A_4330] {strides = array<i32>} : memref<128x128xf32, #tpu.memory_space<vmem>>, vector<16xf32>,
      %mul3A_4332 = vector.broadcast %squeeze3A_4327 : f32 to vector<16xf32>
      %mul3A_4333 = arith.mulf %mul3A_4332, %get3A_4331 : vector<16xf32>
      %add3A_4334 = arith.addf %add3A_4325, %mul3A_4333 : vector<16xf32>
      %slice3A_4335 = vector.extract_strided_slice %div3A_4290 {offsets = [5], sizes = [1], strides = [1]} : vector<16xf32> to vector<1xf32>
      %squeeze3A_4336 = vector.extract %slice3A_4335[0] : f32 from vector<1xf32>
      %get3A_4337 = arith.constant 117 : i32
      %get3A_4338 = arith.index_cast %get3A_4337 : i32 to index
      %get3A_4339 = arith.constant 0 : index
      %get3A_4340 = tpu.vector_load %arg10[%get3A_4338, %get3A_4339] {strides = array<i32>} : memref<128x128xf32, #tpu.memory_space<vmem>>, vector<16xf32>,
      %mul3A_4341 = vector.broadcast %squeeze3A_4336 : f32 to vector<16xf32>
      %mul3A_4342 = arith.mulf %mul3A_4341, %get3A_4340 : vector<16xf32>
      %add3A_4343 = arith.addf %add3A_4334, %mul3A_4342 : vector<16xf32>
      %slice3A_4344 = vector.extract_strided_slice %div3A_4290 {offsets = [6], sizes = [1], strides = [1]} : vector<16xf32> to vector<1xf32>
      %squeeze3A_4345 = vector.extract %slice3A_4344[0] : f32 from vector<1xf32>
      %get3A_4346 = arith.constant 118 : i32
      %get3A_4347 = arith.index_cast %get3A_4346 : i32 to index
      %get3A_4348 = arith.constant 0 : index
      %get3A_4349 = tpu.vector_load %arg10[%get3A_4347, %get3A_4348] {strides = array<i32>} : memref<128x128xf32, #tpu.memory_space<vmem>>, vector<16xf32>,
      %mul3A_4350 = vector.broadcast %squeeze3A_4345 : f32 to vector<16xf32>
      %mul3A_4351 = arith.mulf %mul3A_4350, %get3A_4349 : vector<16xf32>
      %add3A_4352 = arith.addf %add3A_4343, %mul3A_4351 : vector<16xf32>
      %slice3A_4353 = vector.extract_strided_slice %div3A_4290 {offsets = [7], sizes = [1], strides = [1]} : vector<16xf32> to vector<1xf32>
      %squeeze3A_4354 = vector.extract %slice3A_4353[0] : f32 from vector<1xf32>
      %get3A_4355 = arith.constant 119 : i32
      %get3A_4356 = arith.index_cast %get3A_4355 : i32 to index
      %get3A_4357 = arith.constant 0 : index
      %get3A_4358 = tpu.vector_load %arg10[%get3A_4356, %get3A_4357] {strides = array<i32>} : memref<128x128xf32, #tpu.memory_space<vmem>>, vector<16xf32>,
      %mul3A_4359 = vector.broadcast %squeeze3A_4354 : f32 to vector<16xf32>
      %mul3A_4360 = arith.mulf %mul3A_4359, %get3A_4358 : vector<16xf32>
      %add3A_4361 = arith.addf %add3A_4352, %mul3A_4360 : vector<16xf32>
      %slice3A_4362 = vector.extract_strided_slice %div3A_4290 {offsets = [8], sizes = [1], strides = [1]} : vector<16xf32> to vector<1xf32>
      %squeeze3A_4363 = vector.extract %slice3A_4362[0] : f32 from vector<1xf32>
      %get3A_4364 = arith.constant 120 : i32
      %get3A_4365 = arith.index_cast %get3A_4364 : i32 to index
      %get3A_4366 = arith.constant 0 : index
      %get3A_4367 = tpu.vector_load %arg10[%get3A_4365, %get3A_4366] {strides = array<i32>} : memref<128x128xf32, #tpu.memory_space<vmem>>, vector<16xf32>,
      %mul3A_4368 = vector.broadcast %squeeze3A_4363 : f32 to vector<16xf32>
      %mul3A_4369 = arith.mulf %mul3A_4368, %get3A_4367 : vector<16xf32>
      %add3A_4370 = arith.addf %add3A_4361, %mul3A_4369 : vector<16xf32>
      %slice3A_4371 = vector.extract_strided_slice %div3A_4290 {offsets = [9], sizes = [1], strides = [1]} : vector<16xf32> to vector<1xf32>
      %squeeze3A_4372 = vector.extract %slice3A_4371[0] : f32 from vector<1xf32>
      %get3A_4373 = arith.constant 121 : i32
      %get3A_4374 = arith.index_cast %get3A_4373 : i32 to index
      %get3A_4375 = arith.constant 0 : index
      %get3A_4376 = tpu.vector_load %arg10[%get3A_4374, %get3A_4375] {strides = array<i32>} : memref<128x128xf32, #tpu.memory_space<vmem>>, vector<16xf32>,
      %mul3A_4377 = vector.broadcast %squeeze3A_4372 : f32 to vector<16xf32>
      %mul3A_4378 = arith.mulf %mul3A_4377, %get3A_4376 : vector<16xf32>
      %add3A_4379 = arith.addf %add3A_4370, %mul3A_4378 : vector<16xf32>
      %slice3A_4380 = vector.extract_strided_slice %div3A_4290 {offsets = [10], sizes = [1], strides = [1]} : vector<16xf32> to vector<1xf32>
      %squeeze3A_4381 = vector.extract %slice3A_4380[0] : f32 from vector<1xf32>
      %get3A_4382 = arith.constant 122 : i32
      %get3A_4383 = arith.index_cast %get3A_4382 : i32 to index
      %get3A_4384 = arith.constant 0 : index
      %get3A_4385 = tpu.vector_load %arg10[%get3A_4383, %get3A_4384] {strides = array<i32>} : memref<128x128xf32, #tpu.memory_space<vmem>>, vector<16xf32>,
      %mul3A_4386 = vector.broadcast %squeeze3A_4381 : f32 to vector<16xf32>
      %mul3A_4387 = arith.mulf %mul3A_4386, %get3A_4385 : vector<16xf32>
      %add3A_4388 = arith.addf %add3A_4379, %mul3A_4387 : vector<16xf32>
      %slice3A_4389 = vector.extract_strided_slice %div3A_4290 {offsets = [11], sizes = [1], strides = [1]} : vector<16xf32> to vector<1xf32>
      %squeeze3A_4390 = vector.extract %slice3A_4389[0] : f32 from vector<1xf32>
      %get3A_4391 = arith.constant 123 : i32
      %get3A_4392 = arith.index_cast %get3A_4391 : i32 to index
      %get3A_4393 = arith.constant 0 : index
      %get3A_4394 = tpu.vector_load %arg10[%get3A_4392, %get3A_4393] {strides = array<i32>} : memref<128x128xf32, #tpu.memory_space<vmem>>, vector<16xf32>,
      %mul3A_4395 = vector.broadcast %squeeze3A_4390 : f32 to vector<16xf32>
      %mul3A_4396 = arith.mulf %mul3A_4395, %get3A_4394 : vector<16xf32>
      %add3A_4397 = arith.addf %add3A_4388, %mul3A_4396 : vector<16xf32>
      %slice3A_4398 = vector.extract_strided_slice %div3A_4290 {offsets = [12], sizes = [1], strides = [1]} : vector<16xf32> to vector<1xf32>
      %squeeze3A_4399 = vector.extract %slice3A_4398[0] : f32 from vector<1xf32>
      %get3A_4400 = arith.constant 124 : i32
      %get3A_4401 = arith.index_cast %get3A_4400 : i32 to index
      %get3A_4402 = arith.constant 0 : index
      %get3A_4403 = tpu.vector_load %arg10[%get3A_4401, %get3A_4402] {strides = array<i32>} : memref<128x128xf32, #tpu.memory_space<vmem>>, vector<16xf32>,
      %mul3A_4404 = vector.broadcast %squeeze3A_4399 : f32 to vector<16xf32>
      %mul3A_4405 = arith.mulf %mul3A_4404, %get3A_4403 : vector<16xf32>
      %add3A_4406 = arith.addf %add3A_4397, %mul3A_4405 : vector<16xf32>
      %slice3A_4407 = vector.extract_strided_slice %div3A_4290 {offsets = [13], sizes = [1], strides = [1]} : vector<16xf32> to vector<1xf32>
      %squeeze3A_4408 = vector.extract %slice3A_4407[0] : f32 from vector<1xf32>
      %get3A_4409 = arith.constant 125 : i32
      %get3A_4410 = arith.index_cast %get3A_4409 : i32 to index
      %get3A_4411 = arith.constant 0 : index
      %get3A_4412 = tpu.vector_load %arg10[%get3A_4410, %get3A_4411] {strides = array<i32>} : memref<128x128xf32, #tpu.memory_space<vmem>>, vector<16xf32>,
      %mul3A_4413 = vector.broadcast %squeeze3A_4408 : f32 to vector<16xf32>
      %mul3A_4414 = arith.mulf %mul3A_4413, %get3A_4412 : vector<16xf32>
      %add3A_4415 = arith.addf %add3A_4406, %mul3A_4414 : vector<16xf32>
      %slice3A_4416 = vector.extract_strided_slice %div3A_4290 {offsets = [14], sizes = [1], strides = [1]} : vector<16xf32> to vector<1xf32>
      %squeeze3A_4417 = vector.extract %slice3A_4416[0] : f32 from vector<1xf32>
      %get3A_4418 = arith.constant 126 : i32
      %get3A_4419 = arith.index_cast %get3A_4418 : i32 to index
      %get3A_4420 = arith.constant 0 : index
      %get3A_4421 = tpu.vector_load %arg10[%get3A_4419, %get3A_4420] {strides = array<i32>} : memref<128x128xf32, #tpu.memory_space<vmem>>, vector<16xf32>,
      %mul3A_4422 = vector.broadcast %squeeze3A_4417 : f32 to vector<16xf32>
      %mul3A_4423 = arith.mulf %mul3A_4422, %get3A_4421 : vector<16xf32>
      %add3A_4424 = arith.addf %add3A_4415, %mul3A_4423 : vector<16xf32>
      %slice3A_4425 = vector.extract_strided_slice %div3A_4290 {offsets = [15], sizes = [1], strides = [1]} : vector<16xf32> to vector<1xf32>
      %squeeze3A_4426 = vector.extract %slice3A_4425[0] : f32 from vector<1xf32>
      %get3A_4427 = arith.constant 127 : i32
      %get3A_4428 = arith.index_cast %get3A_4427 : i32 to index
      %get3A_4429 = arith.constant 0 : index
      %get3A_4430 = tpu.vector_load %arg10[%get3A_4428, %get3A_4429] {strides = array<i32>} : memref<128x128xf32, #tpu.memory_space<vmem>>, vector<16xf32>,
      %mul3A_4431 = vector.broadcast %squeeze3A_4426 : f32 to vector<16xf32>
      %mul3A_4432 = arith.mulf %mul3A_4431, %get3A_4430 : vector<16xf32>
      %add3A_4433 = arith.addf %add3A_4424, %mul3A_4432 : vector<16xf32>
      %swap3A_4434 = arith.index_cast %add3A_4270 : i32 to index
      %swap3A_4435 = arith.constant 0 : index
      %swap3A_4436 = tpu.vector_load %arg11[%swap3A_4434, %swap3A_4435] {strides = array<i32>} : memref<512x64xf32, #tpu.memory_space<vmem>>, vector<16xf32>,
      tpu.vector_store %arg11[%swap3A_4434, %swap3A_4435], %add3A_4433 {strides = array<i32>} : memref<512x64xf32, #tpu.memory_space<vmem>>, vector<16xf32>,
      %slice3A_4437 = vector.extract_strided_slice %div3A_4290 {offsets = [0], sizes = [1], strides = [1]} : vector<16xf32> to vector<1xf32>
      %squeeze3A_4438 = vector.extract %slice3A_4437[0] : f32 from vector<1xf32>
      %get3A_4439 = arith.constant 112 : i32
      %get3A_4440 = arith.index_cast %get3A_4439 : i32 to index
      %get3A_4441 = arith.constant 16 : index
      %get3A_4442 = tpu.vector_load %arg10[%get3A_4440, %get3A_4441] {strides = array<i32>} : memref<128x128xf32, #tpu.memory_space<vmem>>, vector<16xf32>,
      %mul3A_4443 = vector.broadcast %squeeze3A_4438 : f32 to vector<16xf32>
      %mul3A_4444 = arith.mulf %mul3A_4443, %get3A_4442 : vector<16xf32>
      %slice3A_4445 = vector.extract_strided_slice %div3A_4290 {offsets = [1], sizes = [1], strides = [1]} : vector<16xf32> to vector<1xf32>
      %squeeze3A_4446 = vector.extract %slice3A_4445[0] : f32 from vector<1xf32>
      %get3A_4447 = arith.constant 113 : i32
      %get3A_4448 = arith.index_cast %get3A_4447 : i32 to index
      %get3A_4449 = arith.constant 16 : index
      %get3A_4450 = tpu.vector_load %arg10[%get3A_4448, %get3A_4449] {strides = array<i32>} : memref<128x128xf32, #tpu.memory_space<vmem>>, vector<16xf32>,
      %mul3A_4451 = vector.broadcast %squeeze3A_4446 : f32 to vector<16xf32>
      %mul3A_4452 = arith.mulf %mul3A_4451, %get3A_4450 : vector<16xf32>
      %add3A_4453 = arith.addf %mul3A_4444, %mul3A_4452 : vector<16xf32>
      %slice3A_4454 = vector.extract_strided_slice %div3A_4290 {offsets = [2], sizes = [1], strides = [1]} : vector<16xf32> to vector<1xf32>
      %squeeze3A_4455 = vector.extract %slice3A_4454[0] : f32 from vector<1xf32>
      %get3A_4456 = arith.constant 114 : i32
      %get3A_4457 = arith.index_cast %get3A_4456 : i32 to index
      %get3A_4458 = arith.constant 16 : index
      %get3A_4459 = tpu.vector_load %arg10[%get3A_4457, %get3A_4458] {strides = array<i32>} : memref<128x128xf32, #tpu.memory_space<vmem>>, vector<16xf32>,
      %mul3A_4460 = vector.broadcast %squeeze3A_4455 : f32 to vector<16xf32>
      %mul3A_4461 = arith.mulf %mul3A_4460, %get3A_4459 : vector<16xf32>
      %add3A_4462 = arith.addf %add3A_4453, %mul3A_4461 : vector<16xf32>
      %slice3A_4463 = vector.extract_strided_slice %div3A_4290 {offsets = [3], sizes = [1], strides = [1]} : vector<16xf32> to vector<1xf32>
      %squeeze3A_4464 = vector.extract %slice3A_4463[0] : f32 from vector<1xf32>
      %get3A_4465 = arith.constant 115 : i32
      %get3A_4466 = arith.index_cast %get3A_4465 : i32 to index
      %get3A_4467 = arith.constant 16 : index
      %get3A_4468 = tpu.vector_load %arg10[%get3A_4466, %get3A_4467] {strides = array<i32>} : memref<128x128xf32, #tpu.memory_space<vmem>>, vector<16xf32>,
      %mul3A_4469 = vector.broadcast %squeeze3A_4464 : f32 to vector<16xf32>
      %mul3A_4470 = arith.mulf %mul3A_4469, %get3A_4468 : vector<16xf32>
      %add3A_4471 = arith.addf %add3A_4462, %mul3A_4470 : vector<16xf32>
      %slice3A_4472 = vector.extract_strided_slice %div3A_4290 {offsets = [4], sizes = [1], strides = [1]} : vector<16xf32> to vector<1xf32>
      %squeeze3A_4473 = vector.extract %slice3A_4472[0] : f32 from vector<1xf32>
      %get3A_4474 = arith.constant 116 : i32
      %get3A_4475 = arith.index_cast %get3A_4474 : i32 to index
      %get3A_4476 = arith.constant 16 : index
      %get3A_4477 = tpu.vector_load %arg10[%get3A_4475, %get3A_4476] {strides = array<i32>} : memref<128x128xf32, #tpu.memory_space<vmem>>, vector<16xf32>,
      %mul3A_4478 = vector.broadcast %squeeze3A_4473 : f32 to vector<16xf32>
      %mul3A_4479 = arith.mulf %mul3A_4478, %get3A_4477 : vector<16xf32>
      %add3A_4480 = arith.addf %add3A_4471, %mul3A_4479 : vector<16xf32>
      %slice3A_4481 = vector.extract_strided_slice %div3A_4290 {offsets = [5], sizes = [1], strides = [1]} : vector<16xf32> to vector<1xf32>
      %squeeze3A_4482 = vector.extract %slice3A_4481[0] : f32 from vector<1xf32>
      %get3A_4483 = arith.constant 117 : i32
      %get3A_4484 = arith.index_cast %get3A_4483 : i32 to index
      %get3A_4485 = arith.constant 16 : index
      %get3A_4486 = tpu.vector_load %arg10[%get3A_4484, %get3A_4485] {strides = array<i32>} : memref<128x128xf32, #tpu.memory_space<vmem>>, vector<16xf32>,
      %mul3A_4487 = vector.broadcast %squeeze3A_4482 : f32 to vector<16xf32>
      %mul3A_4488 = arith.mulf %mul3A_4487, %get3A_4486 : vector<16xf32>
      %add3A_4489 = arith.addf %add3A_4480, %mul3A_4488 : vector<16xf32>
      %slice3A_4490 = vector.extract_strided_slice %div3A_4290 {offsets = [6], sizes = [1], strides = [1]} : vector<16xf32> to vector<1xf32>
      %squeeze3A_4491 = vector.extract %slice3A_4490[0] : f32 from vector<1xf32>
      %get3A_4492 = arith.constant 118 : i32
      %get3A_4493 = arith.index_cast %get3A_4492 : i32 to index
      %get3A_4494 = arith.constant 16 : index
      %get3A_4495 = tpu.vector_load %arg10[%get3A_4493, %get3A_4494] {strides = array<i32>} : memref<128x128xf32, #tpu.memory_space<vmem>>, vector<16xf32>,
      %mul3A_4496 = vector.broadcast %squeeze3A_4491 : f32 to vector<16xf32>
      %mul3A_4497 = arith.mulf %mul3A_4496, %get3A_4495 : vector<16xf32>
      %add3A_4498 = arith.addf %add3A_4489, %mul3A_4497 : vector<16xf32>
      %slice3A_4499 = vector.extract_strided_slice %div3A_4290 {offsets = [7], sizes = [1], strides = [1]} : vector<16xf32> to vector<1xf32>
      %squeeze3A_4500 = vector.extract %slice3A_4499[0] : f32 from vector<1xf32>
      %get3A_4501 = arith.constant 119 : i32
      %get3A_4502 = arith.index_cast %get3A_4501 : i32 to index
      %get3A_4503 = arith.constant 16 : index
      %get3A_4504 = tpu.vector_load %arg10[%get3A_4502, %get3A_4503] {strides = array<i32>} : memref<128x128xf32, #tpu.memory_space<vmem>>, vector<16xf32>,
      %mul3A_4505 = vector.broadcast %squeeze3A_4500 : f32 to vector<16xf32>
      %mul3A_4506 = arith.mulf %mul3A_4505, %get3A_4504 : vector<16xf32>
      %add3A_4507 = arith.addf %add3A_4498, %mul3A_4506 : vector<16xf32>
      %slice3A_4508 = vector.extract_strided_slice %div3A_4290 {offsets = [8], sizes = [1], strides = [1]} : vector<16xf32> to vector<1xf32>
      %squeeze3A_4509 = vector.extract %slice3A_4508[0] : f32 from vector<1xf32>
      %get3A_4510 = arith.constant 120 : i32
      %get3A_4511 = arith.index_cast %get3A_4510 : i32 to index
      %get3A_4512 = arith.constant 16 : index
      %get3A_4513 = tpu.vector_load %arg10[%get3A_4511, %get3A_4512] {strides = array<i32>} : memref<128x128xf32, #tpu.memory_space<vmem>>, vector<16xf32>,
      %mul3A_4514 = vector.broadcast %squeeze3A_4509 : f32 to vector<16xf32>
      %mul3A_4515 = arith.mulf %mul3A_4514, %get3A_4513 : vector<16xf32>
      %add3A_4516 = arith.addf %add3A_4507, %mul3A_4515 : vector<16xf32>
      %slice3A_4517 = vector.extract_strided_slice %div3A_4290 {offsets = [9], sizes = [1], strides = [1]} : vector<16xf32> to vector<1xf32>
      %squeeze3A_4518 = vector.extract %slice3A_4517[0] : f32 from vector<1xf32>
      %get3A_4519 = arith.constant 121 : i32
      %get3A_4520 = arith.index_cast %get3A_4519 : i32 to index
      %get3A_4521 = arith.constant 16 : index
      %get3A_4522 = tpu.vector_load %arg10[%get3A_4520, %get3A_4521] {strides = array<i32>} : memref<128x128xf32, #tpu.memory_space<vmem>>, vector<16xf32>,
      %mul3A_4523 = vector.broadcast %squeeze3A_4518 : f32 to vector<16xf32>
      %mul3A_4524 = arith.mulf %mul3A_4523, %get3A_4522 : vector<16xf32>
      %add3A_4525 = arith.addf %add3A_4516, %mul3A_4524 : vector<16xf32>
      %slice3A_4526 = vector.extract_strided_slice %div3A_4290 {offsets = [10], sizes = [1], strides = [1]} : vector<16xf32> to vector<1xf32>
      %squeeze3A_4527 = vector.extract %slice3A_4526[0] : f32 from vector<1xf32>
      %get3A_4528 = arith.constant 122 : i32
      %get3A_4529 = arith.index_cast %get3A_4528 : i32 to index
      %get3A_4530 = arith.constant 16 : index
      %get3A_4531 = tpu.vector_load %arg10[%get3A_4529, %get3A_4530] {strides = array<i32>} : memref<128x128xf32, #tpu.memory_space<vmem>>, vector<16xf32>,
      %mul3A_4532 = vector.broadcast %squeeze3A_4527 : f32 to vector<16xf32>
      %mul3A_4533 = arith.mulf %mul3A_4532, %get3A_4531 : vector<16xf32>
      %add3A_4534 = arith.addf %add3A_4525, %mul3A_4533 : vector<16xf32>
      %slice3A_4535 = vector.extract_strided_slice %div3A_4290 {offsets = [11], sizes = [1], strides = [1]} : vector<16xf32> to vector<1xf32>
      %squeeze3A_4536 = vector.extract %slice3A_4535[0] : f32 from vector<1xf32>
      %get3A_4537 = arith.constant 123 : i32
      %get3A_4538 = arith.index_cast %get3A_4537 : i32 to index
      %get3A_4539 = arith.constant 16 : index
      %get3A_4540 = tpu.vector_load %arg10[%get3A_4538, %get3A_4539] {strides = array<i32>} : memref<128x128xf32, #tpu.memory_space<vmem>>, vector<16xf32>,
      %mul3A_4541 = vector.broadcast %squeeze3A_4536 : f32 to vector<16xf32>
      %mul3A_4542 = arith.mulf %mul3A_4541, %get3A_4540 : vector<16xf32>
      %add3A_4543 = arith.addf %add3A_4534, %mul3A_4542 : vector<16xf32>
      %slice3A_4544 = vector.extract_strided_slice %div3A_4290 {offsets = [12], sizes = [1], strides = [1]} : vector<16xf32> to vector<1xf32>
      %squeeze3A_4545 = vector.extract %slice3A_4544[0] : f32 from vector<1xf32>
      %get3A_4546 = arith.constant 124 : i32
      %get3A_4547 = arith.index_cast %get3A_4546 : i32 to index
      %get3A_4548 = arith.constant 16 : index
      %get3A_4549 = tpu.vector_load %arg10[%get3A_4547, %get3A_4548] {strides = array<i32>} : memref<128x128xf32, #tpu.memory_space<vmem>>, vector<16xf32>,
      %mul3A_4550 = vector.broadcast %squeeze3A_4545 : f32 to vector<16xf32>
      %mul3A_4551 = arith.mulf %mul3A_4550, %get3A_4549 : vector<16xf32>
      %add3A_4552 = arith.addf %add3A_4543, %mul3A_4551 : vector<16xf32>
      %slice3A_4553 = vector.extract_strided_slice %div3A_4290 {offsets = [13], sizes = [1], strides = [1]} : vector<16xf32> to vector<1xf32>
      %squeeze3A_4554 = vector.extract %slice3A_4553[0] : f32 from vector<1xf32>
      %get3A_4555 = arith.constant 125 : i32
      %get3A_4556 = arith.index_cast %get3A_4555 : i32 to index
      %get3A_4557 = arith.constant 16 : index
      %get3A_4558 = tpu.vector_load %arg10[%get3A_4556, %get3A_4557] {strides = array<i32>} : memref<128x128xf32, #tpu.memory_space<vmem>>, vector<16xf32>,
      %mul3A_4559 = vector.broadcast %squeeze3A_4554 : f32 to vector<16xf32>
      %mul3A_4560 = arith.mulf %mul3A_4559, %get3A_4558 : vector<16xf32>
      %add3A_4561 = arith.addf %add3A_4552, %mul3A_4560 : vector<16xf32>
      %slice3A_4562 = vector.extract_strided_slice %div3A_4290 {offsets = [14], sizes = [1], strides = [1]} : vector<16xf32> to vector<1xf32>
      %squeeze3A_4563 = vector.extract %slice3A_4562[0] : f32 from vector<1xf32>
      %get3A_4564 = arith.constant 126 : i32
      %get3A_4565 = arith.index_cast %get3A_4564 : i32 to index
      %get3A_4566 = arith.constant 16 : index
      %get3A_4567 = tpu.vector_load %arg10[%get3A_4565, %get3A_4566] {strides = array<i32>} : memref<128x128xf32, #tpu.memory_space<vmem>>, vector<16xf32>,
      %mul3A_4568 = vector.broadcast %squeeze3A_4563 : f32 to vector<16xf32>
      %mul3A_4569 = arith.mulf %mul3A_4568, %get3A_4567 : vector<16xf32>
      %add3A_4570 = arith.addf %add3A_4561, %mul3A_4569 : vector<16xf32>
      %slice3A_4571 = vector.extract_strided_slice %div3A_4290 {offsets = [15], sizes = [1], strides = [1]} : vector<16xf32> to vector<1xf32>
      %squeeze3A_4572 = vector.extract %slice3A_4571[0] : f32 from vector<1xf32>
      %get3A_4573 = arith.constant 127 : i32
      %get3A_4574 = arith.index_cast %get3A_4573 : i32 to index
      %get3A_4575 = arith.constant 16 : index
      %get3A_4576 = tpu.vector_load %arg10[%get3A_4574, %get3A_4575] {strides = array<i32>} : memref<128x128xf32, #tpu.memory_space<vmem>>, vector<16xf32>,
      %mul3A_4577 = vector.broadcast %squeeze3A_4572 : f32 to vector<16xf32>
      %mul3A_4578 = arith.mulf %mul3A_4577, %get3A_4576 : vector<16xf32>
      %add3A_4579 = arith.addf %add3A_4570, %mul3A_4578 : vector<16xf32>
      %swap3A_4580 = arith.index_cast %add3A_4270 : i32 to index
      %swap3A_4581 = arith.constant 16 : index
      %swap3A_4582 = tpu.vector_load %arg11[%swap3A_4580, %swap3A_4581] {strides = array<i32>} : memref<512x64xf32, #tpu.memory_space<vmem>>, vector<16xf32>,
      tpu.vector_store %arg11[%swap3A_4580, %swap3A_4581], %add3A_4579 {strides = array<i32>} : memref<512x64xf32, #tpu.memory_space<vmem>>, vector<16xf32>,
      %slice3A_4583 = vector.extract_strided_slice %div3A_4290 {offsets = [0], sizes = [1], strides = [1]} : vector<16xf32> to vector<1xf32>
      %squeeze3A_4584 = vector.extract %slice3A_4583[0] : f32 from vector<1xf32>
      %get3A_4585 = arith.constant 112 : i32
      %get3A_4586 = arith.index_cast %get3A_4585 : i32 to index
      %get3A_4587 = arith.constant 32 : index
      %get3A_4588 = tpu.vector_load %arg10[%get3A_4586, %get3A_4587] {strides = array<i32>} : memref<128x128xf32, #tpu.memory_space<vmem>>, vector<16xf32>,
      %mul3A_4589 = vector.broadcast %squeeze3A_4584 : f32 to vector<16xf32>
      %mul3A_4590 = arith.mulf %mul3A_4589, %get3A_4588 : vector<16xf32>
      %slice3A_4591 = vector.extract_strided_slice %div3A_4290 {offsets = [1], sizes = [1], strides = [1]} : vector<16xf32> to vector<1xf32>
      %squeeze3A_4592 = vector.extract %slice3A_4591[0] : f32 from vector<1xf32>
      %get3A_4593 = arith.constant 113 : i32
      %get3A_4594 = arith.index_cast %get3A_4593 : i32 to index
      %get3A_4595 = arith.constant 32 : index
      %get3A_4596 = tpu.vector_load %arg10[%get3A_4594, %get3A_4595] {strides = array<i32>} : memref<128x128xf32, #tpu.memory_space<vmem>>, vector<16xf32>,
      %mul3A_4597 = vector.broadcast %squeeze3A_4592 : f32 to vector<16xf32>
      %mul3A_4598 = arith.mulf %mul3A_4597, %get3A_4596 : vector<16xf32>
      %add3A_4599 = arith.addf %mul3A_4590, %mul3A_4598 : vector<16xf32>
      %slice3A_4600 = vector.extract_strided_slice %div3A_4290 {offsets = [2], sizes = [1], strides = [1]} : vector<16xf32> to vector<1xf32>
      %squeeze3A_4601 = vector.extract %slice3A_4600[0] : f32 from vector<1xf32>
      %get3A_4602 = arith.constant 114 : i32
      %get3A_4603 = arith.index_cast %get3A_4602 : i32 to index
      %get3A_4604 = arith.constant 32 : index
      %get3A_4605 = tpu.vector_load %arg10[%get3A_4603, %get3A_4604] {strides = array<i32>} : memref<128x128xf32, #tpu.memory_space<vmem>>, vector<16xf32>,
      %mul3A_4606 = vector.broadcast %squeeze3A_4601 : f32 to vector<16xf32>
      %mul3A_4607 = arith.mulf %mul3A_4606, %get3A_4605 : vector<16xf32>
      %add3A_4608 = arith.addf %add3A_4599, %mul3A_4607 : vector<16xf32>
      %slice3A_4609 = vector.extract_strided_slice %div3A_4290 {offsets = [3], sizes = [1], strides = [1]} : vector<16xf32> to vector<1xf32>
      %squeeze3A_4610 = vector.extract %slice3A_4609[0] : f32 from vector<1xf32>
      %get3A_4611 = arith.constant 115 : i32
      %get3A_4612 = arith.index_cast %get3A_4611 : i32 to index
      %get3A_4613 = arith.constant 32 : index
      %get3A_4614 = tpu.vector_load %arg10[%get3A_4612, %get3A_4613] {strides = array<i32>} : memref<128x128xf32, #tpu.memory_space<vmem>>, vector<16xf32>,
      %mul3A_4615 = vector.broadcast %squeeze3A_4610 : f32 to vector<16xf32>
      %mul3A_4616 = arith.mulf %mul3A_4615, %get3A_4614 : vector<16xf32>
      %add3A_4617 = arith.addf %add3A_4608, %mul3A_4616 : vector<16xf32>
      %slice3A_4618 = vector.extract_strided_slice %div3A_4290 {offsets = [4], sizes = [1], strides = [1]} : vector<16xf32> to vector<1xf32>
      %squeeze3A_4619 = vector.extract %slice3A_4618[0] : f32 from vector<1xf32>
      %get3A_4620 = arith.constant 116 : i32
      %get3A_4621 = arith.index_cast %get3A_4620 : i32 to index
      %get3A_4622 = arith.constant 32 : index
      %get3A_4623 = tpu.vector_load %arg10[%get3A_4621, %get3A_4622] {strides = array<i32>} : memref<128x128xf32, #tpu.memory_space<vmem>>, vector<16xf32>,
      %mul3A_4624 = vector.broadcast %squeeze3A_4619 : f32 to vector<16xf32>
      %mul3A_4625 = arith.mulf %mul3A_4624, %get3A_4623 : vector<16xf32>
      %add3A_4626 = arith.addf %add3A_4617, %mul3A_4625 : vector<16xf32>
      %slice3A_4627 = vector.extract_strided_slice %div3A_4290 {offsets = [5], sizes = [1], strides = [1]} : vector<16xf32> to vector<1xf32>
      %squeeze3A_4628 = vector.extract %slice3A_4627[0] : f32 from vector<1xf32>
      %get3A_4629 = arith.constant 117 : i32
      %get3A_4630 = arith.index_cast %get3A_4629 : i32 to index
      %get3A_4631 = arith.constant 32 : index
      %get3A_4632 = tpu.vector_load %arg10[%get3A_4630, %get3A_4631] {strides = array<i32>} : memref<128x128xf32, #tpu.memory_space<vmem>>, vector<16xf32>,
      %mul3A_4633 = vector.broadcast %squeeze3A_4628 : f32 to vector<16xf32>
      %mul3A_4634 = arith.mulf %mul3A_4633, %get3A_4632 : vector<16xf32>
      %add3A_4635 = arith.addf %add3A_4626, %mul3A_4634 : vector<16xf32>
      %slice3A_4636 = vector.extract_strided_slice %div3A_4290 {offsets = [6], sizes = [1], strides = [1]} : vector<16xf32> to vector<1xf32>
      %squeeze3A_4637 = vector.extract %slice3A_4636[0] : f32 from vector<1xf32>
      %get3A_4638 = arith.constant 118 : i32
      %get3A_4639 = arith.index_cast %get3A_4638 : i32 to index
      %get3A_4640 = arith.constant 32 : index
      %get3A_4641 = tpu.vector_load %arg10[%get3A_4639, %get3A_4640] {strides = array<i32>} : memref<128x128xf32, #tpu.memory_space<vmem>>, vector<16xf32>,
      %mul3A_4642 = vector.broadcast %squeeze3A_4637 : f32 to vector<16xf32>
      %mul3A_4643 = arith.mulf %mul3A_4642, %get3A_4641 : vector<16xf32>
      %add3A_4644 = arith.addf %add3A_4635, %mul3A_4643 : vector<16xf32>
      %slice3A_4645 = vector.extract_strided_slice %div3A_4290 {offsets = [7], sizes = [1], strides = [1]} : vector<16xf32> to vector<1xf32>
      %squeeze3A_4646 = vector.extract %slice3A_4645[0] : f32 from vector<1xf32>
      %get3A_4647 = arith.constant 119 : i32
      %get3A_4648 = arith.index_cast %get3A_4647 : i32 to index
      %get3A_4649 = arith.constant 32 : index
      %get3A_4650 = tpu.vector_load %arg10[%get3A_4648, %get3A_4649] {strides = array<i32>} : memref<128x128xf32, #tpu.memory_space<vmem>>, vector<16xf32>,
      %mul3A_4651 = vector.broadcast %squeeze3A_4646 : f32 to vector<16xf32>
      %mul3A_4652 = arith.mulf %mul3A_4651, %get3A_4650 : vector<16xf32>
      %add3A_4653 = arith.addf %add3A_4644, %mul3A_4652 : vector<16xf32>
      %slice3A_4654 = vector.extract_strided_slice %div3A_4290 {offsets = [8], sizes = [1], strides = [1]} : vector<16xf32> to vector<1xf32>
      %squeeze3A_4655 = vector.extract %slice3A_4654[0] : f32 from vector<1xf32>
      %get3A_4656 = arith.constant 120 : i32
      %get3A_4657 = arith.index_cast %get3A_4656 : i32 to index
      %get3A_4658 = arith.constant 32 : index
      %get3A_4659 = tpu.vector_load %arg10[%get3A_4657, %get3A_4658] {strides = array<i32>} : memref<128x128xf32, #tpu.memory_space<vmem>>, vector<16xf32>,
      %mul3A_4660 = vector.broadcast %squeeze3A_4655 : f32 to vector<16xf32>
      %mul3A_4661 = arith.mulf %mul3A_4660, %get3A_4659 : vector<16xf32>
      %add3A_4662 = arith.addf %add3A_4653, %mul3A_4661 : vector<16xf32>
      %slice3A_4663 = vector.extract_strided_slice %div3A_4290 {offsets = [9], sizes = [1], strides = [1]} : vector<16xf32> to vector<1xf32>
      %squeeze3A_4664 = vector.extract %slice3A_4663[0] : f32 from vector<1xf32>
      %get3A_4665 = arith.constant 121 : i32
      %get3A_4666 = arith.index_cast %get3A_4665 : i32 to index
      %get3A_4667 = arith.constant 32 : index
      %get3A_4668 = tpu.vector_load %arg10[%get3A_4666, %get3A_4667] {strides = array<i32>} : memref<128x128xf32, #tpu.memory_space<vmem>>, vector<16xf32>,
      %mul3A_4669 = vector.broadcast %squeeze3A_4664 : f32 to vector<16xf32>
      %mul3A_4670 = arith.mulf %mul3A_4669, %get3A_4668 : vector<16xf32>
      %add3A_4671 = arith.addf %add3A_4662, %mul3A_4670 : vector<16xf32>
      %slice3A_4672 = vector.extract_strided_slice %div3A_4290 {offsets = [10], sizes = [1], strides = [1]} : vector<16xf32> to vector<1xf32>
      %squeeze3A_4673 = vector.extract %slice3A_4672[0] : f32 from vector<1xf32>
      %get3A_4674 = arith.constant 122 : i32
      %get3A_4675 = arith.index_cast %get3A_4674 : i32 to index
      %get3A_4676 = arith.constant 32 : index
      %get3A_4677 = tpu.vector_load %arg10[%get3A_4675, %get3A_4676] {strides = array<i32>} : memref<128x128xf32, #tpu.memory_space<vmem>>, vector<16xf32>,
      %mul3A_4678 = vector.broadcast %squeeze3A_4673 : f32 to vector<16xf32>
      %mul3A_4679 = arith.mulf %mul3A_4678, %get3A_4677 : vector<16xf32>
      %add3A_4680 = arith.addf %add3A_4671, %mul3A_4679 : vector<16xf32>
      %slice3A_4681 = vector.extract_strided_slice %div3A_4290 {offsets = [11], sizes = [1], strides = [1]} : vector<16xf32> to vector<1xf32>
      %squeeze3A_4682 = vector.extract %slice3A_4681[0] : f32 from vector<1xf32>
      %get3A_4683 = arith.constant 123 : i32
      %get3A_4684 = arith.index_cast %get3A_4683 : i32 to index
      %get3A_4685 = arith.constant 32 : index
      %get3A_4686 = tpu.vector_load %arg10[%get3A_4684, %get3A_4685] {strides = array<i32>} : memref<128x128xf32, #tpu.memory_space<vmem>>, vector<16xf32>,
      %mul3A_4687 = vector.broadcast %squeeze3A_4682 : f32 to vector<16xf32>
      %mul3A_4688 = arith.mulf %mul3A_4687, %get3A_4686 : vector<16xf32>
      %add3A_4689 = arith.addf %add3A_4680, %mul3A_4688 : vector<16xf32>
      %slice3A_4690 = vector.extract_strided_slice %div3A_4290 {offsets = [12], sizes = [1], strides = [1]} : vector<16xf32> to vector<1xf32>
      %squeeze3A_4691 = vector.extract %slice3A_4690[0] : f32 from vector<1xf32>
      %get3A_4692 = arith.constant 124 : i32
      %get3A_4693 = arith.index_cast %get3A_4692 : i32 to index
      %get3A_4694 = arith.constant 32 : index
      %get3A_4695 = tpu.vector_load %arg10[%get3A_4693, %get3A_4694] {strides = array<i32>} : memref<128x128xf32, #tpu.memory_space<vmem>>, vector<16xf32>,
      %mul3A_4696 = vector.broadcast %squeeze3A_4691 : f32 to vector<16xf32>
      %mul3A_4697 = arith.mulf %mul3A_4696, %get3A_4695 : vector<16xf32>
      %add3A_4698 = arith.addf %add3A_4689, %mul3A_4697 : vector<16xf32>
      %slice3A_4699 = vector.extract_strided_slice %div3A_4290 {offsets = [13], sizes = [1], strides = [1]} : vector<16xf32> to vector<1xf32>
      %squeeze3A_4700 = vector.extract %slice3A_4699[0] : f32 from vector<1xf32>
      %get3A_4701 = arith.constant 125 : i32
      %get3A_4702 = arith.index_cast %get3A_4701 : i32 to index
      %get3A_4703 = arith.constant 32 : index
      %get3A_4704 = tpu.vector_load %arg10[%get3A_4702, %get3A_4703] {strides = array<i32>} : memref<128x128xf32, #tpu.memory_space<vmem>>, vector<16xf32>,
      %mul3A_4705 = vector.broadcast %squeeze3A_4700 : f32 to vector<16xf32>
      %mul3A_4706 = arith.mulf %mul3A_4705, %get3A_4704 : vector<16xf32>
      %add3A_4707 = arith.addf %add3A_4698, %mul3A_4706 : vector<16xf32>
      %slice3A_4708 = vector.extract_strided_slice %div3A_4290 {offsets = [14], sizes = [1], strides = [1]} : vector<16xf32> to vector<1xf32>
      %squeeze3A_4709 = vector.extract %slice3A_4708[0] : f32 from vector<1xf32>
      %get3A_4710 = arith.constant 126 : i32
      %get3A_4711 = arith.index_cast %get3A_4710 : i32 to index
      %get3A_4712 = arith.constant 32 : index
      %get3A_4713 = tpu.vector_load %arg10[%get3A_4711, %get3A_4712] {strides = array<i32>} : memref<128x128xf32, #tpu.memory_space<vmem>>, vector<16xf32>,
      %mul3A_4714 = vector.broadcast %squeeze3A_4709 : f32 to vector<16xf32>
      %mul3A_4715 = arith.mulf %mul3A_4714, %get3A_4713 : vector<16xf32>
      %add3A_4716 = arith.addf %add3A_4707, %mul3A_4715 : vector<16xf32>
      %slice3A_4717 = vector.extract_strided_slice %div3A_4290 {offsets = [15], sizes = [1], strides = [1]} : vector<16xf32> to vector<1xf32>
      %squeeze3A_4718 = vector.extract %slice3A_4717[0] : f32 from vector<1xf32>
      %get3A_4719 = arith.constant 127 : i32
      %get3A_4720 = arith.index_cast %get3A_4719 : i32 to index
      %get3A_4721 = arith.constant 32 : index
      %get3A_4722 = tpu.vector_load %arg10[%get3A_4720, %get3A_4721] {strides = array<i32>} : memref<128x128xf32, #tpu.memory_space<vmem>>, vector<16xf32>,
      %mul3A_4723 = vector.broadcast %squeeze3A_4718 : f32 to vector<16xf32>
      %mul3A_4724 = arith.mulf %mul3A_4723, %get3A_4722 : vector<16xf32>
      %add3A_4725 = arith.addf %add3A_4716, %mul3A_4724 : vector<16xf32>
      %swap3A_4726 = arith.index_cast %add3A_4270 : i32 to index
      %swap3A_4727 = arith.constant 32 : index
      %swap3A_4728 = tpu.vector_load %arg11[%swap3A_4726, %swap3A_4727] {strides = array<i32>} : memref<512x64xf32, #tpu.memory_space<vmem>>, vector<16xf32>,
      tpu.vector_store %arg11[%swap3A_4726, %swap3A_4727], %add3A_4725 {strides = array<i32>} : memref<512x64xf32, #tpu.memory_space<vmem>>, vector<16xf32>,
      %slice3A_4729 = vector.extract_strided_slice %div3A_4290 {offsets = [0], sizes = [1], strides = [1]} : vector<16xf32> to vector<1xf32>
      %squeeze3A_4730 = vector.extract %slice3A_4729[0] : f32 from vector<1xf32>
      %get3A_4731 = arith.constant 112 : i32
      %get3A_4732 = arith.index_cast %get3A_4731 : i32 to index
      %get3A_4733 = arith.constant 48 : index
      %get3A_4734 = tpu.vector_load %arg10[%get3A_4732, %get3A_4733] {strides = array<i32>} : memref<128x128xf32, #tpu.memory_space<vmem>>, vector<16xf32>,
      %mul3A_4735 = vector.broadcast %squeeze3A_4730 : f32 to vector<16xf32>
      %mul3A_4736 = arith.mulf %mul3A_4735, %get3A_4734 : vector<16xf32>
      %slice3A_4737 = vector.extract_strided_slice %div3A_4290 {offsets = [1], sizes = [1], strides = [1]} : vector<16xf32> to vector<1xf32>
      %squeeze3A_4738 = vector.extract %slice3A_4737[0] : f32 from vector<1xf32>
      %get3A_4739 = arith.constant 113 : i32
      %get3A_4740 = arith.index_cast %get3A_4739 : i32 to index
      %get3A_4741 = arith.constant 48 : index
      %get3A_4742 = tpu.vector_load %arg10[%get3A_4740, %get3A_4741] {strides = array<i32>} : memref<128x128xf32, #tpu.memory_space<vmem>>, vector<16xf32>,
      %mul3A_4743 = vector.broadcast %squeeze3A_4738 : f32 to vector<16xf32>
      %mul3A_4744 = arith.mulf %mul3A_4743, %get3A_4742 : vector<16xf32>
      %add3A_4745 = arith.addf %mul3A_4736, %mul3A_4744 : vector<16xf32>
      %slice3A_4746 = vector.extract_strided_slice %div3A_4290 {offsets = [2], sizes = [1], strides = [1]} : vector<16xf32> to vector<1xf32>
      %squeeze3A_4747 = vector.extract %slice3A_4746[0] : f32 from vector<1xf32>
      %get3A_4748 = arith.constant 114 : i32
      %get3A_4749 = arith.index_cast %get3A_4748 : i32 to index
      %get3A_4750 = arith.constant 48 : index
      %get3A_4751 = tpu.vector_load %arg10[%get3A_4749, %get3A_4750] {strides = array<i32>} : memref<128x128xf32, #tpu.memory_space<vmem>>, vector<16xf32>,
      %mul3A_4752 = vector.broadcast %squeeze3A_4747 : f32 to vector<16xf32>
      %mul3A_4753 = arith.mulf %mul3A_4752, %get3A_4751 : vector<16xf32>
      %add3A_4754 = arith.addf %add3A_4745, %mul3A_4753 : vector<16xf32>
      %slice3A_4755 = vector.extract_strided_slice %div3A_4290 {offsets = [3], sizes = [1], strides = [1]} : vector<16xf32> to vector<1xf32>
      %squeeze3A_4756 = vector.extract %slice3A_4755[0] : f32 from vector<1xf32>
      %get3A_4757 = arith.constant 115 : i32
      %get3A_4758 = arith.index_cast %get3A_4757 : i32 to index
      %get3A_4759 = arith.constant 48 : index
      %get3A_4760 = tpu.vector_load %arg10[%get3A_4758, %get3A_4759] {strides = array<i32>} : memref<128x128xf32, #tpu.memory_space<vmem>>, vector<16xf32>,
      %mul3A_4761 = vector.broadcast %squeeze3A_4756 : f32 to vector<16xf32>
      %mul3A_4762 = arith.mulf %mul3A_4761, %get3A_4760 : vector<16xf32>
      %add3A_4763 = arith.addf %add3A_4754, %mul3A_4762 : vector<16xf32>
      %slice3A_4764 = vector.extract_strided_slice %div3A_4290 {offsets = [4], sizes = [1], strides = [1]} : vector<16xf32> to vector<1xf32>
      %squeeze3A_4765 = vector.extract %slice3A_4764[0] : f32 from vector<1xf32>
      %get3A_4766 = arith.constant 116 : i32
      %get3A_4767 = arith.index_cast %get3A_4766 : i32 to index
      %get3A_4768 = arith.constant 48 : index
      %get3A_4769 = tpu.vector_load %arg10[%get3A_4767, %get3A_4768] {strides = array<i32>} : memref<128x128xf32, #tpu.memory_space<vmem>>, vector<16xf32>,
      %mul3A_4770 = vector.broadcast %squeeze3A_4765 : f32 to vector<16xf32>
      %mul3A_4771 = arith.mulf %mul3A_4770, %get3A_4769 : vector<16xf32>
      %add3A_4772 = arith.addf %add3A_4763, %mul3A_4771 : vector<16xf32>
      %slice3A_4773 = vector.extract_strided_slice %div3A_4290 {offsets = [5], sizes = [1], strides = [1]} : vector<16xf32> to vector<1xf32>
      %squeeze3A_4774 = vector.extract %slice3A_4773[0] : f32 from vector<1xf32>
      %get3A_4775 = arith.constant 117 : i32
      %get3A_4776 = arith.index_cast %get3A_4775 : i32 to index
      %get3A_4777 = arith.constant 48 : index
      %get3A_4778 = tpu.vector_load %arg10[%get3A_4776, %get3A_4777] {strides = array<i32>} : memref<128x128xf32, #tpu.memory_space<vmem>>, vector<16xf32>,
      %mul3A_4779 = vector.broadcast %squeeze3A_4774 : f32 to vector<16xf32>
      %mul3A_4780 = arith.mulf %mul3A_4779, %get3A_4778 : vector<16xf32>
      %add3A_4781 = arith.addf %add3A_4772, %mul3A_4780 : vector<16xf32>
      %slice3A_4782 = vector.extract_strided_slice %div3A_4290 {offsets = [6], sizes = [1], strides = [1]} : vector<16xf32> to vector<1xf32>
      %squeeze3A_4783 = vector.extract %slice3A_4782[0] : f32 from vector<1xf32>
      %get3A_4784 = arith.constant 118 : i32
      %get3A_4785 = arith.index_cast %get3A_4784 : i32 to index
      %get3A_4786 = arith.constant 48 : index
      %get3A_4787 = tpu.vector_load %arg10[%get3A_4785, %get3A_4786] {strides = array<i32>} : memref<128x128xf32, #tpu.memory_space<vmem>>, vector<16xf32>,
      %mul3A_4788 = vector.broadcast %squeeze3A_4783 : f32 to vector<16xf32>
      %mul3A_4789 = arith.mulf %mul3A_4788, %get3A_4787 : vector<16xf32>
      %add3A_4790 = arith.addf %add3A_4781, %mul3A_4789 : vector<16xf32>
      %slice3A_4791 = vector.extract_strided_slice %div3A_4290 {offsets = [7], sizes = [1], strides = [1]} : vector<16xf32> to vector<1xf32>
      %squeeze3A_4792 = vector.extract %slice3A_4791[0] : f32 from vector<1xf32>
      %get3A_4793 = arith.constant 119 : i32
      %get3A_4794 = arith.index_cast %get3A_4793 : i32 to index
      %get3A_4795 = arith.constant 48 : index
      %get3A_4796 = tpu.vector_load %arg10[%get3A_4794, %get3A_4795] {strides = array<i32>} : memref<128x128xf32, #tpu.memory_space<vmem>>, vector<16xf32>,
      %mul3A_4797 = vector.broadcast %squeeze3A_4792 : f32 to vector<16xf32>
      %mul3A_4798 = arith.mulf %mul3A_4797, %get3A_4796 : vector<16xf32>
      %add3A_4799 = arith.addf %add3A_4790, %mul3A_4798 : vector<16xf32>
      %slice3A_4800 = vector.extract_strided_slice %div3A_4290 {offsets = [8], sizes = [1], strides = [1]} : vector<16xf32> to vector<1xf32>
      %squeeze3A_4801 = vector.extract %slice3A_4800[0] : f32 from vector<1xf32>
      %get3A_4802 = arith.constant 120 : i32
      %get3A_4803 = arith.index_cast %get3A_4802 : i32 to index
      %get3A_4804 = arith.constant 48 : index
      %get3A_4805 = tpu.vector_load %arg10[%get3A_4803, %get3A_4804] {strides = array<i32>} : memref<128x128xf32, #tpu.memory_space<vmem>>, vector<16xf32>,
      %mul3A_4806 = vector.broadcast %squeeze3A_4801 : f32 to vector<16xf32>
      %mul3A_4807 = arith.mulf %mul3A_4806, %get3A_4805 : vector<16xf32>
      %add3A_4808 = arith.addf %add3A_4799, %mul3A_4807 : vector<16xf32>
      %slice3A_4809 = vector.extract_strided_slice %div3A_4290 {offsets = [9], sizes = [1], strides = [1]} : vector<16xf32> to vector<1xf32>
      %squeeze3A_4810 = vector.extract %slice3A_4809[0] : f32 from vector<1xf32>
      %get3A_4811 = arith.constant 121 : i32
      %get3A_4812 = arith.index_cast %get3A_4811 : i32 to index
      %get3A_4813 = arith.constant 48 : index
      %get3A_4814 = tpu.vector_load %arg10[%get3A_4812, %get3A_4813] {strides = array<i32>} : memref<128x128xf32, #tpu.memory_space<vmem>>, vector<16xf32>,
      %mul3A_4815 = vector.broadcast %squeeze3A_4810 : f32 to vector<16xf32>
      %mul3A_4816 = arith.mulf %mul3A_4815, %get3A_4814 : vector<16xf32>
      %add3A_4817 = arith.addf %add3A_4808, %mul3A_4816 : vector<16xf32>
      %slice3A_4818 = vector.extract_strided_slice %div3A_4290 {offsets = [10], sizes = [1], strides = [1]} : vector<16xf32> to vector<1xf32>
      %squeeze3A_4819 = vector.extract %slice3A_4818[0] : f32 from vector<1xf32>
      %get3A_4820 = arith.constant 122 : i32
      %get3A_4821 = arith.index_cast %get3A_4820 : i32 to index
      %get3A_4822 = arith.constant 48 : index
      %get3A_4823 = tpu.vector_load %arg10[%get3A_4821, %get3A_4822] {strides = array<i32>} : memref<128x128xf32, #tpu.memory_space<vmem>>, vector<16xf32>,
      %mul3A_4824 = vector.broadcast %squeeze3A_4819 : f32 to vector<16xf32>
      %mul3A_4825 = arith.mulf %mul3A_4824, %get3A_4823 : vector<16xf32>
      %add3A_4826 = arith.addf %add3A_4817, %mul3A_4825 : vector<16xf32>
      %slice3A_4827 = vector.extract_strided_slice %div3A_4290 {offsets = [11], sizes = [1], strides = [1]} : vector<16xf32> to vector<1xf32>
      %squeeze3A_4828 = vector.extract %slice3A_4827[0] : f32 from vector<1xf32>
      %get3A_4829 = arith.constant 123 : i32
      %get3A_4830 = arith.index_cast %get3A_4829 : i32 to index
      %get3A_4831 = arith.constant 48 : index
      %get3A_4832 = tpu.vector_load %arg10[%get3A_4830, %get3A_4831] {strides = array<i32>} : memref<128x128xf32, #tpu.memory_space<vmem>>, vector<16xf32>,
      %mul3A_4833 = vector.broadcast %squeeze3A_4828 : f32 to vector<16xf32>
      %mul3A_4834 = arith.mulf %mul3A_4833, %get3A_4832 : vector<16xf32>
      %add3A_4835 = arith.addf %add3A_4826, %mul3A_4834 : vector<16xf32>
      %slice3A_4836 = vector.extract_strided_slice %div3A_4290 {offsets = [12], sizes = [1], strides = [1]} : vector<16xf32> to vector<1xf32>
      %squeeze3A_4837 = vector.extract %slice3A_4836[0] : f32 from vector<1xf32>
      %get3A_4838 = arith.constant 124 : i32
      %get3A_4839 = arith.index_cast %get3A_4838 : i32 to index
      %get3A_4840 = arith.constant 48 : index
      %get3A_4841 = tpu.vector_load %arg10[%get3A_4839, %get3A_4840] {strides = array<i32>} : memref<128x128xf32, #tpu.memory_space<vmem>>, vector<16xf32>,
      %mul3A_4842 = vector.broadcast %squeeze3A_4837 : f32 to vector<16xf32>
      %mul3A_4843 = arith.mulf %mul3A_4842, %get3A_4841 : vector<16xf32>
      %add3A_4844 = arith.addf %add3A_4835, %mul3A_4843 : vector<16xf32>
      %slice3A_4845 = vector.extract_strided_slice %div3A_4290 {offsets = [13], sizes = [1], strides = [1]} : vector<16xf32> to vector<1xf32>
      %squeeze3A_4846 = vector.extract %slice3A_4845[0] : f32 from vector<1xf32>
      %get3A_4847 = arith.constant 125 : i32
      %get3A_4848 = arith.index_cast %get3A_4847 : i32 to index
      %get3A_4849 = arith.constant 48 : index
      %get3A_4850 = tpu.vector_load %arg10[%get3A_4848, %get3A_4849] {strides = array<i32>} : memref<128x128xf32, #tpu.memory_space<vmem>>, vector<16xf32>,
      %mul3A_4851 = vector.broadcast %squeeze3A_4846 : f32 to vector<16xf32>
      %mul3A_4852 = arith.mulf %mul3A_4851, %get3A_4850 : vector<16xf32>
      %add3A_4853 = arith.addf %add3A_4844, %mul3A_4852 : vector<16xf32>
      %slice3A_4854 = vector.extract_strided_slice %div3A_4290 {offsets = [14], sizes = [1], strides = [1]} : vector<16xf32> to vector<1xf32>
      %squeeze3A_4855 = vector.extract %slice3A_4854[0] : f32 from vector<1xf32>
      %get3A_4856 = arith.constant 126 : i32
      %get3A_4857 = arith.index_cast %get3A_4856 : i32 to index
      %get3A_4858 = arith.constant 48 : index
      %get3A_4859 = tpu.vector_load %arg10[%get3A_4857, %get3A_4858] {strides = array<i32>} : memref<128x128xf32, #tpu.memory_space<vmem>>, vector<16xf32>,
      %mul3A_4860 = vector.broadcast %squeeze3A_4855 : f32 to vector<16xf32>
      %mul3A_4861 = arith.mulf %mul3A_4860, %get3A_4859 : vector<16xf32>
      %add3A_4862 = arith.addf %add3A_4853, %mul3A_4861 : vector<16xf32>
      %slice3A_4863 = vector.extract_strided_slice %div3A_4290 {offsets = [15], sizes = [1], strides = [1]} : vector<16xf32> to vector<1xf32>
      %squeeze3A_4864 = vector.extract %slice3A_4863[0] : f32 from vector<1xf32>
      %get3A_4865 = arith.constant 127 : i32
      %get3A_4866 = arith.index_cast %get3A_4865 : i32 to index
      %get3A_4867 = arith.constant 48 : index
      %get3A_4868 = tpu.vector_load %arg10[%get3A_4866, %get3A_4867] {strides = array<i32>} : memref<128x128xf32, #tpu.memory_space<vmem>>, vector<16xf32>,
      %mul3A_4869 = vector.broadcast %squeeze3A_4864 : f32 to vector<16xf32>
      %mul3A_4870 = arith.mulf %mul3A_4869, %get3A_4868 : vector<16xf32>
      %add3A_4871 = arith.addf %add3A_4862, %mul3A_4870 : vector<16xf32>
      %swap3A_4872 = arith.index_cast %add3A_4270 : i32 to index
      %swap3A_4873 = arith.constant 48 : index
      %swap3A_4874 = tpu.vector_load %arg11[%swap3A_4872, %swap3A_4873] {strides = array<i32>} : memref<512x64xf32, #tpu.memory_space<vmem>>, vector<16xf32>,
      tpu.vector_store %arg11[%swap3A_4872, %swap3A_4873], %add3A_4871 {strides = array<i32>} : memref<512x64xf32, #tpu.memory_space<vmem>>, vector<16xf32>,
    }
    %scan3A_7 = arith.constant 64 : i32
    "tpu.region"() ({
      %run_scoped3A = tpu.sem_alloc : memref<!tpu.dma_semaphore, #tpu.memory_space<semaphore_mem>>
      %dma_start3A = arith.constant 0 : i32
      %dma_start3A_8 = tpu.memref_slice %arg6[%mul3A_2, %dma_start3A] : memref<16384x64xf32, #tpu.memory_space<hbm>> -> memref<512x64xf32, #tpu.memory_space<hbm>>
      %dma_start3A_9 = arith.constant 0 : i32
      %dma_start3A_10 = tpu.memref_slice %arg6[%mul3A_2, %dma_start3A_9] : memref<16384x64xf32, #tpu.memory_space<hbm>> -> memref<512x64xf32, #tpu.memory_space<hbm>>
      tpu.enqueue_dma source(%arg11 : memref<512x64xf32, #tpu.memory_space<vmem>>) target(%dma_start3A_10 : memref<512x64xf32, #tpu.memory_space<hbm>>) target_semaphore(%run_scoped3A : memref<!tpu.dma_semaphore, #tpu.memory_space<semaphore_mem>>)
      %dma_wait3A = arith.constant 0 : i32
      %dma_wait3A_11 = tpu.memref_slice %arg6[%mul3A_2, %dma_wait3A] : memref<16384x64xf32, #tpu.memory_space<hbm>> -> memref<512x64xf32, #tpu.memory_space<hbm>>
      %dma_wait3A_12 = arith.constant 0 : i32
      %dma_wait3A_13 = tpu.memref_slice %arg6[%mul3A_2, %dma_wait3A_12] : memref<16384x64xf32, #tpu.memory_space<hbm>> -> memref<512x64xf32, #tpu.memory_space<hbm>>
      tpu.wait_dma2 semaphore(%run_scoped3A : memref<!tpu.dma_semaphore, #tpu.memory_space<semaphore_mem>>) src(%arg11 : memref<512x64xf32, #tpu.memory_space<vmem>>) dst(%dma_wait3A_13 : memref<512x64xf32, #tpu.memory_space<hbm>>)
      tpu.yield
    }) : () -> ()
    return
  }
}

module attributes {stable_mosaic.version = 14 : i64} {
  func.func @_knn_kernel(%arg0: i32, %arg1: i32, %arg2: memref<1x256x3xf32, #tpu.memory_space<vmem>>, %arg3: memref<1x3x4096xf32, #tpu.memory_space<vmem>>, %arg4: memref<1x256x64xf32, #tpu.memory_space<vmem>>, %arg5: memref<64x192xf32, #tpu.memory_space<vmem>>, %arg6: memref<192xf32, #tpu.memory_space<vmem>>, %arg7: memref<1x256x16xi32, #tpu.memory_space<vmem>>, %arg8: memref<1x256x1xf32, #tpu.memory_space<vmem>>, %arg9: memref<1x256x1xf32, #tpu.memory_space<vmem>>, %arg10: memref<1x256x128xf32, #tpu.memory_space<vmem>>) attributes {dimension_semantics = [#tpu.dimension_semantics<arbitrary>, #tpu.dimension_semantics<arbitrary>], iteration_bounds = array<i64: 4, 16>, scalar_prefetch = 0 : i64, scratch_operands = 0 : i64, tpu.core_type = #tpu.core_type<tc>, window_params = [{transform_indices = @transform_0, window_bounds = array<i64: 1, 256, 3>}, {transform_indices = @transform_1, window_bounds = array<i64: 1, 3, 4096>}, {transform_indices = @transform_2, window_bounds = array<i64: 1, 256, 64>}, {pipeline_mode = #tpu.pipeline_mode<synchronous>, transform_indices = @transform_3, window_bounds = array<i64: 64, 192>}, {pipeline_mode = #tpu.pipeline_mode<synchronous>, transform_indices = @transform_4, window_bounds = array<i64: 192>}, {transform_indices = @transform_5, window_bounds = array<i64: 1, 256, 16>}, {transform_indices = @transform_6, window_bounds = array<i64: 1, 256, 1>}, {transform_indices = @transform_7, window_bounds = array<i64: 1, 256, 1>}, {transform_indices = @transform_8, window_bounds = array<i64: 1, 256, 128>}]} {
    %get3A = arith.constant 0 : index
    %get3A_0 = arith.constant 0 : index
    %get3A_1 = arith.constant 0 : index
    %get3A_2 = vector.load %arg2[%get3A, %get3A_0, %get3A_1] : memref<1x256x3xf32, #tpu.memory_space<vmem>>, vector<1x256x3xf32>
    %get3A_3 = vector.shape_cast %get3A_2 : vector<1x256x3xf32> to vector<256x3xf32>
    %get3A_4 = arith.constant 0 : index
    %get3A_5 = arith.constant 0 : index
    %get3A_6 = arith.constant 0 : index
    %get3A_7 = vector.load %arg3[%get3A_4, %get3A_5, %get3A_6] : memref<1x3x4096xf32, #tpu.memory_space<vmem>>, vector<1x3x4096xf32>
    %get3A_8 = vector.shape_cast %get3A_7 : vector<1x3x4096xf32> to vector<3x4096xf32>
    %mul3A = arith.mulf %get3A_3, %get3A_3 : vector<256x3xf32>
    %reduce_sum3A = arith.constant dense<0.000000e+00> : vector<256xf32>
    %reduce_sum3A_9 = vector.multi_reduction <add>, %mul3A, %reduce_sum3A [1] : vector<256x3xf32> to vector<256xf32>
    %broadcast_in_dim3A = vector.shape_cast %reduce_sum3A_9 : vector<256xf32> to vector<256x1xf32>
    %mul3A_10 = arith.mulf %get3A_8, %get3A_8 : vector<3x4096xf32>
    %reduce_sum3A_11 = arith.constant dense<0.000000e+00> : vector<4096xf32>
    %reduce_sum3A_12 = vector.multi_reduction <add>, %mul3A_10, %reduce_sum3A_11 [0] : vector<3x4096xf32> to vector<4096xf32>
    %broadcast_in_dim3A_13 = vector.shape_cast %reduce_sum3A_12 : vector<4096xf32> to vector<1x4096xf32>
    %convert_element_type3A = arith.truncf %get3A_3 : vector<256x3xf32> to vector<256x3xbf16>
    %convert_element_type3A_14 = arith.truncf %get3A_8 : vector<3x4096xf32> to vector<3x4096xbf16>
    %dot_general3A = arith.constant dense<0.000000e+00> : vector<256x4096xf32>
    %dot_general3A_15 = tpu.matmul %convert_element_type3A, %convert_element_type3A_14, %dot_general3A {dimension_numbers = #tpu.dot_dimension_numbers<[1], [0], [0], [1], [0, 0, 1, 1], [], []>, transpose_lhs_hint = false} : vector<256x3xbf16>, vector<3x4096xbf16>, vector<256x4096xf32> -> vector<256x4096xf32>
    %add3A = vector.broadcast %broadcast_in_dim3A : vector<256x1xf32> to vector<256x4096xf32>
    %add3A_16 = vector.broadcast %broadcast_in_dim3A_13 : vector<1x4096xf32> to vector<256x4096xf32>
    %add3A_17 = arith.addf %add3A, %add3A_16 : vector<256x4096xf32>
    %mul3A_18 = arith.constant 2.000000e+00 : f32
    %mul3A_19 = vector.broadcast %mul3A_18 : f32 to vector<256x4096xf32>
    %mul3A_20 = arith.mulf %mul3A_19, %dot_general3A_15 : vector<256x4096xf32>
    %sub3A = arith.subf %add3A_17, %mul3A_20 : vector<256x4096xf32>
    %max3A = arith.constant 0.000000e+00 : f32
    %max3A_21 = vector.broadcast %max3A : f32 to vector<256x4096xf32>
    %max3A_22 = arith.maximumf %sub3A, %max3A_21 : vector<256x4096xf32>
    %iota3A = tpu.iota {dimensions = array<i32: 1>} : vector<256x4096xi32>
    %iota3A_23 = tpu.iota {dimensions = array<i32: 1>} : vector<256x16xi32>
    %slice3A = vector.extract_strided_slice %max3A_22 {offsets = [0, 0], sizes = [256, 2048], strides = [1, 1]} : vector<256x4096xf32> to vector<256x2048xf32>
    %slice3A_24 = vector.extract_strided_slice %max3A_22 {offsets = [0, 2048], sizes = [256, 2048], strides = [1, 1]} : vector<256x4096xf32> to vector<256x2048xf32>
    %slice3A_25 = vector.extract_strided_slice %iota3A {offsets = [0, 0], sizes = [256, 2048], strides = [1, 1]} : vector<256x4096xi32> to vector<256x2048xi32>
    %slice3A_26 = vector.extract_strided_slice %iota3A {offsets = [0, 2048], sizes = [256, 2048], strides = [1, 1]} : vector<256x4096xi32> to vector<256x2048xi32>
    %le3A = arith.cmpf ole, %slice3A, %slice3A_24 : vector<256x2048xf32>
    %select_n3A = arith.select %le3A, %slice3A, %slice3A_24 : vector<256x2048xi1>, vector<256x2048xf32>
    %select_n3A_27 = arith.select %le3A, %slice3A_25, %slice3A_26 : vector<256x2048xi1>, vector<256x2048xi32>
    %select_n3A_28 = arith.select %le3A, %slice3A_24, %slice3A : vector<256x2048xi1>, vector<256x2048xf32>
    %select_n3A_29 = arith.select %le3A, %slice3A_26, %slice3A_25 : vector<256x2048xi1>, vector<256x2048xi32>
    %slice3A_30 = vector.extract_strided_slice %select_n3A {offsets = [0, 0], sizes = [256, 1024], strides = [1, 1]} : vector<256x2048xf32> to vector<256x1024xf32>
    %slice3A_31 = vector.extract_strided_slice %select_n3A {offsets = [0, 1024], sizes = [256, 1024], strides = [1, 1]} : vector<256x2048xf32> to vector<256x1024xf32>
    %slice3A_32 = vector.extract_strided_slice %select_n3A_27 {offsets = [0, 0], sizes = [256, 1024], strides = [1, 1]} : vector<256x2048xi32> to vector<256x1024xi32>
    %slice3A_33 = vector.extract_strided_slice %select_n3A_27 {offsets = [0, 1024], sizes = [256, 1024], strides = [1, 1]} : vector<256x2048xi32> to vector<256x1024xi32>
    %slice3A_34 = vector.extract_strided_slice %select_n3A_28 {offsets = [0, 0], sizes = [256, 1024], strides = [1, 1]} : vector<256x2048xf32> to vector<256x1024xf32>
    %slice3A_35 = vector.extract_strided_slice %select_n3A_28 {offsets = [0, 1024], sizes = [256, 1024], strides = [1, 1]} : vector<256x2048xf32> to vector<256x1024xf32>
    %slice3A_36 = vector.extract_strided_slice %select_n3A_29 {offsets = [0, 0], sizes = [256, 1024], strides = [1, 1]} : vector<256x2048xi32> to vector<256x1024xi32>
    %slice3A_37 = vector.extract_strided_slice %select_n3A_29 {offsets = [0, 1024], sizes = [256, 1024], strides = [1, 1]} : vector<256x2048xi32> to vector<256x1024xi32>
    %le3A_38 = arith.cmpf ole, %slice3A_30, %slice3A_31 : vector<256x1024xf32>
    %select_n3A_39 = arith.select %le3A_38, %slice3A_30, %slice3A_31 : vector<256x1024xi1>, vector<256x1024xf32>
    %select_n3A_40 = arith.select %le3A_38, %slice3A_32, %slice3A_33 : vector<256x1024xi1>, vector<256x1024xi32>
    %select_n3A_41 = arith.select %le3A_38, %slice3A_31, %slice3A_30 : vector<256x1024xi1>, vector<256x1024xf32>
    %select_n3A_42 = arith.select %le3A_38, %slice3A_33, %slice3A_32 : vector<256x1024xi1>, vector<256x1024xi32>
    %le3A_43 = arith.cmpf ole, %slice3A_34, %slice3A_35 : vector<256x1024xf32>
    %select_n3A_44 = arith.select %le3A_43, %slice3A_34, %slice3A_35 : vector<256x1024xi1>, vector<256x1024xf32>
    %select_n3A_45 = arith.select %le3A_43, %slice3A_36, %slice3A_37 : vector<256x1024xi1>, vector<256x1024xi32>
    %le3A_46 = arith.cmpf ole, %select_n3A_41, %select_n3A_44 : vector<256x1024xf32>
    %select_n3A_47 = arith.select %le3A_46, %select_n3A_41, %select_n3A_44 : vector<256x1024xi1>, vector<256x1024xf32>
    %select_n3A_48 = arith.select %le3A_46, %select_n3A_42, %select_n3A_45 : vector<256x1024xi1>, vector<256x1024xi32>
    %slice3A_49 = vector.extract_strided_slice %select_n3A_39 {offsets = [0, 0], sizes = [256, 512], strides = [1, 1]} : vector<256x1024xf32> to vector<256x512xf32>
    %slice3A_50 = vector.extract_strided_slice %select_n3A_39 {offsets = [0, 512], sizes = [256, 512], strides = [1, 1]} : vector<256x1024xf32> to vector<256x512xf32>
    %slice3A_51 = vector.extract_strided_slice %select_n3A_40 {offsets = [0, 0], sizes = [256, 512], strides = [1, 1]} : vector<256x1024xi32> to vector<256x512xi32>
    %slice3A_52 = vector.extract_strided_slice %select_n3A_40 {offsets = [0, 512], sizes = [256, 512], strides = [1, 1]} : vector<256x1024xi32> to vector<256x512xi32>
    %slice3A_53 = vector.extract_strided_slice %select_n3A_47 {offsets = [0, 0], sizes = [256, 512], strides = [1, 1]} : vector<256x1024xf32> to vector<256x512xf32>
    %slice3A_54 = vector.extract_strided_slice %select_n3A_47 {offsets = [0, 512], sizes = [256, 512], strides = [1, 1]} : vector<256x1024xf32> to vector<256x512xf32>
    %slice3A_55 = vector.extract_strided_slice %select_n3A_48 {offsets = [0, 0], sizes = [256, 512], strides = [1, 1]} : vector<256x1024xi32> to vector<256x512xi32>
    %slice3A_56 = vector.extract_strided_slice %select_n3A_48 {offsets = [0, 512], sizes = [256, 512], strides = [1, 1]} : vector<256x1024xi32> to vector<256x512xi32>
    %le3A_57 = arith.cmpf ole, %slice3A_49, %slice3A_50 : vector<256x512xf32>
    %select_n3A_58 = arith.select %le3A_57, %slice3A_49, %slice3A_50 : vector<256x512xi1>, vector<256x512xf32>
    %select_n3A_59 = arith.select %le3A_57, %slice3A_51, %slice3A_52 : vector<256x512xi1>, vector<256x512xi32>
    %select_n3A_60 = arith.select %le3A_57, %slice3A_50, %slice3A_49 : vector<256x512xi1>, vector<256x512xf32>
    %select_n3A_61 = arith.select %le3A_57, %slice3A_52, %slice3A_51 : vector<256x512xi1>, vector<256x512xi32>
    %le3A_62 = arith.cmpf ole, %slice3A_53, %slice3A_54 : vector<256x512xf32>
    %select_n3A_63 = arith.select %le3A_62, %slice3A_53, %slice3A_54 : vector<256x512xi1>, vector<256x512xf32>
    %select_n3A_64 = arith.select %le3A_62, %slice3A_55, %slice3A_56 : vector<256x512xi1>, vector<256x512xi32>
    %le3A_65 = arith.cmpf ole, %select_n3A_60, %select_n3A_63 : vector<256x512xf32>
    %select_n3A_66 = arith.select %le3A_65, %select_n3A_60, %select_n3A_63 : vector<256x512xi1>, vector<256x512xf32>
    %select_n3A_67 = arith.select %le3A_65, %select_n3A_61, %select_n3A_64 : vector<256x512xi1>, vector<256x512xi32>
    %concatenate3A = tpu.concatenate %select_n3A_58, %select_n3A_66 in 1 : vector<256x512xf32>, vector<256x512xf32> -> vector<256x1024xf32>
    %concatenate3A_68 = tpu.concatenate %select_n3A_59, %select_n3A_67 in 1 : vector<256x512xi32>, vector<256x512xi32> -> vector<256x1024xi32>
    %broadcast_in_dim3A_69 = arith.constant 0 : i32
    %broadcast_in_dim3A_70 = vector.broadcast %broadcast_in_dim3A_69 : i32 to vector<256x16xi32>
    %scan3A = arith.constant 0x7F800000 : f32
    %scan3A_71 = arith.constant 0 : i32
    %scan3A_72 = arith.constant 16 : i32
    %scan3A_73 = arith.addi %scan3A_71, %scan3A_72 : i32
    %scan3A_74 = arith.constant 1 : i32
    %scan3A_75:2 = scf.for %scan3A_172 = %scan3A_71 to %scan3A_73 step %scan3A_74 iter_args(%scan3A_173 = %concatenate3A, %scan3A_174 = %broadcast_in_dim3A_70) -> (vector<256x1024xf32>, vector<256x16xi32>)  : i32 {
      %reduce_min3A = arith.constant dense<0x7F800000> : vector<256xf32>
      %reduce_min3A_175 = vector.multi_reduction <minimumf>, %scan3A_173, %reduce_min3A [1] : vector<256x1024xf32> to vector<256xf32>
      %broadcast_in_dim3A_176 = vector.shape_cast %reduce_min3A_175 : vector<256xf32> to vector<256x1xf32>
      %eq3A = vector.broadcast %broadcast_in_dim3A_176 : vector<256x1xf32> to vector<256x1024xf32>
      %eq3A_177 = arith.cmpf oeq, %scan3A_173, %eq3A : vector<256x1024xf32>
      %jit3A = arith.constant 4096 : i32
      %broadcast_in_dim3A_178 = vector.broadcast %jit3A : i32 to vector<256x1024xi32>
      %select_n3A_179 = arith.select %eq3A_177, %concatenate3A_68, %broadcast_in_dim3A_178 : vector<256x1024xi1>, vector<256x1024xi32>
      %reduce_min3A_180 = arith.constant dense<2147483647> : vector<256xi32>
      %reduce_min3A_181 = vector.multi_reduction <minsi>, %select_n3A_179, %reduce_min3A_180 [1] : vector<256x1024xi32> to vector<256xi32>
      %broadcast_in_dim3A_182 = vector.shape_cast %reduce_min3A_181 : vector<256xi32> to vector<256x1xi32>
      %eq3A_183 = vector.broadcast %broadcast_in_dim3A_182 : vector<256x1xi32> to vector<256x1024xi32>
      %eq3A_184 = arith.cmpi eq, %concatenate3A_68, %eq3A_183 : vector<256x1024xi32>
      %broadcast_in_dim3A_185 = vector.broadcast %scan3A : f32 to vector<256x1024xf32>
      %select_n3A_186 = arith.select %eq3A_184, %broadcast_in_dim3A_185, %scan3A_173 : vector<256x1024xi1>, vector<256x1024xf32>
      %eq3A_187 = vector.broadcast %scan3A_172 : i32 to vector<256x16xi32>
      %eq3A_188 = arith.cmpi eq, %iota3A_23, %eq3A_187 : vector<256x16xi32>
      %broadcast_in_dim3A_189 = vector.shape_cast %broadcast_in_dim3A_182 : vector<256x1xi32> to vector<256x1xi32>
      %broadcast_in_dim3A_190 = vector.broadcast %broadcast_in_dim3A_189 : vector<256x1xi32> to vector<256x16xi32>
      %select_n3A_191 = arith.select %eq3A_188, %broadcast_in_dim3A_190, %scan3A_174 : vector<256x16xi1>, vector<256x16xi32>
      scf.yield %select_n3A_186, %select_n3A_191 : vector<256x1024xf32>, vector<256x16xi32>
    }
    %scan3A_76 = arith.constant 16 : i32
    %mul3A_77 = arith.constant 4096 : i32
    %mul3A_78 = arith.muli %arg0, %mul3A_77 : i32
    %add3A_79 = vector.broadcast %mul3A_78 : i32 to vector<256x16xi32>
    %add3A_80 = arith.addi %scan3A_75#1, %add3A_79 : vector<256x16xi32>
    %swap3A = arith.constant 0 : index
    %swap3A_81 = arith.constant 0 : index
    %swap3A_82 = arith.constant 0 : index
    %swap3A_83 = vector.load %arg7[%swap3A, %swap3A_81, %swap3A_82] : memref<1x256x16xi32, #tpu.memory_space<vmem>>, vector<1x256x16xi32>
    %swap3A_84 = vector.shape_cast %swap3A_83 : vector<1x256x16xi32> to vector<256x16xi32>
    %swap3A_85 = vector.shape_cast %add3A_80 : vector<256x16xi32> to vector<1x256x16xi32>
    tpu.vector_store %arg7[%swap3A, %swap3A_81, %swap3A_82], %swap3A_85 {strides = array<i32>} : memref<1x256x16xi32, #tpu.memory_space<vmem>>, vector<1x256x16xi32>,
    %get3A_86 = arith.constant 0 : index
    %get3A_87 = arith.constant 0 : index
    %get3A_88 = arith.constant 0 : index
    %get3A_89 = vector.load %arg4[%get3A_86, %get3A_87, %get3A_88] : memref<1x256x64xf32, #tpu.memory_space<vmem>>, vector<1x256x64xf32>
    %get3A_90 = vector.shape_cast %get3A_89 : vector<1x256x64xf32> to vector<256x64xf32>
    %get3A_91 = arith.constant 0 : index
    %get3A_92 = arith.constant 0 : index
    %get3A_93 = vector.load %arg5[%get3A_91, %get3A_92] : memref<64x192xf32, #tpu.memory_space<vmem>>, vector<64x192xf32>
    %get3A_94 = arith.constant 0 : index
    %get3A_95 = vector.load %arg6[%get3A_94] : memref<192xf32, #tpu.memory_space<vmem>>, vector<192xf32>
    %convert_element_type3A_96 = arith.truncf %get3A_90 : vector<256x64xf32> to vector<256x64xbf16>
    %convert_element_type3A_97 = arith.extf %convert_element_type3A_96 : vector<256x64xbf16> to vector<256x64xf32>
    %convert_element_type3A_98 = arith.truncf %get3A_93 : vector<64x192xf32> to vector<64x192xbf16>
    %convert_element_type3A_99 = arith.extf %convert_element_type3A_98 : vector<64x192xbf16> to vector<64x192xf32>
    %slice3A_100 = vector.extract_strided_slice %convert_element_type3A_99 {offsets = [0, 0], sizes = [64, 64], strides = [1, 1]} : vector<64x192xf32> to vector<64x64xf32>
    %reduce_sum3A_101 = arith.constant dense<0.000000e+00> : vector<64xf32>
    %reduce_sum3A_102 = vector.multi_reduction <add>, %slice3A_100, %reduce_sum3A_101 [1] : vector<64x64xf32> to vector<64xf32>
    %slice3A_103 = vector.extract_strided_slice %convert_element_type3A_99 {offsets = [0, 64], sizes = [64, 64], strides = [1, 1]} : vector<64x192xf32> to vector<64x64xf32>
    %reduce_sum3A_104 = arith.constant dense<0.000000e+00> : vector<64xf32>
    %reduce_sum3A_105 = vector.multi_reduction <add>, %slice3A_103, %reduce_sum3A_104 [1] : vector<64x64xf32> to vector<64xf32>
    %broadcast_in_dim3A_106 = vector.shape_cast %reduce_sum3A_102 : vector<64xf32> to vector<1x64xf32>
    %mul3A_107 = vector.broadcast %broadcast_in_dim3A_106 : vector<1x64xf32> to vector<256x64xf32>
    %mul3A_108 = arith.mulf %convert_element_type3A_97, %mul3A_107 : vector<256x64xf32>
    %reduce_sum3A_109 = arith.constant dense<0.000000e+00> : vector<256xf32>
    %reduce_sum3A_110 = vector.multi_reduction <add>, %mul3A_108, %reduce_sum3A_109 [1] : vector<256x64xf32> to vector<256xf32>
    %broadcast_in_dim3A_111 = vector.shape_cast %reduce_sum3A_110 : vector<256xf32> to vector<256x1xf32>
    %broadcast_in_dim3A_112 = vector.shape_cast %reduce_sum3A_105 : vector<64xf32> to vector<1x64xf32>
    %mul3A_113 = vector.broadcast %broadcast_in_dim3A_112 : vector<1x64xf32> to vector<256x64xf32>
    %mul3A_114 = arith.mulf %convert_element_type3A_97, %mul3A_113 : vector<256x64xf32>
    %reduce_sum3A_115 = arith.constant dense<0.000000e+00> : vector<256xf32>
    %reduce_sum3A_116 = vector.multi_reduction <add>, %mul3A_114, %reduce_sum3A_115 [1] : vector<256x64xf32> to vector<256xf32>
    %broadcast_in_dim3A_117 = vector.shape_cast %reduce_sum3A_116 : vector<256xf32> to vector<256x1xf32>
    %convert_element_type3A_118 = arith.truncf %get3A_90 : vector<256x64xf32> to vector<256x64xbf16>
    %slice3A_119 = vector.extract_strided_slice %get3A_93 {offsets = [0, 128], sizes = [64, 64], strides = [1, 1]} : vector<64x192xf32> to vector<64x64xf32>
    %convert_element_type3A_120 = arith.truncf %slice3A_119 : vector<64x64xf32> to vector<64x64xbf16>
    %dot_general3A_121 = arith.constant dense<0.000000e+00> : vector<256x64xf32>
    %dot_general3A_122 = tpu.matmul %convert_element_type3A_118, %convert_element_type3A_120, %dot_general3A_121 {dimension_numbers = #tpu.dot_dimension_numbers<[1], [0], [0], [1], [0, 0, 1, 1], [], []>, transpose_lhs_hint = false} : vector<256x64xbf16>, vector<64x64xbf16>, vector<256x64xf32> -> vector<256x64xf32>
    %slice3A_123 = vector.extract_strided_slice %get3A_95 {offsets = [0], sizes = [64], strides = [1]} : vector<192xf32> to vector<64xf32>
    %reduce_sum3A_124 = vector.shape_cast %slice3A_123 : vector<64xf32> to vector<1x64xf32>
    %reduce_sum3A_125 = arith.constant dense<0.000000e+00> : vector<1xf32>
    %reduce_sum3A_126 = vector.multi_reduction <add>, %reduce_sum3A_124, %reduce_sum3A_125 [1] : vector<1x64xf32> to vector<1xf32>
    %reduce_sum3A_127 = vector.shape_cast %reduce_sum3A_126 : vector<1xf32> to vector<1x1xf32>
    %reduce_sum3A_128 = vector.extract %reduce_sum3A_127[0, 0] : f32 from vector<1x1xf32>
    %add3A_129 = vector.broadcast %reduce_sum3A_128 : f32 to vector<256x1xf32>
    %add3A_130 = arith.addf %broadcast_in_dim3A_111, %add3A_129 : vector<256x1xf32>
    %mul3A_131 = arith.constant 1.250000e-01 : f32
    %mul3A_132 = vector.broadcast %mul3A_131 : f32 to vector<256x1xf32>
    %mul3A_133 = arith.mulf %add3A_130, %mul3A_132 : vector<256x1xf32>
    %swap3A_134 = arith.constant 0 : index
    %swap3A_135 = arith.constant 0 : index
    %swap3A_136 = arith.constant 0 : index
    %swap3A_137 = vector.load %arg8[%swap3A_134, %swap3A_135, %swap3A_136] : memref<1x256x1xf32, #tpu.memory_space<vmem>>, vector<1x256x1xf32>
    %swap3A_138 = vector.shape_cast %swap3A_137 : vector<1x256x1xf32> to vector<256x1xf32>
    %swap3A_139 = vector.shape_cast %mul3A_133 : vector<256x1xf32> to vector<1x256x1xf32>
    tpu.vector_store %arg8[%swap3A_134, %swap3A_135, %swap3A_136], %swap3A_139 {strides = array<i32>} : memref<1x256x1xf32, #tpu.memory_space<vmem>>, vector<1x256x1xf32>,
    %slice3A_140 = vector.extract_strided_slice %get3A_95 {offsets = [64], sizes = [64], strides = [1]} : vector<192xf32> to vector<64xf32>
    %reduce_sum3A_141 = vector.shape_cast %slice3A_140 : vector<64xf32> to vector<1x64xf32>
    %reduce_sum3A_142 = arith.constant dense<0.000000e+00> : vector<1xf32>
    %reduce_sum3A_143 = vector.multi_reduction <add>, %reduce_sum3A_141, %reduce_sum3A_142 [1] : vector<1x64xf32> to vector<1xf32>
    %reduce_sum3A_144 = vector.shape_cast %reduce_sum3A_143 : vector<1xf32> to vector<1x1xf32>
    %reduce_sum3A_145 = vector.extract %reduce_sum3A_144[0, 0] : f32 from vector<1x1xf32>
    %add3A_146 = vector.broadcast %reduce_sum3A_145 : f32 to vector<256x1xf32>
    %add3A_147 = arith.addf %broadcast_in_dim3A_117, %add3A_146 : vector<256x1xf32>
    %swap3A_148 = arith.constant 0 : index
    %swap3A_149 = arith.constant 0 : index
    %swap3A_150 = arith.constant 0 : index
    %swap3A_151 = vector.load %arg9[%swap3A_148, %swap3A_149, %swap3A_150] : memref<1x256x1xf32, #tpu.memory_space<vmem>>, vector<1x256x1xf32>
    %swap3A_152 = vector.shape_cast %swap3A_151 : vector<1x256x1xf32> to vector<256x1xf32>
    %swap3A_153 = vector.shape_cast %add3A_147 : vector<256x1xf32> to vector<1x256x1xf32>
    tpu.vector_store %arg9[%swap3A_148, %swap3A_149, %swap3A_150], %swap3A_153 {strides = array<i32>} : memref<1x256x1xf32, #tpu.memory_space<vmem>>, vector<1x256x1xf32>,
    %slice3A_154 = vector.extract_strided_slice %get3A_95 {offsets = [128], sizes = [64], strides = [1]} : vector<192xf32> to vector<64xf32>
    %broadcast_in_dim3A_155 = vector.shape_cast %slice3A_154 : vector<64xf32> to vector<1x64xf32>
    %add3A_156 = vector.broadcast %broadcast_in_dim3A_155 : vector<1x64xf32> to vector<256x64xf32>
    %add3A_157 = arith.addf %dot_general3A_122, %add3A_156 : vector<256x64xf32>
    %swap3A_158 = arith.constant 0 : index
    %swap3A_159 = arith.constant 0 : index
    %swap3A_160 = arith.constant 0 : index
    %swap3A_161 = vector.load %arg10[%swap3A_158, %swap3A_159, %swap3A_160] : memref<1x256x128xf32, #tpu.memory_space<vmem>>, vector<1x256x64xf32>
    %swap3A_162 = vector.shape_cast %swap3A_161 : vector<1x256x64xf32> to vector<256x64xf32>
    %swap3A_163 = vector.shape_cast %add3A_157 : vector<256x64xf32> to vector<1x256x64xf32>
    tpu.vector_store %arg10[%swap3A_158, %swap3A_159, %swap3A_160], %swap3A_163 {strides = array<i32>} : memref<1x256x128xf32, #tpu.memory_space<vmem>>, vector<1x256x64xf32>,
    %broadcast_in_dim3A_164 = arith.constant 0.000000e+00 : f32
    %broadcast_in_dim3A_165 = vector.broadcast %broadcast_in_dim3A_164 : f32 to vector<256x64xf32>
    %swap3A_166 = arith.constant 0 : index
    %swap3A_167 = arith.constant 0 : index
    %swap3A_168 = arith.constant 64 : index
    %swap3A_169 = vector.load %arg10[%swap3A_166, %swap3A_167, %swap3A_168] : memref<1x256x128xf32, #tpu.memory_space<vmem>>, vector<1x256x64xf32>
    %swap3A_170 = vector.shape_cast %swap3A_169 : vector<1x256x64xf32> to vector<256x64xf32>
    %swap3A_171 = vector.shape_cast %broadcast_in_dim3A_165 : vector<256x64xf32> to vector<1x256x64xf32>
    tpu.vector_store %arg10[%swap3A_166, %swap3A_167, %swap3A_168], %swap3A_171 {strides = array<i32>} : memref<1x256x128xf32, #tpu.memory_space<vmem>>, vector<1x256x64xf32>,
    return
  }
  func.func @transform_0(%arg0: i32, %arg1: i32) -> (i32, i32, i32) {
    %c0_i32 = arith.constant 0 : i32
    %c0_i32_0 = arith.constant 0 : i32
    return %arg0, %arg1, %c0_i32 : i32, i32, i32
  }
  func.func @transform_1(%arg0: i32, %arg1: i32) -> (i32, i32, i32) {
    %c0_i32 = arith.constant 0 : i32
    %c0_i32_0 = arith.constant 0 : i32
    %c0_i32_1 = arith.constant 0 : i32
    return %arg0, %c0_i32, %c0_i32_0 : i32, i32, i32
  }
  func.func @transform_2(%arg0: i32, %arg1: i32) -> (i32, i32, i32) {
    %c0_i32 = arith.constant 0 : i32
    %c0_i32_0 = arith.constant 0 : i32
    return %arg0, %arg1, %c0_i32 : i32, i32, i32
  }
  func.func @transform_3(%arg0: i32, %arg1: i32) -> (i32, i32) {
    %c0_i32 = arith.constant 0 : i32
    %c0_i32_0 = arith.constant 0 : i32
    %c0_i32_1 = arith.constant 0 : i32
    return %c0_i32, %c0_i32_0 : i32, i32
  }
  func.func @transform_4(%arg0: i32, %arg1: i32) -> i32 {
    %c0_i32 = arith.constant 0 : i32
    %c0_i32_0 = arith.constant 0 : i32
    return %c0_i32 : i32
  }
  func.func @transform_5(%arg0: i32, %arg1: i32) -> (i32, i32, i32) {
    %c0_i32 = arith.constant 0 : i32
    %c0_i32_0 = arith.constant 0 : i32
    return %arg0, %arg1, %c0_i32 : i32, i32, i32
  }
  func.func @transform_6(%arg0: i32, %arg1: i32) -> (i32, i32, i32) {
    %c0_i32 = arith.constant 0 : i32
    %c0_i32_0 = arith.constant 0 : i32
    return %arg0, %arg1, %c0_i32 : i32, i32, i32
  }
  func.func @transform_7(%arg0: i32, %arg1: i32) -> (i32, i32, i32) {
    %c0_i32 = arith.constant 0 : i32
    %c0_i32_0 = arith.constant 0 : i32
    return %arg0, %arg1, %c0_i32 : i32, i32, i32
  }
  func.func @transform_8(%arg0: i32, %arg1: i32) -> (i32, i32, i32) {
    %c0_i32 = arith.constant 0 : i32
    %c0_i32_0 = arith.constant 0 : i32
    return %arg0, %arg1, %c0_i32 : i32, i32, i32
  }
}

module attributes {stable_mosaic.version = 14 : i64} {
  func.func @_fc_kernel(%arg0: i32, %arg1: memref<512x64xf32, #tpu.memory_space<vmem>>, %arg2: memref<512x64xf32, #tpu.memory_space<vmem>>, %arg3: memref<64x64xf32, #tpu.memory_space<vmem>>, %arg4: memref<64xf32, #tpu.memory_space<vmem>>, %arg5: memref<512x64xf32, #tpu.memory_space<vmem>>) attributes {dimension_semantics = [#tpu.dimension_semantics<arbitrary>], iteration_bounds = array<i64: 32>, scalar_prefetch = 0 : i64, scratch_operands = 0 : i64, tpu.core_type = #tpu.core_type<tc>, window_params = [{transform_indices = @transform_0, window_bounds = array<i64: 512, 64>}, {transform_indices = @transform_1, window_bounds = array<i64: 512, 64>}, {pipeline_mode = #tpu.pipeline_mode<synchronous>, transform_indices = @transform_2, window_bounds = array<i64: 64, 64>}, {pipeline_mode = #tpu.pipeline_mode<synchronous>, transform_indices = @transform_3, window_bounds = array<i64: 64>}, {transform_indices = @transform_4, window_bounds = array<i64: 512, 64>}]} {
    %get3A = arith.constant 0 : index
    %get3A_0 = arith.constant 0 : index
    %get3A_1 = vector.load %arg1[%get3A, %get3A_0] : memref<512x64xf32, #tpu.memory_space<vmem>>, vector<512x64xf32>
    %convert_element_type3A = arith.truncf %get3A_1 : vector<512x64xf32> to vector<512x64xbf16>
    %get3A_2 = arith.constant 0 : index
    %get3A_3 = arith.constant 0 : index
    %get3A_4 = vector.load %arg3[%get3A_2, %get3A_3] : memref<64x64xf32, #tpu.memory_space<vmem>>, vector<64x64xf32>
    %convert_element_type3A_5 = arith.truncf %get3A_4 : vector<64x64xf32> to vector<64x64xbf16>
    %dot_general3A = arith.constant dense<0.000000e+00> : vector<512x64xf32>
    %dot_general3A_6 = tpu.matmul %convert_element_type3A, %convert_element_type3A_5, %dot_general3A {dimension_numbers = #tpu.dot_dimension_numbers<[1], [0], [0], [1], [0, 0, 1, 1], [], []>, transpose_lhs_hint = false} : vector<512x64xbf16>, vector<64x64xbf16>, vector<512x64xf32> -> vector<512x64xf32>
    %get3A_7 = arith.constant 0 : index
    %get3A_8 = vector.load %arg4[%get3A_7] : memref<64xf32, #tpu.memory_space<vmem>>, vector<64xf32>
    %broadcast_in_dim3A = vector.shape_cast %get3A_8 : vector<64xf32> to vector<1x64xf32>
    %add3A = vector.broadcast %broadcast_in_dim3A : vector<1x64xf32> to vector<512x64xf32>
    %add3A_9 = arith.addf %dot_general3A_6, %add3A : vector<512x64xf32>
    %get3A_10 = arith.constant 0 : index
    %get3A_11 = arith.constant 0 : index
    %get3A_12 = vector.load %arg2[%get3A_10, %get3A_11] : memref<512x64xf32, #tpu.memory_space<vmem>>, vector<512x64xf32>
    %add3A_13 = arith.addf %add3A_9, %get3A_12 : vector<512x64xf32>
    %swap3A = arith.constant 0 : index
    %swap3A_14 = arith.constant 0 : index
    %swap3A_15 = vector.load %arg5[%swap3A, %swap3A_14] : memref<512x64xf32, #tpu.memory_space<vmem>>, vector<512x64xf32>
    tpu.vector_store %arg5[%swap3A, %swap3A_14], %add3A_13 {strides = array<i32>} : memref<512x64xf32, #tpu.memory_space<vmem>>, vector<512x64xf32>,
    return
  }
  func.func @transform_0(%arg0: i32) -> (i32, i32) {
    %c0_i32 = arith.constant 0 : i32
    %c0_i32_0 = arith.constant 0 : i32
    return %arg0, %c0_i32 : i32, i32
  }
  func.func @transform_1(%arg0: i32) -> (i32, i32) {
    %c0_i32 = arith.constant 0 : i32
    %c0_i32_0 = arith.constant 0 : i32
    return %arg0, %c0_i32 : i32, i32
  }
  func.func @transform_2(%arg0: i32) -> (i32, i32) {
    %c0_i32 = arith.constant 0 : i32
    %c0_i32_0 = arith.constant 0 : i32
    %c0_i32_1 = arith.constant 0 : i32
    return %c0_i32, %c0_i32_0 : i32, i32
  }
  func.func @transform_3(%arg0: i32) -> i32 {
    %c0_i32 = arith.constant 0 : i32
    %c0_i32_0 = arith.constant 0 : i32
    return %c0_i32 : i32
  }
  func.func @transform_4(%arg0: i32) -> (i32, i32) {
    %c0_i32 = arith.constant 0 : i32
    %c0_i32_0 = arith.constant 0 : i32
    return %arg0, %c0_i32 : i32, i32
  }
}

</mosaic_0001>

<sc_bundles>
// kernel: sc_gather_attend.3.cloned.1.call-start
scs
__scs_entry_jumppad:
0x0: {  	(pc) =	sbr.rel $0x88, $3  }
0x1: {  	(tag) =	ssettag $0x0;
	lr =	simm.s32 $0x1  }
0x2: {  	[smem:$0x3F9B] =	sst lr;
	_ =	strace $0xD0000000  }
0x3: {  	_ = 	snop  }
0x4: {  	_ = 	snop  }
0x5: {  	_ = 	snop  }
0x6: {  	_ = 	snop  }
0x7: {  	_ = 	snop  }
__scs_overlays_trampoline_lowered:
0x8: {  	[smem:$0x3FAA] =	sst s0  }
0x9: {  	[smem:$0x3FAB] =	sst s1  }
0xa: {  	[smem:$0x3FAC] =	sst s2  }
0xb: {  	[smem:$0x3FAD] =	sst s3  }
0xc: {  	[smem:$0x3FAE] =	sst s4  }
0xd: {  	[smem:$0x3FAF] =	sst s5  }
0xe: {  	[smem:$0x3FB0] =	sst s6  }
0xf: {  	[smem:$0x3FB1] =	sst s7  }
0x10: {  	[smem:$0x3FB2] =	sst s8  }
0x11: {  	[smem:$0x3FB3] =	sst s9;
	s0 =	simm.s32 @!p0 $0x0  }
0x12: {  	s1 =	sld [smem:$0x3F99];
	s0 =	simm.s32 @p0 $0x1  }
0x13: {  	[smem:$0x3FB4] =	sst s0;
	s0 =	simm.s32 @!p1 $0x0  }
0x14: {  	s2 =	sld [smem:$0x3F98];
	s0 =	simm.s32 @p1 $0x1  }
0x15: {  	[smem:$0x3FB5] =	sst s0;
	s0 =	simm.s32 @!p2 $0x0  }
0x16: {  	s3 =	sld [smem:$0x3FDB];
	s0 =	simm.s32 @p2 $0x1  }
0x17: {  	s4 =	simm.s32 $0x1BF5;
	[smem:$0x3FB7] =	sst s0  }
0x18: {  	s0 =	sld [smem:$0x3F9A];
	_ =	swait.ge [sflag:s4], $0x0  }
0x19: {  	s7 =	sld [smem:$0x3F9B]  }
0x1a: {  	s8 =	sadd.s32 $0xFFFFE003, lr  }
0x1b: {  	s9 =	sadd.s32 $0xFFFFFEF7, lr;
	s5 =	simm.s32 $0xFFFFFFFF;
	p2 =	slt.u32 s8, $0xFFFFF086  }
0x1c: {  	p1 =	slt.u32 s9, $0xF7A;
	s5 =	simm.s32 @!p2 $0x0  }
0x1d: {  	s5 =	simm.s32 @p1 $0x1;
	p0 =	seq.s32 s7, s2  }
0x1e: {  	s7 =	smul.u32 @!p0 $0xF7A, s2;
	p2 =	seq.s32 @!p0 s5, $0x0  }
0x1f: {  	s9 =	smul.u32 $0xF7A, s1;
	s8 =	simm.s32 @!p0 $0x1BF5;
	p2 =	por !p2, p0  }
0x20: {  	[sflag:s8] =	ssyncset.s32 @!p0 $0xFFFFF086;
	s6 =	sadd.s32 @!p0 s3, s7;
	s7 =	simm.s32 @!p0 $0x108  }
0x21: {  	s3 =	sadd.s32 s3, s9;
	s6 =	sadd.s32 @!p0 $0x88, s6;
	s7 =	simm.s32 @p2 $0x1082  }
0x22: {  	[simem:s7], [sflag:s8] =	dma.local @!p0 [hbm:s6], $0xF7A  }
0x23: {  	s9 =	sor.u32 $0xD0000000, s2;
	s6 =	simm.s32 $0x108;
	_ =	swait.ge @!p0 [sflag:s8], $0x0  }
0x24: {  	s3 =	sadd.s32 $0x88, s3;
	s6 =	simm.s32 @!p1 $0x1082;
	[sflag:s4] =	ssyncset.s32 $0xFFFFF086  }
0x25: {  	[simem:s6], [sflag:s4] =	dma.local [hbm:s3], $0xF7A  }
0x26: {  	[smem:$0x3F9B] =	sst s1;
	(tag) =	ssettag s2;
	_ =	strace s9  }
0x27: {  	s1 =	sld [smem:$0x3FAB]  }
0x28: {  	s2 =	sld [smem:$0x3FAC]  }
0x29: {  	s4 =	sld [smem:$0x3FAE]  }
0x2a: {  	p0 =	seq.s32 s5, $0x0;
	s5 =	sld [smem:$0x3FAF]  }
0x2b: {  	s6 =	sld [smem:$0x3FB0]  }
0x2c: {  	s7 =	sld [smem:$0x3FB1]  }
0x2d: {  	s3 =	simm.s32 $0x108;
	s8 =	sld [smem:$0x3FB2]  }
0x2e: {  	s3 =	simm.s32 @!p0 $0x1082;
	s9 =	sld [smem:$0x3FB3]  }
0x2f: {  	lr =	sadd.s32 s0, s3;
	s0 =	sld [smem:$0x3FAA]  }
0x30: {  	s3 =	sld [smem:$0x3FAD]  }
0x31: {  	[smem:$0x3FB6] =	sst s10  }
0x32: {  	s10 =	sld [smem:$0x3FB4];
	_ =	sdelay $0x3  }
0x33: {  	p0 =	seq.s32 s10, $0x1;
	s10 =	sld [smem:$0x3FB6];
	_ =	sdelay $0x3  }
0x34: {  	[smem:$0x3FB6] =	sst s10  }
0x35: {  	s10 =	sld [smem:$0x3FB5];
	_ =	sdelay $0x3  }
0x36: {  	p1 =	seq.s32 s10, $0x1;
	s10 =	sld [smem:$0x3FB6];
	_ =	sdelay $0x3  }
0x37: {  	[smem:$0x3FB6] =	sst s10  }
0x38: {  	s10 =	sld [smem:$0x3FB7]  }
0x39: {  	_ = 	snop;
	(pc) =	sbr.ind lr, $3  }
0x3a: {  	_ = 	snop  }
0x3b: {  	_ = 	snop  }
0x3c: {  	p2 =	seq.s32 s10, $0x1;
	s10 =	sld [smem:$0x3FB6]  }
0x3d: {  	_ =	shalt  }
0x3e: {  	_ =	shalt  }
0x3f: {  	_ =	shalt  }
0x40: {  	_ =	shalt  }
0x41: {  	_ =	shalt  }
0x42: {  	_ =	shalt  }
0x43: {  	_ =	shalt  }
0x44: {  	_ =	shalt  }
0x45: {  	_ =	shalt  }
0x46: {  	_ =	shalt  }
0x47: {  	_ =	shalt  }
0x48: {  	_ =	shalt  }
0x49: {  	_ =	shalt  }
0x4a: {  	_ =	shalt  }
0x4b: {  	_ =	shalt  }
0x4c: {  	_ =	shalt  }
0x4d: {  	_ =	shalt  }
0x4e: {  	_ =	shalt  }
0x4f: {  	_ =	shalt  }
0x50: {  	_ =	shalt  }
0x51: {  	_ =	shalt  }
0x52: {  	_ =	shalt  }
0x53: {  	_ =	shalt  }
0x54: {  	_ =	shalt  }
0x55: {  	_ =	shalt  }
0x56: {  	_ =	shalt  }
0x57: {  	_ =	shalt  }
0x58: {  	_ =	shalt  }
0x59: {  	_ =	shalt  }
0x5a: {  	_ =	shalt  }
0x5b: {  	_ =	shalt  }
0x5c: {  	_ =	shalt  }
0x5d: {  	_ =	shalt  }
0x5e: {  	_ =	shalt  }
0x5f: {  	_ =	shalt  }
0x60: {  	_ =	shalt  }
0x61: {  	_ =	shalt  }
0x62: {  	_ =	shalt  }
0x63: {  	_ =	shalt  }
0x64: {  	_ =	shalt  }
0x65: {  	_ =	shalt  }
0x66: {  	_ =	shalt  }
0x67: {  	_ =	shalt  }
0x68: {  	_ =	shalt  }
0x69: {  	_ =	shalt  }
0x6a: {  	_ =	shalt  }
0x6b: {  	_ =	shalt  }
0x6c: {  	_ =	shalt  }
0x6d: {  	_ =	shalt  }
0x6e: {  	_ =	shalt  }
0x6f: {  	_ =	shalt  }
0x70: {  	_ =	shalt  }
0x71: {  	_ =	shalt  }
0x72: {  	_ =	shalt  }
0x73: {  	_ =	shalt  }
0x74: {  	_ =	shalt  }
0x75: {  	_ =	shalt  }
0x76: {  	_ =	shalt  }
0x77: {  	_ =	shalt  }
0x78: {  	_ =	shalt  }
0x79: {  	_ =	shalt  }
0x7a: {  	_ =	shalt  }
0x7b: {  	_ =	shalt  }
0x7c: {  	_ =	shalt  }
0x7d: {  	_ =	shalt  }
0x7e: {  	_ =	shalt  }
0x7f: {  	_ =	shalt  }
0x80: {  	_ =	shalt  }
0x81: {  	_ =	shalt  }
0x82: {  	_ =	shalt  }
0x83: {  	_ =	shalt  }
0x84: {  	_ =	shalt  }
0x85: {  	_ =	shalt  }
0x86: {  	_ =	shalt  }
0x87: {  	_ =	shalt  }
.Lfunc_end0:
.L_simem_size_0:
called_computation_lowered:
.L_overlay_start_0:
0x88: {  	s2 =	sld [smem:$0x3FD9]  }
0x89: {  	s3 =	sld [smem:$0x3FFE];
	_ =	sdelay $0x1  }
0x8a: {  	s1 =	srdreg.scid  }
0x8b: {  	s0 =	sand.u32 $0x1, s1  }
0x8c: {  	s17 =	sshll.u32 s0, $0xA;
	s2 =	sadd.s32 s3, s2  }
0x8d: {  	s2 =	sadd.s32 s2, s17  }
0x8e: {  	[smem:$0x3FC2] =	sst s2  }
0x8f: {  	_ = 	snop  }
0x90: {  	s2 =	sld [smem:$0x3FD0];
	(tm) =	ssettm $0x1  }
0x91: {  	s18 =	sld [smem:$0x3FFB];
	_ =	sdelay $0x3  }
0x92: {  	_ =	strace s18  }
0x93: {  	s3 =	sld [smem:$0x3FFC];
	_ =	sdelay $0x3  }
0x94: {  	_ =	strace s3  }
0x95: {  	s3 =	sld [smem:$0x3FFD];
	_ =	sdelay $0x3  }
0x96: {  	_ =	strace s3  }
0x97: {  	_ =	strace $0x8FFFFFFF  }
0x98: {  	s19 =	sld [smem:$0x3FDB];
	_ =	sdelay $0x1  }
0x99: {  	s4 =	simm.s32 $_scs_section_size  }
0x9a: {  	s5 =	simm.s32 $_size__tile_overlayer_lowered;
	s6 =	simm.s32 $_tile_overlayer_lowered  }
0x9b: {  	s22 =	simm.s32 $0x1BFF;
	s21 =	sshll.u32 s6, $0x1;
	s3 =	sadd.s32 s4, s19  }
0x9c: {  	s7 =	simm.s32 $0x0;
	s20 =	sshll.u32 s5, $0x1;
	s5 =	sadd.s32 s21, s3  }
0x9d: {  	[timem:s7], [sflag:s22] =	dma.local [hbm:s5], s20  }
0x9e: {  	_ =	swait.ge [sflag:s22], s20  }
0x9f: {  	s4 =	ssub.s32 $0x0, s20;
	[sflag:s22] =	ssyncset.done $0x0  }
0xa0: {  	[sflag:s22] =	ssyncadd.s32 s4;
	_ =	sdelay $0x1  }
0xa1: {  	s23 =	simm.s32 $0x1B8B  }
0xa2: {  	_ =	swait.ge [sflag:s23], $0x1  }
0xa3: {  	[sflag:s23] =	ssyncset.done $0x0  }
0xa4: {  	s25 =	simm.s32 $0x1B8E;
	s24 =	sld [smem:$0x3FFE];
	[sflag:s23] =	ssyncadd.s32 $0xFFFFFFFF  }
0xa5: {  	s26 =	simm.s32 $execute0_lowered;
	[smem:$0x3FD2] =	sst s25  }
0xa6: {  	s5 =	sshll.u32 s26, $0x1;
	_ =	strace $0x80000046;
	[dreg:$0x1] =	wrdreg $0xFFFFFFFF  }
0xa7: {  	s28 =	simm.s32 $_size_execute0_lowered;
	s3 =	sadd.s32 s3, s5;
	[dreg:$0x0] =	wrdreg $0x0  }
0xa8: {  	s5 =	sshll.u32 s28, $0x1;
	[dreg:$0x2] =	wrdreg s3  }
0xa9: {  	[dreg:$0x3] =	wrdreg s5  }
0xaa: {  	[dreg:$0x4] =	wrdreg $0xC0  }
0xab: {  	_ =	task [dreg:s7], $0x5FFFF  }
0xac: {  	[dreg:$0x1] =	wrdreg $0xFFFFFFFF  }
0xad: {  	[dreg:$0x0] =	wrdreg $0x60  }
0xae: {  	[dreg:$0x2] =	wrdreg s2  }
0xaf: {  	[dreg:$0x3] =	wrdreg s24  }
0xb0: {  	[dreg:$0x4] =	wrdreg $0x9  }
0xb1: {  	_ =	task.clear_ibuf [dreg:s7], $0x5FFFF;
	_ =	strace $0x90000046  }
0xb2: {  	s29 =	simm.s32 $0x9;
	_ =	strace $0x80000048  }
0xb3: {  	_ =	swait.ge [sflag:s29], $0x1  }
0xb4: {  	[sflag:s29] =	ssyncadd.s32 $0xFFFFFFFF  }
0xb5: {  	_ =	strace $0x90000048  }
0xb6: {  	_ =	sfence  }
0xb7: {  	s30 =	sld [smem:$0x0];
	_ =	sdelay $0x2  }
0xb8: {  	s31 =	sshll.u32 s1, $0xD;
	s1 =	sshrl.u32 s1, $0x2  }
0xb9: {  	s3 =	sand.u32 $0x4000, s31;
	s1 =	sadd.s32 s1, s30  }
0xba: {  	s0 =	sor.u32 s3, s0;
	s1 =	sshll.u32 s1, $0x11  }
0xbb: {  	s0 =	sor.u32 s1, s0  }
0xbc: {  	s0 =	sadd.s32 $0x8F2B, s0  }
0xbd: {  	[sflag:s0] =	ssyncadd.remote.s32 $0x1  }
0xbe: {  	_ =	sfence.sel $0xFFFF  }
0xbf: {  	[dreg:$0x0] =	wrdreg $0xFFFFFFFF;
	(pc) =	sbr.abs _section_cstart, $3  }
0xc0: {  	[dreg:$0x1] =	wrdreg $0xFFFFFFFF  }
0xc1: {  	_ =	task.clear_ibuf [dreg:s7], $0x2FFFF;
	_ =	strace $0x9FFFFFFF  }
0xc2: {  	(tm) =	ssettm $0x7FFFFFFF  }
0xc3: {  	_ =	shalt  }
tec
execute0_lowered:
.L_overlay_start_1:
0x0: {  	(tag) =	ssettag $0x1  }
0x1: {  	s7 =	rddreg [dreg:$0x0];
	s1 =	srdreg.scid  }
0x2: {  	s0 =	stileid.u32;
	s5 =	rddreg [dreg:$0x1]  }
0x3: {  	s2 =	simm.s32 $0x0;
	s12 =	simm.s32 $0x4300;
	s13 =	simm.s32 $0x1  }
0x4: {  	s14 =	simm.s32 $0x8300;
	s8 =	sand.u32 $0x1, s1;
	s1 =	rddreg [dreg:$0x2]  }
0x5: {  	s15 =	simm.s32 $0x0;
	s3 =	sshll.u32 s0, $0x1;
	[smem:$0x7FF] =	sst s2  }
0x6: {  	s11 =	sshll.u32 s0, $0xB;
	s4 =	sor.u32 s8, s3;
	_ =	strace $0x80000047  }
0x7: {  	s10 =	ssub.s32 $0x2, s8;
	s31 =	sadd.s32 s11, s7;
	s8 =	sshll.u32 s8, $0xA  }
0x8: {  	s11 =	simm.s32 $0x300;
	s3 =	sshll.u32 s4, $0x6;
	s9 =	sshll.u32 s4, $0xD  }
0x9: {  	s4 =	sadd.s32 $0xC1000, s5;
	s30 =	sshrl.u32 s10, $0x1;
	s8 =	sadd.s32 s8, s31  }
0xa: {  	s6 =	sadd.s32 s3, s5;
	s3 =	sadd.s32 $0x1000, s5;
	s9 =	sadd.s32 s9, s5  }
0xb: {  	s10 =	ssub.s32 s10, s30;
	s5 =	sadd.s32 $0x1800, s6;
	s6 =	sadd.s32 $0x81000, s9  }
0xc: {  	s7 =	smax.u32 s10, $0x1;
	s9 =	simm.s32 $0x80;
	s10 =	simm.s32 $0x2  }
.LBB2_1:
0xd: {  	[tilespmem:s9], [sflag:$0x2] =	stream.linear.gather [hbm4b:s5+s2], $0x200, $0x38;
	[tilespmem:$0x18300] =	vst v63  }
0xe: {  	_ =	swait.ge [sflag:s10], $0x200  }
0xf: {  	[sflag:s10] =	ssyncset.done $0x0  }
0x10: {  	[sflag:s10] =	ssyncadd.s32 $0xFFFFFE00  }
0x11: {  	[tilespmem:s11], [sflag:$0x2] =	stream.linear.gather [hbm4b:s3+s2], $0x4000, $0x38;
	[tilespmem:$0x18300] =	vst v63  }
0x12: {  	_ =	swait.ge [sflag:s10], $0x4000  }
0x13: {  	s16 =	simm.s32 $0x8500;
	[sflag:s10] =	ssyncset.done $0x0  }
0x14: {  	s17 =	smov.u32 s8;
	s18 =	simm.s32 $0x0;
	[sflag:s10] =	ssyncadd.s32 $0xFFFFC000  }
.LBB2_2:
0x15: {  	[tilespmem:s2], [sflag:$0x2] =	stream.linear.gather [hbm4b:s17+s2], $0x80, $0x38;
	[tilespmem:$0x18300] =	vst v63  }
0x16: {  	_ =	swait.ge [sflag:s10], $0x80  }
0x17: {  	[sflag:s10] =	ssyncset.done $0x0  }
0x18: {  	[sflag:s10] =	ssyncadd.s32 $0xFFFFFF80  }
0x19: {  	[tilespmem:s12], [sflag:$0x1] =	stream.indirect.gather [hbm4b:s4+s9], $0x80, s2, s9, $0xb8;
	[tilespmem:$0x18300] =	vst v63  }
0x1a: {  	_ =	swait.ge [sflag:s13], $0x4000  }
0x1b: {  	[sflag:s13] =	ssyncset.done $0x0  }
0x1c: {  	[sflag:s13] =	ssyncadd.s32 $0xFFFFC000  }
0x1d: {  	v1 =	vld [tilespmem:$0x0];
	_ =	sdelay $0x4  }
0x1e: {  	s19 =	sshra.s32 s18, $0x2  }
0x1f: {  	v0 =	vld [tilespmem:s19+$0x80];
	_ =	sdelay $0x1  }
0x20: {  	v1 =	vld.idx.msk [tilespmem:v1+s11+$0x0], $0xffff;
	_ =	sdelay $0x2  }
0x21: {  	v2 =	vbroadcast v0, $0x0;
	_ =	sdelay $0x1  }
0x22: {  	v1 =	vmul.f32 v1, v2;
	_ =	sdelay $0x1  }
0x23: {  	(xrf0) =	vmax.scan.msk.f32 $0xffff, v1;
	_ =	sdelay $0x5  }
0x24: {  	v29, _, _ =	vpop (xrf0)  }
0x25: {  	v2 =	vbroadcast v29, $0xF;
	_ =	sdelay $0x1  }
0x26: {  	v1 =	vsub.f32 v1, v2;
	_ =	sdelay $0x1  }
0x27: {  	v1 =	vmul.f32 $1.442695020e+00, v1;
	_ =	sdelay $0x1  }
0x28: {  	(erf) = vpow2.f32 v1;
	_ =	sdelay $0x8  }
0x29: {  	v1 =	vpop (erf)  }
0x2a: {  	(xrf2) =	vadd.scan.msk.f32 $0xffff, v1;
	_ =	sdelay $0x9  }
0x2b: {  	v30, _, _ =	vpop (xrf2)  }
0x2c: {  	v2 =	vbroadcast v30, $0xF;
	_ =	sdelay $0x1  }
0x2d: {  	(erf) = vrcp.f32 v2;
	_ =	sdelay $0x8  }
0x2e: {  	v3 =	vld [tilespmem:$0x4300];
	v2 =	vpop (erf)  }
0x2f: {  	v4 =	vld [tilespmem:$0x4380];
	v16 =	vmul.f32 v2, v1;
	_ =	sdelay $0x1  }
0x30: {  	v5 =	vld [tilespmem:$0x4400];
	v1 =	vbroadcast v16, $0x0  }
0x31: {  	v2 =	vbroadcast v16, $0x1  }
0x32: {  	v7 =	vld [tilespmem:$0x4480];
	v6 =	vmul.f32 v1, v3  }
0x33: {  	v4 =	vmul.f32 v2, v4;
	v3 =	vbroadcast v16, $0x2  }
0x34: {  	v8 =	vld [tilespmem:$0x4500]  }
0x35: {  	v6 =	vadd.f32 v4, v6;
	v5 =	vmul.f32 v3, v5;
	v4 =	vbroadcast v16, $0x3  }
0x36: {  	v9 =	vld [tilespmem:$0x4580]  }
0x37: {  	v6 =	vadd.f32 v6, v5;
	v7 =	vmul.f32 v4, v7;
	v5 =	vbroadcast v16, $0x4  }
0x38: {  	v10 =	vld [tilespmem:$0x4600]  }
0x39: {  	v7 =	vadd.f32 v6, v7;
	v8 =	vmul.f32 v5, v8;
	v6 =	vbroadcast v16, $0x5  }
0x3a: {  	v11 =	vld [tilespmem:$0x4680]  }
0x3b: {  	v8 =	vadd.f32 v7, v8;
	v9 =	vmul.f32 v6, v9;
	v7 =	vbroadcast v16, $0x6  }
0x3c: {  	v12 =	vld [tilespmem:$0x4700]  }
0x3d: {  	v9 =	vadd.f32 v8, v9;
	v10 =	vmul.f32 v7, v10;
	v8 =	vbroadcast v16, $0x7  }
0x3e: {  	v13 =	vld [tilespmem:$0x4780]  }
0x3f: {  	v10 =	vadd.f32 v9, v10;
	v11 =	vmul.f32 v8, v11;
	v9 =	vbroadcast v16, $0x8  }
0x40: {  	v14 =	vld [tilespmem:$0x4800]  }
0x41: {  	v11 =	vadd.f32 v10, v11;
	v12 =	vmul.f32 v9, v12;
	v10 =	vbroadcast v16, $0x9  }
0x42: {  	v15 =	vld [tilespmem:$0x4880]  }
0x43: {  	v12 =	vadd.f32 v11, v12;
	v13 =	vmul.f32 v10, v13;
	v11 =	vbroadcast v16, $0xA  }
0x44: {  	v17 =	vld [tilespmem:$0x4900]  }
0x45: {  	v13 =	vadd.f32 v12, v13;
	v14 =	vmul.f32 v11, v14;
	v12 =	vbroadcast v16, $0xB  }
0x46: {  	v18 =	vld [tilespmem:$0x4980]  }
0x47: {  	v14 =	vadd.f32 v13, v14;
	v15 =	vmul.f32 v12, v15;
	v13 =	vbroadcast v16, $0xC  }
0x48: {  	v19 =	vld [tilespmem:$0x4A00]  }
0x49: {  	v15 =	vadd.f32 v14, v15;
	v17 =	vmul.f32 v17, v13;
	v14 =	vbroadcast v16, $0xD  }
0x4a: {  	v20 =	vld [tilespmem:$0x4A80]  }
0x4b: {  	v17 =	vadd.f32 v15, v17;
	v18 =	vmul.f32 v18, v14;
	v15 =	vbroadcast v16, $0xE;
	_ =	sdelay $0x1  }
0x4c: {  	v16 =	vbroadcast v16, $0xF;
	v17 =	vadd.f32 v17, v18;
	v31 =	vmul.f32 v19, v15;
	_ =	sdelay $0x1  }
0x4d: {  	v32 =	vmul.f32 v20, v16;
	v17 =	vadd.f32 v17, v31;
	_ =	sdelay $0x1  }
0x4e: {  	v17 =	vadd.f32 v17, v32;
	_ =	sdelay $0x1  }
0x4f: {  	[tilespmem:s16+$0xFFFFFE00] =	vst v17  }
0x50: {  	v17 =	vld [tilespmem:$0x4310]  }
0x51: {  	v33 =	vld [tilespmem:$0x4390];
	_ =	sdelay $0x1  }
0x52: {  	v34 =	vld [tilespmem:$0x4410];
	_ =	sdelay $0x1  }
0x53: {  	v35 =	vld [tilespmem:$0x4490]  }
0x54: {  	v17 =	vmul.f32 v17, v1;
	v18 =	vmul.f32 v33, v2  }
0x55: {  	v21 =	vld [tilespmem:$0x4510]  }
0x56: {  	v36 =	vmul.f32 v34, v3;
	v17 =	vadd.f32 v18, v17  }
0x57: {  	v37 =	vld [tilespmem:$0x4590]  }
0x58: {  	v38 =	vmul.f32 v35, v4;
	v17 =	vadd.f32 v36, v17  }
0x59: {  	v39 =	vld [tilespmem:$0x4610]  }
0x5a: {  	v40 =	vmul.f32 v21, v5;
	v17 =	vadd.f32 v38, v17  }
0x5b: {  	v41 =	vld [tilespmem:$0x4690]  }
0x5c: {  	v42 =	vmul.f32 v37, v6;
	v17 =	vadd.f32 v40, v17  }
0x5d: {  	v43 =	vld [tilespmem:$0x4710]  }
0x5e: {  	v44 =	vmul.f32 v39, v7;
	v17 =	vadd.f32 v42, v17  }
0x5f: {  	v45 =	vld [tilespmem:$0x4790]  }
0x60: {  	v46 =	vmul.f32 v41, v8;
	v17 =	vadd.f32 v44, v17  }
0x61: {  	v47 =	vld [tilespmem:$0x4810]  }
0x62: {  	v48 =	vmul.f32 v43, v9;
	v17 =	vadd.f32 v46, v17  }
0x63: {  	v49 =	vld [tilespmem:$0x4890]  }
0x64: {  	v50 =	vmul.f32 v45, v10;
	v17 =	vadd.f32 v48, v17  }
0x65: {  	v51 =	vld [tilespmem:$0x4910]  }
0x66: {  	v52 =	vmul.f32 v47, v11;
	v17 =	vadd.f32 v50, v17  }
0x67: {  	v53 =	vld [tilespmem:$0x4990]  }
0x68: {  	v54 =	vmul.f32 v49, v12;
	v17 =	vadd.f32 v52, v17  }
0x69: {  	v55 =	vld [tilespmem:$0x4A10]  }
0x6a: {  	v56 =	vmul.f32 v51, v13;
	v17 =	vadd.f32 v54, v17  }
0x6b: {  	v57 =	vld [tilespmem:$0x4A90]  }
0x6c: {  	v58 =	vmul.f32 v53, v14;
	v17 =	vadd.f32 v56, v17;
	_ =	sdelay $0x1  }
0x6d: {  	v59 =	vmul.f32 v55, v15;
	v17 =	vadd.f32 v58, v17;
	_ =	sdelay $0x1  }
0x6e: {  	v60 =	vmul.f32 v57, v16;
	v17 =	vadd.f32 v59, v17;
	_ =	sdelay $0x1  }
0x6f: {  	v17 =	vadd.f32 v60, v17;
	_ =	sdelay $0x1  }
0x70: {  	[tilespmem:s16+$0xFFFFFE10] =	vst v17  }
0x71: {  	v17 =	vld [tilespmem:$0x4320]  }
0x72: {  	v61 =	vld [tilespmem:$0x43A0];
	_ =	sdelay $0x1  }
0x73: {  	v62 =	vld [tilespmem:$0x4420];
	_ =	sdelay $0x1  }
0x74: {  	v63 =	vld [tilespmem:$0x44A0]  }
0x75: {  	v17 =	vmul.f32 v17, v1;
	v18 =	vmul.f32 v61, v2  }
0x76: {  	v24 =	vld [tilespmem:$0x4520]  }
0x77: {  	v25 =	vmul.f32 v62, v3;
	v17 =	vadd.f32 v18, v17  }
0x78: {  	v26 =	vld [tilespmem:$0x45A0]  }
0x79: {  	v27 =	vmul.f32 v63, v4;
	v17 =	vadd.f32 v25, v17  }
0x7a: {  	v28 =	vld [tilespmem:$0x4620]  }
0x7b: {  	v29 =	vmul.f32 v24, v5;
	v17 =	vadd.f32 v27, v17  }
0x7c: {  	v30 =	vld [tilespmem:$0x46A0]  }
0x7d: {  	v31 =	vmul.f32 v26, v6;
	v17 =	vadd.f32 v29, v17  }
0x7e: {  	v32 =	vld [tilespmem:$0x4720]  }
0x7f: {  	v33 =	vmul.f32 v28, v7;
	v17 =	vadd.f32 v31, v17  }
0x80: {  	v34 =	vld [tilespmem:$0x47A0]  }
0x81: {  	v35 =	vmul.f32 v30, v8;
	v17 =	vadd.f32 v33, v17  }
0x82: {  	v36 =	vld [tilespmem:$0x4820]  }
0x83: {  	v37 =	vmul.f32 v32, v9;
	v17 =	vadd.f32 v35, v17  }
0x84: {  	v38 =	vld [tilespmem:$0x48A0]  }
0x85: {  	v39 =	vmul.f32 v34, v10;
	v17 =	vadd.f32 v37, v17  }
0x86: {  	v40 =	vld [tilespmem:$0x4920]  }
0x87: {  	v41 =	vmul.f32 v36, v11;
	v17 =	vadd.f32 v39, v17  }
0x88: {  	v42 =	vld [tilespmem:$0x49A0]  }
0x89: {  	v43 =	vmul.f32 v38, v12;
	v17 =	vadd.f32 v41, v17  }
0x8a: {  	v44 =	vld [tilespmem:$0x4A20]  }
0x8b: {  	v45 =	vmul.f32 v40, v13;
	v17 =	vadd.f32 v43, v17  }
0x8c: {  	v46 =	vld [tilespmem:$0x4AA0]  }
0x8d: {  	v47 =	vmul.f32 v42, v14;
	v17 =	vadd.f32 v45, v17;
	_ =	sdelay $0x1  }
0x8e: {  	v48 =	vmul.f32 v44, v15;
	v17 =	vadd.f32 v47, v17;
	_ =	sdelay $0x1  }
0x8f: {  	v49 =	vmul.f32 v46, v16;
	v17 =	vadd.f32 v48, v17;
	_ =	sdelay $0x1  }
0x90: {  	v17 =	vadd.f32 v49, v17;
	_ =	sdelay $0x1  }
0x91: {  	[tilespmem:s16+$0xFFFFFE20] =	vst v17  }
0x92: {  	v17 =	vld [tilespmem:$0x4330]  }
0x93: {  	v50 =	vld [tilespmem:$0x43B0];
	_ =	sdelay $0x1  }
0x94: {  	v51 =	vld [tilespmem:$0x4430];
	_ =	sdelay $0x1  }
0x95: {  	v52 =	vld [tilespmem:$0x44B0]  }
0x96: {  	v1 =	vmul.f32 v17, v1;
	v2 =	vmul.f32 v50, v2  }
0x97: {  	v53 =	vld [tilespmem:$0x4530]  }
0x98: {  	v54 =	vmul.f32 v51, v3;
	v1 =	vadd.f32 v2, v1  }
0x99: {  	v55 =	vld [tilespmem:$0x45B0]  }
0x9a: {  	v56 =	vmul.f32 v52, v4;
	v1 =	vadd.f32 v54, v1  }
0x9b: {  	v57 =	vld [tilespmem:$0x4630]  }
0x9c: {  	v58 =	vmul.f32 v53, v5;
	v1 =	vadd.f32 v56, v1  }
0x9d: {  	v59 =	vld [tilespmem:$0x46B0]  }
0x9e: {  	v60 =	vmul.f32 v55, v6;
	v1 =	vadd.f32 v58, v1  }
0x9f: {  	v61 =	vld [tilespmem:$0x4730]  }
0xa0: {  	v62 =	vmul.f32 v57, v7;
	v1 =	vadd.f32 v60, v1  }
0xa1: {  	v63 =	vld [tilespmem:$0x47B0]  }
0xa2: {  	v8 =	vmul.f32 v59, v8;
	v1 =	vadd.f32 v62, v1  }
0xa3: {  	v17 =	vld [tilespmem:$0x4830]  }
0xa4: {  	v18 =	vmul.f32 v61, v9;
	v1 =	vadd.f32 v8, v1  }
0xa5: {  	v19 =	vld [tilespmem:$0x48B0]  }
0xa6: {  	v20 =	vmul.f32 v63, v10;
	v1 =	vadd.f32 v18, v1  }
0xa7: {  	v21 =	vld [tilespmem:$0x4930]  }
0xa8: {  	v22 =	vmul.f32 v17, v11;
	v1 =	vadd.f32 v20, v1  }
0xa9: {  	v23 =	vld [tilespmem:$0x49B0]  }
0xaa: {  	v24 =	vmul.f32 v19, v12;
	v1 =	vadd.f32 v22, v1  }
0xab: {  	v25 =	vld [tilespmem:$0x4A30]  }
0xac: {  	v26 =	vmul.f32 v21, v13;
	v1 =	vadd.f32 v24, v1  }
0xad: {  	v27 =	vld [tilespmem:$0x4AB0]  }
0xae: {  	v28 =	vmul.f32 v23, v14;
	v1 =	vadd.f32 v26, v1;
	_ =	sdelay $0x1  }
0xaf: {  	v29 =	vmul.f32 v25, v15;
	v1 =	vadd.f32 v28, v1;
	_ =	sdelay $0x1  }
0xb0: {  	v30 =	vmul.f32 v27, v16;
	v1 =	vadd.f32 v29, v1;
	_ =	sdelay $0x1  }
0xb1: {  	v1 =	vadd.f32 v30, v1;
	_ =	sdelay $0x1  }
0xb2: {  	[tilespmem:s16+$0xFFFFFE30] =	vst v1  }
0xb3: {  	v1 =	vld [tilespmem:$0x10];
	_ =	sdelay $0x7  }
0xb4: {  	v1 =	vld.idx.msk [tilespmem:v1+s11+$0x0], $0xffff;
	_ =	sdelay $0x2  }
0xb5: {  	v31 =	vbroadcast v0, $0x1;
	_ =	sdelay $0x1  }
0xb6: {  	v1 =	vmul.f32 v1, v31;
	_ =	sdelay $0x1  }
0xb7: {  	(xrf0) =	vmax.scan.msk.f32 $0xffff, v1;
	_ =	sdelay $0x5  }
0xb8: {  	v32, _, _ =	vpop (xrf0)  }
0xb9: {  	v2 =	vbroadcast v32, $0xF;
	_ =	sdelay $0x1  }
0xba: {  	v1 =	vsub.f32 v1, v2;
	_ =	sdelay $0x1  }
0xbb: {  	v1 =	vmul.f32 $1.442695020e+00, v1;
	_ =	sdelay $0x1  }
0xbc: {  	(erf) = vpow2.f32 v1;
	_ =	sdelay $0x8  }
0xbd: {  	v1 =	vpop (erf)  }
0xbe: {  	(xrf2) =	vadd.scan.msk.f32 $0xffff, v1;
	_ =	sdelay $0x9  }
0xbf: {  	v33, _, _ =	vpop (xrf2)  }
0xc0: {  	v2 =	vbroadcast v33, $0xF;
	_ =	sdelay $0x1  }
0xc1: {  	(erf) = vrcp.f32 v2;
	_ =	sdelay $0x7  }
0xc2: {  	v34 =	vld [tilespmem:$0x4B00]  }
0xc3: {  	v36 =	vld [tilespmem:$0x4B80];
	v2 =	vpop (erf)  }
0xc4: {  	v35 =	vmul.f32 v2, v1  }
0xc5: {  	v37 =	vld [tilespmem:$0x4C00]  }
0xc6: {  	v1 =	vbroadcast v35, $0x0;
	v2 =	vbroadcast v35, $0x1  }
0xc7: {  	v39 =	vld [tilespmem:$0x4C80];
	v3 =	vbroadcast v35, $0x2  }
0xc8: {  	v38 =	vmul.f32 v1, v34;
	v4 =	vmul.f32 v2, v36  }
0xc9: {  	v40 =	vld [tilespmem:$0x4D00]  }
0xca: {  	v5 =	vmul.f32 v3, v37;
	v6 =	vadd.f32 v4, v38;
	v4 =	vbroadcast v35, $0x3  }
0xcb: {  	v41 =	vld [tilespmem:$0x4D80]  }
0xcc: {  	v6 =	vadd.f32 v6, v5;
	v7 =	vmul.f32 v4, v39;
	v5 =	vbroadcast v35, $0x4  }
0xcd: {  	v42 =	vld [tilespmem:$0x4E00]  }
0xce: {  	v7 =	vadd.f32 v6, v7;
	v8 =	vmul.f32 v5, v40;
	v6 =	vbroadcast v35, $0x5  }
0xcf: {  	v43 =	vld [tilespmem:$0x4E80]  }
0xd0: {  	v8 =	vadd.f32 v7, v8;
	v9 =	vmul.f32 v6, v41;
	v7 =	vbroadcast v35, $0x6  }
0xd1: {  	v44 =	vld [tilespmem:$0x4F00]  }
0xd2: {  	v9 =	vadd.f32 v8, v9;
	v10 =	vmul.f32 v7, v42;
	v8 =	vbroadcast v35, $0x7  }
0xd3: {  	v45 =	vld [tilespmem:$0x4F80]  }
0xd4: {  	v10 =	vadd.f32 v9, v10;
	v11 =	vmul.f32 v8, v43;
	v9 =	vbroadcast v35, $0x8  }
0xd5: {  	v46 =	vld [tilespmem:$0x5000]  }
0xd6: {  	v11 =	vadd.f32 v10, v11;
	v12 =	vmul.f32 v9, v44;
	v10 =	vbroadcast v35, $0x9  }
0xd7: {  	v47 =	vld [tilespmem:$0x5080]  }
0xd8: {  	v12 =	vadd.f32 v11, v12;
	v13 =	vmul.f32 v10, v45;
	v11 =	vbroadcast v35, $0xA  }
0xd9: {  	v48 =	vld [tilespmem:$0x5100]  }
0xda: {  	v13 =	vadd.f32 v12, v13;
	v14 =	vmul.f32 v11, v46;
	v12 =	vbroadcast v35, $0xB  }
0xdb: {  	v49 =	vld [tilespmem:$0x5180]  }
0xdc: {  	v14 =	vadd.f32 v13, v14;
	v15 =	vmul.f32 v12, v47;
	v13 =	vbroadcast v35, $0xC  }
0xdd: {  	v50 =	vld [tilespmem:$0x5200]  }
0xde: {  	v15 =	vadd.f32 v14, v15;
	v17 =	vmul.f32 v48, v13;
	v14 =	vbroadcast v35, $0xD  }
0xdf: {  	v51 =	vld [tilespmem:$0x5280]  }
0xe0: {  	v17 =	vadd.f32 v15, v17;
	v18 =	vmul.f32 v49, v14;
	v15 =	vbroadcast v35, $0xE;
	_ =	sdelay $0x1  }
0xe1: {  	v16 =	vbroadcast v35, $0xF;
	v17 =	vadd.f32 v17, v18;
	v52 =	vmul.f32 v50, v15;
	_ =	sdelay $0x1  }
0xe2: {  	v53 =	vmul.f32 v51, v16;
	v17 =	vadd.f32 v17, v52;
	_ =	sdelay $0x1  }
0xe3: {  	v17 =	vadd.f32 v17, v53;
	_ =	sdelay $0x1  }
0xe4: {  	[tilespmem:s16+$0xFFFFFE80] =	vst v17  }
0xe5: {  	v17 =	vld [tilespmem:$0x4B10]  }
0xe6: {  	v54 =	vld [tilespmem:$0x4B90];
	_ =	sdelay $0x1  }
0xe7: {  	v55 =	vld [tilespmem:$0x4C10];
	_ =	sdelay $0x1  }
0xe8: {  	v56 =	vld [tilespmem:$0x4C90]  }
0xe9: {  	v17 =	vmul.f32 v17, v1;
	v18 =	vmul.f32 v54, v2  }
0xea: {  	v57 =	vld [tilespmem:$0x4D10]  }
0xeb: {  	v58 =	vmul.f32 v55, v3;
	v17 =	vadd.f32 v18, v17  }
0xec: {  	v59 =	vld [tilespmem:$0x4D90]  }
0xed: {  	v60 =	vmul.f32 v56, v4;
	v17 =	vadd.f32 v58, v17  }
0xee: {  	v61 =	vld [tilespmem:$0x4E10]  }
0xef: {  	v62 =	vmul.f32 v57, v5;
	v17 =	vadd.f32 v60, v17  }
0xf0: {  	v63 =	vld [tilespmem:$0x4E90]  }
0xf1: {  	v23 =	vmul.f32 v59, v6;
	v17 =	vadd.f32 v62, v17  }
0xf2: {  	v24 =	vld [tilespmem:$0x4F10]  }
0xf3: {  	v25 =	vmul.f32 v61, v7;
	v17 =	vadd.f32 v23, v17  }
0xf4: {  	v26 =	vld [tilespmem:$0x4F90]  }
0xf5: {  	v27 =	vmul.f32 v63, v8;
	v17 =	vadd.f32 v25, v17  }
0xf6: {  	v28 =	vld [tilespmem:$0x5010]  }
0xf7: {  	v29 =	vmul.f32 v24, v9;
	v17 =	vadd.f32 v27, v17  }
0xf8: {  	v30 =	vld [tilespmem:$0x5090]  }
0xf9: {  	v31 =	vmul.f32 v26, v10;
	v17 =	vadd.f32 v29, v17  }
0xfa: {  	v32 =	vld [tilespmem:$0x5110]  }
0xfb: {  	v33 =	vmul.f32 v28, v11;
	v17 =	vadd.f32 v31, v17  }
0xfc: {  	v34 =	vld [tilespmem:$0x5190]  }
0xfd: {  	v35 =	vmul.f32 v30, v12;
	v17 =	vadd.f32 v33, v17  }
0xfe: {  	v36 =	vld [tilespmem:$0x5210]  }
0xff: {  	v37 =	vmul.f32 v32, v13;
	v17 =	vadd.f32 v35, v17  }
0x100: {  	v38 =	vld [tilespmem:$0x5290]  }
0x101: {  	v39 =	vmul.f32 v34, v14;
	v17 =	vadd.f32 v37, v17;
	_ =	sdelay $0x1  }
0x102: {  	v40 =	vmul.f32 v36, v15;
	v17 =	vadd.f32 v39, v17;
	_ =	sdelay $0x1  }
0x103: {  	v41 =	vmul.f32 v38, v16;
	v17 =	vadd.f32 v40, v17;
	_ =	sdelay $0x1  }
0x104: {  	v17 =	vadd.f32 v41, v17;
	_ =	sdelay $0x1  }
0x105: {  	[tilespmem:s16+$0xFFFFFE90] =	vst v17  }
0x106: {  	v17 =	vld [tilespmem:$0x4B20]  }
0x107: {  	v42 =	vld [tilespmem:$0x4BA0];
	_ =	sdelay $0x1  }
0x108: {  	v43 =	vld [tilespmem:$0x4C20];
	_ =	sdelay $0x1  }
0x109: {  	v44 =	vld [tilespmem:$0x4CA0]  }
0x10a: {  	v17 =	vmul.f32 v17, v1;
	v18 =	vmul.f32 v42, v2  }
0x10b: {  	v45 =	vld [tilespmem:$0x4D20]  }
0x10c: {  	v46 =	vmul.f32 v43, v3;
	v17 =	vadd.f32 v18, v17  }
0x10d: {  	v47 =	vld [tilespmem:$0x4DA0]  }
0x10e: {  	v48 =	vmul.f32 v44, v4;
	v17 =	vadd.f32 v46, v17  }
0x10f: {  	v49 =	vld [tilespmem:$0x4E20]  }
0x110: {  	v50 =	vmul.f32 v45, v5;
	v17 =	vadd.f32 v48, v17  }
0x111: {  	v51 =	vld [tilespmem:$0x4EA0]  }
0x112: {  	v52 =	vmul.f32 v47, v6;
	v17 =	vadd.f32 v50, v17  }
0x113: {  	v53 =	vld [tilespmem:$0x4F20]  }
0x114: {  	v54 =	vmul.f32 v49, v7;
	v17 =	vadd.f32 v52, v17  }
0x115: {  	v55 =	vld [tilespmem:$0x4FA0]  }
0x116: {  	v56 =	vmul.f32 v51, v8;
	v17 =	vadd.f32 v54, v17  }
0x117: {  	v57 =	vld [tilespmem:$0x5020]  }
0x118: {  	v58 =	vmul.f32 v53, v9;
	v17 =	vadd.f32 v56, v17  }
0x119: {  	v59 =	vld [tilespmem:$0x50A0]  }
0x11a: {  	v60 =	vmul.f32 v55, v10;
	v17 =	vadd.f32 v58, v17  }
0x11b: {  	v61 =	vld [tilespmem:$0x5120]  }
0x11c: {  	v62 =	vmul.f32 v57, v11;
	v17 =	vadd.f32 v60, v17  }
0x11d: {  	v63 =	vld [tilespmem:$0x51A0]  }
0x11e: {  	v23 =	vmul.f32 v59, v12;
	v17 =	vadd.f32 v62, v17  }
0x11f: {  	v24 =	vld [tilespmem:$0x5220]  }
0x120: {  	v25 =	vmul.f32 v61, v13;
	v17 =	vadd.f32 v23, v17  }
0x121: {  	v26 =	vld [tilespmem:$0x52A0]  }
0x122: {  	v27 =	vmul.f32 v63, v14;
	v17 =	vadd.f32 v25, v17;
	_ =	sdelay $0x1  }
0x123: {  	v28 =	vmul.f32 v24, v15;
	v17 =	vadd.f32 v27, v17;
	_ =	sdelay $0x1  }
0x124: {  	v29 =	vmul.f32 v26, v16;
	v17 =	vadd.f32 v28, v17;
	_ =	sdelay $0x1  }
0x125: {  	v17 =	vadd.f32 v29, v17;
	_ =	sdelay $0x1  }
0x126: {  	[tilespmem:s16+$0xFFFFFEA0] =	vst v17  }
0x127: {  	v17 =	vld [tilespmem:$0x4B30]  }
0x128: {  	v30 =	vld [tilespmem:$0x4BB0];
	_ =	sdelay $0x1  }
0x129: {  	v31 =	vld [tilespmem:$0x4C30];
	_ =	sdelay $0x1  }
0x12a: {  	v32 =	vld [tilespmem:$0x4CB0]  }
0x12b: {  	v1 =	vmul.f32 v17, v1;
	v2 =	vmul.f32 v30, v2  }
0x12c: {  	v33 =	vld [tilespmem:$0x4D30]  }
0x12d: {  	v34 =	vmul.f32 v31, v3;
	v1 =	vadd.f32 v2, v1  }
0x12e: {  	v35 =	vld [tilespmem:$0x4DB0]  }
0x12f: {  	v36 =	vmul.f32 v32, v4;
	v1 =	vadd.f32 v34, v1  }
0x130: {  	v37 =	vld [tilespmem:$0x4E30]  }
0x131: {  	v38 =	vmul.f32 v33, v5;
	v1 =	vadd.f32 v36, v1  }
0x132: {  	v39 =	vld [tilespmem:$0x4EB0]  }
0x133: {  	v40 =	vmul.f32 v35, v6;
	v1 =	vadd.f32 v38, v1  }
0x134: {  	v41 =	vld [tilespmem:$0x4F30]  }
0x135: {  	v42 =	vmul.f32 v37, v7;
	v1 =	vadd.f32 v40, v1  }
0x136: {  	v43 =	vld [tilespmem:$0x4FB0]  }
0x137: {  	v44 =	vmul.f32 v39, v8;
	v1 =	vadd.f32 v42, v1  }
0x138: {  	v45 =	vld [tilespmem:$0x5030]  }
0x139: {  	v46 =	vmul.f32 v41, v9;
	v1 =	vadd.f32 v44, v1  }
0x13a: {  	v47 =	vld [tilespmem:$0x50B0]  }
0x13b: {  	v48 =	vmul.f32 v43, v10;
	v1 =	vadd.f32 v46, v1  }
0x13c: {  	v49 =	vld [tilespmem:$0x5130]  }
0x13d: {  	v50 =	vmul.f32 v45, v11;
	v1 =	vadd.f32 v48, v1  }
0x13e: {  	v51 =	vld [tilespmem:$0x51B0]  }
0x13f: {  	v52 =	vmul.f32 v47, v12;
	v1 =	vadd.f32 v50, v1  }
0x140: {  	v53 =	vld [tilespmem:$0x5230]  }
0x141: {  	v54 =	vmul.f32 v49, v13;
	v1 =	vadd.f32 v52, v1  }
0x142: {  	v55 =	vld [tilespmem:$0x52B0]  }
0x143: {  	v56 =	vmul.f32 v51, v14;
	v1 =	vadd.f32 v54, v1;
	_ =	sdelay $0x1  }
0x144: {  	v57 =	vmul.f32 v53, v15;
	v1 =	vadd.f32 v56, v1;
	_ =	sdelay $0x1  }
0x145: {  	v58 =	vmul.f32 v55, v16;
	v1 =	vadd.f32 v57, v1;
	_ =	sdelay $0x1  }
0x146: {  	v1 =	vadd.f32 v58, v1;
	_ =	sdelay $0x1  }
0x147: {  	[tilespmem:s16+$0xFFFFFEB0] =	vst v1  }
0x148: {  	v1 =	vld [tilespmem:$0x20];
	_ =	sdelay $0x7  }
0x149: {  	v1 =	vld.idx.msk [tilespmem:v1+s11+$0x0], $0xffff;
	_ =	sdelay $0x2  }
0x14a: {  	v59 =	vbroadcast v0, $0x2;
	_ =	sdelay $0x1  }
0x14b: {  	v1 =	vmul.f32 v1, v59;
	_ =	sdelay $0x1  }
0x14c: {  	(xrf0) =	vmax.scan.msk.f32 $0xffff, v1;
	_ =	sdelay $0x5  }
0x14d: {  	v60, _, _ =	vpop (xrf0)  }
0x14e: {  	v2 =	vbroadcast v60, $0xF;
	_ =	sdelay $0x1  }
0x14f: {  	v1 =	vsub.f32 v1, v2;
	_ =	sdelay $0x1  }
0x150: {  	v1 =	vmul.f32 $1.442695020e+00, v1;
	_ =	sdelay $0x1  }
0x151: {  	(erf) = vpow2.f32 v1;
	_ =	sdelay $0x8  }
0x152: {  	v1 =	vpop (erf)  }
0x153: {  	(xrf2) =	vadd.scan.msk.f32 $0xffff, v1;
	_ =	sdelay $0x9  }
0x154: {  	v61, _, _ =	vpop (xrf2)  }
0x155: {  	v2 =	vbroadcast v61, $0xF;
	_ =	sdelay $0x1  }
0x156: {  	(erf) = vrcp.f32 v2;
	_ =	sdelay $0x7  }
0x157: {  	v62 =	vld [tilespmem:$0x5300]  }
0x158: {  	v13 =	vld [tilespmem:$0x5380];
	v2 =	vpop (erf)  }
0x159: {  	v63 =	vmul.f32 v2, v1  }
0x15a: {  	v14 =	vld [tilespmem:$0x5400]  }
0x15b: {  	v1 =	vbroadcast v63, $0x0;
	v2 =	vbroadcast v63, $0x1  }
0x15c: {  	v17 =	vld [tilespmem:$0x5480];
	v3 =	vbroadcast v63, $0x2  }
0x15d: {  	v15 =	vmul.f32 v1, v62;
	v4 =	vmul.f32 v2, v13  }
0x15e: {  	v18 =	vld [tilespmem:$0x5500]  }
0x15f: {  	v5 =	vmul.f32 v3, v14;
	v6 =	vadd.f32 v4, v15;
	v4 =	vbroadcast v63, $0x3  }
0x160: {  	v19 =	vld [tilespmem:$0x5580]  }
0x161: {  	v6 =	vadd.f32 v6, v5;
	v7 =	vmul.f32 v4, v17;
	v5 =	vbroadcast v63, $0x4  }
0x162: {  	v20 =	vld [tilespmem:$0x5600]  }
0x163: {  	v7 =	vadd.f32 v6, v7;
	v8 =	vmul.f32 v5, v18;
	v6 =	vbroadcast v63, $0x5  }
0x164: {  	v21 =	vld [tilespmem:$0x5680]  }
0x165: {  	v8 =	vadd.f32 v7, v8;
	v9 =	vmul.f32 v6, v19;
	v7 =	vbroadcast v63, $0x6  }
0x166: {  	v22 =	vld [tilespmem:$0x5700]  }
0x167: {  	v9 =	vadd.f32 v8, v9;
	v10 =	vmul.f32 v7, v20;
	v8 =	vbroadcast v63, $0x7  }
0x168: {  	v23 =	vld [tilespmem:$0x5780]  }
0x169: {  	v10 =	vadd.f32 v9, v10;
	v11 =	vmul.f32 v8, v21;
	v9 =	vbroadcast v63, $0x8  }
0x16a: {  	v24 =	vld [tilespmem:$0x5800]  }
0x16b: {  	v11 =	vadd.f32 v10, v11;
	v12 =	vmul.f32 v9, v22;
	v10 =	vbroadcast v63, $0x9  }
0x16c: {  	v25 =	vld [tilespmem:$0x5880]  }
0x16d: {  	v12 =	vadd.f32 v11, v12;
	v13 =	vmul.f32 v10, v23;
	v11 =	vbroadcast v63, $0xA  }
0x16e: {  	v26 =	vld [tilespmem:$0x5900]  }
0x16f: {  	v13 =	vadd.f32 v12, v13;
	v14 =	vmul.f32 v11, v24;
	v12 =	vbroadcast v63, $0xB  }
0x170: {  	v27 =	vld [tilespmem:$0x5980]  }
0x171: {  	v14 =	vadd.f32 v13, v14;
	v15 =	vmul.f32 v12, v25;
	v13 =	vbroadcast v63, $0xC  }
0x172: {  	v28 =	vld [tilespmem:$0x5A00]  }
0x173: {  	v15 =	vadd.f32 v14, v15;
	v17 =	vmul.f32 v26, v13;
	v14 =	vbroadcast v63, $0xD  }
0x174: {  	v29 =	vld [tilespmem:$0x5A80]  }
0x175: {  	v17 =	vadd.f32 v15, v17;
	v18 =	vmul.f32 v27, v14;
	v15 =	vbroadcast v63, $0xE;
	_ =	sdelay $0x1  }
0x176: {  	v16 =	vbroadcast v63, $0xF;
	v17 =	vadd.f32 v17, v18;
	v30 =	vmul.f32 v28, v15;
	_ =	sdelay $0x1  }
0x177: {  	v31 =	vmul.f32 v29, v16;
	v17 =	vadd.f32 v17, v30;
	_ =	sdelay $0x1  }
0x178: {  	v17 =	vadd.f32 v17, v31;
	_ =	sdelay $0x1  }
0x179: {  	[tilespmem:s16+$0xFFFFFF00] =	vst v17  }
0x17a: {  	v17 =	vld [tilespmem:$0x5310]  }
0x17b: {  	v32 =	vld [tilespmem:$0x5390];
	_ =	sdelay $0x1  }
0x17c: {  	v33 =	vld [tilespmem:$0x5410];
	_ =	sdelay $0x1  }
0x17d: {  	v34 =	vld [tilespmem:$0x5490]  }
0x17e: {  	v17 =	vmul.f32 v17, v1;
	v18 =	vmul.f32 v32, v2  }
0x17f: {  	v35 =	vld [tilespmem:$0x5510]  }
0x180: {  	v36 =	vmul.f32 v33, v3;
	v17 =	vadd.f32 v18, v17  }
0x181: {  	v37 =	vld [tilespmem:$0x5590]  }
0x182: {  	v38 =	vmul.f32 v34, v4;
	v17 =	vadd.f32 v36, v17  }
0x183: {  	v39 =	vld [tilespmem:$0x5610]  }
0x184: {  	v40 =	vmul.f32 v35, v5;
	v17 =	vadd.f32 v38, v17  }
0x185: {  	v41 =	vld [tilespmem:$0x5690]  }
0x186: {  	v42 =	vmul.f32 v37, v6;
	v17 =	vadd.f32 v40, v17  }
0x187: {  	v43 =	vld [tilespmem:$0x5710]  }
0x188: {  	v44 =	vmul.f32 v39, v7;
	v17 =	vadd.f32 v42, v17  }
0x189: {  	v45 =	vld [tilespmem:$0x5790]  }
0x18a: {  	v46 =	vmul.f32 v41, v8;
	v17 =	vadd.f32 v44, v17  }
0x18b: {  	v47 =	vld [tilespmem:$0x5810]  }
0x18c: {  	v48 =	vmul.f32 v43, v9;
	v17 =	vadd.f32 v46, v17  }
0x18d: {  	v49 =	vld [tilespmem:$0x5890]  }
0x18e: {  	v50 =	vmul.f32 v45, v10;
	v17 =	vadd.f32 v48, v17  }
0x18f: {  	v51 =	vld [tilespmem:$0x5910]  }
0x190: {  	v52 =	vmul.f32 v47, v11;
	v17 =	vadd.f32 v50, v17  }
0x191: {  	v53 =	vld [tilespmem:$0x5990]  }
0x192: {  	v54 =	vmul.f32 v49, v12;
	v17 =	vadd.f32 v52, v17  }
0x193: {  	v55 =	vld [tilespmem:$0x5A10]  }
0x194: {  	v56 =	vmul.f32 v51, v13;
	v17 =	vadd.f32 v54, v17  }
0x195: {  	v57 =	vld [tilespmem:$0x5A90]  }
0x196: {  	v58 =	vmul.f32 v53, v14;
	v17 =	vadd.f32 v56, v17;
	_ =	sdelay $0x1  }
0x197: {  	v59 =	vmul.f32 v55, v15;
	v17 =	vadd.f32 v58, v17;
	_ =	sdelay $0x1  }
0x198: {  	v60 =	vmul.f32 v57, v16;
	v17 =	vadd.f32 v59, v17;
	_ =	sdelay $0x1  }
0x199: {  	v17 =	vadd.f32 v60, v17;
	_ =	sdelay $0x1  }
0x19a: {  	[tilespmem:s16+$0xFFFFFF10] =	vst v17  }
0x19b: {  	v17 =	vld [tilespmem:$0x5320]  }
0x19c: {  	v61 =	vld [tilespmem:$0x53A0];
	_ =	sdelay $0x1  }
0x19d: {  	v62 =	vld [tilespmem:$0x5420];
	_ =	sdelay $0x1  }
0x19e: {  	v63 =	vld [tilespmem:$0x54A0]  }
0x19f: {  	v17 =	vmul.f32 v17, v1;
	v18 =	vmul.f32 v61, v2  }
0x1a0: {  	v24 =	vld [tilespmem:$0x5520]  }
0x1a1: {  	v25 =	vmul.f32 v62, v3;
	v17 =	vadd.f32 v18, v17  }
0x1a2: {  	v26 =	vld [tilespmem:$0x55A0]  }
0x1a3: {  	v27 =	vmul.f32 v63, v4;
	v17 =	vadd.f32 v25, v17  }
0x1a4: {  	v28 =	vld [tilespmem:$0x5620]  }
0x1a5: {  	v29 =	vmul.f32 v24, v5;
	v17 =	vadd.f32 v27, v17  }
0x1a6: {  	v30 =	vld [tilespmem:$0x56A0]  }
0x1a7: {  	v31 =	vmul.f32 v26, v6;
	v17 =	vadd.f32 v29, v17  }
0x1a8: {  	v32 =	vld [tilespmem:$0x5720]  }
0x1a9: {  	v33 =	vmul.f32 v28, v7;
	v17 =	vadd.f32 v31, v17  }
0x1aa: {  	v34 =	vld [tilespmem:$0x57A0]  }
0x1ab: {  	v35 =	vmul.f32 v30, v8;
	v17 =	vadd.f32 v33, v17  }
0x1ac: {  	v36 =	vld [tilespmem:$0x5820]  }
0x1ad: {  	v37 =	vmul.f32 v32, v9;
	v17 =	vadd.f32 v35, v17  }
0x1ae: {  	v38 =	vld [tilespmem:$0x58A0]  }
0x1af: {  	v39 =	vmul.f32 v34, v10;
	v17 =	vadd.f32 v37, v17  }
0x1b0: {  	v40 =	vld [tilespmem:$0x5920]  }
0x1b1: {  	v41 =	vmul.f32 v36, v11;
	v17 =	vadd.f32 v39, v17  }
0x1b2: {  	v42 =	vld [tilespmem:$0x59A0]  }
0x1b3: {  	v43 =	vmul.f32 v38, v12;
	v17 =	vadd.f32 v41, v17  }
0x1b4: {  	v44 =	vld [tilespmem:$0x5A20]  }
0x1b5: {  	v45 =	vmul.f32 v40, v13;
	v17 =	vadd.f32 v43, v17  }
0x1b6: {  	v46 =	vld [tilespmem:$0x5AA0]  }
0x1b7: {  	v47 =	vmul.f32 v42, v14;
	v17 =	vadd.f32 v45, v17;
	_ =	sdelay $0x1  }
0x1b8: {  	v48 =	vmul.f32 v44, v15;
	v17 =	vadd.f32 v47, v17;
	_ =	sdelay $0x1  }
0x1b9: {  	v49 =	vmul.f32 v46, v16;
	v17 =	vadd.f32 v48, v17;
	_ =	sdelay $0x1  }
0x1ba: {  	v17 =	vadd.f32 v49, v17;
	_ =	sdelay $0x1  }
0x1bb: {  	[tilespmem:s16+$0xFFFFFF20] =	vst v17  }
0x1bc: {  	v17 =	vld [tilespmem:$0x5330]  }
0x1bd: {  	v50 =	vld [tilespmem:$0x53B0];
	_ =	sdelay $0x1  }
0x1be: {  	v51 =	vld [tilespmem:$0x5430];
	_ =	sdelay $0x1  }
0x1bf: {  	v52 =	vld [tilespmem:$0x54B0]  }
0x1c0: {  	v1 =	vmul.f32 v17, v1;
	v2 =	vmul.f32 v50, v2  }
0x1c1: {  	v53 =	vld [tilespmem:$0x5530]  }
0x1c2: {  	v54 =	vmul.f32 v51, v3;
	v1 =	vadd.f32 v2, v1  }
0x1c3: {  	v55 =	vld [tilespmem:$0x55B0]  }
0x1c4: {  	v56 =	vmul.f32 v52, v4;
	v1 =	vadd.f32 v54, v1  }
0x1c5: {  	v57 =	vld [tilespmem:$0x5630]  }
0x1c6: {  	v58 =	vmul.f32 v53, v5;
	v1 =	vadd.f32 v56, v1  }
0x1c7: {  	v59 =	vld [tilespmem:$0x56B0]  }
0x1c8: {  	v60 =	vmul.f32 v55, v6;
	v1 =	vadd.f32 v58, v1  }
0x1c9: {  	v61 =	vld [tilespmem:$0x5730]  }
0x1ca: {  	v62 =	vmul.f32 v57, v7;
	v1 =	vadd.f32 v60, v1  }
0x1cb: {  	v63 =	vld [tilespmem:$0x57B0]  }
0x1cc: {  	v8 =	vmul.f32 v59, v8;
	v1 =	vadd.f32 v62, v1  }
0x1cd: {  	v17 =	vld [tilespmem:$0x5830]  }
0x1ce: {  	v18 =	vmul.f32 v61, v9;
	v1 =	vadd.f32 v8, v1  }
0x1cf: {  	v19 =	vld [tilespmem:$0x58B0]  }
0x1d0: {  	v20 =	vmul.f32 v63, v10;
	v1 =	vadd.f32 v18, v1  }
0x1d1: {  	v21 =	vld [tilespmem:$0x5930]  }
0x1d2: {  	v22 =	vmul.f32 v17, v11;
	v1 =	vadd.f32 v20, v1  }
0x1d3: {  	v23 =	vld [tilespmem:$0x59B0]  }
0x1d4: {  	v24 =	vmul.f32 v19, v12;
	v1 =	vadd.f32 v22, v1  }
0x1d5: {  	v25 =	vld [tilespmem:$0x5A30]  }
0x1d6: {  	v26 =	vmul.f32 v21, v13;
	v1 =	vadd.f32 v24, v1  }
0x1d7: {  	v27 =	vld [tilespmem:$0x5AB0]  }
0x1d8: {  	v28 =	vmul.f32 v23, v14;
	v1 =	vadd.f32 v26, v1;
	_ =	sdelay $0x1  }
0x1d9: {  	v29 =	vmul.f32 v25, v15;
	v1 =	vadd.f32 v28, v1;
	_ =	sdelay $0x1  }
0x1da: {  	v30 =	vmul.f32 v27, v16;
	v1 =	vadd.f32 v29, v1;
	_ =	sdelay $0x1  }
0x1db: {  	v1 =	vadd.f32 v30, v1;
	_ =	sdelay $0x1  }
0x1dc: {  	[tilespmem:s16+$0xFFFFFF30] =	vst v1  }
0x1dd: {  	v1 =	vld [tilespmem:$0x30];
	_ =	sdelay $0x7  }
0x1de: {  	v1 =	vld.idx.msk [tilespmem:v1+s11+$0x0], $0xffff;
	_ =	sdelay $0x2  }
0x1df: {  	v31 =	vbroadcast v0, $0x3;
	_ =	sdelay $0x1  }
0x1e0: {  	v1 =	vmul.f32 v1, v31;
	_ =	sdelay $0x1  }
0x1e1: {  	(xrf0) =	vmax.scan.msk.f32 $0xffff, v1;
	_ =	sdelay $0x5  }
0x1e2: {  	v32, _, _ =	vpop (xrf0)  }
0x1e3: {  	v2 =	vbroadcast v32, $0xF;
	_ =	sdelay $0x1  }
0x1e4: {  	v1 =	vsub.f32 v1, v2;
	_ =	sdelay $0x1  }
0x1e5: {  	v1 =	vmul.f32 $1.442695020e+00, v1;
	_ =	sdelay $0x1  }
0x1e6: {  	(erf) = vpow2.f32 v1;
	_ =	sdelay $0x8  }
0x1e7: {  	v1 =	vpop (erf)  }
0x1e8: {  	(xrf2) =	vadd.scan.msk.f32 $0xffff, v1;
	_ =	sdelay $0x9  }
0x1e9: {  	v33, _, _ =	vpop (xrf2)  }
0x1ea: {  	v2 =	vbroadcast v33, $0xF;
	_ =	sdelay $0x1  }
0x1eb: {  	(erf) = vrcp.f32 v2;
	_ =	sdelay $0x7  }
0x1ec: {  	v34 =	vld [tilespmem:$0x5B00]  }
0x1ed: {  	v36 =	vld [tilespmem:$0x5B80];
	v2 =	vpop (erf)  }
0x1ee: {  	v35 =	vmul.f32 v2, v1  }
0x1ef: {  	v37 =	vld [tilespmem:$0x5C00]  }
0x1f0: {  	v1 =	vbroadcast v35, $0x0;
	v2 =	vbroadcast v35, $0x1  }
0x1f1: {  	v39 =	vld [tilespmem:$0x5C80];
	v3 =	vbroadcast v35, $0x2  }
0x1f2: {  	v38 =	vmul.f32 v1, v34;
	v4 =	vmul.f32 v2, v36  }
0x1f3: {  	v40 =	vld [tilespmem:$0x5D00]  }
0x1f4: {  	v5 =	vmul.f32 v3, v37;
	v6 =	vadd.f32 v4, v38;
	v4 =	vbroadcast v35, $0x3  }
0x1f5: {  	v41 =	vld [tilespmem:$0x5D80]  }
0x1f6: {  	v6 =	vadd.f32 v6, v5;
	v7 =	vmul.f32 v4, v39;
	v5 =	vbroadcast v35, $0x4  }
0x1f7: {  	v42 =	vld [tilespmem:$0x5E00]  }
0x1f8: {  	v7 =	vadd.f32 v6, v7;
	v8 =	vmul.f32 v5, v40;
	v6 =	vbroadcast v35, $0x5  }
0x1f9: {  	v43 =	vld [tilespmem:$0x5E80]  }
0x1fa: {  	v8 =	vadd.f32 v7, v8;
	v9 =	vmul.f32 v6, v41;
	v7 =	vbroadcast v35, $0x6  }
0x1fb: {  	v44 =	vld [tilespmem:$0x5F00]  }
0x1fc: {  	v9 =	vadd.f32 v8, v9;
	v10 =	vmul.f32 v7, v42;
	v8 =	vbroadcast v35, $0x7  }
0x1fd: {  	v45 =	vld [tilespmem:$0x5F80]  }
0x1fe: {  	v10 =	vadd.f32 v9, v10;
	v11 =	vmul.f32 v8, v43;
	v9 =	vbroadcast v35, $0x8  }
0x1ff: {  	v46 =	vld [tilespmem:$0x6000]  }
0x200: {  	v11 =	vadd.f32 v10, v11;
	v12 =	vmul.f32 v9, v44;
	v10 =	vbroadcast v35, $0x9  }
0x201: {  	v47 =	vld [tilespmem:$0x6080]  }
0x202: {  	v12 =	vadd.f32 v11, v12;
	v13 =	vmul.f32 v10, v45;
	v11 =	vbroadcast v35, $0xA  }
0x203: {  	v48 =	vld [tilespmem:$0x6100]  }
0x204: {  	v13 =	vadd.f32 v12, v13;
	v14 =	vmul.f32 v11, v46;
	v12 =	vbroadcast v35, $0xB  }
0x205: {  	v49 =	vld [tilespmem:$0x6180]  }
0x206: {  	v14 =	vadd.f32 v13, v14;
	v15 =	vmul.f32 v12, v47;
	v13 =	vbroadcast v35, $0xC  }
0x207: {  	v50 =	vld [tilespmem:$0x6200]  }
0x208: {  	v15 =	vadd.f32 v14, v15;
	v17 =	vmul.f32 v48, v13;
	v14 =	vbroadcast v35, $0xD  }
0x209: {  	v51 =	vld [tilespmem:$0x6280]  }
0x20a: {  	v17 =	vadd.f32 v15, v17;
	v18 =	vmul.f32 v49, v14;
	v15 =	vbroadcast v35, $0xE;
	_ =	sdelay $0x1  }
0x20b: {  	v16 =	vbroadcast v35, $0xF;
	v17 =	vadd.f32 v17, v18;
	v52 =	vmul.f32 v50, v15;
	_ =	sdelay $0x1  }
0x20c: {  	v53 =	vmul.f32 v51, v16;
	v17 =	vadd.f32 v17, v52;
	_ =	sdelay $0x1  }
0x20d: {  	v17 =	vadd.f32 v17, v53;
	_ =	sdelay $0x1  }
0x20e: {  	[tilespmem:s16+$0xFFFFFF80] =	vst v17  }
0x20f: {  	v17 =	vld [tilespmem:$0x5B10]  }
0x210: {  	v54 =	vld [tilespmem:$0x5B90];
	_ =	sdelay $0x1  }
0x211: {  	v55 =	vld [tilespmem:$0x5C10];
	_ =	sdelay $0x1  }
0x212: {  	v56 =	vld [tilespmem:$0x5C90]  }
0x213: {  	v17 =	vmul.f32 v17, v1;
	v18 =	vmul.f32 v54, v2  }
0x214: {  	v57 =	vld [tilespmem:$0x5D10]  }
0x215: {  	v58 =	vmul.f32 v55, v3;
	v17 =	vadd.f32 v18, v17  }
0x216: {  	v59 =	vld [tilespmem:$0x5D90]  }
0x217: {  	v60 =	vmul.f32 v56, v4;
	v17 =	vadd.f32 v58, v17  }
0x218: {  	v61 =	vld [tilespmem:$0x5E10]  }
0x219: {  	v62 =	vmul.f32 v57, v5;
	v17 =	vadd.f32 v60, v17  }
0x21a: {  	v63 =	vld [tilespmem:$0x5E90]  }
0x21b: {  	v23 =	vmul.f32 v59, v6;
	v17 =	vadd.f32 v62, v17  }
0x21c: {  	v24 =	vld [tilespmem:$0x5F10]  }
0x21d: {  	v25 =	vmul.f32 v61, v7;
	v17 =	vadd.f32 v23, v17  }
0x21e: {  	v26 =	vld [tilespmem:$0x5F90]  }
0x21f: {  	v27 =	vmul.f32 v63, v8;
	v17 =	vadd.f32 v25, v17  }
0x220: {  	v28 =	vld [tilespmem:$0x6010]  }
0x221: {  	v29 =	vmul.f32 v24, v9;
	v17 =	vadd.f32 v27, v17  }
0x222: {  	v30 =	vld [tilespmem:$0x6090]  }
0x223: {  	v31 =	vmul.f32 v26, v10;
	v17 =	vadd.f32 v29, v17  }
0x224: {  	v32 =	vld [tilespmem:$0x6110]  }
0x225: {  	v33 =	vmul.f32 v28, v11;
	v17 =	vadd.f32 v31, v17  }
0x226: {  	v34 =	vld [tilespmem:$0x6190]  }
0x227: {  	v35 =	vmul.f32 v30, v12;
	v17 =	vadd.f32 v33, v17  }
0x228: {  	v36 =	vld [tilespmem:$0x6210]  }
0x229: {  	v37 =	vmul.f32 v32, v13;
	v17 =	vadd.f32 v35, v17  }
0x22a: {  	v38 =	vld [tilespmem:$0x6290]  }
0x22b: {  	v39 =	vmul.f32 v34, v14;
	v17 =	vadd.f32 v37, v17;
	_ =	sdelay $0x1  }
0x22c: {  	v40 =	vmul.f32 v36, v15;
	v17 =	vadd.f32 v39, v17;
	_ =	sdelay $0x1  }
0x22d: {  	v41 =	vmul.f32 v38, v16;
	v17 =	vadd.f32 v40, v17;
	_ =	sdelay $0x1  }
0x22e: {  	v17 =	vadd.f32 v41, v17;
	_ =	sdelay $0x1  }
0x22f: {  	[tilespmem:s16+$0xFFFFFF90] =	vst v17  }
0x230: {  	v17 =	vld [tilespmem:$0x5B20]  }
0x231: {  	v42 =	vld [tilespmem:$0x5BA0];
	_ =	sdelay $0x1  }
0x232: {  	v43 =	vld [tilespmem:$0x5C20];
	_ =	sdelay $0x1  }
0x233: {  	v44 =	vld [tilespmem:$0x5CA0]  }
0x234: {  	v17 =	vmul.f32 v17, v1;
	v18 =	vmul.f32 v42, v2  }
0x235: {  	v45 =	vld [tilespmem:$0x5D20]  }
0x236: {  	v46 =	vmul.f32 v43, v3;
	v17 =	vadd.f32 v18, v17  }
0x237: {  	v47 =	vld [tilespmem:$0x5DA0]  }
0x238: {  	v48 =	vmul.f32 v44, v4;
	v17 =	vadd.f32 v46, v17  }
0x239: {  	v49 =	vld [tilespmem:$0x5E20]  }
0x23a: {  	v50 =	vmul.f32 v45, v5;
	v17 =	vadd.f32 v48, v17  }
0x23b: {  	v51 =	vld [tilespmem:$0x5EA0]  }
0x23c: {  	v52 =	vmul.f32 v47, v6;
	v17 =	vadd.f32 v50, v17  }
0x23d: {  	v53 =	vld [tilespmem:$0x5F20]  }
0x23e: {  	v54 =	vmul.f32 v49, v7;
	v17 =	vadd.f32 v52, v17  }
0x23f: {  	v55 =	vld [tilespmem:$0x5FA0]  }
0x240: {  	v56 =	vmul.f32 v51, v8;
	v17 =	vadd.f32 v54, v17  }
0x241: {  	v57 =	vld [tilespmem:$0x6020]  }
0x242: {  	v58 =	vmul.f32 v53, v9;
	v17 =	vadd.f32 v56, v17  }
0x243: {  	v59 =	vld [tilespmem:$0x60A0]  }
0x244: {  	v60 =	vmul.f32 v55, v10;
	v17 =	vadd.f32 v58, v17  }
0x245: {  	v61 =	vld [tilespmem:$0x6120]  }
0x246: {  	v62 =	vmul.f32 v57, v11;
	v17 =	vadd.f32 v60, v17  }
0x247: {  	v63 =	vld [tilespmem:$0x61A0]  }
0x248: {  	v23 =	vmul.f32 v59, v12;
	v17 =	vadd.f32 v62, v17  }
0x249: {  	v24 =	vld [tilespmem:$0x6220]  }
0x24a: {  	v25 =	vmul.f32 v61, v13;
	v17 =	vadd.f32 v23, v17  }
0x24b: {  	v26 =	vld [tilespmem:$0x62A0]  }
0x24c: {  	v27 =	vmul.f32 v63, v14;
	v17 =	vadd.f32 v25, v17;
	_ =	sdelay $0x1  }
0x24d: {  	v28 =	vmul.f32 v24, v15;
	v17 =	vadd.f32 v27, v17;
	_ =	sdelay $0x1  }
0x24e: {  	v29 =	vmul.f32 v26, v16;
	v17 =	vadd.f32 v28, v17;
	_ =	sdelay $0x1  }
0x24f: {  	v17 =	vadd.f32 v29, v17;
	_ =	sdelay $0x1  }
0x250: {  	[tilespmem:s16+$0xFFFFFFA0] =	vst v17  }
0x251: {  	v17 =	vld [tilespmem:$0x5B30]  }
0x252: {  	v30 =	vld [tilespmem:$0x5BB0];
	_ =	sdelay $0x1  }
0x253: {  	v31 =	vld [tilespmem:$0x5C30];
	_ =	sdelay $0x1  }
0x254: {  	v32 =	vld [tilespmem:$0x5CB0]  }
0x255: {  	v1 =	vmul.f32 v17, v1;
	v2 =	vmul.f32 v30, v2  }
0x256: {  	v33 =	vld [tilespmem:$0x5D30]  }
0x257: {  	v34 =	vmul.f32 v31, v3;
	v1 =	vadd.f32 v2, v1  }
0x258: {  	v35 =	vld [tilespmem:$0x5DB0]  }
0x259: {  	v36 =	vmul.f32 v32, v4;
	v1 =	vadd.f32 v34, v1  }
0x25a: {  	v37 =	vld [tilespmem:$0x5E30]  }
0x25b: {  	v38 =	vmul.f32 v33, v5;
	v1 =	vadd.f32 v36, v1  }
0x25c: {  	v39 =	vld [tilespmem:$0x5EB0]  }
0x25d: {  	v40 =	vmul.f32 v35, v6;
	v1 =	vadd.f32 v38, v1  }
0x25e: {  	v41 =	vld [tilespmem:$0x5F30]  }
0x25f: {  	v42 =	vmul.f32 v37, v7;
	v1 =	vadd.f32 v40, v1  }
0x260: {  	v43 =	vld [tilespmem:$0x5FB0]  }
0x261: {  	v44 =	vmul.f32 v39, v8;
	v1 =	vadd.f32 v42, v1  }
0x262: {  	v45 =	vld [tilespmem:$0x6030]  }
0x263: {  	v46 =	vmul.f32 v41, v9;
	v1 =	vadd.f32 v44, v1  }
0x264: {  	v47 =	vld [tilespmem:$0x60B0]  }
0x265: {  	v48 =	vmul.f32 v43, v10;
	v1 =	vadd.f32 v46, v1  }
0x266: {  	v49 =	vld [tilespmem:$0x6130]  }
0x267: {  	v50 =	vmul.f32 v45, v11;
	v1 =	vadd.f32 v48, v1  }
0x268: {  	v51 =	vld [tilespmem:$0x61B0]  }
0x269: {  	v52 =	vmul.f32 v47, v12;
	v1 =	vadd.f32 v50, v1  }
0x26a: {  	v53 =	vld [tilespmem:$0x6230]  }
0x26b: {  	v54 =	vmul.f32 v49, v13;
	v1 =	vadd.f32 v52, v1  }
0x26c: {  	v55 =	vld [tilespmem:$0x62B0]  }
0x26d: {  	v56 =	vmul.f32 v51, v14;
	v1 =	vadd.f32 v54, v1;
	_ =	sdelay $0x1  }
0x26e: {  	v57 =	vmul.f32 v53, v15;
	v1 =	vadd.f32 v56, v1;
	_ =	sdelay $0x1  }
0x26f: {  	v58 =	vmul.f32 v55, v16;
	v1 =	vadd.f32 v57, v1;
	_ =	sdelay $0x1  }
0x270: {  	v1 =	vadd.f32 v58, v1;
	_ =	sdelay $0x1  }
0x271: {  	[tilespmem:s16+$0xFFFFFFB0] =	vst v1  }
0x272: {  	v1 =	vld [tilespmem:$0x40];
	_ =	sdelay $0x7  }
0x273: {  	v1 =	vld.idx.msk [tilespmem:v1+s11+$0x0], $0xffff;
	_ =	sdelay $0x2  }
0x274: {  	v59 =	vbroadcast v0, $0x4;
	_ =	sdelay $0x1  }
0x275: {  	v1 =	vmul.f32 v1, v59;
	_ =	sdelay $0x1  }
0x276: {  	(xrf0) =	vmax.scan.msk.f32 $0xffff, v1;
	_ =	sdelay $0x5  }
0x277: {  	v60, _, _ =	vpop (xrf0)  }
0x278: {  	v2 =	vbroadcast v60, $0xF;
	_ =	sdelay $0x1  }
0x279: {  	v1 =	vsub.f32 v1, v2;
	_ =	sdelay $0x1  }
0x27a: {  	v1 =	vmul.f32 $1.442695020e+00, v1;
	_ =	sdelay $0x1  }
0x27b: {  	(erf) = vpow2.f32 v1;
	_ =	sdelay $0x8  }
0x27c: {  	v1 =	vpop (erf)  }
0x27d: {  	(xrf2) =	vadd.scan.msk.f32 $0xffff, v1;
	_ =	sdelay $0x9  }
0x27e: {  	v61, _, _ =	vpop (xrf2)  }
0x27f: {  	v2 =	vbroadcast v61, $0xF;
	_ =	sdelay $0x1  }
0x280: {  	(erf) = vrcp.f32 v2;
	_ =	sdelay $0x7  }
0x281: {  	v62 =	vld [tilespmem:$0x6300]  }
0x282: {  	v13 =	vld [tilespmem:$0x6380];
	v2 =	vpop (erf)  }
0x283: {  	v63 =	vmul.f32 v2, v1  }
0x284: {  	v14 =	vld [tilespmem:$0x6400]  }
0x285: {  	v1 =	vbroadcast v63, $0x0;
	v2 =	vbroadcast v63, $0x1  }
0x286: {  	v17 =	vld [tilespmem:$0x6480];
	v3 =	vbroadcast v63, $0x2  }
0x287: {  	v15 =	vmul.f32 v1, v62;
	v4 =	vmul.f32 v2, v13  }
0x288: {  	v18 =	vld [tilespmem:$0x6500]  }
0x289: {  	v5 =	vmul.f32 v3, v14;
	v6 =	vadd.f32 v4, v15;
	v4 =	vbroadcast v63, $0x3  }
0x28a: {  	v19 =	vld [tilespmem:$0x6580]  }
0x28b: {  	v6 =	vadd.f32 v6, v5;
	v7 =	vmul.f32 v4, v17;
	v5 =	vbroadcast v63, $0x4  }
0x28c: {  	v20 =	vld [tilespmem:$0x6600]  }
0x28d: {  	v7 =	vadd.f32 v6, v7;
	v8 =	vmul.f32 v5, v18;
	v6 =	vbroadcast v63, $0x5  }
0x28e: {  	v21 =	vld [tilespmem:$0x6680]  }
0x28f: {  	v8 =	vadd.f32 v7, v8;
	v9 =	vmul.f32 v6, v19;
	v7 =	vbroadcast v63, $0x6  }
0x290: {  	v22 =	vld [tilespmem:$0x6700]  }
0x291: {  	v9 =	vadd.f32 v8, v9;
	v10 =	vmul.f32 v7, v20;
	v8 =	vbroadcast v63, $0x7  }
0x292: {  	v23 =	vld [tilespmem:$0x6780]  }
0x293: {  	v10 =	vadd.f32 v9, v10;
	v11 =	vmul.f32 v8, v21;
	v9 =	vbroadcast v63, $0x8  }
0x294: {  	v24 =	vld [tilespmem:$0x6800]  }
0x295: {  	v11 =	vadd.f32 v10, v11;
	v12 =	vmul.f32 v9, v22;
	v10 =	vbroadcast v63, $0x9  }
0x296: {  	v25 =	vld [tilespmem:$0x6880]  }
0x297: {  	v12 =	vadd.f32 v11, v12;
	v13 =	vmul.f32 v10, v23;
	v11 =	vbroadcast v63, $0xA  }
0x298: {  	v26 =	vld [tilespmem:$0x6900]  }
0x299: {  	v13 =	vadd.f32 v12, v13;
	v14 =	vmul.f32 v11, v24;
	v12 =	vbroadcast v63, $0xB  }
0x29a: {  	v27 =	vld [tilespmem:$0x6980]  }
0x29b: {  	v14 =	vadd.f32 v13, v14;
	v15 =	vmul.f32 v12, v25;
	v13 =	vbroadcast v63, $0xC  }
0x29c: {  	v28 =	vld [tilespmem:$0x6A00]  }
0x29d: {  	v15 =	vadd.f32 v14, v15;
	v17 =	vmul.f32 v26, v13;
	v14 =	vbroadcast v63, $0xD  }
0x29e: {  	v29 =	vld [tilespmem:$0x6A80]  }
0x29f: {  	v17 =	vadd.f32 v15, v17;
	v18 =	vmul.f32 v27, v14;
	v15 =	vbroadcast v63, $0xE;
	_ =	sdelay $0x1  }
0x2a0: {  	v16 =	vbroadcast v63, $0xF;
	v17 =	vadd.f32 v17, v18;
	v30 =	vmul.f32 v28, v15;
	_ =	sdelay $0x1  }
0x2a1: {  	v31 =	vmul.f32 v29, v16;
	v17 =	vadd.f32 v17, v30;
	_ =	sdelay $0x1  }
0x2a2: {  	v17 =	vadd.f32 v17, v31;
	_ =	sdelay $0x1  }
0x2a3: {  	[tilespmem:s16+$0x0] =	vst v17  }
0x2a4: {  	v17 =	vld [tilespmem:$0x6310]  }
0x2a5: {  	v32 =	vld [tilespmem:$0x6390];
	_ =	sdelay $0x1  }
0x2a6: {  	v33 =	vld [tilespmem:$0x6410];
	_ =	sdelay $0x1  }
0x2a7: {  	v34 =	vld [tilespmem:$0x6490]  }
0x2a8: {  	v17 =	vmul.f32 v17, v1;
	v18 =	vmul.f32 v32, v2  }
0x2a9: {  	v35 =	vld [tilespmem:$0x6510]  }
0x2aa: {  	v36 =	vmul.f32 v33, v3;
	v17 =	vadd.f32 v18, v17  }
0x2ab: {  	v37 =	vld [tilespmem:$0x6590]  }
0x2ac: {  	v38 =	vmul.f32 v34, v4;
	v17 =	vadd.f32 v36, v17  }
0x2ad: {  	v39 =	vld [tilespmem:$0x6610]  }
0x2ae: {  	v40 =	vmul.f32 v35, v5;
	v17 =	vadd.f32 v38, v17  }
0x2af: {  	v41 =	vld [tilespmem:$0x6690]  }
0x2b0: {  	v42 =	vmul.f32 v37, v6;
	v17 =	vadd.f32 v40, v17  }
0x2b1: {  	v43 =	vld [tilespmem:$0x6710]  }
0x2b2: {  	v44 =	vmul.f32 v39, v7;
	v17 =	vadd.f32 v42, v17  }
0x2b3: {  	v45 =	vld [tilespmem:$0x6790]  }
0x2b4: {  	v46 =	vmul.f32 v41, v8;
	v17 =	vadd.f32 v44, v17  }
0x2b5: {  	v47 =	vld [tilespmem:$0x6810]  }
0x2b6: {  	v48 =	vmul.f32 v43, v9;
	v17 =	vadd.f32 v46, v17  }
0x2b7: {  	v49 =	vld [tilespmem:$0x6890]  }
0x2b8: {  	v50 =	vmul.f32 v45, v10;
	v17 =	vadd.f32 v48, v17  }
0x2b9: {  	v51 =	vld [tilespmem:$0x6910]  }
0x2ba: {  	v52 =	vmul.f32 v47, v11;
	v17 =	vadd.f32 v50, v17  }
0x2bb: {  	v53 =	vld [tilespmem:$0x6990]  }
0x2bc: {  	v54 =	vmul.f32 v49, v12;
	v17 =	vadd.f32 v52, v17  }
0x2bd: {  	v55 =	vld [tilespmem:$0x6A10]  }
0x2be: {  	v56 =	vmul.f32 v51, v13;
	v17 =	vadd.f32 v54, v17  }
0x2bf: {  	v57 =	vld [tilespmem:$0x6A90]  }
0x2c0: {  	v58 =	vmul.f32 v53, v14;
	v17 =	vadd.f32 v56, v17;
	_ =	sdelay $0x1  }
0x2c1: {  	v59 =	vmul.f32 v55, v15;
	v17 =	vadd.f32 v58, v17;
	_ =	sdelay $0x1  }
0x2c2: {  	v60 =	vmul.f32 v57, v16;
	v17 =	vadd.f32 v59, v17;
	_ =	sdelay $0x1  }
0x2c3: {  	v17 =	vadd.f32 v60, v17;
	_ =	sdelay $0x1  }
0x2c4: {  	[tilespmem:s16+$0x10] =	vst v17  }
0x2c5: {  	v17 =	vld [tilespmem:$0x6320]  }
0x2c6: {  	v61 =	vld [tilespmem:$0x63A0];
	_ =	sdelay $0x1  }
0x2c7: {  	v62 =	vld [tilespmem:$0x6420];
	_ =	sdelay $0x1  }
0x2c8: {  	v63 =	vld [tilespmem:$0x64A0]  }
0x2c9: {  	v17 =	vmul.f32 v17, v1;
	v18 =	vmul.f32 v61, v2  }
0x2ca: {  	v24 =	vld [tilespmem:$0x6520]  }
0x2cb: {  	v25 =	vmul.f32 v62, v3;
	v17 =	vadd.f32 v18, v17  }
0x2cc: {  	v26 =	vld [tilespmem:$0x65A0]  }
0x2cd: {  	v27 =	vmul.f32 v63, v4;
	v17 =	vadd.f32 v25, v17  }
0x2ce: {  	v28 =	vld [tilespmem:$0x6620]  }
0x2cf: {  	v29 =	vmul.f32 v24, v5;
	v17 =	vadd.f32 v27, v17  }
0x2d0: {  	v30 =	vld [tilespmem:$0x66A0]  }
0x2d1: {  	v31 =	vmul.f32 v26, v6;
	v17 =	vadd.f32 v29, v17  }
0x2d2: {  	v32 =	vld [tilespmem:$0x6720]  }
0x2d3: {  	v33 =	vmul.f32 v28, v7;
	v17 =	vadd.f32 v31, v17  }
0x2d4: {  	v34 =	vld [tilespmem:$0x67A0]  }
0x2d5: {  	v35 =	vmul.f32 v30, v8;
	v17 =	vadd.f32 v33, v17  }
0x2d6: {  	v36 =	vld [tilespmem:$0x6820]  }
0x2d7: {  	v37 =	vmul.f32 v32, v9;
	v17 =	vadd.f32 v35, v17  }
0x2d8: {  	v38 =	vld [tilespmem:$0x68A0]  }
0x2d9: {  	v39 =	vmul.f32 v34, v10;
	v17 =	vadd.f32 v37, v17  }
0x2da: {  	v40 =	vld [tilespmem:$0x6920]  }
0x2db: {  	v41 =	vmul.f32 v36, v11;
	v17 =	vadd.f32 v39, v17  }
0x2dc: {  	v42 =	vld [tilespmem:$0x69A0]  }
0x2dd: {  	v43 =	vmul.f32 v38, v12;
	v17 =	vadd.f32 v41, v17  }
0x2de: {  	v44 =	vld [tilespmem:$0x6A20]  }
0x2df: {  	v45 =	vmul.f32 v40, v13;
	v17 =	vadd.f32 v43, v17  }
0x2e0: {  	v46 =	vld [tilespmem:$0x6AA0]  }
0x2e1: {  	v47 =	vmul.f32 v42, v14;
	v17 =	vadd.f32 v45, v17;
	_ =	sdelay $0x1  }
0x2e2: {  	v48 =	vmul.f32 v44, v15;
	v17 =	vadd.f32 v47, v17;
	_ =	sdelay $0x1  }
0x2e3: {  	v49 =	vmul.f32 v46, v16;
	v17 =	vadd.f32 v48, v17;
	_ =	sdelay $0x1  }
0x2e4: {  	v17 =	vadd.f32 v49, v17;
	_ =	sdelay $0x1  }
0x2e5: {  	[tilespmem:s16+$0x20] =	vst v17  }
0x2e6: {  	v17 =	vld [tilespmem:$0x6330]  }
0x2e7: {  	v50 =	vld [tilespmem:$0x63B0];
	_ =	sdelay $0x1  }
0x2e8: {  	v51 =	vld [tilespmem:$0x6430];
	_ =	sdelay $0x1  }
0x2e9: {  	v52 =	vld [tilespmem:$0x64B0]  }
0x2ea: {  	v1 =	vmul.f32 v17, v1;
	v2 =	vmul.f32 v50, v2  }
0x2eb: {  	v53 =	vld [tilespmem:$0x6530]  }
0x2ec: {  	v54 =	vmul.f32 v51, v3;
	v1 =	vadd.f32 v2, v1  }
0x2ed: {  	v55 =	vld [tilespmem:$0x65B0]  }
0x2ee: {  	v56 =	vmul.f32 v52, v4;
	v1 =	vadd.f32 v54, v1  }
0x2ef: {  	v57 =	vld [tilespmem:$0x6630]  }
0x2f0: {  	v58 =	vmul.f32 v53, v5;
	v1 =	vadd.f32 v56, v1  }
0x2f1: {  	v59 =	vld [tilespmem:$0x66B0]  }
0x2f2: {  	v60 =	vmul.f32 v55, v6;
	v1 =	vadd.f32 v58, v1  }
0x2f3: {  	v61 =	vld [tilespmem:$0x6730]  }
0x2f4: {  	v62 =	vmul.f32 v57, v7;
	v1 =	vadd.f32 v60, v1  }
0x2f5: {  	v63 =	vld [tilespmem:$0x67B0]  }
0x2f6: {  	v8 =	vmul.f32 v59, v8;
	v1 =	vadd.f32 v62, v1  }
0x2f7: {  	v17 =	vld [tilespmem:$0x6830]  }
0x2f8: {  	v18 =	vmul.f32 v61, v9;
	v1 =	vadd.f32 v8, v1  }
0x2f9: {  	v19 =	vld [tilespmem:$0x68B0]  }
0x2fa: {  	v20 =	vmul.f32 v63, v10;
	v1 =	vadd.f32 v18, v1  }
0x2fb: {  	v21 =	vld [tilespmem:$0x6930]  }
0x2fc: {  	v22 =	vmul.f32 v17, v11;
	v1 =	vadd.f32 v20, v1  }
0x2fd: {  	v23 =	vld [tilespmem:$0x69B0]  }
0x2fe: {  	v24 =	vmul.f32 v19, v12;
	v1 =	vadd.f32 v22, v1  }
0x2ff: {  	v25 =	vld [tilespmem:$0x6A30]  }
0x300: {  	v26 =	vmul.f32 v21, v13;
	v1 =	vadd.f32 v24, v1  }
0x301: {  	v27 =	vld [tilespmem:$0x6AB0]  }
0x302: {  	v28 =	vmul.f32 v23, v14;
	v1 =	vadd.f32 v26, v1;
	_ =	sdelay $0x1  }
0x303: {  	v29 =	vmul.f32 v25, v15;
	v1 =	vadd.f32 v28, v1;
	_ =	sdelay $0x1  }
0x304: {  	v30 =	vmul.f32 v27, v16;
	v1 =	vadd.f32 v29, v1;
	_ =	sdelay $0x1  }
0x305: {  	v1 =	vadd.f32 v30, v1;
	_ =	sdelay $0x1  }
0x306: {  	[tilespmem:s16+$0x30] =	vst v1  }
0x307: {  	v1 =	vld [tilespmem:$0x50];
	_ =	sdelay $0x7  }
0x308: {  	v1 =	vld.idx.msk [tilespmem:v1+s11+$0x0], $0xffff;
	_ =	sdelay $0x2  }
0x309: {  	v31 =	vbroadcast v0, $0x5;
	_ =	sdelay $0x1  }
0x30a: {  	v1 =	vmul.f32 v1, v31;
	_ =	sdelay $0x1  }
0x30b: {  	(xrf0) =	vmax.scan.msk.f32 $0xffff, v1;
	_ =	sdelay $0x5  }
0x30c: {  	v32, _, _ =	vpop (xrf0)  }
0x30d: {  	v2 =	vbroadcast v32, $0xF;
	_ =	sdelay $0x1  }
0x30e: {  	v1 =	vsub.f32 v1, v2;
	_ =	sdelay $0x1  }
0x30f: {  	v1 =	vmul.f32 $1.442695020e+00, v1;
	_ =	sdelay $0x1  }
0x310: {  	(erf) = vpow2.f32 v1;
	_ =	sdelay $0x8  }
0x311: {  	v1 =	vpop (erf)  }
0x312: {  	(xrf2) =	vadd.scan.msk.f32 $0xffff, v1;
	_ =	sdelay $0x9  }
0x313: {  	v33, _, _ =	vpop (xrf2)  }
0x314: {  	v2 =	vbroadcast v33, $0xF;
	_ =	sdelay $0x1  }
0x315: {  	(erf) = vrcp.f32 v2;
	_ =	sdelay $0x7  }
0x316: {  	v34 =	vld [tilespmem:$0x6B00]  }
0x317: {  	v36 =	vld [tilespmem:$0x6B80];
	v2 =	vpop (erf)  }
0x318: {  	v35 =	vmul.f32 v2, v1  }
0x319: {  	v37 =	vld [tilespmem:$0x6C00]  }
0x31a: {  	v1 =	vbroadcast v35, $0x0;
	v2 =	vbroadcast v35, $0x1  }
0x31b: {  	v39 =	vld [tilespmem:$0x6C80];
	v3 =	vbroadcast v35, $0x2  }
0x31c: {  	v38 =	vmul.f32 v1, v34;
	v4 =	vmul.f32 v2, v36  }
0x31d: {  	v40 =	vld [tilespmem:$0x6D00]  }
0x31e: {  	v5 =	vmul.f32 v3, v37;
	v6 =	vadd.f32 v4, v38;
	v4 =	vbroadcast v35, $0x3  }
0x31f: {  	v41 =	vld [tilespmem:$0x6D80]  }
0x320: {  	v6 =	vadd.f32 v6, v5;
	v7 =	vmul.f32 v4, v39;
	v5 =	vbroadcast v35, $0x4  }
0x321: {  	v42 =	vld [tilespmem:$0x6E00]  }
0x322: {  	v7 =	vadd.f32 v6, v7;
	v8 =	vmul.f32 v5, v40;
	v6 =	vbroadcast v35, $0x5  }
0x323: {  	v43 =	vld [tilespmem:$0x6E80]  }
0x324: {  	v8 =	vadd.f32 v7, v8;
	v9 =	vmul.f32 v6, v41;
	v7 =	vbroadcast v35, $0x6  }
0x325: {  	v44 =	vld [tilespmem:$0x6F00]  }
0x326: {  	v9 =	vadd.f32 v8, v9;
	v10 =	vmul.f32 v7, v42;
	v8 =	vbroadcast v35, $0x7  }
0x327: {  	v45 =	vld [tilespmem:$0x6F80]  }
0x328: {  	v10 =	vadd.f32 v9, v10;
	v11 =	vmul.f32 v8, v43;
	v9 =	vbroadcast v35, $0x8  }
0x329: {  	v46 =	vld [tilespmem:$0x7000]  }
0x32a: {  	v11 =	vadd.f32 v10, v11;
	v12 =	vmul.f32 v9, v44;
	v10 =	vbroadcast v35, $0x9  }
0x32b: {  	v47 =	vld [tilespmem:$0x7080]  }
0x32c: {  	v12 =	vadd.f32 v11, v12;
	v13 =	vmul.f32 v10, v45;
	v11 =	vbroadcast v35, $0xA  }
0x32d: {  	v48 =	vld [tilespmem:$0x7100]  }
0x32e: {  	v13 =	vadd.f32 v12, v13;
	v14 =	vmul.f32 v11, v46;
	v12 =	vbroadcast v35, $0xB  }
0x32f: {  	v49 =	vld [tilespmem:$0x7180]  }
0x330: {  	v14 =	vadd.f32 v13, v14;
	v15 =	vmul.f32 v12, v47;
	v13 =	vbroadcast v35, $0xC  }
0x331: {  	v50 =	vld [tilespmem:$0x7200]  }
0x332: {  	v15 =	vadd.f32 v14, v15;
	v17 =	vmul.f32 v48, v13;
	v14 =	vbroadcast v35, $0xD  }
0x333: {  	v51 =	vld [tilespmem:$0x7280]  }
0x334: {  	v17 =	vadd.f32 v15, v17;
	v18 =	vmul.f32 v49, v14;
	v15 =	vbroadcast v35, $0xE;
	_ =	sdelay $0x1  }
0x335: {  	v16 =	vbroadcast v35, $0xF;
	v17 =	vadd.f32 v17, v18;
	v52 =	vmul.f32 v50, v15;
	_ =	sdelay $0x1  }
0x336: {  	v53 =	vmul.f32 v51, v16;
	v17 =	vadd.f32 v17, v52;
	_ =	sdelay $0x1  }
0x337: {  	v17 =	vadd.f32 v17, v53;
	_ =	sdelay $0x1  }
0x338: {  	[tilespmem:s16+$0x80] =	vst v17  }
0x339: {  	v17 =	vld [tilespmem:$0x6B10]  }
0x33a: {  	v54 =	vld [tilespmem:$0x6B90];
	_ =	sdelay $0x1  }
0x33b: {  	v55 =	vld [tilespmem:$0x6C10];
	_ =	sdelay $0x1  }
0x33c: {  	v56 =	vld [tilespmem:$0x6C90]  }
0x33d: {  	v17 =	vmul.f32 v17, v1;
	v18 =	vmul.f32 v54, v2  }
0x33e: {  	v57 =	vld [tilespmem:$0x6D10]  }
0x33f: {  	v58 =	vmul.f32 v55, v3;
	v17 =	vadd.f32 v18, v17  }
0x340: {  	v59 =	vld [tilespmem:$0x6D90]  }
0x341: {  	v60 =	vmul.f32 v56, v4;
	v17 =	vadd.f32 v58, v17  }
0x342: {  	v61 =	vld [tilespmem:$0x6E10]  }
0x343: {  	v62 =	vmul.f32 v57, v5;
	v17 =	vadd.f32 v60, v17  }
0x344: {  	v63 =	vld [tilespmem:$0x6E90]  }
0x345: {  	v23 =	vmul.f32 v59, v6;
	v17 =	vadd.f32 v62, v17  }
0x346: {  	v24 =	vld [tilespmem:$0x6F10]  }
0x347: {  	v25 =	vmul.f32 v61, v7;
	v17 =	vadd.f32 v23, v17  }
0x348: {  	v26 =	vld [tilespmem:$0x6F90]  }
0x349: {  	v27 =	vmul.f32 v63, v8;
	v17 =	vadd.f32 v25, v17  }
0x34a: {  	v28 =	vld [tilespmem:$0x7010]  }
0x34b: {  	v29 =	vmul.f32 v24, v9;
	v17 =	vadd.f32 v27, v17  }
0x34c: {  	v30 =	vld [tilespmem:$0x7090]  }
0x34d: {  	v31 =	vmul.f32 v26, v10;
	v17 =	vadd.f32 v29, v17  }
0x34e: {  	v32 =	vld [tilespmem:$0x7110]  }
0x34f: {  	v33 =	vmul.f32 v28, v11;
	v17 =	vadd.f32 v31, v17  }
0x350: {  	v34 =	vld [tilespmem:$0x7190]  }
0x351: {  	v35 =	vmul.f32 v30, v12;
	v17 =	vadd.f32 v33, v17  }
0x352: {  	v36 =	vld [tilespmem:$0x7210]  }
0x353: {  	v37 =	vmul.f32 v32, v13;
	v17 =	vadd.f32 v35, v17  }
0x354: {  	v38 =	vld [tilespmem:$0x7290]  }
0x355: {  	v39 =	vmul.f32 v34, v14;
	v17 =	vadd.f32 v37, v17;
	_ =	sdelay $0x1  }
0x356: {  	v40 =	vmul.f32 v36, v15;
	v17 =	vadd.f32 v39, v17;
	_ =	sdelay $0x1  }
0x357: {  	v41 =	vmul.f32 v38, v16;
	v17 =	vadd.f32 v40, v17;
	_ =	sdelay $0x1  }
0x358: {  	v17 =	vadd.f32 v41, v17;
	_ =	sdelay $0x1  }
0x359: {  	[tilespmem:s16+$0x90] =	vst v17  }
0x35a: {  	v17 =	vld [tilespmem:$0x6B20]  }
0x35b: {  	v42 =	vld [tilespmem:$0x6BA0];
	_ =	sdelay $0x1  }
0x35c: {  	v43 =	vld [tilespmem:$0x6C20];
	_ =	sdelay $0x1  }
0x35d: {  	v44 =	vld [tilespmem:$0x6CA0]  }
0x35e: {  	v17 =	vmul.f32 v17, v1;
	v18 =	vmul.f32 v42, v2  }
0x35f: {  	v45 =	vld [tilespmem:$0x6D20]  }
0x360: {  	v46 =	vmul.f32 v43, v3;
	v17 =	vadd.f32 v18, v17  }
0x361: {  	v47 =	vld [tilespmem:$0x6DA0]  }
0x362: {  	v48 =	vmul.f32 v44, v4;
	v17 =	vadd.f32 v46, v17  }
0x363: {  	v49 =	vld [tilespmem:$0x6E20]  }
0x364: {  	v50 =	vmul.f32 v45, v5;
	v17 =	vadd.f32 v48, v17  }
0x365: {  	v51 =	vld [tilespmem:$0x6EA0]  }
0x366: {  	v52 =	vmul.f32 v47, v6;
	v17 =	vadd.f32 v50, v17  }
0x367: {  	v53 =	vld [tilespmem:$0x6F20]  }
0x368: {  	v54 =	vmul.f32 v49, v7;
	v17 =	vadd.f32 v52, v17  }
0x369: {  	v55 =	vld [tilespmem:$0x6FA0]  }
0x36a: {  	v56 =	vmul.f32 v51, v8;
	v17 =	vadd.f32 v54, v17  }
0x36b: {  	v57 =	vld [tilespmem:$0x7020]  }
0x36c: {  	v58 =	vmul.f32 v53, v9;
	v17 =	vadd.f32 v56, v17  }
0x36d: {  	v59 =	vld [tilespmem:$0x70A0]  }
0x36e: {  	v60 =	vmul.f32 v55, v10;
	v17 =	vadd.f32 v58, v17  }
0x36f: {  	v61 =	vld [tilespmem:$0x7120]  }
0x370: {  	v62 =	vmul.f32 v57, v11;
	v17 =	vadd.f32 v60, v17  }
0x371: {  	v63 =	vld [tilespmem:$0x71A0]  }
0x372: {  	v23 =	vmul.f32 v59, v12;
	v17 =	vadd.f32 v62, v17  }
0x373: {  	v24 =	vld [tilespmem:$0x7220]  }
0x374: {  	v25 =	vmul.f32 v61, v13;
	v17 =	vadd.f32 v23, v17  }
0x375: {  	v26 =	vld [tilespmem:$0x72A0]  }
0x376: {  	v27 =	vmul.f32 v63, v14;
	v17 =	vadd.f32 v25, v17;
	_ =	sdelay $0x1  }
0x377: {  	v28 =	vmul.f32 v24, v15;
	v17 =	vadd.f32 v27, v17;
	_ =	sdelay $0x1  }
0x378: {  	v29 =	vmul.f32 v26, v16;
	v17 =	vadd.f32 v28, v17;
	_ =	sdelay $0x1  }
0x379: {  	v17 =	vadd.f32 v29, v17;
	_ =	sdelay $0x1  }
0x37a: {  	[tilespmem:s16+$0xA0] =	vst v17  }
0x37b: {  	v17 =	vld [tilespmem:$0x6B30]  }
0x37c: {  	v30 =	vld [tilespmem:$0x6BB0];
	_ =	sdelay $0x1  }
0x37d: {  	v31 =	vld [tilespmem:$0x6C30];
	_ =	sdelay $0x1  }
0x37e: {  	v32 =	vld [tilespmem:$0x6CB0]  }
0x37f: {  	v1 =	vmul.f32 v17, v1;
	v2 =	vmul.f32 v30, v2  }
0x380: {  	v33 =	vld [tilespmem:$0x6D30]  }
0x381: {  	v34 =	vmul.f32 v31, v3;
	v1 =	vadd.f32 v2, v1  }
0x382: {  	v35 =	vld [tilespmem:$0x6DB0]  }
0x383: {  	v36 =	vmul.f32 v32, v4;
	v1 =	vadd.f32 v34, v1  }
0x384: {  	v37 =	vld [tilespmem:$0x6E30]  }
0x385: {  	v38 =	vmul.f32 v33, v5;
	v1 =	vadd.f32 v36, v1  }
0x386: {  	v39 =	vld [tilespmem:$0x6EB0]  }
0x387: {  	v40 =	vmul.f32 v35, v6;
	v1 =	vadd.f32 v38, v1  }
0x388: {  	v41 =	vld [tilespmem:$0x6F30]  }
0x389: {  	v42 =	vmul.f32 v37, v7;
	v1 =	vadd.f32 v40, v1  }
0x38a: {  	v43 =	vld [tilespmem:$0x6FB0]  }
0x38b: {  	v44 =	vmul.f32 v39, v8;
	v1 =	vadd.f32 v42, v1  }
0x38c: {  	v45 =	vld [tilespmem:$0x7030]  }
0x38d: {  	v46 =	vmul.f32 v41, v9;
	v1 =	vadd.f32 v44, v1  }
0x38e: {  	v47 =	vld [tilespmem:$0x70B0]  }
0x38f: {  	v48 =	vmul.f32 v43, v10;
	v1 =	vadd.f32 v46, v1  }
0x390: {  	v49 =	vld [tilespmem:$0x7130]  }
0x391: {  	v50 =	vmul.f32 v45, v11;
	v1 =	vadd.f32 v48, v1  }
0x392: {  	v51 =	vld [tilespmem:$0x71B0]  }
0x393: {  	v52 =	vmul.f32 v47, v12;
	v1 =	vadd.f32 v50, v1  }
0x394: {  	v53 =	vld [tilespmem:$0x7230]  }
0x395: {  	v54 =	vmul.f32 v49, v13;
	v1 =	vadd.f32 v52, v1  }
0x396: {  	v55 =	vld [tilespmem:$0x72B0]  }
0x397: {  	v56 =	vmul.f32 v51, v14;
	v1 =	vadd.f32 v54, v1;
	_ =	sdelay $0x1  }
0x398: {  	v57 =	vmul.f32 v53, v15;
	v1 =	vadd.f32 v56, v1;
	_ =	sdelay $0x1  }
0x399: {  	v58 =	vmul.f32 v55, v16;
	v1 =	vadd.f32 v57, v1;
	_ =	sdelay $0x1  }
0x39a: {  	v1 =	vadd.f32 v58, v1;
	_ =	sdelay $0x1  }
0x39b: {  	[tilespmem:s16+$0xB0] =	vst v1  }
0x39c: {  	v1 =	vld [tilespmem:$0x60];
	_ =	sdelay $0x7  }
0x39d: {  	v1 =	vld.idx.msk [tilespmem:v1+s11+$0x0], $0xffff;
	_ =	sdelay $0x2  }
0x39e: {  	v59 =	vbroadcast v0, $0x6;
	_ =	sdelay $0x1  }
0x39f: {  	v1 =	vmul.f32 v1, v59;
	_ =	sdelay $0x1  }
0x3a0: {  	(xrf0) =	vmax.scan.msk.f32 $0xffff, v1;
	_ =	sdelay $0x5  }
0x3a1: {  	v60, _, _ =	vpop (xrf0)  }
0x3a2: {  	v2 =	vbroadcast v60, $0xF;
	_ =	sdelay $0x1  }
0x3a3: {  	v1 =	vsub.f32 v1, v2;
	_ =	sdelay $0x1  }
0x3a4: {  	v1 =	vmul.f32 $1.442695020e+00, v1;
	_ =	sdelay $0x1  }
0x3a5: {  	(erf) = vpow2.f32 v1;
	_ =	sdelay $0x8  }
0x3a6: {  	v1 =	vpop (erf)  }
0x3a7: {  	(xrf2) =	vadd.scan.msk.f32 $0xffff, v1;
	_ =	sdelay $0x9  }
0x3a8: {  	v61, _, _ =	vpop (xrf2)  }
0x3a9: {  	v2 =	vbroadcast v61, $0xF;
	_ =	sdelay $0x1  }
0x3aa: {  	(erf) = vrcp.f32 v2;
	_ =	sdelay $0x7  }
0x3ab: {  	v62 =	vld [tilespmem:$0x7300]  }
0x3ac: {  	v20 =	vld [tilespmem:$0x7380];
	v2 =	vpop (erf)  }
0x3ad: {  	v63 =	vmul.f32 v2, v1  }
0x3ae: {  	v21 =	vld [tilespmem:$0x7400]  }
0x3af: {  	v1 =	vbroadcast v63, $0x0;
	v2 =	vbroadcast v63, $0x1  }
0x3b0: {  	v23 =	vld [tilespmem:$0x7480];
	v3 =	vbroadcast v63, $0x2  }
0x3b1: {  	v22 =	vmul.f32 v1, v62;
	v4 =	vmul.f32 v2, v20  }
0x3b2: {  	v24 =	vld [tilespmem:$0x7500]  }
0x3b3: {  	v5 =	vmul.f32 v3, v21;
	v6 =	vadd.f32 v4, v22;
	v4 =	vbroadcast v63, $0x3  }
0x3b4: {  	v25 =	vld [tilespmem:$0x7580]  }
0x3b5: {  	v6 =	vadd.f32 v6, v5;
	v7 =	vmul.f32 v4, v23;
	v5 =	vbroadcast v63, $0x4  }
0x3b6: {  	v26 =	vld [tilespmem:$0x7600]  }
0x3b7: {  	v7 =	vadd.f32 v6, v7;
	v8 =	vmul.f32 v5, v24;
	v6 =	vbroadcast v63, $0x5  }
0x3b8: {  	v27 =	vld [tilespmem:$0x7680]  }
0x3b9: {  	v8 =	vadd.f32 v7, v8;
	v9 =	vmul.f32 v6, v25;
	v7 =	vbroadcast v63, $0x6  }
0x3ba: {  	v28 =	vld [tilespmem:$0x7700]  }
0x3bb: {  	v9 =	vadd.f32 v8, v9;
	v10 =	vmul.f32 v7, v26;
	v8 =	vbroadcast v63, $0x7  }
0x3bc: {  	v29 =	vld [tilespmem:$0x7780]  }
0x3bd: {  	v10 =	vadd.f32 v9, v10;
	v11 =	vmul.f32 v8, v27;
	v9 =	vbroadcast v63, $0x8  }
0x3be: {  	v30 =	vld [tilespmem:$0x7800]  }
0x3bf: {  	v11 =	vadd.f32 v10, v11;
	v12 =	vmul.f32 v9, v28;
	v10 =	vbroadcast v63, $0x9  }
0x3c0: {  	v31 =	vld [tilespmem:$0x7880]  }
0x3c1: {  	v12 =	vadd.f32 v11, v12;
	v13 =	vmul.f32 v10, v29;
	v11 =	vbroadcast v63, $0xA  }
0x3c2: {  	v32 =	vld [tilespmem:$0x7900]  }
0x3c3: {  	v13 =	vadd.f32 v12, v13;
	v14 =	vmul.f32 v11, v30;
	v12 =	vbroadcast v63, $0xB  }
0x3c4: {  	v33 =	vld [tilespmem:$0x7980]  }
0x3c5: {  	v14 =	vadd.f32 v13, v14;
	v15 =	vmul.f32 v12, v31;
	v13 =	vbroadcast v63, $0xC  }
0x3c6: {  	v34 =	vld [tilespmem:$0x7A00]  }
0x3c7: {  	v15 =	vadd.f32 v14, v15;
	v17 =	vmul.f32 v32, v13;
	v14 =	vbroadcast v63, $0xD  }
0x3c8: {  	v35 =	vld [tilespmem:$0x7A80]  }
0x3c9: {  	v17 =	vadd.f32 v15, v17;
	v18 =	vmul.f32 v33, v14;
	v15 =	vbroadcast v63, $0xE;
	_ =	sdelay $0x1  }
0x3ca: {  	v16 =	vbroadcast v63, $0xF;
	v17 =	vadd.f32 v17, v18;
	v36 =	vmul.f32 v34, v15;
	_ =	sdelay $0x1  }
0x3cb: {  	v37 =	vmul.f32 v35, v16;
	v17 =	vadd.f32 v17, v36;
	_ =	sdelay $0x1  }
0x3cc: {  	v17 =	vadd.f32 v17, v37;
	_ =	sdelay $0x1  }
0x3cd: {  	[tilespmem:s16+$0x100] =	vst v17  }
0x3ce: {  	v17 =	vld [tilespmem:$0x7310]  }
0x3cf: {  	v38 =	vld [tilespmem:$0x7390];
	_ =	sdelay $0x1  }
0x3d0: {  	v39 =	vld [tilespmem:$0x7410];
	_ =	sdelay $0x1  }
0x3d1: {  	v40 =	vld [tilespmem:$0x7490]  }
0x3d2: {  	v17 =	vmul.f32 v17, v1;
	v18 =	vmul.f32 v38, v2  }
0x3d3: {  	v41 =	vld [tilespmem:$0x7510]  }
0x3d4: {  	v42 =	vmul.f32 v39, v3;
	v17 =	vadd.f32 v18, v17  }
0x3d5: {  	v43 =	vld [tilespmem:$0x7590]  }
0x3d6: {  	v44 =	vmul.f32 v40, v4;
	v17 =	vadd.f32 v42, v17  }
0x3d7: {  	v45 =	vld [tilespmem:$0x7610]  }
0x3d8: {  	v46 =	vmul.f32 v41, v5;
	v17 =	vadd.f32 v44, v17  }
0x3d9: {  	v47 =	vld [tilespmem:$0x7690]  }
0x3da: {  	v48 =	vmul.f32 v43, v6;
	v17 =	vadd.f32 v46, v17  }
0x3db: {  	v49 =	vld [tilespmem:$0x7710]  }
0x3dc: {  	v50 =	vmul.f32 v45, v7;
	v17 =	vadd.f32 v48, v17  }
0x3dd: {  	v51 =	vld [tilespmem:$0x7790]  }
0x3de: {  	v52 =	vmul.f32 v47, v8;
	v17 =	vadd.f32 v50, v17  }
0x3df: {  	v53 =	vld [tilespmem:$0x7810]  }
0x3e0: {  	v54 =	vmul.f32 v49, v9;
	v17 =	vadd.f32 v52, v17  }
0x3e1: {  	v55 =	vld [tilespmem:$0x7890]  }
0x3e2: {  	v56 =	vmul.f32 v51, v10;
	v17 =	vadd.f32 v54, v17  }
0x3e3: {  	v57 =	vld [tilespmem:$0x7910]  }
0x3e4: {  	v58 =	vmul.f32 v53, v11;
	v17 =	vadd.f32 v56, v17  }
0x3e5: {  	v59 =	vld [tilespmem:$0x7990]  }
0x3e6: {  	v60 =	vmul.f32 v55, v12;
	v17 =	vadd.f32 v58, v17  }
0x3e7: {  	v61 =	vld [tilespmem:$0x7A10]  }
0x3e8: {  	v62 =	vmul.f32 v57, v13;
	v17 =	vadd.f32 v60, v17  }
0x3e9: {  	v63 =	vld [tilespmem:$0x7A90]  }
0x3ea: {  	v22 =	vmul.f32 v59, v14;
	v17 =	vadd.f32 v62, v17;
	_ =	sdelay $0x1  }
0x3eb: {  	v23 =	vmul.f32 v61, v15;
	v17 =	vadd.f32 v22, v17;
	_ =	sdelay $0x1  }
0x3ec: {  	v24 =	vmul.f32 v63, v16;
	v17 =	vadd.f32 v23, v17;
	_ =	sdelay $0x1  }
0x3ed: {  	v17 =	vadd.f32 v24, v17;
	_ =	sdelay $0x1  }
0x3ee: {  	[tilespmem:s16+$0x110] =	vst v17  }
0x3ef: {  	v17 =	vld [tilespmem:$0x7320]  }
0x3f0: {  	v25 =	vld [tilespmem:$0x73A0];
	_ =	sdelay $0x1  }
0x3f1: {  	v26 =	vld [tilespmem:$0x7420];
	_ =	sdelay $0x1  }
0x3f2: {  	v27 =	vld [tilespmem:$0x74A0]  }
0x3f3: {  	v17 =	vmul.f32 v17, v1;
	v18 =	vmul.f32 v25, v2  }
0x3f4: {  	v28 =	vld [tilespmem:$0x7520]  }
0x3f5: {  	v29 =	vmul.f32 v26, v3;
	v17 =	vadd.f32 v18, v17  }
0x3f6: {  	v30 =	vld [tilespmem:$0x75A0]  }
0x3f7: {  	v31 =	vmul.f32 v27, v4;
	v17 =	vadd.f32 v29, v17  }
0x3f8: {  	v32 =	vld [tilespmem:$0x7620]  }
0x3f9: {  	v33 =	vmul.f32 v28, v5;
	v17 =	vadd.f32 v31, v17  }
0x3fa: {  	v34 =	vld [tilespmem:$0x76A0]  }
0x3fb: {  	v35 =	vmul.f32 v30, v6;
	v17 =	vadd.f32 v33, v17  }
0x3fc: {  	v36 =	vld [tilespmem:$0x7720]  }
0x3fd: {  	v37 =	vmul.f32 v32, v7;
	v17 =	vadd.f32 v35, v17  }
0x3fe: {  	v38 =	vld [tilespmem:$0x77A0]  }
0x3ff: {  	v39 =	vmul.f32 v34, v8;
	v17 =	vadd.f32 v37, v17  }
0x400: {  	v40 =	vld [tilespmem:$0x7820]  }
0x401: {  	v41 =	vmul.f32 v36, v9;
	v17 =	vadd.f32 v39, v17  }
0x402: {  	v42 =	vld [tilespmem:$0x78A0]  }
0x403: {  	v43 =	vmul.f32 v38, v10;
	v17 =	vadd.f32 v41, v17  }
0x404: {  	v44 =	vld [tilespmem:$0x7920]  }
0x405: {  	v45 =	vmul.f32 v40, v11;
	v17 =	vadd.f32 v43, v17  }
0x406: {  	v46 =	vld [tilespmem:$0x79A0]  }
0x407: {  	v47 =	vmul.f32 v42, v12;
	v17 =	vadd.f32 v45, v17  }
0x408: {  	v48 =	vld [tilespmem:$0x7A20]  }
0x409: {  	v49 =	vmul.f32 v44, v13;
	v17 =	vadd.f32 v47, v17  }
0x40a: {  	v50 =	vld [tilespmem:$0x7AA0]  }
0x40b: {  	v51 =	vmul.f32 v46, v14;
	v17 =	vadd.f32 v49, v17;
	_ =	sdelay $0x1  }
0x40c: {  	v52 =	vmul.f32 v48, v15;
	v17 =	vadd.f32 v51, v17;
	_ =	sdelay $0x1  }
0x40d: {  	v53 =	vmul.f32 v50, v16;
	v17 =	vadd.f32 v52, v17;
	_ =	sdelay $0x1  }
0x40e: {  	v17 =	vadd.f32 v53, v17;
	_ =	sdelay $0x1  }
0x40f: {  	[tilespmem:s16+$0x120] =	vst v17  }
0x410: {  	v17 =	vld [tilespmem:$0x7330]  }
0x411: {  	v54 =	vld [tilespmem:$0x73B0];
	_ =	sdelay $0x1  }
0x412: {  	v55 =	vld [tilespmem:$0x7430];
	_ =	sdelay $0x1  }
0x413: {  	v56 =	vld [tilespmem:$0x74B0]  }
0x414: {  	v1 =	vmul.f32 v17, v1;
	v2 =	vmul.f32 v54, v2  }
0x415: {  	v57 =	vld [tilespmem:$0x7530]  }
0x416: {  	v58 =	vmul.f32 v55, v3;
	v1 =	vadd.f32 v2, v1  }
0x417: {  	v59 =	vld [tilespmem:$0x75B0]  }
0x418: {  	v60 =	vmul.f32 v56, v4;
	v1 =	vadd.f32 v58, v1  }
0x419: {  	v61 =	vld [tilespmem:$0x7630]  }
0x41a: {  	v62 =	vmul.f32 v57, v5;
	v1 =	vadd.f32 v60, v1  }
0x41b: {  	v63 =	vld [tilespmem:$0x76B0]  }
0x41c: {  	v17 =	vmul.f32 v59, v6;
	v1 =	vadd.f32 v62, v1  }
0x41d: {  	v18 =	vld [tilespmem:$0x7730]  }
0x41e: {  	v19 =	vmul.f32 v61, v7;
	v1 =	vadd.f32 v17, v1  }
0x41f: {  	v20 =	vld [tilespmem:$0x77B0]  }
0x420: {  	v21 =	vmul.f32 v63, v8;
	v1 =	vadd.f32 v19, v1  }
0x421: {  	v22 =	vld [tilespmem:$0x7830]  }
0x422: {  	v23 =	vmul.f32 v18, v9;
	v1 =	vadd.f32 v21, v1  }
0x423: {  	v24 =	vld [tilespmem:$0x78B0]  }
0x424: {  	v25 =	vmul.f32 v20, v10;
	v1 =	vadd.f32 v23, v1  }
0x425: {  	v26 =	vld [tilespmem:$0x7930]  }
0x426: {  	v27 =	vmul.f32 v22, v11;
	v1 =	vadd.f32 v25, v1  }
0x427: {  	v28 =	vld [tilespmem:$0x79B0]  }
0x428: {  	v29 =	vmul.f32 v24, v12;
	v1 =	vadd.f32 v27, v1  }
0x429: {  	v30 =	vld [tilespmem:$0x7A30]  }
0x42a: {  	v31 =	vmul.f32 v26, v13;
	v1 =	vadd.f32 v29, v1  }
0x42b: {  	v32 =	vld [tilespmem:$0x7AB0]  }
0x42c: {  	v33 =	vmul.f32 v28, v14;
	v1 =	vadd.f32 v31, v1;
	_ =	sdelay $0x1  }
0x42d: {  	v34 =	vmul.f32 v30, v15;
	v1 =	vadd.f32 v33, v1;
	_ =	sdelay $0x1  }
0x42e: {  	v35 =	vmul.f32 v32, v16;
	v1 =	vadd.f32 v34, v1;
	_ =	sdelay $0x1  }
0x42f: {  	v1 =	vadd.f32 v35, v1;
	_ =	sdelay $0x1  }
0x430: {  	[tilespmem:s16+$0x130] =	vst v1  }
0x431: {  	v1 =	vld [tilespmem:$0x70];
	_ =	sdelay $0x7  }
0x432: {  	v1 =	vld.idx.msk [tilespmem:v1+s11+$0x0], $0xffff;
	_ =	sdelay $0x2  }
0x433: {  	v0 =	vbroadcast v0, $0x7;
	_ =	sdelay $0x1  }
0x434: {  	v0 =	vmul.f32 v1, v0;
	_ =	sdelay $0x1  }
0x435: {  	(xrf0) =	vmax.scan.msk.f32 $0xffff, v0;
	_ =	sdelay $0x5  }
0x436: {  	v36, _, _ =	vpop (xrf0)  }
0x437: {  	v1 =	vbroadcast v36, $0xF;
	_ =	sdelay $0x1  }
0x438: {  	v0 =	vsub.f32 v0, v1;
	_ =	sdelay $0x1  }
0x439: {  	v0 =	vmul.f32 $1.442695020e+00, v0;
	_ =	sdelay $0x1  }
0x43a: {  	(erf) = vpow2.f32 v0;
	_ =	sdelay $0x8  }
0x43b: {  	v0 =	vpop (erf)  }
0x43c: {  	(xrf2) =	vadd.scan.msk.f32 $0xffff, v0;
	_ =	sdelay $0x9  }
0x43d: {  	v37, _, _ =	vpop (xrf2)  }
0x43e: {  	v1 =	vbroadcast v37, $0xF;
	_ =	sdelay $0x1  }
0x43f: {  	(erf) = vrcp.f32 v1;
	_ =	sdelay $0x7  }
0x440: {  	v38 =	vld [tilespmem:$0x7B00]  }
0x441: {  	v40 =	vld [tilespmem:$0x7B80];
	v1 =	vpop (erf)  }
0x442: {  	v39 =	vmul.f32 v1, v0  }
0x443: {  	v41 =	vld [tilespmem:$0x7C00]  }
0x444: {  	v0 =	vbroadcast v39, $0x0;
	v1 =	vbroadcast v39, $0x1  }
0x445: {  	v43 =	vld [tilespmem:$0x7C80];
	v2 =	vbroadcast v39, $0x2  }
0x446: {  	v42 =	vmul.f32 v0, v38;
	v3 =	vmul.f32 v1, v40  }
0x447: {  	v44 =	vld [tilespmem:$0x7D00]  }
0x448: {  	v4 =	vmul.f32 v2, v41;
	v5 =	vadd.f32 v3, v42;
	v3 =	vbroadcast v39, $0x3  }
0x449: {  	v45 =	vld [tilespmem:$0x7D80]  }
0x44a: {  	v5 =	vadd.f32 v5, v4;
	v6 =	vmul.f32 v3, v43;
	v4 =	vbroadcast v39, $0x4  }
0x44b: {  	v46 =	vld [tilespmem:$0x7E00]  }
0x44c: {  	v6 =	vadd.f32 v5, v6;
	v7 =	vmul.f32 v4, v44;
	v5 =	vbroadcast v39, $0x5  }
0x44d: {  	v47 =	vld [tilespmem:$0x7E80]  }
0x44e: {  	v7 =	vadd.f32 v6, v7;
	v8 =	vmul.f32 v5, v45;
	v6 =	vbroadcast v39, $0x6  }
0x44f: {  	v48 =	vld [tilespmem:$0x7F00]  }
0x450: {  	v8 =	vadd.f32 v7, v8;
	v9 =	vmul.f32 v6, v46;
	v7 =	vbroadcast v39, $0x7  }
0x451: {  	v49 =	vld [tilespmem:$0x7F80]  }
0x452: {  	v9 =	vadd.f32 v8, v9;
	v10 =	vmul.f32 v7, v47;
	v8 =	vbroadcast v39, $0x8  }
0x453: {  	v50 =	vld [tilespmem:$0x8000]  }
0x454: {  	v10 =	vadd.f32 v9, v10;
	v11 =	vmul.f32 v8, v48;
	v9 =	vbroadcast v39, $0x9  }
0x455: {  	v51 =	vld [tilespmem:$0x8080]  }
0x456: {  	v11 =	vadd.f32 v10, v11;
	v12 =	vmul.f32 v9, v49;
	v10 =	vbroadcast v39, $0xA  }
0x457: {  	v52 =	vld [tilespmem:$0x8100]  }
0x458: {  	v12 =	vadd.f32 v11, v12;
	v13 =	vmul.f32 v10, v50;
	v11 =	vbroadcast v39, $0xB  }
0x459: {  	v53 =	vld [tilespmem:$0x8180]  }
0x45a: {  	v13 =	vadd.f32 v12, v13;
	v14 =	vmul.f32 v11, v51;
	v12 =	vbroadcast v39, $0xC  }
0x45b: {  	v54 =	vld [tilespmem:$0x8200]  }
0x45c: {  	v14 =	vadd.f32 v13, v14;
	v16 =	vmul.f32 v52, v12;
	v13 =	vbroadcast v39, $0xD  }
0x45d: {  	v55 =	vld [tilespmem:$0x8280]  }
0x45e: {  	v16 =	vadd.f32 v14, v16;
	v17 =	vmul.f32 v53, v13;
	v14 =	vbroadcast v39, $0xE;
	_ =	sdelay $0x1  }
0x45f: {  	v15 =	vbroadcast v39, $0xF;
	v16 =	vadd.f32 v16, v17;
	v56 =	vmul.f32 v54, v14;
	_ =	sdelay $0x1  }
0x460: {  	v57 =	vmul.f32 v55, v15;
	v16 =	vadd.f32 v16, v56;
	_ =	sdelay $0x1  }
0x461: {  	v16 =	vadd.f32 v16, v57;
	_ =	sdelay $0x1  }
0x462: {  	[tilespmem:s16+$0x180] =	vst v16  }
0x463: {  	v16 =	vld [tilespmem:$0x7B10]  }
0x464: {  	v58 =	vld [tilespmem:$0x7B90];
	_ =	sdelay $0x1  }
0x465: {  	v59 =	vld [tilespmem:$0x7C10];
	_ =	sdelay $0x1  }
0x466: {  	v60 =	vld [tilespmem:$0x7C90]  }
0x467: {  	v16 =	vmul.f32 v16, v0;
	v17 =	vmul.f32 v58, v1  }
0x468: {  	v61 =	vld [tilespmem:$0x7D10]  }
0x469: {  	v62 =	vmul.f32 v59, v2;
	v16 =	vadd.f32 v17, v16  }
0x46a: {  	v63 =	vld [tilespmem:$0x7D90]  }
0x46b: {  	v23 =	vmul.f32 v60, v3;
	v16 =	vadd.f32 v62, v16  }
0x46c: {  	v24 =	vld [tilespmem:$0x7E10]  }
0x46d: {  	v25 =	vmul.f32 v61, v4;
	v16 =	vadd.f32 v23, v16  }
0x46e: {  	v26 =	vld [tilespmem:$0x7E90]  }
0x46f: {  	v27 =	vmul.f32 v63, v5;
	v16 =	vadd.f32 v25, v16  }
0x470: {  	v28 =	vld [tilespmem:$0x7F10]  }
0x471: {  	v29 =	vmul.f32 v24, v6;
	v16 =	vadd.f32 v27, v16  }
0x472: {  	v30 =	vld [tilespmem:$0x7F90]  }
0x473: {  	v31 =	vmul.f32 v26, v7;
	v16 =	vadd.f32 v29, v16  }
0x474: {  	v32 =	vld [tilespmem:$0x8010]  }
0x475: {  	v33 =	vmul.f32 v28, v8;
	v16 =	vadd.f32 v31, v16  }
0x476: {  	v34 =	vld [tilespmem:$0x8090]  }
0x477: {  	v35 =	vmul.f32 v30, v9;
	v16 =	vadd.f32 v33, v16  }
0x478: {  	v36 =	vld [tilespmem:$0x8110]  }
0x479: {  	v37 =	vmul.f32 v32, v10;
	v16 =	vadd.f32 v35, v16  }
0x47a: {  	v38 =	vld [tilespmem:$0x8190]  }
0x47b: {  	v39 =	vmul.f32 v34, v11;
	v16 =	vadd.f32 v37, v16  }
0x47c: {  	v40 =	vld [tilespmem:$0x8210]  }
0x47d: {  	v41 =	vmul.f32 v36, v12;
	v16 =	vadd.f32 v39, v16  }
0x47e: {  	v42 =	vld [tilespmem:$0x8290]  }
0x47f: {  	v43 =	vmul.f32 v38, v13;
	v16 =	vadd.f32 v41, v16;
	_ =	sdelay $0x1  }
0x480: {  	v44 =	vmul.f32 v40, v14;
	v16 =	vadd.f32 v43, v16;
	_ =	sdelay $0x1  }
0x481: {  	v45 =	vmul.f32 v42, v15;
	v16 =	vadd.f32 v44, v16;
	_ =	sdelay $0x1  }
0x482: {  	v16 =	vadd.f32 v45, v16;
	_ =	sdelay $0x1  }
0x483: {  	[tilespmem:s16+$0x190] =	vst v16  }
0x484: {  	v16 =	vld [tilespmem:$0x7B20]  }
0x485: {  	v46 =	vld [tilespmem:$0x7BA0];
	_ =	sdelay $0x1  }
0x486: {  	v47 =	vld [tilespmem:$0x7C20];
	_ =	sdelay $0x1  }
0x487: {  	v48 =	vld [tilespmem:$0x7CA0]  }
0x488: {  	v16 =	vmul.f32 v16, v0;
	v17 =	vmul.f32 v46, v1  }
0x489: {  	v49 =	vld [tilespmem:$0x7D20]  }
0x48a: {  	v50 =	vmul.f32 v47, v2;
	v16 =	vadd.f32 v17, v16  }
0x48b: {  	v51 =	vld [tilespmem:$0x7DA0]  }
0x48c: {  	v52 =	vmul.f32 v48, v3;
	v16 =	vadd.f32 v50, v16  }
0x48d: {  	v53 =	vld [tilespmem:$0x7E20]  }
0x48e: {  	v54 =	vmul.f32 v49, v4;
	v16 =	vadd.f32 v52, v16  }
0x48f: {  	v55 =	vld [tilespmem:$0x7EA0]  }
0x490: {  	v56 =	vmul.f32 v51, v5;
	v16 =	vadd.f32 v54, v16  }
0x491: {  	v57 =	vld [tilespmem:$0x7F20]  }
0x492: {  	v58 =	vmul.f32 v53, v6;
	v16 =	vadd.f32 v56, v16  }
0x493: {  	v59 =	vld [tilespmem:$0x7FA0]  }
0x494: {  	v60 =	vmul.f32 v55, v7;
	v16 =	vadd.f32 v58, v16  }
0x495: {  	v61 =	vld [tilespmem:$0x8020]  }
0x496: {  	v62 =	vmul.f32 v57, v8;
	v16 =	vadd.f32 v60, v16  }
0x497: {  	v63 =	vld [tilespmem:$0x80A0]  }
0x498: {  	v24 =	vmul.f32 v59, v9;
	v16 =	vadd.f32 v62, v16  }
0x499: {  	v25 =	vld [tilespmem:$0x8120]  }
0x49a: {  	v26 =	vmul.f32 v61, v10;
	v16 =	vadd.f32 v24, v16  }
0x49b: {  	v27 =	vld [tilespmem:$0x81A0]  }
0x49c: {  	v28 =	vmul.f32 v63, v11;
	v16 =	vadd.f32 v26, v16  }
0x49d: {  	v29 =	vld [tilespmem:$0x8220]  }
0x49e: {  	v30 =	vmul.f32 v25, v12;
	v16 =	vadd.f32 v28, v16  }
0x49f: {  	v31 =	vld [tilespmem:$0x82A0]  }
0x4a0: {  	v32 =	vmul.f32 v27, v13;
	v16 =	vadd.f32 v30, v16;
	_ =	sdelay $0x1  }
0x4a1: {  	v33 =	vmul.f32 v29, v14;
	v16 =	vadd.f32 v32, v16;
	_ =	sdelay $0x1  }
0x4a2: {  	v34 =	vmul.f32 v31, v15;
	v16 =	vadd.f32 v33, v16;
	_ =	sdelay $0x1  }
0x4a3: {  	v16 =	vadd.f32 v34, v16;
	_ =	sdelay $0x1  }
0x4a4: {  	[tilespmem:s16+$0x1A0] =	vst v16  }
0x4a5: {  	v16 =	vld [tilespmem:$0x7B30]  }
0x4a6: {  	v35 =	vld [tilespmem:$0x7BB0];
	_ =	sdelay $0x1  }
0x4a7: {  	v36 =	vld [tilespmem:$0x7C30];
	_ =	sdelay $0x1  }
0x4a8: {  	v37 =	vld [tilespmem:$0x7CB0]  }
0x4a9: {  	v0 =	vmul.f32 v16, v0;
	v1 =	vmul.f32 v35, v1  }
0x4aa: {  	v38 =	vld [tilespmem:$0x7D30]  }
0x4ab: {  	v39 =	vmul.f32 v36, v2;
	v0 =	vadd.f32 v1, v0  }
0x4ac: {  	v40 =	vld [tilespmem:$0x7DB0]  }
0x4ad: {  	v41 =	vmul.f32 v37, v3;
	v0 =	vadd.f32 v39, v0  }
0x4ae: {  	v42 =	vld [tilespmem:$0x7E30]  }
0x4af: {  	v43 =	vmul.f32 v38, v4;
	v0 =	vadd.f32 v41, v0  }
0x4b0: {  	v44 =	vld [tilespmem:$0x7EB0]  }
0x4b1: {  	v45 =	vmul.f32 v40, v5;
	v0 =	vadd.f32 v43, v0  }
0x4b2: {  	v46 =	vld [tilespmem:$0x7F30]  }
0x4b3: {  	v47 =	vmul.f32 v42, v6;
	v0 =	vadd.f32 v45, v0  }
0x4b4: {  	v48 =	vld [tilespmem:$0x7FB0]  }
0x4b5: {  	v49 =	vmul.f32 v44, v7;
	v0 =	vadd.f32 v47, v0  }
0x4b6: {  	v50 =	vld [tilespmem:$0x8030]  }
0x4b7: {  	v51 =	vmul.f32 v46, v8;
	v0 =	vadd.f32 v49, v0  }
0x4b8: {  	v52 =	vld [tilespmem:$0x80B0]  }
0x4b9: {  	v53 =	vmul.f32 v48, v9;
	v0 =	vadd.f32 v51, v0  }
0x4ba: {  	v54 =	vld [tilespmem:$0x8130]  }
0x4bb: {  	v55 =	vmul.f32 v50, v10;
	v0 =	vadd.f32 v53, v0  }
0x4bc: {  	v56 =	vld [tilespmem:$0x81B0]  }
0x4bd: {  	v57 =	vmul.f32 v52, v11;
	v0 =	vadd.f32 v55, v0  }
0x4be: {  	v58 =	vld [tilespmem:$0x8230]  }
0x4bf: {  	v59 =	vmul.f32 v54, v12;
	v0 =	vadd.f32 v57, v0  }
0x4c0: {  	v60 =	vld [tilespmem:$0x82B0]  }
0x4c1: {  	v61 =	vmul.f32 v56, v13;
	v0 =	vadd.f32 v59, v0;
	_ =	sdelay $0x1  }
0x4c2: {  	v62 =	vmul.f32 v58, v14;
	v0 =	vadd.f32 v61, v0  }
0x4c3: {  	p0 =	sne.s32 s18, $0x7E0  }
.Ltmp0:
0x4c4: {  	v63 =	vmul.f32 v60, v15;
	v0 =	vadd.f32 v62, v0;
	(pc) =	sbr.rel @p0 .LBB2_2-.Ltmp0, $3  }
0x4c5: {  	_ = 	snop  }
0x4c6: {  	v0 =	vadd.f32 v63, v0;
	_ =	sdelay $0x1  }
0x4c7: {  	s17 =	sadd.s32 $0x10, s17;
	s18 =	sadd.s32 $0x20, s18;
	[tilespmem:s16+$0x1B0] =	vst v0;
	s16 =	sadd.s32 $0x400, s16  }
0x4c8: {  	s15 =	sadd.s32 $0x1, s15  }
0x4c9: {  	p0 =	sne.s32 s15, s7  }
.Ltmp1:
0x4ca: {  	_ = 	snop;
	(pc) =	sbr.rel @p0 .LBB2_1-.Ltmp1, $4  }
0x4cb: {  	[hbm4b:s6+s2] =	stream.linear.scatter [tilespmem:s14], [sflag:$0x2], $0x10000, $0x38;
	[tilespmem:$0x18300] =	vst v63  }
0x4cc: {  	_ =	swait.ge [sflag:s10], $0x10000  }
0x4cd: {  	[sflag:s10] =	ssyncset.done $0x0  }
0x4ce: {  	[sflag:s10] =	ssyncadd.s32 $0xFFFF0000  }
0x4cf: {  	_ =	sfence.sel $0x180000  }
0x4d0: {  	[bflag:$0x0] =	sbarrier.arrive $0xFFFF  }
0x4d1: {  	p0 =	sne.s32 s0, $0x0;
	_ =	strace $0x90000047  }
0x4d2: {  	s0 =	sadd.s32 @!p0 $0x100000, s1;
	[bflag:$0x2] =	sbarrier.arrive $0xFFFF  }
0x4d3: {  	[sflag:s0] =	ssyncadd.tile.s32 @!p0 $0x1;
	_ =	shalt  }
.Lfunc_end2:
_tile_overlayer_lowered:
.L_overlay_start_2:
0x4d4: {  	(tag) =	ssettag $0x2  }
0x4d5: {  	s0 =	rddreg [dreg:$0x0];
	s2 =	stileid.u32  }
0x4d6: {  	s1 =	rddreg [dreg:$0x1];
	p0 =	sne.s32 s2, $0x0  }
0x4d7: {  	s3 =	rddreg [dreg:$0x2];
	[bflag:$0x3] =	sbarrier.arrive $0xFFFF;
	s2 =	simm.s32 @!p0 $0x1C02  }
0x4d8: {  	[timem:s3], [sflag:s2] =	dma.local @!p0 [hbm:s0], s1  }
0x4d9: {  	s0 =	simm.s32 @!p0 $0x2  }
0x4da: {  	_ =	swait.ge @!p0 [sflag:s0], s1  }
0x4db: {  	s1 =	ssub.s32 @!p0 $0x0, s1;
	[sflag:s0] =	ssyncset.done @!p0 $0x0  }
0x4dc: {  	[sflag:s0] =	ssyncadd.s32 @!p0 s1  }
0x4dd: {  	[bflag:$0x3] =	sbarrier.arrive $0xFFFF  }
0x4de: {  	_ =	shalt  }

</sc_bundles>
